<compile_context>
chip_gen: v7x
topology: tpu7x:2x2x1
jax: 0.10.2.dev20260603
libtpu: 0.0.44.dev20260713+nightly
codegen_flags: <defaults>
</compile_context>

<pallas_src>
import functools

import jax
import jax.numpy as jnp
from jax import lax
from jax.experimental import pallas as pl
from jax.experimental.pallas import tpu as pltpu
from jax.experimental.pallas import tpu_sc as plsc

_TB = 4096


def _transpose_pack_body(xlo_ref, xhi_ref, eye_ref, o_ref):
    dn = (((0,), (0,)), ((), ()))
    D = eye_ref.shape[0]
    o_ref[:, :D] = jax.lax.dot_general(
        xlo_ref[...], eye_ref[...], dimension_numbers=dn,
        preferred_element_type=jnp.float32)
    o_ref[:, D:] = jax.lax.dot_general(
        xhi_ref[...], eye_ref[...], dimension_numbers=dn,
        preferred_element_type=jnp.float32)


def _tc_transpose_pack(tlo, thi, D, H):
    grid = H // _TB
    eye = jnp.eye(D, dtype=jnp.float32)
    return pl.pallas_call(
        _transpose_pack_body,
        grid=(grid,),
        in_specs=[pl.BlockSpec((D, _TB), lambda i: (0, i)),
                  pl.BlockSpec((D, _TB), lambda i: (0, i)),
                  pl.BlockSpec((D, D), lambda i: (0, 0))],
        out_specs=pl.BlockSpec((_TB, 2 * D), lambda i: (i, 0)),
        out_shape=jax.ShapeDtypeStruct((H, 2 * D), jnp.float32),
    )(tlo, thi, eye)


def _make_bag_sum(V, D, B, L, H):
    info = plsc.get_sparse_core_info()
    NC, NS, LANES = info.num_cores, info.num_subcores, info.num_lanes
    NW = NC * NS
    assert B % NW == 0
    bags_w = B // NW
    C = 8
    assert bags_w % C == 0 and (bags_w // C) % 2 == 0
    n_chunks = bags_w // C
    rows_c = C * L
    assert D % LANES == 0 and rows_c % LANES == 0
    KV = D // LANES
    PD = 2 * D
    g_sizes = []
    off = 0
    while off < rows_c:
        g_sizes.append(min(128, rows_c - off))
        off += 128

    mesh = plsc.VectorSubcoreMesh(core_axis_name="c", subcore_axis_name="s")

    @functools.partial(
        pl.kernel,
        mesh=mesh,
        compiler_params=pltpu.CompilerParams(use_tc_tiling_on_sc=True),
        out_type=jax.ShapeDtypeStruct((B * D,), jnp.float32),
        scratch_types=[
            pltpu.VMEM((rows_c,), jnp.int32),
            pltpu.VMEM((rows_c,), jnp.int32),
            pltpu.VMEM((rows_c + LANES,), jnp.int32),
            pltpu.VMEM((rows_c + LANES,), jnp.int32),
            pltpu.VMEM((rows_c, PD), jnp.float32),
            pltpu.VMEM((rows_c, PD), jnp.float32),
            pltpu.VMEM((C * D,), jnp.float32),
            pltpu.SemaphoreType.DMA,
            pltpu.SemaphoreType.DMA,
            pltpu.SemaphoreType.DMA,
            pltpu.SemaphoreType.DMA,
        ],
    )
    def bag_sum(table_hbm, idx_hbm, out_hbm,
                idx_v0, idx_v1, pb_v0, pb_v1, rows_v0, rows_v1, acc_v,
                gsem0, gsem1, isem0, isem1):
        wid = lax.axis_index("s") * NC + lax.axis_index("c")
        w_base = wid * bags_w

        def idx_slice(ci):
            return idx_hbm.at[pl.ds((w_base + ci * C) * L, rows_c)]

        def fire_idx(ci, idx_v, isem):
            pltpu.async_copy(idx_slice(ci), idx_v, isem)

        def wait_idx_prep(idx_v, pb_v, isem):
            pltpu.make_async_copy(idx_slice(0), idx_v, isem).wait()

            def prep(i, carry):
                v = idx_v[pl.ds(i * LANES, LANES)]
                hi = v >= H
                idx_v[pl.ds(i * LANES, LANES)] = jnp.where(hi, v - H, v)
                pb_v[pl.ds(i * LANES, LANES)] = jnp.where(hi, D, 0)
                return carry

            lax.fori_loop(0, rows_c // LANES, prep, 0)

        def fire_gather(idx_v, rows_v, gsem):
            o = 0
            for g in g_sizes:
                pltpu.async_copy(table_hbm.at[idx_v.at[pl.ds(o, g)]],
                                 rows_v.at[pl.ds(o, g)], gsem)
                o += g

        def drain_gather(rows_v, gsem):
            pltpu.make_async_copy(
                table_hbm.at[pl.ds(0, rows_c)], rows_v, gsem).wait()

        def accum_out(ci, pb_v, rows_v):
            bag0 = w_base + ci * C

            def bag_body(j, carry):
                r0 = j * L
                pbs = [pb_v[pl.ds(r0 + m * LANES, LANES)]
                       for m in range((L + LANES - 1) // LANES)]

                def base(r):
                    return pbs[r // LANES][r % LANES]

                accs = [rows_v[r0, pl.ds(base(0) + k * LANES, LANES)]
                        for k in range(KV)]
                for r in range(1, L):
                    b = base(r)
                    for k in range(KV):
                        accs[k] = accs[k] + rows_v[r0 + r,
                                                   pl.ds(b + k * LANES, LANES)]
                for k in range(KV):
                    acc_v[pl.ds(j * D + k * LANES, LANES)] = accs[k]
                return carry

            lax.fori_loop(0, C, bag_body, 0)
            pltpu.sync_copy(acc_v, out_hbm.at[pl.ds(bag0 * D, C * D)])

        fire_idx(0, idx_v0, isem0)
        wait_idx_prep(idx_v0, pb_v0, isem0)
        fire_gather(idx_v0, rows_v0, gsem0)
        fire_idx(1, idx_v1, isem1)

        def pair_body(p, carry):
            c0 = 2 * p
            wait_idx_prep(idx_v1, pb_v1, isem1)
            fire_gather(idx_v1, rows_v1, gsem1)
            drain_gather(rows_v0, gsem0)

            @pl.when(c0 + 2 < n_chunks)
            def _():
                fire_idx(c0 + 2, idx_v0, isem0)

            accum_out(c0, pb_v0, rows_v0)

            @pl.when(c0 + 2 < n_chunks)
            def _():
                wait_idx_prep(idx_v0, pb_v0, isem0)
                fire_gather(idx_v0, rows_v0, gsem0)

            drain_gather(rows_v1, gsem1)

            @pl.when(c0 + 3 < n_chunks)
            def _():
                fire_idx(c0 + 3, idx_v1, isem1)

            accum_out(c0 + 1, pb_v1, rows_v1)
            return carry

        lax.fori_loop(0, n_chunks // 2, pair_body, 0)

    return bag_sum


def _mlp_body(x_ref, w1_ref, b1_ref, w2_ref, b2_ref, o_ref):
    h = jnp.dot(x_ref[...], w1_ref[...], preferred_element_type=jnp.float32)
    h = jnp.maximum(h + b1_ref[...], 0.0)
    o_ref[...] = jnp.sum(h * w2_ref[...], axis=1, keepdims=True) + b2_ref[...]


def kernel(text, emb_table, W1, b1, W2, b2):
    B, L = text.shape
    V, D = emb_table.shape
    idx_flat = text.reshape(B * L).astype(jnp.int32)

    H = ((V // 2 + _TB - 1) // _TB) * _TB

    tin = jnp.swapaxes(emb_table, 0, 1)
    thi = jnp.pad(lax.slice(tin, (0, H), (D, V)), ((0, 0), (0, 2 * H - V)))
    table_packed = _tc_transpose_pack(tin, thi, D, H)

    bag_sum = _make_bag_sum(V, D, B, L, H)
    pooled = bag_sum(table_packed, idx_flat).reshape(B, D)

    w1s = (W1.T / jnp.float32(L)).astype(jnp.float32)
    b1r = b1.reshape(1, D)
    w2r = W2.reshape(1, D)
    b2r = b2.reshape(1, 1)

    BLK = 2048
    out = pl.pallas_call(
        _mlp_body,
        grid=(B // BLK,),
        in_specs=[
            pl.BlockSpec((BLK, D), lambda i: (i, 0)),
            pl.BlockSpec((D, D), lambda i: (0, 0)),
            pl.BlockSpec((1, D), lambda i: (0, 0)),
            pl.BlockSpec((1, D), lambda i: (0, 0)),
            pl.BlockSpec((1, 1), lambda i: (0, 0)),
        ],
        out_specs=pl.BlockSpec((BLK, 1), lambda i: (i, 0)),
        out_shape=jax.ShapeDtypeStruct((B, 1), jnp.float32),
    )(pooled, w1s, b1r, w2r, b2r)
    return jnp.squeeze(out, axis=-1)

# --- scband reference (transcript-rebuilt; emitter-appended) ---
"""Pipeline reference for scband-text-classification-model-17428977287666 (READ-ONLY COPY).

The authoritative reference and input builder live on the scoring server;
editing this copy changes nothing except your own understanding.
"""

import jax, jax.numpy as jnp
import numpy as np

VOCAB = 1000000
EMBED = 64
BATCH = 16384
HIST = 50


def setup_inputs(seed: int = 0) -> dict:
    key = jax.random.key(seed)
    k_text, k_emb, k_w1, k_w2 = jax.random.split(key, 4)
    text = jax.random.randint(k_text, (BATCH, HIST), 0, VOCAB, dtype=jnp.int64 if jax.config.jax_enable_x64 else jnp.int32)
    initrange = 0.5
    emb_table = jax.random.uniform(k_emb, (VOCAB, EMBED), dtype=jnp.float32, minval=-initrange, maxval=initrange)
    W1 = jax.random.uniform(k_w1, (EMBED, EMBED), dtype=jnp.float32, minval=-initrange, maxval=initrange)
    b1 = jnp.zeros((EMBED,), dtype=jnp.float32)
    W2 = jax.random.uniform(k_w2, (1, EMBED), dtype=jnp.float32, minval=-initrange, maxval=initrange)
    b2 = jnp.zeros((1,), dtype=jnp.float32)
    return {"text": text, "emb_table": emb_table, "W1": W1, "b1": b1, "W2": W2, "b2": b2}


def reference(text, emb_table, W1, b1, W2, b2):
    # nn.EmbeddingBag default mode='mean' over the bag dimension (2D input -> mean over L)
    gathered = jnp.take(emb_table, text, axis=0)            # [B, L, D]
    embedded = jnp.mean(gathered, axis=1)                   # [B, D]
    latent = jax.nn.relu(embedded @ W1.T + b1)              # [B, D]  (dropout = identity in eval)
    output = latent @ W2.T + b2                             # [B, 1]
    return jnp.squeeze(output, axis=-1)                     # [B]

if __name__ == "__main__":
    import jax
    _d = setup_inputs()
    print(jax.jit(kernel)(*tuple(_d.values())))

</pallas_src>

<mosaic_0001>
#map = affine_map<(d0, d1) -> (0, 0)>
#map1 = affine_map<(d0, d1) -> (0)>
module attributes {stable_mosaic.version = 14 : i64} {
  func.func @bag_sum(%arg0: i32, %arg1: i32, %arg2: memref<503808x128xf32, #tpu.memory_space<hbm>>, %arg3: memref<819200xi32, #tpu.memory_space<hbm>>, %arg4: memref<1048576xf32, #tpu.memory_space<hbm>>, %arg5: memref<400xi32, #tpu.memory_space<vmem>>, %arg6: memref<400xi32, #tpu.memory_space<vmem>>, %arg7: memref<416xi32, #tpu.memory_space<vmem>>, %arg8: memref<416xi32, #tpu.memory_space<vmem>>, %arg9: memref<400x128xf32, #tpu.memory_space<vmem>>, %arg10: memref<400x128xf32, #tpu.memory_space<vmem>>, %arg11: memref<512xf32, #tpu.memory_space<vmem>>, %arg12: memref<!tpu.dma_semaphore, #tpu.memory_space<semaphore_mem>>, %arg13: memref<!tpu.dma_semaphore, #tpu.memory_space<semaphore_mem>>, %arg14: memref<!tpu.dma_semaphore, #tpu.memory_space<semaphore_mem>>, %arg15: memref<!tpu.dma_semaphore, #tpu.memory_space<semaphore_mem>>) attributes {dimension_semantics = [#tpu.dimension_semantics<core_parallel>, #tpu.dimension_semantics<subcore_parallel>], iteration_bounds = array<i64: 2, 16>, scalar_prefetch = 0 : i64, scratch_operands = 11 : i64, tpu.core_type = #tpu.core_type<sc_vector_subcore>, window_params = [{transform_indices = #map}, {transform_indices = #map1}, {transform_indices = #map1}]} {
    %mul3A = arith.constant 2 : i32
    %mul3A_0 = arith.muli %arg1, %mul3A : i32
    %add3A = arith.addi %mul3A_0, %arg0 : i32
    %mul3A_1 = arith.constant 512 : i32
    %mul3A_2 = arith.muli %add3A, %mul3A_1 : i32
    %add3A_3 = arith.constant 0 : i32
    %add3A_4 = arith.addi %mul3A_2, %add3A_3 : i32
    %mul3A_5 = arith.constant 50 : i32
    %mul3A_6 = arith.muli %add3A_4, %mul3A_5 : i32
    %dma_start3A = tpu.memref_slice %arg3[%mul3A_6] : memref<819200xi32, #tpu.memory_space<hbm>> -> memref<400xi32, #tpu.memory_space<hbm>>
    %dma_start3A_7 = tpu.memref_slice %arg3[%mul3A_6] : memref<819200xi32, #tpu.memory_space<hbm>> -> memref<400xi32, #tpu.memory_space<hbm>>
    tpu.enqueue_dma source(%dma_start3A_7 : memref<400xi32, #tpu.memory_space<hbm>>) target(%arg5 : memref<400xi32, #tpu.memory_space<vmem>>) target_semaphore(%arg14 : memref<!tpu.dma_semaphore, #tpu.memory_space<semaphore_mem>>)
    %add3A_8 = arith.constant 0 : i32
    %add3A_9 = arith.addi %mul3A_2, %add3A_8 : i32
    %mul3A_10 = arith.constant 50 : i32
    %mul3A_11 = arith.muli %add3A_9, %mul3A_10 : i32
    %dma_wait3A = tpu.memref_slice %arg3[%mul3A_11] : memref<819200xi32, #tpu.memory_space<hbm>> -> memref<400xi32, #tpu.memory_space<hbm>>
    %dma_wait3A_12 = tpu.memref_slice %arg3[%mul3A_11] : memref<819200xi32, #tpu.memory_space<hbm>> -> memref<400xi32, #tpu.memory_space<hbm>>
    tpu.wait_dma2 semaphore(%arg14 : memref<!tpu.dma_semaphore, #tpu.memory_space<semaphore_mem>>) src(%dma_wait3A_12 : memref<400xi32, #tpu.memory_space<hbm>>) dst(%arg5 : memref<400xi32, #tpu.memory_space<vmem>>)
    %scan3A = arith.constant 0 : i32
    %scan3A_13 = arith.constant 0 : i32
    %scan3A_14 = arith.constant 25 : i32
    %scan3A_15 = arith.addi %scan3A_13, %scan3A_14 : i32
    %scan3A_16 = arith.constant 1 : i32
    scf.for %scan3A_62 = %scan3A_13 to %scan3A_15 step %scan3A_16  : i32 {
      %mul3A_63 = arith.constant 16 : i32
      %mul3A_64 = arith.muli %scan3A_62, %mul3A_63 : i32
      %get3A = arith.index_cast %mul3A_64 : i32 to index
      %get3A_65 = tpu.vector_load %arg5[%get3A] {strides = array<i32>} : memref<400xi32, #tpu.memory_space<vmem>>, vector<16xi32>,
      %get3A_66 = vector.shape_cast %get3A_65 : vector<16xi32> to vector<16xi32>
      %ge3A = arith.constant 503808 : i32
      %ge3A_67 = vector.broadcast %ge3A : i32 to vector<16xi32>
      %ge3A_68 = arith.cmpi sge, %get3A_66, %ge3A_67 : vector<16xi32>
      %sub3A = arith.constant 503808 : i32
      %sub3A_69 = vector.broadcast %sub3A : i32 to vector<16xi32>
      %sub3A_70 = arith.subi %get3A_66, %sub3A_69 : vector<16xi32>
      %select_n3A = arith.select %ge3A_68, %sub3A_70, %get3A_66 : vector<16xi1>, vector<16xi32>
      %mul3A_71 = arith.constant 16 : i32
      %mul3A_72 = arith.muli %scan3A_62, %mul3A_71 : i32
      %swap3A = arith.index_cast %mul3A_72 : i32 to index
      %swap3A_73 = tpu.vector_load %arg5[%swap3A] {strides = array<i32>} : memref<400xi32, #tpu.memory_space<vmem>>, vector<16xi32>,
      %swap3A_74 = vector.shape_cast %swap3A_73 : vector<16xi32> to vector<16xi32>
      %swap3A_75 = vector.shape_cast %select_n3A : vector<16xi32> to vector<16xi32>
      tpu.vector_store %arg5[%swap3A], %swap3A_75 {strides = array<i32>} : memref<400xi32, #tpu.memory_space<vmem>>, vector<16xi32>,
      %jit3A = arith.constant 64 : i32
      %jit3A_76 = arith.constant 0 : i32
      %broadcast_in_dim3A = vector.broadcast %jit3A : i32 to vector<16xi32>
      %broadcast_in_dim3A_77 = vector.broadcast %jit3A_76 : i32 to vector<16xi32>
      %select_n3A_78 = arith.select %ge3A_68, %broadcast_in_dim3A, %broadcast_in_dim3A_77 : vector<16xi1>, vector<16xi32>
      %mul3A_79 = arith.constant 16 : i32
      %mul3A_80 = arith.muli %scan3A_62, %mul3A_79 : i32
      %swap3A_81 = arith.index_cast %mul3A_80 : i32 to index
      %swap3A_82 = tpu.vector_load %arg7[%swap3A_81] {strides = array<i32>} : memref<416xi32, #tpu.memory_space<vmem>>, vector<16xi32>,
      %swap3A_83 = vector.shape_cast %swap3A_82 : vector<16xi32> to vector<16xi32>
      %swap3A_84 = vector.shape_cast %select_n3A_78 : vector<16xi32> to vector<16xi32>
      tpu.vector_store %arg7[%swap3A_81], %swap3A_84 {strides = array<i32>} : memref<416xi32, #tpu.memory_space<vmem>>, vector<16xi32>,
    }
    %scan3A_17 = arith.constant 25 : i32
    %dma_start3A_18 = arith.constant 0 : i32
    %dma_start3A_19 = arith.constant 0 : i32
    %dma_start3A_20 = tpu.memref_slice %arg9[%dma_start3A_18, %dma_start3A_19] : memref<400x128xf32, #tpu.memory_space<vmem>> -> memref<128x128xf32, #tpu.memory_space<vmem>>
    %dma_start3A_21 = arith.constant 0 : i32
    %dma_start3A_22 = tpu.memref_slice %arg5[%dma_start3A_21] : memref<400xi32, #tpu.memory_space<vmem>> -> memref<128xi32, #tpu.memory_space<vmem>>
    %dma_start3A_23 = arith.constant 0 : i32
    %dma_start3A_24 = arith.constant 0 : i32
    %dma_start3A_25 = tpu.memref_slice %arg2[%dma_start3A_23, %dma_start3A_24] : memref<503808x128xf32, #tpu.memory_space<hbm>> -> memref<503808x128xf32, #tpu.memory_space<hbm>>
    tpu.enqueue_indirect_dma source(%dma_start3A_25 : memref<503808x128xf32, #tpu.memory_space<hbm>>) target(%dma_start3A_20 : memref<128x128xf32, #tpu.memory_space<vmem>>) offsets(%dma_start3A_22 : memref<128xi32, #tpu.memory_space<vmem>>) semaphore(%arg12 : memref<!tpu.dma_semaphore, #tpu.memory_space<semaphore_mem>>)
    %dma_start3A_26 = arith.constant 128 : i32
    %dma_start3A_27 = arith.constant 0 : i32
    %dma_start3A_28 = tpu.memref_slice %arg9[%dma_start3A_26, %dma_start3A_27] : memref<400x128xf32, #tpu.memory_space<vmem>> -> memref<128x128xf32, #tpu.memory_space<vmem>>
    %dma_start3A_29 = arith.constant 128 : i32
    %dma_start3A_30 = tpu.memref_slice %arg5[%dma_start3A_29] : memref<400xi32, #tpu.memory_space<vmem>> -> memref<128xi32, #tpu.memory_space<vmem>>
    %dma_start3A_31 = arith.constant 0 : i32
    %dma_start3A_32 = arith.constant 0 : i32
    %dma_start3A_33 = tpu.memref_slice %arg2[%dma_start3A_31, %dma_start3A_32] : memref<503808x128xf32, #tpu.memory_space<hbm>> -> memref<503808x128xf32, #tpu.memory_space<hbm>>
    tpu.enqueue_indirect_dma source(%dma_start3A_33 : memref<503808x128xf32, #tpu.memory_space<hbm>>) target(%dma_start3A_28 : memref<128x128xf32, #tpu.memory_space<vmem>>) offsets(%dma_start3A_30 : memref<128xi32, #tpu.memory_space<vmem>>) semaphore(%arg12 : memref<!tpu.dma_semaphore, #tpu.memory_space<semaphore_mem>>)
    %dma_start3A_34 = arith.constant 256 : i32
    %dma_start3A_35 = arith.constant 0 : i32
    %dma_start3A_36 = tpu.memref_slice %arg9[%dma_start3A_34, %dma_start3A_35] : memref<400x128xf32, #tpu.memory_space<vmem>> -> memref<128x128xf32, #tpu.memory_space<vmem>>
    %dma_start3A_37 = arith.constant 256 : i32
    %dma_start3A_38 = tpu.memref_slice %arg5[%dma_start3A_37] : memref<400xi32, #tpu.memory_space<vmem>> -> memref<128xi32, #tpu.memory_space<vmem>>
    %dma_start3A_39 = arith.constant 0 : i32
    %dma_start3A_40 = arith.constant 0 : i32
    %dma_start3A_41 = tpu.memref_slice %arg2[%dma_start3A_39, %dma_start3A_40] : memref<503808x128xf32, #tpu.memory_space<hbm>> -> memref<503808x128xf32, #tpu.memory_space<hbm>>
    tpu.enqueue_indirect_dma source(%dma_start3A_41 : memref<503808x128xf32, #tpu.memory_space<hbm>>) target(%dma_start3A_36 : memref<128x128xf32, #tpu.memory_space<vmem>>) offsets(%dma_start3A_38 : memref<128xi32, #tpu.memory_space<vmem>>) semaphore(%arg12 : memref<!tpu.dma_semaphore, #tpu.memory_space<semaphore_mem>>)
    %dma_start3A_42 = arith.constant 384 : i32
    %dma_start3A_43 = arith.constant 0 : i32
    %dma_start3A_44 = tpu.memref_slice %arg9[%dma_start3A_42, %dma_start3A_43] : memref<400x128xf32, #tpu.memory_space<vmem>> -> memref<16x128xf32, #tpu.memory_space<vmem>>
    %dma_start3A_45 = arith.constant 384 : i32
    %dma_start3A_46 = tpu.memref_slice %arg5[%dma_start3A_45] : memref<400xi32, #tpu.memory_space<vmem>> -> memref<16xi32, #tpu.memory_space<vmem>>
    %dma_start3A_47 = arith.constant 0 : i32
    %dma_start3A_48 = arith.constant 0 : i32
    %dma_start3A_49 = tpu.memref_slice %arg2[%dma_start3A_47, %dma_start3A_48] : memref<503808x128xf32, #tpu.memory_space<hbm>> -> memref<503808x128xf32, #tpu.memory_space<hbm>>
    tpu.enqueue_indirect_dma source(%dma_start3A_49 : memref<503808x128xf32, #tpu.memory_space<hbm>>) target(%dma_start3A_44 : memref<16x128xf32, #tpu.memory_space<vmem>>) offsets(%dma_start3A_46 : memref<16xi32, #tpu.memory_space<vmem>>) semaphore(%arg12 : memref<!tpu.dma_semaphore, #tpu.memory_space<semaphore_mem>>)
    %add3A_50 = arith.constant 8 : i32
    %add3A_51 = arith.addi %mul3A_2, %add3A_50 : i32
    %mul3A_52 = arith.constant 50 : i32
    %mul3A_53 = arith.muli %add3A_51, %mul3A_52 : i32
    %dma_start3A_54 = tpu.memref_slice %arg3[%mul3A_53] : memref<819200xi32, #tpu.memory_space<hbm>> -> memref<400xi32, #tpu.memory_space<hbm>>
    %dma_start3A_55 = tpu.memref_slice %arg3[%mul3A_53] : memref<819200xi32, #tpu.memory_space<hbm>> -> memref<400xi32, #tpu.memory_space<hbm>>
    tpu.enqueue_dma source(%dma_start3A_55 : memref<400xi32, #tpu.memory_space<hbm>>) target(%arg6 : memref<400xi32, #tpu.memory_space<vmem>>) target_semaphore(%arg15 : memref<!tpu.dma_semaphore, #tpu.memory_space<semaphore_mem>>)
    %scan3A_56 = arith.constant 0 : i32
    %scan3A_57 = arith.constant 0 : i32
    %scan3A_58 = arith.constant 32 : i32
    %scan3A_59 = arith.addi %scan3A_57, %scan3A_58 : i32
    %scan3A_60 = arith.constant 1 : i32
    scf.for %scan3A_62 = %scan3A_57 to %scan3A_59 step %scan3A_60  : i32 {
      %mul3A_63 = arith.constant 2 : i32
      %mul3A_64 = arith.muli %mul3A_63, %scan3A_62 : i32
      %add3A_65 = arith.constant 0 : i32
      %add3A_66 = arith.addi %mul3A_2, %add3A_65 : i32
      %mul3A_67 = arith.constant 50 : i32
      %mul3A_68 = arith.muli %add3A_66, %mul3A_67 : i32
      %dma_wait3A_69 = tpu.memref_slice %arg3[%mul3A_68] : memref<819200xi32, #tpu.memory_space<hbm>> -> memref<400xi32, #tpu.memory_space<hbm>>
      %dma_wait3A_70 = tpu.memref_slice %arg3[%mul3A_68] : memref<819200xi32, #tpu.memory_space<hbm>> -> memref<400xi32, #tpu.memory_space<hbm>>
      tpu.wait_dma2 semaphore(%arg15 : memref<!tpu.dma_semaphore, #tpu.memory_space<semaphore_mem>>) src(%dma_wait3A_70 : memref<400xi32, #tpu.memory_space<hbm>>) dst(%arg6 : memref<400xi32, #tpu.memory_space<vmem>>)
      %scan3A_71 = arith.constant 0 : i32
      %scan3A_72 = arith.constant 0 : i32
      %scan3A_73 = arith.constant 25 : i32
      %scan3A_74 = arith.addi %scan3A_72, %scan3A_73 : i32
      %scan3A_75 = arith.constant 1 : i32
      scf.for %scan3A_163 = %scan3A_72 to %scan3A_74 step %scan3A_75  : i32 {
        %mul3A_164 = arith.constant 16 : i32
        %mul3A_165 = arith.muli %scan3A_163, %mul3A_164 : i32
        %get3A = arith.index_cast %mul3A_165 : i32 to index
        %get3A_166 = tpu.vector_load %arg6[%get3A] {strides = array<i32>} : memref<400xi32, #tpu.memory_space<vmem>>, vector<16xi32>,
        %get3A_167 = vector.shape_cast %get3A_166 : vector<16xi32> to vector<16xi32>
        %ge3A = arith.constant 503808 : i32
        %ge3A_168 = vector.broadcast %ge3A : i32 to vector<16xi32>
        %ge3A_169 = arith.cmpi sge, %get3A_167, %ge3A_168 : vector<16xi32>
        %sub3A = arith.constant 503808 : i32
        %sub3A_170 = vector.broadcast %sub3A : i32 to vector<16xi32>
        %sub3A_171 = arith.subi %get3A_167, %sub3A_170 : vector<16xi32>
        %select_n3A = arith.select %ge3A_169, %sub3A_171, %get3A_167 : vector<16xi1>, vector<16xi32>
        %mul3A_172 = arith.constant 16 : i32
        %mul3A_173 = arith.muli %scan3A_163, %mul3A_172 : i32
        %swap3A = arith.index_cast %mul3A_173 : i32 to index
        %swap3A_174 = tpu.vector_load %arg6[%swap3A] {strides = array<i32>} : memref<400xi32, #tpu.memory_space<vmem>>, vector<16xi32>,
        %swap3A_175 = vector.shape_cast %swap3A_174 : vector<16xi32> to vector<16xi32>
        %swap3A_176 = vector.shape_cast %select_n3A : vector<16xi32> to vector<16xi32>
        tpu.vector_store %arg6[%swap3A], %swap3A_176 {strides = array<i32>} : memref<400xi32, #tpu.memory_space<vmem>>, vector<16xi32>,
        %jit3A = arith.constant 64 : i32
        %jit3A_177 = arith.constant 0 : i32
        %broadcast_in_dim3A = vector.broadcast %jit3A : i32 to vector<16xi32>
        %broadcast_in_dim3A_178 = vector.broadcast %jit3A_177 : i32 to vector<16xi32>
        %select_n3A_179 = arith.select %ge3A_169, %broadcast_in_dim3A, %broadcast_in_dim3A_178 : vector<16xi1>, vector<16xi32>
        %mul3A_180 = arith.constant 16 : i32
        %mul3A_181 = arith.muli %scan3A_163, %mul3A_180 : i32
        %swap3A_182 = arith.index_cast %mul3A_181 : i32 to index
        %swap3A_183 = tpu.vector_load %arg8[%swap3A_182] {strides = array<i32>} : memref<416xi32, #tpu.memory_space<vmem>>, vector<16xi32>,
        %swap3A_184 = vector.shape_cast %swap3A_183 : vector<16xi32> to vector<16xi32>
        %swap3A_185 = vector.shape_cast %select_n3A_179 : vector<16xi32> to vector<16xi32>
        tpu.vector_store %arg8[%swap3A_182], %swap3A_185 {strides = array<i32>} : memref<416xi32, #tpu.memory_space<vmem>>, vector<16xi32>,
      }
      %scan3A_76 = arith.constant 25 : i32
      %dma_start3A_77 = arith.constant 0 : i32
      %dma_start3A_78 = arith.constant 0 : i32
      %dma_start3A_79 = tpu.memref_slice %arg10[%dma_start3A_77, %dma_start3A_78] : memref<400x128xf32, #tpu.memory_space<vmem>> -> memref<128x128xf32, #tpu.memory_space<vmem>>
      %dma_start3A_80 = arith.constant 0 : i32
      %dma_start3A_81 = tpu.memref_slice %arg6[%dma_start3A_80] : memref<400xi32, #tpu.memory_space<vmem>> -> memref<128xi32, #tpu.memory_space<vmem>>
      %dma_start3A_82 = arith.constant 0 : i32
      %dma_start3A_83 = arith.constant 0 : i32
      %dma_start3A_84 = tpu.memref_slice %arg2[%dma_start3A_82, %dma_start3A_83] : memref<503808x128xf32, #tpu.memory_space<hbm>> -> memref<503808x128xf32, #tpu.memory_space<hbm>>
      tpu.enqueue_indirect_dma source(%dma_start3A_84 : memref<503808x128xf32, #tpu.memory_space<hbm>>) target(%dma_start3A_79 : memref<128x128xf32, #tpu.memory_space<vmem>>) offsets(%dma_start3A_81 : memref<128xi32, #tpu.memory_space<vmem>>) semaphore(%arg13 : memref<!tpu.dma_semaphore, #tpu.memory_space<semaphore_mem>>)
      %dma_start3A_85 = arith.constant 128 : i32
      %dma_start3A_86 = arith.constant 0 : i32
      %dma_start3A_87 = tpu.memref_slice %arg10[%dma_start3A_85, %dma_start3A_86] : memref<400x128xf32, #tpu.memory_space<vmem>> -> memref<128x128xf32, #tpu.memory_space<vmem>>
      %dma_start3A_88 = arith.constant 128 : i32
      %dma_start3A_89 = tpu.memref_slice %arg6[%dma_start3A_88] : memref<400xi32, #tpu.memory_space<vmem>> -> memref<128xi32, #tpu.memory_space<vmem>>
      %dma_start3A_90 = arith.constant 0 : i32
      %dma_start3A_91 = arith.constant 0 : i32
      %dma_start3A_92 = tpu.memref_slice %arg2[%dma_start3A_90, %dma_start3A_91] : memref<503808x128xf32, #tpu.memory_space<hbm>> -> memref<503808x128xf32, #tpu.memory_space<hbm>>
      tpu.enqueue_indirect_dma source(%dma_start3A_92 : memref<503808x128xf32, #tpu.memory_space<hbm>>) target(%dma_start3A_87 : memref<128x128xf32, #tpu.memory_space<vmem>>) offsets(%dma_start3A_89 : memref<128xi32, #tpu.memory_space<vmem>>) semaphore(%arg13 : memref<!tpu.dma_semaphore, #tpu.memory_space<semaphore_mem>>)
      %dma_start3A_93 = arith.constant 256 : i32
      %dma_start3A_94 = arith.constant 0 : i32
      %dma_start3A_95 = tpu.memref_slice %arg10[%dma_start3A_93, %dma_start3A_94] : memref<400x128xf32, #tpu.memory_space<vmem>> -> memref<128x128xf32, #tpu.memory_space<vmem>>
      %dma_start3A_96 = arith.constant 256 : i32
      %dma_start3A_97 = tpu.memref_slice %arg6[%dma_start3A_96] : memref<400xi32, #tpu.memory_space<vmem>> -> memref<128xi32, #tpu.memory_space<vmem>>
      %dma_start3A_98 = arith.constant 0 : i32
      %dma_start3A_99 = arith.constant 0 : i32
      %dma_start3A_100 = tpu.memref_slice %arg2[%dma_start3A_98, %dma_start3A_99] : memref<503808x128xf32, #tpu.memory_space<hbm>> -> memref<503808x128xf32, #tpu.memory_space<hbm>>
      tpu.enqueue_indirect_dma source(%dma_start3A_100 : memref<503808x128xf32, #tpu.memory_space<hbm>>) target(%dma_start3A_95 : memref<128x128xf32, #tpu.memory_space<vmem>>) offsets(%dma_start3A_97 : memref<128xi32, #tpu.memory_space<vmem>>) semaphore(%arg13 : memref<!tpu.dma_semaphore, #tpu.memory_space<semaphore_mem>>)
      %dma_start3A_101 = arith.constant 384 : i32
      %dma_start3A_102 = arith.constant 0 : i32
      %dma_start3A_103 = tpu.memref_slice %arg10[%dma_start3A_101, %dma_start3A_102] : memref<400x128xf32, #tpu.memory_space<vmem>> -> memref<16x128xf32, #tpu.memory_space<vmem>>
      %dma_start3A_104 = arith.constant 384 : i32
      %dma_start3A_105 = tpu.memref_slice %arg6[%dma_start3A_104] : memref<400xi32, #tpu.memory_space<vmem>> -> memref<16xi32, #tpu.memory_space<vmem>>
      %dma_start3A_106 = arith.constant 0 : i32
      %dma_start3A_107 = arith.constant 0 : i32
      %dma_start3A_108 = tpu.memref_slice %arg2[%dma_start3A_106, %dma_start3A_107] : memref<503808x128xf32, #tpu.memory_space<hbm>> -> memref<503808x128xf32, #tpu.memory_space<hbm>>
      tpu.enqueue_indirect_dma source(%dma_start3A_108 : memref<503808x128xf32, #tpu.memory_space<hbm>>) target(%dma_start3A_103 : memref<16x128xf32, #tpu.memory_space<vmem>>) offsets(%dma_start3A_105 : memref<16xi32, #tpu.memory_space<vmem>>) semaphore(%arg13 : memref<!tpu.dma_semaphore, #tpu.memory_space<semaphore_mem>>)
      %dma_wait3A_109 = arith.constant 0 : i32
      %dma_wait3A_110 = arith.constant 0 : i32
      %dma_wait3A_111 = tpu.memref_slice %arg2[%dma_wait3A_109, %dma_wait3A_110] : memref<503808x128xf32, #tpu.memory_space<hbm>> -> memref<400x128xf32, #tpu.memory_space<hbm>>
      %dma_wait3A_112 = arith.constant 0 : i32
      %dma_wait3A_113 = arith.constant 0 : i32
      %dma_wait3A_114 = tpu.memref_slice %arg2[%dma_wait3A_112, %dma_wait3A_113] : memref<503808x128xf32, #tpu.memory_space<hbm>> -> memref<400x128xf32, #tpu.memory_space<hbm>>
      tpu.wait_dma2 semaphore(%arg12 : memref<!tpu.dma_semaphore, #tpu.memory_space<semaphore_mem>>) src(%dma_wait3A_114 : memref<400x128xf32, #tpu.memory_space<hbm>>) dst(%arg9 : memref<400x128xf32, #tpu.memory_space<vmem>>)
      %add3A_115 = arith.constant 2 : i32
      %add3A_116 = arith.addi %mul3A_64, %add3A_115 : i32
      %lt3A = arith.constant 64 : i32
      %lt3A_117 = arith.cmpi slt, %add3A_116, %lt3A : i32
      %convert_element_type3A = arith.extui %lt3A_117 : i1 to i32
      %cond3A = arith.constant 0 : i32
      %cond3A_118 = arith.cmpi ne, %convert_element_type3A, %cond3A : i32
      scf.if %cond3A_118 {
        %add3A_163 = arith.constant 2 : i32
        %add3A_164 = arith.addi %mul3A_64, %add3A_163 : i32
        %mul3A_165 = arith.constant 8 : i32
        %mul3A_166 = arith.muli %add3A_164, %mul3A_165 : i32
        %add3A_167 = arith.addi %mul3A_2, %mul3A_166 : i32
        %mul3A_168 = arith.constant 50 : i32
        %mul3A_169 = arith.muli %add3A_167, %mul3A_168 : i32
        %dma_start3A_170 = tpu.memref_slice %arg3[%mul3A_169] : memref<819200xi32, #tpu.memory_space<hbm>> -> memref<400xi32, #tpu.memory_space<hbm>>
        %dma_start3A_171 = tpu.memref_slice %arg3[%mul3A_169] : memref<819200xi32, #tpu.memory_space<hbm>> -> memref<400xi32, #tpu.memory_space<hbm>>
        tpu.enqueue_dma source(%dma_start3A_171 : memref<400xi32, #tpu.memory_space<hbm>>) target(%arg5 : memref<400xi32, #tpu.memory_space<vmem>>) target_semaphore(%arg14 : memref<!tpu.dma_semaphore, #tpu.memory_space<semaphore_mem>>)
      } else {
      }
      %mul3A_119 = arith.constant 8 : i32
      %mul3A_120 = arith.muli %mul3A_64, %mul3A_119 : i32
      %add3A_121 = arith.addi %mul3A_2, %mul3A_120 : i32
      %scan3A_122 = arith.constant 0 : i32
      %scan3A_123 = arith.constant 0 : i32
      %scan3A_124 = arith.constant 8 : i32
      %scan3A_125 = arith.addi %scan3A_123, %scan3A_124 : i32
      %scan3A_126 = arith.constant 1 : i32
      scf.for %scan3A_163 = %scan3A_123 to %scan3A_125 step %scan3A_126  : i32 {
        %mul3A_164 = arith.constant 50 : i32
        %mul3A_165 = arith.muli %scan3A_163, %mul3A_164 : i32
        %add3A_166 = arith.constant 0 : i32
        %add3A_167 = arith.addi %mul3A_165, %add3A_166 : i32
        %get3A = arith.index_cast %add3A_167 : i32 to index
        %get3A_168 = tpu.vector_load %arg7[%get3A] {strides = array<i32>} : memref<416xi32, #tpu.memory_space<vmem>>, vector<16xi32>,
        %get3A_169 = vector.shape_cast %get3A_168 : vector<16xi32> to vector<16xi32>
        %add3A_170 = arith.constant 16 : i32
        %add3A_171 = arith.addi %mul3A_165, %add3A_170 : i32
        %get3A_172 = arith.index_cast %add3A_171 : i32 to index
        %get3A_173 = tpu.vector_load %arg7[%get3A_172] {strides = array<i32>} : memref<416xi32, #tpu.memory_space<vmem>>, vector<16xi32>,
        %get3A_174 = vector.shape_cast %get3A_173 : vector<16xi32> to vector<16xi32>
        %add3A_175 = arith.constant 32 : i32
        %add3A_176 = arith.addi %mul3A_165, %add3A_175 : i32
        %get3A_177 = arith.index_cast %add3A_176 : i32 to index
        %get3A_178 = tpu.vector_load %arg7[%get3A_177] {strides = array<i32>} : memref<416xi32, #tpu.memory_space<vmem>>, vector<16xi32>,
        %get3A_179 = vector.shape_cast %get3A_178 : vector<16xi32> to vector<16xi32>
        %add3A_180 = arith.constant 48 : i32
        %add3A_181 = arith.addi %mul3A_165, %add3A_180 : i32
        %get3A_182 = arith.index_cast %add3A_181 : i32 to index
        %get3A_183 = tpu.vector_load %arg7[%get3A_182] {strides = array<i32>} : memref<416xi32, #tpu.memory_space<vmem>>, vector<16xi32>,
        %get3A_184 = vector.shape_cast %get3A_183 : vector<16xi32> to vector<16xi32>
        %slice3A = vector.extract_strided_slice %get3A_169 {offsets = [0], sizes = [1], strides = [1]} : vector<16xi32> to vector<1xi32>
        %squeeze3A = vector.extract %slice3A[0] : i32 from vector<1xi32>
        %add3A_185 = arith.constant 0 : i32
        %add3A_186 = arith.addi %squeeze3A, %add3A_185 : i32
        %get3A_187 = arith.index_cast %mul3A_165 : i32 to index
        %get3A_188 = arith.index_cast %add3A_186 : i32 to index
        %get3A_189 = tpu.vector_load %arg9[%get3A_187, %get3A_188] {strides = array<i32>} : memref<400x128xf32, #tpu.memory_space<vmem>>, vector<1x16xf32>,
        %get3A_190 = vector.shape_cast %get3A_189 : vector<1x16xf32> to vector<16xf32>
        %slice3A_191 = vector.extract_strided_slice %get3A_169 {offsets = [0], sizes = [1], strides = [1]} : vector<16xi32> to vector<1xi32>
        %squeeze3A_192 = vector.extract %slice3A_191[0] : i32 from vector<1xi32>
        %add3A_193 = arith.constant 16 : i32
        %add3A_194 = arith.addi %squeeze3A_192, %add3A_193 : i32
        %get3A_195 = arith.index_cast %mul3A_165 : i32 to index
        %get3A_196 = arith.index_cast %add3A_194 : i32 to index
        %get3A_197 = tpu.vector_load %arg9[%get3A_195, %get3A_196] {strides = array<i32>} : memref<400x128xf32, #tpu.memory_space<vmem>>, vector<1x16xf32>,
        %get3A_198 = vector.shape_cast %get3A_197 : vector<1x16xf32> to vector<16xf32>
        %slice3A_199 = vector.extract_strided_slice %get3A_169 {offsets = [0], sizes = [1], strides = [1]} : vector<16xi32> to vector<1xi32>
        %squeeze3A_200 = vector.extract %slice3A_199[0] : i32 from vector<1xi32>
        %add3A_201 = arith.constant 32 : i32
        %add3A_202 = arith.addi %squeeze3A_200, %add3A_201 : i32
        %get3A_203 = arith.index_cast %mul3A_165 : i32 to index
        %get3A_204 = arith.index_cast %add3A_202 : i32 to index
        %get3A_205 = tpu.vector_load %arg9[%get3A_203, %get3A_204] {strides = array<i32>} : memref<400x128xf32, #tpu.memory_space<vmem>>, vector<1x16xf32>,
        %get3A_206 = vector.shape_cast %get3A_205 : vector<1x16xf32> to vector<16xf32>
        %slice3A_207 = vector.extract_strided_slice %get3A_169 {offsets = [0], sizes = [1], strides = [1]} : vector<16xi32> to vector<1xi32>
        %squeeze3A_208 = vector.extract %slice3A_207[0] : i32 from vector<1xi32>
        %add3A_209 = arith.constant 48 : i32
        %add3A_210 = arith.addi %squeeze3A_208, %add3A_209 : i32
        %get3A_211 = arith.index_cast %mul3A_165 : i32 to index
        %get3A_212 = arith.index_cast %add3A_210 : i32 to index
        %get3A_213 = tpu.vector_load %arg9[%get3A_211, %get3A_212] {strides = array<i32>} : memref<400x128xf32, #tpu.memory_space<vmem>>, vector<1x16xf32>,
        %get3A_214 = vector.shape_cast %get3A_213 : vector<1x16xf32> to vector<16xf32>
        %slice3A_215 = vector.extract_strided_slice %get3A_169 {offsets = [1], sizes = [1], strides = [1]} : vector<16xi32> to vector<1xi32>
        %squeeze3A_216 = vector.extract %slice3A_215[0] : i32 from vector<1xi32>
        %add3A_217 = arith.constant 1 : i32
        %add3A_218 = arith.addi %mul3A_165, %add3A_217 : i32
        %add3A_219 = arith.constant 0 : i32
        %add3A_220 = arith.addi %squeeze3A_216, %add3A_219 : i32
        %get3A_221 = arith.index_cast %add3A_218 : i32 to index
        %get3A_222 = arith.index_cast %add3A_220 : i32 to index
        %get3A_223 = tpu.vector_load %arg9[%get3A_221, %get3A_222] {strides = array<i32>} : memref<400x128xf32, #tpu.memory_space<vmem>>, vector<1x16xf32>,
        %get3A_224 = vector.shape_cast %get3A_223 : vector<1x16xf32> to vector<16xf32>
        %add3A_225 = arith.addf %get3A_190, %get3A_224 : vector<16xf32>
        %add3A_226 = arith.constant 1 : i32
        %add3A_227 = arith.addi %mul3A_165, %add3A_226 : i32
        %add3A_228 = arith.constant 16 : i32
        %add3A_229 = arith.addi %squeeze3A_216, %add3A_228 : i32
        %get3A_230 = arith.index_cast %add3A_227 : i32 to index
        %get3A_231 = arith.index_cast %add3A_229 : i32 to index
        %get3A_232 = tpu.vector_load %arg9[%get3A_230, %get3A_231] {strides = array<i32>} : memref<400x128xf32, #tpu.memory_space<vmem>>, vector<1x16xf32>,
        %get3A_233 = vector.shape_cast %get3A_232 : vector<1x16xf32> to vector<16xf32>
        %add3A_234 = arith.addf %get3A_198, %get3A_233 : vector<16xf32>
        %add3A_235 = arith.constant 1 : i32
        %add3A_236 = arith.addi %mul3A_165, %add3A_235 : i32
        %add3A_237 = arith.constant 32 : i32
        %add3A_238 = arith.addi %squeeze3A_216, %add3A_237 : i32
        %get3A_239 = arith.index_cast %add3A_236 : i32 to index
        %get3A_240 = arith.index_cast %add3A_238 : i32 to index
        %get3A_241 = tpu.vector_load %arg9[%get3A_239, %get3A_240] {strides = array<i32>} : memref<400x128xf32, #tpu.memory_space<vmem>>, vector<1x16xf32>,
        %get3A_242 = vector.shape_cast %get3A_241 : vector<1x16xf32> to vector<16xf32>
        %add3A_243 = arith.addf %get3A_206, %get3A_242 : vector<16xf32>
        %add3A_244 = arith.constant 1 : i32
        %add3A_245 = arith.addi %mul3A_165, %add3A_244 : i32
        %add3A_246 = arith.constant 48 : i32
        %add3A_247 = arith.addi %squeeze3A_216, %add3A_246 : i32
        %get3A_248 = arith.index_cast %add3A_245 : i32 to index
        %get3A_249 = arith.index_cast %add3A_247 : i32 to index
        %get3A_250 = tpu.vector_load %arg9[%get3A_248, %get3A_249] {strides = array<i32>} : memref<400x128xf32, #tpu.memory_space<vmem>>, vector<1x16xf32>,
        %get3A_251 = vector.shape_cast %get3A_250 : vector<1x16xf32> to vector<16xf32>
        %add3A_252 = arith.addf %get3A_214, %get3A_251 : vector<16xf32>
        %slice3A_253 = vector.extract_strided_slice %get3A_169 {offsets = [2], sizes = [1], strides = [1]} : vector<16xi32> to vector<1xi32>
        %squeeze3A_254 = vector.extract %slice3A_253[0] : i32 from vector<1xi32>
        %add3A_255 = arith.constant 2 : i32
        %add3A_256 = arith.addi %mul3A_165, %add3A_255 : i32
        %add3A_257 = arith.constant 0 : i32
        %add3A_258 = arith.addi %squeeze3A_254, %add3A_257 : i32
        %get3A_259 = arith.index_cast %add3A_256 : i32 to index
        %get3A_260 = arith.index_cast %add3A_258 : i32 to index
        %get3A_261 = tpu.vector_load %arg9[%get3A_259, %get3A_260] {strides = array<i32>} : memref<400x128xf32, #tpu.memory_space<vmem>>, vector<1x16xf32>,
        %get3A_262 = vector.shape_cast %get3A_261 : vector<1x16xf32> to vector<16xf32>
        %add3A_263 = arith.addf %add3A_225, %get3A_262 : vector<16xf32>
        %add3A_264 = arith.constant 2 : i32
        %add3A_265 = arith.addi %mul3A_165, %add3A_264 : i32
        %add3A_266 = arith.constant 16 : i32
        %add3A_267 = arith.addi %squeeze3A_254, %add3A_266 : i32
        %get3A_268 = arith.index_cast %add3A_265 : i32 to index
        %get3A_269 = arith.index_cast %add3A_267 : i32 to index
        %get3A_270 = tpu.vector_load %arg9[%get3A_268, %get3A_269] {strides = array<i32>} : memref<400x128xf32, #tpu.memory_space<vmem>>, vector<1x16xf32>,
        %get3A_271 = vector.shape_cast %get3A_270 : vector<1x16xf32> to vector<16xf32>
        %add3A_272 = arith.addf %add3A_234, %get3A_271 : vector<16xf32>
        %add3A_273 = arith.constant 2 : i32
        %add3A_274 = arith.addi %mul3A_165, %add3A_273 : i32
        %add3A_275 = arith.constant 32 : i32
        %add3A_276 = arith.addi %squeeze3A_254, %add3A_275 : i32
        %get3A_277 = arith.index_cast %add3A_274 : i32 to index
        %get3A_278 = arith.index_cast %add3A_276 : i32 to index
        %get3A_279 = tpu.vector_load %arg9[%get3A_277, %get3A_278] {strides = array<i32>} : memref<400x128xf32, #tpu.memory_space<vmem>>, vector<1x16xf32>,
        %get3A_280 = vector.shape_cast %get3A_279 : vector<1x16xf32> to vector<16xf32>
        %add3A_281 = arith.addf %add3A_243, %get3A_280 : vector<16xf32>
        %add3A_282 = arith.constant 2 : i32
        %add3A_283 = arith.addi %mul3A_165, %add3A_282 : i32
        %add3A_284 = arith.constant 48 : i32
        %add3A_285 = arith.addi %squeeze3A_254, %add3A_284 : i32
        %get3A_286 = arith.index_cast %add3A_283 : i32 to index
        %get3A_287 = arith.index_cast %add3A_285 : i32 to index
        %get3A_288 = tpu.vector_load %arg9[%get3A_286, %get3A_287] {strides = array<i32>} : memref<400x128xf32, #tpu.memory_space<vmem>>, vector<1x16xf32>,
        %get3A_289 = vector.shape_cast %get3A_288 : vector<1x16xf32> to vector<16xf32>
        %add3A_290 = arith.addf %add3A_252, %get3A_289 : vector<16xf32>
        %slice3A_291 = vector.extract_strided_slice %get3A_169 {offsets = [3], sizes = [1], strides = [1]} : vector<16xi32> to vector<1xi32>
        %squeeze3A_292 = vector.extract %slice3A_291[0] : i32 from vector<1xi32>
        %add3A_293 = arith.constant 3 : i32
        %add3A_294 = arith.addi %mul3A_165, %add3A_293 : i32
        %add3A_295 = arith.constant 0 : i32
        %add3A_296 = arith.addi %squeeze3A_292, %add3A_295 : i32
        %get3A_297 = arith.index_cast %add3A_294 : i32 to index
        %get3A_298 = arith.index_cast %add3A_296 : i32 to index
        %get3A_299 = tpu.vector_load %arg9[%get3A_297, %get3A_298] {strides = array<i32>} : memref<400x128xf32, #tpu.memory_space<vmem>>, vector<1x16xf32>,
        %get3A_300 = vector.shape_cast %get3A_299 : vector<1x16xf32> to vector<16xf32>
        %add3A_301 = arith.addf %add3A_263, %get3A_300 : vector<16xf32>
        %add3A_302 = arith.constant 3 : i32
        %add3A_303 = arith.addi %mul3A_165, %add3A_302 : i32
        %add3A_304 = arith.constant 16 : i32
        %add3A_305 = arith.addi %squeeze3A_292, %add3A_304 : i32
        %get3A_306 = arith.index_cast %add3A_303 : i32 to index
        %get3A_307 = arith.index_cast %add3A_305 : i32 to index
        %get3A_308 = tpu.vector_load %arg9[%get3A_306, %get3A_307] {strides = array<i32>} : memref<400x128xf32, #tpu.memory_space<vmem>>, vector<1x16xf32>,
        %get3A_309 = vector.shape_cast %get3A_308 : vector<1x16xf32> to vector<16xf32>
        %add3A_310 = arith.addf %add3A_272, %get3A_309 : vector<16xf32>
        %add3A_311 = arith.constant 3 : i32
        %add3A_312 = arith.addi %mul3A_165, %add3A_311 : i32
        %add3A_313 = arith.constant 32 : i32
        %add3A_314 = arith.addi %squeeze3A_292, %add3A_313 : i32
        %get3A_315 = arith.index_cast %add3A_312 : i32 to index
        %get3A_316 = arith.index_cast %add3A_314 : i32 to index
        %get3A_317 = tpu.vector_load %arg9[%get3A_315, %get3A_316] {strides = array<i32>} : memref<400x128xf32, #tpu.memory_space<vmem>>, vector<1x16xf32>,
        %get3A_318 = vector.shape_cast %get3A_317 : vector<1x16xf32> to vector<16xf32>
        %add3A_319 = arith.addf %add3A_281, %get3A_318 : vector<16xf32>
        %add3A_320 = arith.constant 3 : i32
        %add3A_321 = arith.addi %mul3A_165, %add3A_320 : i32
        %add3A_322 = arith.constant 48 : i32
        %add3A_323 = arith.addi %squeeze3A_292, %add3A_322 : i32
        %get3A_324 = arith.index_cast %add3A_321 : i32 to index
        %get3A_325 = arith.index_cast %add3A_323 : i32 to index
        %get3A_326 = tpu.vector_load %arg9[%get3A_324, %get3A_325] {strides = array<i32>} : memref<400x128xf32, #tpu.memory_space<vmem>>, vector<1x16xf32>,
        %get3A_327 = vector.shape_cast %get3A_326 : vector<1x16xf32> to vector<16xf32>
        %add3A_328 = arith.addf %add3A_290, %get3A_327 : vector<16xf32>
        %slice3A_329 = vector.extract_strided_slice %get3A_169 {offsets = [4], sizes = [1], strides = [1]} : vector<16xi32> to vector<1xi32>
        %squeeze3A_330 = vector.extract %slice3A_329[0] : i32 from vector<1xi32>
        %add3A_331 = arith.constant 4 : i32
        %add3A_332 = arith.addi %mul3A_165, %add3A_331 : i32
        %add3A_333 = arith.constant 0 : i32
        %add3A_334 = arith.addi %squeeze3A_330, %add3A_333 : i32
        %get3A_335 = arith.index_cast %add3A_332 : i32 to index
        %get3A_336 = arith.index_cast %add3A_334 : i32 to index
        %get3A_337 = tpu.vector_load %arg9[%get3A_335, %get3A_336] {strides = array<i32>} : memref<400x128xf32, #tpu.memory_space<vmem>>, vector<1x16xf32>,
        %get3A_338 = vector.shape_cast %get3A_337 : vector<1x16xf32> to vector<16xf32>
        %add3A_339 = arith.addf %add3A_301, %get3A_338 : vector<16xf32>
        %add3A_340 = arith.constant 4 : i32
        %add3A_341 = arith.addi %mul3A_165, %add3A_340 : i32
        %add3A_342 = arith.constant 16 : i32
        %add3A_343 = arith.addi %squeeze3A_330, %add3A_342 : i32
        %get3A_344 = arith.index_cast %add3A_341 : i32 to index
        %get3A_345 = arith.index_cast %add3A_343 : i32 to index
        %get3A_346 = tpu.vector_load %arg9[%get3A_344, %get3A_345] {strides = array<i32>} : memref<400x128xf32, #tpu.memory_space<vmem>>, vector<1x16xf32>,
        %get3A_347 = vector.shape_cast %get3A_346 : vector<1x16xf32> to vector<16xf32>
        %add3A_348 = arith.addf %add3A_310, %get3A_347 : vector<16xf32>
        %add3A_349 = arith.constant 4 : i32
        %add3A_350 = arith.addi %mul3A_165, %add3A_349 : i32
        %add3A_351 = arith.constant 32 : i32
        %add3A_352 = arith.addi %squeeze3A_330, %add3A_351 : i32
        %get3A_353 = arith.index_cast %add3A_350 : i32 to index
        %get3A_354 = arith.index_cast %add3A_352 : i32 to index
        %get3A_355 = tpu.vector_load %arg9[%get3A_353, %get3A_354] {strides = array<i32>} : memref<400x128xf32, #tpu.memory_space<vmem>>, vector<1x16xf32>,
        %get3A_356 = vector.shape_cast %get3A_355 : vector<1x16xf32> to vector<16xf32>
        %add3A_357 = arith.addf %add3A_319, %get3A_356 : vector<16xf32>
        %add3A_358 = arith.constant 4 : i32
        %add3A_359 = arith.addi %mul3A_165, %add3A_358 : i32
        %add3A_360 = arith.constant 48 : i32
        %add3A_361 = arith.addi %squeeze3A_330, %add3A_360 : i32
        %get3A_362 = arith.index_cast %add3A_359 : i32 to index
        %get3A_363 = arith.index_cast %add3A_361 : i32 to index
        %get3A_364 = tpu.vector_load %arg9[%get3A_362, %get3A_363] {strides = array<i32>} : memref<400x128xf32, #tpu.memory_space<vmem>>, vector<1x16xf32>,
        %get3A_365 = vector.shape_cast %get3A_364 : vector<1x16xf32> to vector<16xf32>
        %add3A_366 = arith.addf %add3A_328, %get3A_365 : vector<16xf32>
        %slice3A_367 = vector.extract_strided_slice %get3A_169 {offsets = [5], sizes = [1], strides = [1]} : vector<16xi32> to vector<1xi32>
        %squeeze3A_368 = vector.extract %slice3A_367[0] : i32 from vector<1xi32>
        %add3A_369 = arith.constant 5 : i32
        %add3A_370 = arith.addi %mul3A_165, %add3A_369 : i32
        %add3A_371 = arith.constant 0 : i32
        %add3A_372 = arith.addi %squeeze3A_368, %add3A_371 : i32
        %get3A_373 = arith.index_cast %add3A_370 : i32 to index
        %get3A_374 = arith.index_cast %add3A_372 : i32 to index
        %get3A_375 = tpu.vector_load %arg9[%get3A_373, %get3A_374] {strides = array<i32>} : memref<400x128xf32, #tpu.memory_space<vmem>>, vector<1x16xf32>,
        %get3A_376 = vector.shape_cast %get3A_375 : vector<1x16xf32> to vector<16xf32>
        %add3A_377 = arith.addf %add3A_339, %get3A_376 : vector<16xf32>
        %add3A_378 = arith.constant 5 : i32
        %add3A_379 = arith.addi %mul3A_165, %add3A_378 : i32
        %add3A_380 = arith.constant 16 : i32
        %add3A_381 = arith.addi %squeeze3A_368, %add3A_380 : i32
        %get3A_382 = arith.index_cast %add3A_379 : i32 to index
        %get3A_383 = arith.index_cast %add3A_381 : i32 to index
        %get3A_384 = tpu.vector_load %arg9[%get3A_382, %get3A_383] {strides = array<i32>} : memref<400x128xf32, #tpu.memory_space<vmem>>, vector<1x16xf32>,
        %get3A_385 = vector.shape_cast %get3A_384 : vector<1x16xf32> to vector<16xf32>
        %add3A_386 = arith.addf %add3A_348, %get3A_385 : vector<16xf32>
        %add3A_387 = arith.constant 5 : i32
        %add3A_388 = arith.addi %mul3A_165, %add3A_387 : i32
        %add3A_389 = arith.constant 32 : i32
        %add3A_390 = arith.addi %squeeze3A_368, %add3A_389 : i32
        %get3A_391 = arith.index_cast %add3A_388 : i32 to index
        %get3A_392 = arith.index_cast %add3A_390 : i32 to index
        %get3A_393 = tpu.vector_load %arg9[%get3A_391, %get3A_392] {strides = array<i32>} : memref<400x128xf32, #tpu.memory_space<vmem>>, vector<1x16xf32>,
        %get3A_394 = vector.shape_cast %get3A_393 : vector<1x16xf32> to vector<16xf32>
        %add3A_395 = arith.addf %add3A_357, %get3A_394 : vector<16xf32>
        %add3A_396 = arith.constant 5 : i32
        %add3A_397 = arith.addi %mul3A_165, %add3A_396 : i32
        %add3A_398 = arith.constant 48 : i32
        %add3A_399 = arith.addi %squeeze3A_368, %add3A_398 : i32
        %get3A_400 = arith.index_cast %add3A_397 : i32 to index
        %get3A_401 = arith.index_cast %add3A_399 : i32 to index
        %get3A_402 = tpu.vector_load %arg9[%get3A_400, %get3A_401] {strides = array<i32>} : memref<400x128xf32, #tpu.memory_space<vmem>>, vector<1x16xf32>,
        %get3A_403 = vector.shape_cast %get3A_402 : vector<1x16xf32> to vector<16xf32>
        %add3A_404 = arith.addf %add3A_366, %get3A_403 : vector<16xf32>
        %slice3A_405 = vector.extract_strided_slice %get3A_169 {offsets = [6], sizes = [1], strides = [1]} : vector<16xi32> to vector<1xi32>
        %squeeze3A_406 = vector.extract %slice3A_405[0] : i32 from vector<1xi32>
        %add3A_407 = arith.constant 6 : i32
        %add3A_408 = arith.addi %mul3A_165, %add3A_407 : i32
        %add3A_409 = arith.constant 0 : i32
        %add3A_410 = arith.addi %squeeze3A_406, %add3A_409 : i32
        %get3A_411 = arith.index_cast %add3A_408 : i32 to index
        %get3A_412 = arith.index_cast %add3A_410 : i32 to index
        %get3A_413 = tpu.vector_load %arg9[%get3A_411, %get3A_412] {strides = array<i32>} : memref<400x128xf32, #tpu.memory_space<vmem>>, vector<1x16xf32>,
        %get3A_414 = vector.shape_cast %get3A_413 : vector<1x16xf32> to vector<16xf32>
        %add3A_415 = arith.addf %add3A_377, %get3A_414 : vector<16xf32>
        %add3A_416 = arith.constant 6 : i32
        %add3A_417 = arith.addi %mul3A_165, %add3A_416 : i32
        %add3A_418 = arith.constant 16 : i32
        %add3A_419 = arith.addi %squeeze3A_406, %add3A_418 : i32
        %get3A_420 = arith.index_cast %add3A_417 : i32 to index
        %get3A_421 = arith.index_cast %add3A_419 : i32 to index
        %get3A_422 = tpu.vector_load %arg9[%get3A_420, %get3A_421] {strides = array<i32>} : memref<400x128xf32, #tpu.memory_space<vmem>>, vector<1x16xf32>,
        %get3A_423 = vector.shape_cast %get3A_422 : vector<1x16xf32> to vector<16xf32>
        %add3A_424 = arith.addf %add3A_386, %get3A_423 : vector<16xf32>
        %add3A_425 = arith.constant 6 : i32
        %add3A_426 = arith.addi %mul3A_165, %add3A_425 : i32
        %add3A_427 = arith.constant 32 : i32
        %add3A_428 = arith.addi %squeeze3A_406, %add3A_427 : i32
        %get3A_429 = arith.index_cast %add3A_426 : i32 to index
        %get3A_430 = arith.index_cast %add3A_428 : i32 to index
        %get3A_431 = tpu.vector_load %arg9[%get3A_429, %get3A_430] {strides = array<i32>} : memref<400x128xf32, #tpu.memory_space<vmem>>, vector<1x16xf32>,
        %get3A_432 = vector.shape_cast %get3A_431 : vector<1x16xf32> to vector<16xf32>
        %add3A_433 = arith.addf %add3A_395, %get3A_432 : vector<16xf32>
        %add3A_434 = arith.constant 6 : i32
        %add3A_435 = arith.addi %mul3A_165, %add3A_434 : i32
        %add3A_436 = arith.constant 48 : i32
        %add3A_437 = arith.addi %squeeze3A_406, %add3A_436 : i32
        %get3A_438 = arith.index_cast %add3A_435 : i32 to index
        %get3A_439 = arith.index_cast %add3A_437 : i32 to index
        %get3A_440 = tpu.vector_load %arg9[%get3A_438, %get3A_439] {strides = array<i32>} : memref<400x128xf32, #tpu.memory_space<vmem>>, vector<1x16xf32>,
        %get3A_441 = vector.shape_cast %get3A_440 : vector<1x16xf32> to vector<16xf32>
        %add3A_442 = arith.addf %add3A_404, %get3A_441 : vector<16xf32>
        %slice3A_443 = vector.extract_strided_slice %get3A_169 {offsets = [7], sizes = [1], strides = [1]} : vector<16xi32> to vector<1xi32>
        %squeeze3A_444 = vector.extract %slice3A_443[0] : i32 from vector<1xi32>
        %add3A_445 = arith.constant 7 : i32
        %add3A_446 = arith.addi %mul3A_165, %add3A_445 : i32
        %add3A_447 = arith.constant 0 : i32
        %add3A_448 = arith.addi %squeeze3A_444, %add3A_447 : i32
        %get3A_449 = arith.index_cast %add3A_446 : i32 to index
        %get3A_450 = arith.index_cast %add3A_448 : i32 to index
        %get3A_451 = tpu.vector_load %arg9[%get3A_449, %get3A_450] {strides = array<i32>} : memref<400x128xf32, #tpu.memory_space<vmem>>, vector<1x16xf32>,
        %get3A_452 = vector.shape_cast %get3A_451 : vector<1x16xf32> to vector<16xf32>
        %add3A_453 = arith.addf %add3A_415, %get3A_452 : vector<16xf32>
        %add3A_454 = arith.constant 7 : i32
        %add3A_455 = arith.addi %mul3A_165, %add3A_454 : i32
        %add3A_456 = arith.constant 16 : i32
        %add3A_457 = arith.addi %squeeze3A_444, %add3A_456 : i32
        %get3A_458 = arith.index_cast %add3A_455 : i32 to index
        %get3A_459 = arith.index_cast %add3A_457 : i32 to index
        %get3A_460 = tpu.vector_load %arg9[%get3A_458, %get3A_459] {strides = array<i32>} : memref<400x128xf32, #tpu.memory_space<vmem>>, vector<1x16xf32>,
        %get3A_461 = vector.shape_cast %get3A_460 : vector<1x16xf32> to vector<16xf32>
        %add3A_462 = arith.addf %add3A_424, %get3A_461 : vector<16xf32>
        %add3A_463 = arith.constant 7 : i32
        %add3A_464 = arith.addi %mul3A_165, %add3A_463 : i32
        %add3A_465 = arith.constant 32 : i32
        %add3A_466 = arith.addi %squeeze3A_444, %add3A_465 : i32
        %get3A_467 = arith.index_cast %add3A_464 : i32 to index
        %get3A_468 = arith.index_cast %add3A_466 : i32 to index
        %get3A_469 = tpu.vector_load %arg9[%get3A_467, %get3A_468] {strides = array<i32>} : memref<400x128xf32, #tpu.memory_space<vmem>>, vector<1x16xf32>,
        %get3A_470 = vector.shape_cast %get3A_469 : vector<1x16xf32> to vector<16xf32>
        %add3A_471 = arith.addf %add3A_433, %get3A_470 : vector<16xf32>
        %add3A_472 = arith.constant 7 : i32
        %add3A_473 = arith.addi %mul3A_165, %add3A_472 : i32
        %add3A_474 = arith.constant 48 : i32
        %add3A_475 = arith.addi %squeeze3A_444, %add3A_474 : i32
        %get3A_476 = arith.index_cast %add3A_473 : i32 to index
        %get3A_477 = arith.index_cast %add3A_475 : i32 to index
        %get3A_478 = tpu.vector_load %arg9[%get3A_476, %get3A_477] {strides = array<i32>} : memref<400x128xf32, #tpu.memory_space<vmem>>, vector<1x16xf32>,
        %get3A_479 = vector.shape_cast %get3A_478 : vector<1x16xf32> to vector<16xf32>
        %add3A_480 = arith.addf %add3A_442, %get3A_479 : vector<16xf32>
        %slice3A_481 = vector.extract_strided_slice %get3A_169 {offsets = [8], sizes = [1], strides = [1]} : vector<16xi32> to vector<1xi32>
        %squeeze3A_482 = vector.extract %slice3A_481[0] : i32 from vector<1xi32>
        %add3A_483 = arith.constant 8 : i32
        %add3A_484 = arith.addi %mul3A_165, %add3A_483 : i32
        %add3A_485 = arith.constant 0 : i32
        %add3A_486 = arith.addi %squeeze3A_482, %add3A_485 : i32
        %get3A_487 = arith.index_cast %add3A_484 : i32 to index
        %get3A_488 = arith.index_cast %add3A_486 : i32 to index
        %get3A_489 = tpu.vector_load %arg9[%get3A_487, %get3A_488] {strides = array<i32>} : memref<400x128xf32, #tpu.memory_space<vmem>>, vector<1x16xf32>,
        %get3A_490 = vector.shape_cast %get3A_489 : vector<1x16xf32> to vector<16xf32>
        %add3A_491 = arith.addf %add3A_453, %get3A_490 : vector<16xf32>
        %add3A_492 = arith.constant 8 : i32
        %add3A_493 = arith.addi %mul3A_165, %add3A_492 : i32
        %add3A_494 = arith.constant 16 : i32
        %add3A_495 = arith.addi %squeeze3A_482, %add3A_494 : i32
        %get3A_496 = arith.index_cast %add3A_493 : i32 to index
        %get3A_497 = arith.index_cast %add3A_495 : i32 to index
        %get3A_498 = tpu.vector_load %arg9[%get3A_496, %get3A_497] {strides = array<i32>} : memref<400x128xf32, #tpu.memory_space<vmem>>, vector<1x16xf32>,
        %get3A_499 = vector.shape_cast %get3A_498 : vector<1x16xf32> to vector<16xf32>
        %add3A_500 = arith.addf %add3A_462, %get3A_499 : vector<16xf32>
        %add3A_501 = arith.constant 8 : i32
        %add3A_502 = arith.addi %mul3A_165, %add3A_501 : i32
        %add3A_503 = arith.constant 32 : i32
        %add3A_504 = arith.addi %squeeze3A_482, %add3A_503 : i32
        %get3A_505 = arith.index_cast %add3A_502 : i32 to index
        %get3A_506 = arith.index_cast %add3A_504 : i32 to index
        %get3A_507 = tpu.vector_load %arg9[%get3A_505, %get3A_506] {strides = array<i32>} : memref<400x128xf32, #tpu.memory_space<vmem>>, vector<1x16xf32>,
        %get3A_508 = vector.shape_cast %get3A_507 : vector<1x16xf32> to vector<16xf32>
        %add3A_509 = arith.addf %add3A_471, %get3A_508 : vector<16xf32>
        %add3A_510 = arith.constant 8 : i32
        %add3A_511 = arith.addi %mul3A_165, %add3A_510 : i32
        %add3A_512 = arith.constant 48 : i32
        %add3A_513 = arith.addi %squeeze3A_482, %add3A_512 : i32
        %get3A_514 = arith.index_cast %add3A_511 : i32 to index
        %get3A_515 = arith.index_cast %add3A_513 : i32 to index
        %get3A_516 = tpu.vector_load %arg9[%get3A_514, %get3A_515] {strides = array<i32>} : memref<400x128xf32, #tpu.memory_space<vmem>>, vector<1x16xf32>,
        %get3A_517 = vector.shape_cast %get3A_516 : vector<1x16xf32> to vector<16xf32>
        %add3A_518 = arith.addf %add3A_480, %get3A_517 : vector<16xf32>
        %slice3A_519 = vector.extract_strided_slice %get3A_169 {offsets = [9], sizes = [1], strides = [1]} : vector<16xi32> to vector<1xi32>
        %squeeze3A_520 = vector.extract %slice3A_519[0] : i32 from vector<1xi32>
        %add3A_521 = arith.constant 9 : i32
        %add3A_522 = arith.addi %mul3A_165, %add3A_521 : i32
        %add3A_523 = arith.constant 0 : i32
        %add3A_524 = arith.addi %squeeze3A_520, %add3A_523 : i32
        %get3A_525 = arith.index_cast %add3A_522 : i32 to index
        %get3A_526 = arith.index_cast %add3A_524 : i32 to index
        %get3A_527 = tpu.vector_load %arg9[%get3A_525, %get3A_526] {strides = array<i32>} : memref<400x128xf32, #tpu.memory_space<vmem>>, vector<1x16xf32>,
        %get3A_528 = vector.shape_cast %get3A_527 : vector<1x16xf32> to vector<16xf32>
        %add3A_529 = arith.addf %add3A_491, %get3A_528 : vector<16xf32>
        %add3A_530 = arith.constant 9 : i32
        %add3A_531 = arith.addi %mul3A_165, %add3A_530 : i32
        %add3A_532 = arith.constant 16 : i32
        %add3A_533 = arith.addi %squeeze3A_520, %add3A_532 : i32
        %get3A_534 = arith.index_cast %add3A_531 : i32 to index
        %get3A_535 = arith.index_cast %add3A_533 : i32 to index
        %get3A_536 = tpu.vector_load %arg9[%get3A_534, %get3A_535] {strides = array<i32>} : memref<400x128xf32, #tpu.memory_space<vmem>>, vector<1x16xf32>,
        %get3A_537 = vector.shape_cast %get3A_536 : vector<1x16xf32> to vector<16xf32>
        %add3A_538 = arith.addf %add3A_500, %get3A_537 : vector<16xf32>
        %add3A_539 = arith.constant 9 : i32
        %add3A_540 = arith.addi %mul3A_165, %add3A_539 : i32
        %add3A_541 = arith.constant 32 : i32
        %add3A_542 = arith.addi %squeeze3A_520, %add3A_541 : i32
        %get3A_543 = arith.index_cast %add3A_540 : i32 to index
        %get3A_544 = arith.index_cast %add3A_542 : i32 to index
        %get3A_545 = tpu.vector_load %arg9[%get3A_543, %get3A_544] {strides = array<i32>} : memref<400x128xf32, #tpu.memory_space<vmem>>, vector<1x16xf32>,
        %get3A_546 = vector.shape_cast %get3A_545 : vector<1x16xf32> to vector<16xf32>
        %add3A_547 = arith.addf %add3A_509, %get3A_546 : vector<16xf32>
        %add3A_548 = arith.constant 9 : i32
        %add3A_549 = arith.addi %mul3A_165, %add3A_548 : i32
        %add3A_550 = arith.constant 48 : i32
        %add3A_551 = arith.addi %squeeze3A_520, %add3A_550 : i32
        %get3A_552 = arith.index_cast %add3A_549 : i32 to index
        %get3A_553 = arith.index_cast %add3A_551 : i32 to index
        %get3A_554 = tpu.vector_load %arg9[%get3A_552, %get3A_553] {strides = array<i32>} : memref<400x128xf32, #tpu.memory_space<vmem>>, vector<1x16xf32>,
        %get3A_555 = vector.shape_cast %get3A_554 : vector<1x16xf32> to vector<16xf32>
        %add3A_556 = arith.addf %add3A_518, %get3A_555 : vector<16xf32>
        %slice3A_557 = vector.extract_strided_slice %get3A_169 {offsets = [10], sizes = [1], strides = [1]} : vector<16xi32> to vector<1xi32>
        %squeeze3A_558 = vector.extract %slice3A_557[0] : i32 from vector<1xi32>
        %add3A_559 = arith.constant 10 : i32
        %add3A_560 = arith.addi %mul3A_165, %add3A_559 : i32
        %add3A_561 = arith.constant 0 : i32
        %add3A_562 = arith.addi %squeeze3A_558, %add3A_561 : i32
        %get3A_563 = arith.index_cast %add3A_560 : i32 to index
        %get3A_564 = arith.index_cast %add3A_562 : i32 to index
        %get3A_565 = tpu.vector_load %arg9[%get3A_563, %get3A_564] {strides = array<i32>} : memref<400x128xf32, #tpu.memory_space<vmem>>, vector<1x16xf32>,
        %get3A_566 = vector.shape_cast %get3A_565 : vector<1x16xf32> to vector<16xf32>
        %add3A_567 = arith.addf %add3A_529, %get3A_566 : vector<16xf32>
        %add3A_568 = arith.constant 10 : i32
        %add3A_569 = arith.addi %mul3A_165, %add3A_568 : i32
        %add3A_570 = arith.constant 16 : i32
        %add3A_571 = arith.addi %squeeze3A_558, %add3A_570 : i32
        %get3A_572 = arith.index_cast %add3A_569 : i32 to index
        %get3A_573 = arith.index_cast %add3A_571 : i32 to index
        %get3A_574 = tpu.vector_load %arg9[%get3A_572, %get3A_573] {strides = array<i32>} : memref<400x128xf32, #tpu.memory_space<vmem>>, vector<1x16xf32>,
        %get3A_575 = vector.shape_cast %get3A_574 : vector<1x16xf32> to vector<16xf32>
        %add3A_576 = arith.addf %add3A_538, %get3A_575 : vector<16xf32>
        %add3A_577 = arith.constant 10 : i32
        %add3A_578 = arith.addi %mul3A_165, %add3A_577 : i32
        %add3A_579 = arith.constant 32 : i32
        %add3A_580 = arith.addi %squeeze3A_558, %add3A_579 : i32
        %get3A_581 = arith.index_cast %add3A_578 : i32 to index
        %get3A_582 = arith.index_cast %add3A_580 : i32 to index
        %get3A_583 = tpu.vector_load %arg9[%get3A_581, %get3A_582] {strides = array<i32>} : memref<400x128xf32, #tpu.memory_space<vmem>>, vector<1x16xf32>,
        %get3A_584 = vector.shape_cast %get3A_583 : vector<1x16xf32> to vector<16xf32>
        %add3A_585 = arith.addf %add3A_547, %get3A_584 : vector<16xf32>
        %add3A_586 = arith.constant 10 : i32
        %add3A_587 = arith.addi %mul3A_165, %add3A_586 : i32
        %add3A_588 = arith.constant 48 : i32
        %add3A_589 = arith.addi %squeeze3A_558, %add3A_588 : i32
        %get3A_590 = arith.index_cast %add3A_587 : i32 to index
        %get3A_591 = arith.index_cast %add3A_589 : i32 to index
        %get3A_592 = tpu.vector_load %arg9[%get3A_590, %get3A_591] {strides = array<i32>} : memref<400x128xf32, #tpu.memory_space<vmem>>, vector<1x16xf32>,
        %get3A_593 = vector.shape_cast %get3A_592 : vector<1x16xf32> to vector<16xf32>
        %add3A_594 = arith.addf %add3A_556, %get3A_593 : vector<16xf32>
        %slice3A_595 = vector.extract_strided_slice %get3A_169 {offsets = [11], sizes = [1], strides = [1]} : vector<16xi32> to vector<1xi32>
        %squeeze3A_596 = vector.extract %slice3A_595[0] : i32 from vector<1xi32>
        %add3A_597 = arith.constant 11 : i32
        %add3A_598 = arith.addi %mul3A_165, %add3A_597 : i32
        %add3A_599 = arith.constant 0 : i32
        %add3A_600 = arith.addi %squeeze3A_596, %add3A_599 : i32
        %get3A_601 = arith.index_cast %add3A_598 : i32 to index
        %get3A_602 = arith.index_cast %add3A_600 : i32 to index
        %get3A_603 = tpu.vector_load %arg9[%get3A_601, %get3A_602] {strides = array<i32>} : memref<400x128xf32, #tpu.memory_space<vmem>>, vector<1x16xf32>,
        %get3A_604 = vector.shape_cast %get3A_603 : vector<1x16xf32> to vector<16xf32>
        %add3A_605 = arith.addf %add3A_567, %get3A_604 : vector<16xf32>
        %add3A_606 = arith.constant 11 : i32
        %add3A_607 = arith.addi %mul3A_165, %add3A_606 : i32
        %add3A_608 = arith.constant 16 : i32
        %add3A_609 = arith.addi %squeeze3A_596, %add3A_608 : i32
        %get3A_610 = arith.index_cast %add3A_607 : i32 to index
        %get3A_611 = arith.index_cast %add3A_609 : i32 to index
        %get3A_612 = tpu.vector_load %arg9[%get3A_610, %get3A_611] {strides = array<i32>} : memref<400x128xf32, #tpu.memory_space<vmem>>, vector<1x16xf32>,
        %get3A_613 = vector.shape_cast %get3A_612 : vector<1x16xf32> to vector<16xf32>
        %add3A_614 = arith.addf %add3A_576, %get3A_613 : vector<16xf32>
        %add3A_615 = arith.constant 11 : i32
        %add3A_616 = arith.addi %mul3A_165, %add3A_615 : i32
        %add3A_617 = arith.constant 32 : i32
        %add3A_618 = arith.addi %squeeze3A_596, %add3A_617 : i32
        %get3A_619 = arith.index_cast %add3A_616 : i32 to index
        %get3A_620 = arith.index_cast %add3A_618 : i32 to index
        %get3A_621 = tpu.vector_load %arg9[%get3A_619, %get3A_620] {strides = array<i32>} : memref<400x128xf32, #tpu.memory_space<vmem>>, vector<1x16xf32>,
        %get3A_622 = vector.shape_cast %get3A_621 : vector<1x16xf32> to vector<16xf32>
        %add3A_623 = arith.addf %add3A_585, %get3A_622 : vector<16xf32>
        %add3A_624 = arith.constant 11 : i32
        %add3A_625 = arith.addi %mul3A_165, %add3A_624 : i32
        %add3A_626 = arith.constant 48 : i32
        %add3A_627 = arith.addi %squeeze3A_596, %add3A_626 : i32
        %get3A_628 = arith.index_cast %add3A_625 : i32 to index
        %get3A_629 = arith.index_cast %add3A_627 : i32 to index
        %get3A_630 = tpu.vector_load %arg9[%get3A_628, %get3A_629] {strides = array<i32>} : memref<400x128xf32, #tpu.memory_space<vmem>>, vector<1x16xf32>,
        %get3A_631 = vector.shape_cast %get3A_630 : vector<1x16xf32> to vector<16xf32>
        %add3A_632 = arith.addf %add3A_594, %get3A_631 : vector<16xf32>
        %slice3A_633 = vector.extract_strided_slice %get3A_169 {offsets = [12], sizes = [1], strides = [1]} : vector<16xi32> to vector<1xi32>
        %squeeze3A_634 = vector.extract %slice3A_633[0] : i32 from vector<1xi32>
        %add3A_635 = arith.constant 12 : i32
        %add3A_636 = arith.addi %mul3A_165, %add3A_635 : i32
        %add3A_637 = arith.constant 0 : i32
        %add3A_638 = arith.addi %squeeze3A_634, %add3A_637 : i32
        %get3A_639 = arith.index_cast %add3A_636 : i32 to index
        %get3A_640 = arith.index_cast %add3A_638 : i32 to index
        %get3A_641 = tpu.vector_load %arg9[%get3A_639, %get3A_640] {strides = array<i32>} : memref<400x128xf32, #tpu.memory_space<vmem>>, vector<1x16xf32>,
        %get3A_642 = vector.shape_cast %get3A_641 : vector<1x16xf32> to vector<16xf32>
        %add3A_643 = arith.addf %add3A_605, %get3A_642 : vector<16xf32>
        %add3A_644 = arith.constant 12 : i32
        %add3A_645 = arith.addi %mul3A_165, %add3A_644 : i32
        %add3A_646 = arith.constant 16 : i32
        %add3A_647 = arith.addi %squeeze3A_634, %add3A_646 : i32
        %get3A_648 = arith.index_cast %add3A_645 : i32 to index
        %get3A_649 = arith.index_cast %add3A_647 : i32 to index
        %get3A_650 = tpu.vector_load %arg9[%get3A_648, %get3A_649] {strides = array<i32>} : memref<400x128xf32, #tpu.memory_space<vmem>>, vector<1x16xf32>,
        %get3A_651 = vector.shape_cast %get3A_650 : vector<1x16xf32> to vector<16xf32>
        %add3A_652 = arith.addf %add3A_614, %get3A_651 : vector<16xf32>
        %add3A_653 = arith.constant 12 : i32
        %add3A_654 = arith.addi %mul3A_165, %add3A_653 : i32
        %add3A_655 = arith.constant 32 : i32
        %add3A_656 = arith.addi %squeeze3A_634, %add3A_655 : i32
        %get3A_657 = arith.index_cast %add3A_654 : i32 to index
        %get3A_658 = arith.index_cast %add3A_656 : i32 to index
        %get3A_659 = tpu.vector_load %arg9[%get3A_657, %get3A_658] {strides = array<i32>} : memref<400x128xf32, #tpu.memory_space<vmem>>, vector<1x16xf32>,
        %get3A_660 = vector.shape_cast %get3A_659 : vector<1x16xf32> to vector<16xf32>
        %add3A_661 = arith.addf %add3A_623, %get3A_660 : vector<16xf32>
        %add3A_662 = arith.constant 12 : i32
        %add3A_663 = arith.addi %mul3A_165, %add3A_662 : i32
        %add3A_664 = arith.constant 48 : i32
        %add3A_665 = arith.addi %squeeze3A_634, %add3A_664 : i32
        %get3A_666 = arith.index_cast %add3A_663 : i32 to index
        %get3A_667 = arith.index_cast %add3A_665 : i32 to index
        %get3A_668 = tpu.vector_load %arg9[%get3A_666, %get3A_667] {strides = array<i32>} : memref<400x128xf32, #tpu.memory_space<vmem>>, vector<1x16xf32>,
        %get3A_669 = vector.shape_cast %get3A_668 : vector<1x16xf32> to vector<16xf32>
        %add3A_670 = arith.addf %add3A_632, %get3A_669 : vector<16xf32>
        %slice3A_671 = vector.extract_strided_slice %get3A_169 {offsets = [13], sizes = [1], strides = [1]} : vector<16xi32> to vector<1xi32>
        %squeeze3A_672 = vector.extract %slice3A_671[0] : i32 from vector<1xi32>
        %add3A_673 = arith.constant 13 : i32
        %add3A_674 = arith.addi %mul3A_165, %add3A_673 : i32
        %add3A_675 = arith.constant 0 : i32
        %add3A_676 = arith.addi %squeeze3A_672, %add3A_675 : i32
        %get3A_677 = arith.index_cast %add3A_674 : i32 to index
        %get3A_678 = arith.index_cast %add3A_676 : i32 to index
        %get3A_679 = tpu.vector_load %arg9[%get3A_677, %get3A_678] {strides = array<i32>} : memref<400x128xf32, #tpu.memory_space<vmem>>, vector<1x16xf32>,
        %get3A_680 = vector.shape_cast %get3A_679 : vector<1x16xf32> to vector<16xf32>
        %add3A_681 = arith.addf %add3A_643, %get3A_680 : vector<16xf32>
        %add3A_682 = arith.constant 13 : i32
        %add3A_683 = arith.addi %mul3A_165, %add3A_682 : i32
        %add3A_684 = arith.constant 16 : i32
        %add3A_685 = arith.addi %squeeze3A_672, %add3A_684 : i32
        %get3A_686 = arith.index_cast %add3A_683 : i32 to index
        %get3A_687 = arith.index_cast %add3A_685 : i32 to index
        %get3A_688 = tpu.vector_load %arg9[%get3A_686, %get3A_687] {strides = array<i32>} : memref<400x128xf32, #tpu.memory_space<vmem>>, vector<1x16xf32>,
        %get3A_689 = vector.shape_cast %get3A_688 : vector<1x16xf32> to vector<16xf32>
        %add3A_690 = arith.addf %add3A_652, %get3A_689 : vector<16xf32>
        %add3A_691 = arith.constant 13 : i32
        %add3A_692 = arith.addi %mul3A_165, %add3A_691 : i32
        %add3A_693 = arith.constant 32 : i32
        %add3A_694 = arith.addi %squeeze3A_672, %add3A_693 : i32
        %get3A_695 = arith.index_cast %add3A_692 : i32 to index
        %get3A_696 = arith.index_cast %add3A_694 : i32 to index
        %get3A_697 = tpu.vector_load %arg9[%get3A_695, %get3A_696] {strides = array<i32>} : memref<400x128xf32, #tpu.memory_space<vmem>>, vector<1x16xf32>,
        %get3A_698 = vector.shape_cast %get3A_697 : vector<1x16xf32> to vector<16xf32>
        %add3A_699 = arith.addf %add3A_661, %get3A_698 : vector<16xf32>
        %add3A_700 = arith.constant 13 : i32
        %add3A_701 = arith.addi %mul3A_165, %add3A_700 : i32
        %add3A_702 = arith.constant 48 : i32
        %add3A_703 = arith.addi %squeeze3A_672, %add3A_702 : i32
        %get3A_704 = arith.index_cast %add3A_701 : i32 to index
        %get3A_705 = arith.index_cast %add3A_703 : i32 to index
        %get3A_706 = tpu.vector_load %arg9[%get3A_704, %get3A_705] {strides = array<i32>} : memref<400x128xf32, #tpu.memory_space<vmem>>, vector<1x16xf32>,
        %get3A_707 = vector.shape_cast %get3A_706 : vector<1x16xf32> to vector<16xf32>
        %add3A_708 = arith.addf %add3A_670, %get3A_707 : vector<16xf32>
        %slice3A_709 = vector.extract_strided_slice %get3A_169 {offsets = [14], sizes = [1], strides = [1]} : vector<16xi32> to vector<1xi32>
        %squeeze3A_710 = vector.extract %slice3A_709[0] : i32 from vector<1xi32>
        %add3A_711 = arith.constant 14 : i32
        %add3A_712 = arith.addi %mul3A_165, %add3A_711 : i32
        %add3A_713 = arith.constant 0 : i32
        %add3A_714 = arith.addi %squeeze3A_710, %add3A_713 : i32
        %get3A_715 = arith.index_cast %add3A_712 : i32 to index
        %get3A_716 = arith.index_cast %add3A_714 : i32 to index
        %get3A_717 = tpu.vector_load %arg9[%get3A_715, %get3A_716] {strides = array<i32>} : memref<400x128xf32, #tpu.memory_space<vmem>>, vector<1x16xf32>,
        %get3A_718 = vector.shape_cast %get3A_717 : vector<1x16xf32> to vector<16xf32>
        %add3A_719 = arith.addf %add3A_681, %get3A_718 : vector<16xf32>
        %add3A_720 = arith.constant 14 : i32
        %add3A_721 = arith.addi %mul3A_165, %add3A_720 : i32
        %add3A_722 = arith.constant 16 : i32
        %add3A_723 = arith.addi %squeeze3A_710, %add3A_722 : i32
        %get3A_724 = arith.index_cast %add3A_721 : i32 to index
        %get3A_725 = arith.index_cast %add3A_723 : i32 to index
        %get3A_726 = tpu.vector_load %arg9[%get3A_724, %get3A_725] {strides = array<i32>} : memref<400x128xf32, #tpu.memory_space<vmem>>, vector<1x16xf32>,
        %get3A_727 = vector.shape_cast %get3A_726 : vector<1x16xf32> to vector<16xf32>
        %add3A_728 = arith.addf %add3A_690, %get3A_727 : vector<16xf32>
        %add3A_729 = arith.constant 14 : i32
        %add3A_730 = arith.addi %mul3A_165, %add3A_729 : i32
        %add3A_731 = arith.constant 32 : i32
        %add3A_732 = arith.addi %squeeze3A_710, %add3A_731 : i32
        %get3A_733 = arith.index_cast %add3A_730 : i32 to index
        %get3A_734 = arith.index_cast %add3A_732 : i32 to index
        %get3A_735 = tpu.vector_load %arg9[%get3A_733, %get3A_734] {strides = array<i32>} : memref<400x128xf32, #tpu.memory_space<vmem>>, vector<1x16xf32>,
        %get3A_736 = vector.shape_cast %get3A_735 : vector<1x16xf32> to vector<16xf32>
        %add3A_737 = arith.addf %add3A_699, %get3A_736 : vector<16xf32>
        %add3A_738 = arith.constant 14 : i32
        %add3A_739 = arith.addi %mul3A_165, %add3A_738 : i32
        %add3A_740 = arith.constant 48 : i32
        %add3A_741 = arith.addi %squeeze3A_710, %add3A_740 : i32
        %get3A_742 = arith.index_cast %add3A_739 : i32 to index
        %get3A_743 = arith.index_cast %add3A_741 : i32 to index
        %get3A_744 = tpu.vector_load %arg9[%get3A_742, %get3A_743] {strides = array<i32>} : memref<400x128xf32, #tpu.memory_space<vmem>>, vector<1x16xf32>,
        %get3A_745 = vector.shape_cast %get3A_744 : vector<1x16xf32> to vector<16xf32>
        %add3A_746 = arith.addf %add3A_708, %get3A_745 : vector<16xf32>
        %slice3A_747 = vector.extract_strided_slice %get3A_169 {offsets = [15], sizes = [1], strides = [1]} : vector<16xi32> to vector<1xi32>
        %squeeze3A_748 = vector.extract %slice3A_747[0] : i32 from vector<1xi32>
        %add3A_749 = arith.constant 15 : i32
        %add3A_750 = arith.addi %mul3A_165, %add3A_749 : i32
        %add3A_751 = arith.constant 0 : i32
        %add3A_752 = arith.addi %squeeze3A_748, %add3A_751 : i32
        %get3A_753 = arith.index_cast %add3A_750 : i32 to index
        %get3A_754 = arith.index_cast %add3A_752 : i32 to index
        %get3A_755 = tpu.vector_load %arg9[%get3A_753, %get3A_754] {strides = array<i32>} : memref<400x128xf32, #tpu.memory_space<vmem>>, vector<1x16xf32>,
        %get3A_756 = vector.shape_cast %get3A_755 : vector<1x16xf32> to vector<16xf32>
        %add3A_757 = arith.addf %add3A_719, %get3A_756 : vector<16xf32>
        %add3A_758 = arith.constant 15 : i32
        %add3A_759 = arith.addi %mul3A_165, %add3A_758 : i32
        %add3A_760 = arith.constant 16 : i32
        %add3A_761 = arith.addi %squeeze3A_748, %add3A_760 : i32
        %get3A_762 = arith.index_cast %add3A_759 : i32 to index
        %get3A_763 = arith.index_cast %add3A_761 : i32 to index
        %get3A_764 = tpu.vector_load %arg9[%get3A_762, %get3A_763] {strides = array<i32>} : memref<400x128xf32, #tpu.memory_space<vmem>>, vector<1x16xf32>,
        %get3A_765 = vector.shape_cast %get3A_764 : vector<1x16xf32> to vector<16xf32>
        %add3A_766 = arith.addf %add3A_728, %get3A_765 : vector<16xf32>
        %add3A_767 = arith.constant 15 : i32
        %add3A_768 = arith.addi %mul3A_165, %add3A_767 : i32
        %add3A_769 = arith.constant 32 : i32
        %add3A_770 = arith.addi %squeeze3A_748, %add3A_769 : i32
        %get3A_771 = arith.index_cast %add3A_768 : i32 to index
        %get3A_772 = arith.index_cast %add3A_770 : i32 to index
        %get3A_773 = tpu.vector_load %arg9[%get3A_771, %get3A_772] {strides = array<i32>} : memref<400x128xf32, #tpu.memory_space<vmem>>, vector<1x16xf32>,
        %get3A_774 = vector.shape_cast %get3A_773 : vector<1x16xf32> to vector<16xf32>
        %add3A_775 = arith.addf %add3A_737, %get3A_774 : vector<16xf32>
        %add3A_776 = arith.constant 15 : i32
        %add3A_777 = arith.addi %mul3A_165, %add3A_776 : i32
        %add3A_778 = arith.constant 48 : i32
        %add3A_779 = arith.addi %squeeze3A_748, %add3A_778 : i32
        %get3A_780 = arith.index_cast %add3A_777 : i32 to index
        %get3A_781 = arith.index_cast %add3A_779 : i32 to index
        %get3A_782 = tpu.vector_load %arg9[%get3A_780, %get3A_781] {strides = array<i32>} : memref<400x128xf32, #tpu.memory_space<vmem>>, vector<1x16xf32>,
        %get3A_783 = vector.shape_cast %get3A_782 : vector<1x16xf32> to vector<16xf32>
        %add3A_784 = arith.addf %add3A_746, %get3A_783 : vector<16xf32>
        %slice3A_785 = vector.extract_strided_slice %get3A_174 {offsets = [0], sizes = [1], strides = [1]} : vector<16xi32> to vector<1xi32>
        %squeeze3A_786 = vector.extract %slice3A_785[0] : i32 from vector<1xi32>
        %add3A_787 = arith.constant 16 : i32
        %add3A_788 = arith.addi %mul3A_165, %add3A_787 : i32
        %add3A_789 = arith.constant 0 : i32
        %add3A_790 = arith.addi %squeeze3A_786, %add3A_789 : i32
        %get3A_791 = arith.index_cast %add3A_788 : i32 to index
        %get3A_792 = arith.index_cast %add3A_790 : i32 to index
        %get3A_793 = tpu.vector_load %arg9[%get3A_791, %get3A_792] {strides = array<i32>} : memref<400x128xf32, #tpu.memory_space<vmem>>, vector<1x16xf32>,
        %get3A_794 = vector.shape_cast %get3A_793 : vector<1x16xf32> to vector<16xf32>
        %add3A_795 = arith.addf %add3A_757, %get3A_794 : vector<16xf32>
        %add3A_796 = arith.constant 16 : i32
        %add3A_797 = arith.addi %mul3A_165, %add3A_796 : i32
        %add3A_798 = arith.constant 16 : i32
        %add3A_799 = arith.addi %squeeze3A_786, %add3A_798 : i32
        %get3A_800 = arith.index_cast %add3A_797 : i32 to index
        %get3A_801 = arith.index_cast %add3A_799 : i32 to index
        %get3A_802 = tpu.vector_load %arg9[%get3A_800, %get3A_801] {strides = array<i32>} : memref<400x128xf32, #tpu.memory_space<vmem>>, vector<1x16xf32>,
        %get3A_803 = vector.shape_cast %get3A_802 : vector<1x16xf32> to vector<16xf32>
        %add3A_804 = arith.addf %add3A_766, %get3A_803 : vector<16xf32>
        %add3A_805 = arith.constant 16 : i32
        %add3A_806 = arith.addi %mul3A_165, %add3A_805 : i32
        %add3A_807 = arith.constant 32 : i32
        %add3A_808 = arith.addi %squeeze3A_786, %add3A_807 : i32
        %get3A_809 = arith.index_cast %add3A_806 : i32 to index
        %get3A_810 = arith.index_cast %add3A_808 : i32 to index
        %get3A_811 = tpu.vector_load %arg9[%get3A_809, %get3A_810] {strides = array<i32>} : memref<400x128xf32, #tpu.memory_space<vmem>>, vector<1x16xf32>,
        %get3A_812 = vector.shape_cast %get3A_811 : vector<1x16xf32> to vector<16xf32>
        %add3A_813 = arith.addf %add3A_775, %get3A_812 : vector<16xf32>
        %add3A_814 = arith.constant 16 : i32
        %add3A_815 = arith.addi %mul3A_165, %add3A_814 : i32
        %add3A_816 = arith.constant 48 : i32
        %add3A_817 = arith.addi %squeeze3A_786, %add3A_816 : i32
        %get3A_818 = arith.index_cast %add3A_815 : i32 to index
        %get3A_819 = arith.index_cast %add3A_817 : i32 to index
        %get3A_820 = tpu.vector_load %arg9[%get3A_818, %get3A_819] {strides = array<i32>} : memref<400x128xf32, #tpu.memory_space<vmem>>, vector<1x16xf32>,
        %get3A_821 = vector.shape_cast %get3A_820 : vector<1x16xf32> to vector<16xf32>
        %add3A_822 = arith.addf %add3A_784, %get3A_821 : vector<16xf32>
        %slice3A_823 = vector.extract_strided_slice %get3A_174 {offsets = [1], sizes = [1], strides = [1]} : vector<16xi32> to vector<1xi32>
        %squeeze3A_824 = vector.extract %slice3A_823[0] : i32 from vector<1xi32>
        %add3A_825 = arith.constant 17 : i32
        %add3A_826 = arith.addi %mul3A_165, %add3A_825 : i32
        %add3A_827 = arith.constant 0 : i32
        %add3A_828 = arith.addi %squeeze3A_824, %add3A_827 : i32
        %get3A_829 = arith.index_cast %add3A_826 : i32 to index
        %get3A_830 = arith.index_cast %add3A_828 : i32 to index
        %get3A_831 = tpu.vector_load %arg9[%get3A_829, %get3A_830] {strides = array<i32>} : memref<400x128xf32, #tpu.memory_space<vmem>>, vector<1x16xf32>,
        %get3A_832 = vector.shape_cast %get3A_831 : vector<1x16xf32> to vector<16xf32>
        %add3A_833 = arith.addf %add3A_795, %get3A_832 : vector<16xf32>
        %add3A_834 = arith.constant 17 : i32
        %add3A_835 = arith.addi %mul3A_165, %add3A_834 : i32
        %add3A_836 = arith.constant 16 : i32
        %add3A_837 = arith.addi %squeeze3A_824, %add3A_836 : i32
        %get3A_838 = arith.index_cast %add3A_835 : i32 to index
        %get3A_839 = arith.index_cast %add3A_837 : i32 to index
        %get3A_840 = tpu.vector_load %arg9[%get3A_838, %get3A_839] {strides = array<i32>} : memref<400x128xf32, #tpu.memory_space<vmem>>, vector<1x16xf32>,
        %get3A_841 = vector.shape_cast %get3A_840 : vector<1x16xf32> to vector<16xf32>
        %add3A_842 = arith.addf %add3A_804, %get3A_841 : vector<16xf32>
        %add3A_843 = arith.constant 17 : i32
        %add3A_844 = arith.addi %mul3A_165, %add3A_843 : i32
        %add3A_845 = arith.constant 32 : i32
        %add3A_846 = arith.addi %squeeze3A_824, %add3A_845 : i32
        %get3A_847 = arith.index_cast %add3A_844 : i32 to index
        %get3A_848 = arith.index_cast %add3A_846 : i32 to index
        %get3A_849 = tpu.vector_load %arg9[%get3A_847, %get3A_848] {strides = array<i32>} : memref<400x128xf32, #tpu.memory_space<vmem>>, vector<1x16xf32>,
        %get3A_850 = vector.shape_cast %get3A_849 : vector<1x16xf32> to vector<16xf32>
        %add3A_851 = arith.addf %add3A_813, %get3A_850 : vector<16xf32>
        %add3A_852 = arith.constant 17 : i32
        %add3A_853 = arith.addi %mul3A_165, %add3A_852 : i32
        %add3A_854 = arith.constant 48 : i32
        %add3A_855 = arith.addi %squeeze3A_824, %add3A_854 : i32
        %get3A_856 = arith.index_cast %add3A_853 : i32 to index
        %get3A_857 = arith.index_cast %add3A_855 : i32 to index
        %get3A_858 = tpu.vector_load %arg9[%get3A_856, %get3A_857] {strides = array<i32>} : memref<400x128xf32, #tpu.memory_space<vmem>>, vector<1x16xf32>,
        %get3A_859 = vector.shape_cast %get3A_858 : vector<1x16xf32> to vector<16xf32>
        %add3A_860 = arith.addf %add3A_822, %get3A_859 : vector<16xf32>
        %slice3A_861 = vector.extract_strided_slice %get3A_174 {offsets = [2], sizes = [1], strides = [1]} : vector<16xi32> to vector<1xi32>
        %squeeze3A_862 = vector.extract %slice3A_861[0] : i32 from vector<1xi32>
        %add3A_863 = arith.constant 18 : i32
        %add3A_864 = arith.addi %mul3A_165, %add3A_863 : i32
        %add3A_865 = arith.constant 0 : i32
        %add3A_866 = arith.addi %squeeze3A_862, %add3A_865 : i32
        %get3A_867 = arith.index_cast %add3A_864 : i32 to index
        %get3A_868 = arith.index_cast %add3A_866 : i32 to index
        %get3A_869 = tpu.vector_load %arg9[%get3A_867, %get3A_868] {strides = array<i32>} : memref<400x128xf32, #tpu.memory_space<vmem>>, vector<1x16xf32>,
        %get3A_870 = vector.shape_cast %get3A_869 : vector<1x16xf32> to vector<16xf32>
        %add3A_871 = arith.addf %add3A_833, %get3A_870 : vector<16xf32>
        %add3A_872 = arith.constant 18 : i32
        %add3A_873 = arith.addi %mul3A_165, %add3A_872 : i32
        %add3A_874 = arith.constant 16 : i32
        %add3A_875 = arith.addi %squeeze3A_862, %add3A_874 : i32
        %get3A_876 = arith.index_cast %add3A_873 : i32 to index
        %get3A_877 = arith.index_cast %add3A_875 : i32 to index
        %get3A_878 = tpu.vector_load %arg9[%get3A_876, %get3A_877] {strides = array<i32>} : memref<400x128xf32, #tpu.memory_space<vmem>>, vector<1x16xf32>,
        %get3A_879 = vector.shape_cast %get3A_878 : vector<1x16xf32> to vector<16xf32>
        %add3A_880 = arith.addf %add3A_842, %get3A_879 : vector<16xf32>
        %add3A_881 = arith.constant 18 : i32
        %add3A_882 = arith.addi %mul3A_165, %add3A_881 : i32
        %add3A_883 = arith.constant 32 : i32
        %add3A_884 = arith.addi %squeeze3A_862, %add3A_883 : i32
        %get3A_885 = arith.index_cast %add3A_882 : i32 to index
        %get3A_886 = arith.index_cast %add3A_884 : i32 to index
        %get3A_887 = tpu.vector_load %arg9[%get3A_885, %get3A_886] {strides = array<i32>} : memref<400x128xf32, #tpu.memory_space<vmem>>, vector<1x16xf32>,
        %get3A_888 = vector.shape_cast %get3A_887 : vector<1x16xf32> to vector<16xf32>
        %add3A_889 = arith.addf %add3A_851, %get3A_888 : vector<16xf32>
        %add3A_890 = arith.constant 18 : i32
        %add3A_891 = arith.addi %mul3A_165, %add3A_890 : i32
        %add3A_892 = arith.constant 48 : i32
        %add3A_893 = arith.addi %squeeze3A_862, %add3A_892 : i32
        %get3A_894 = arith.index_cast %add3A_891 : i32 to index
        %get3A_895 = arith.index_cast %add3A_893 : i32 to index
        %get3A_896 = tpu.vector_load %arg9[%get3A_894, %get3A_895] {strides = array<i32>} : memref<400x128xf32, #tpu.memory_space<vmem>>, vector<1x16xf32>,
        %get3A_897 = vector.shape_cast %get3A_896 : vector<1x16xf32> to vector<16xf32>
        %add3A_898 = arith.addf %add3A_860, %get3A_897 : vector<16xf32>
        %slice3A_899 = vector.extract_strided_slice %get3A_174 {offsets = [3], sizes = [1], strides = [1]} : vector<16xi32> to vector<1xi32>
        %squeeze3A_900 = vector.extract %slice3A_899[0] : i32 from vector<1xi32>
        %add3A_901 = arith.constant 19 : i32
        %add3A_902 = arith.addi %mul3A_165, %add3A_901 : i32
        %add3A_903 = arith.constant 0 : i32
        %add3A_904 = arith.addi %squeeze3A_900, %add3A_903 : i32
        %get3A_905 = arith.index_cast %add3A_902 : i32 to index
        %get3A_906 = arith.index_cast %add3A_904 : i32 to index
        %get3A_907 = tpu.vector_load %arg9[%get3A_905, %get3A_906] {strides = array<i32>} : memref<400x128xf32, #tpu.memory_space<vmem>>, vector<1x16xf32>,
        %get3A_908 = vector.shape_cast %get3A_907 : vector<1x16xf32> to vector<16xf32>
        %add3A_909 = arith.addf %add3A_871, %get3A_908 : vector<16xf32>
        %add3A_910 = arith.constant 19 : i32
        %add3A_911 = arith.addi %mul3A_165, %add3A_910 : i32
        %add3A_912 = arith.constant 16 : i32
        %add3A_913 = arith.addi %squeeze3A_900, %add3A_912 : i32
        %get3A_914 = arith.index_cast %add3A_911 : i32 to index
        %get3A_915 = arith.index_cast %add3A_913 : i32 to index
        %get3A_916 = tpu.vector_load %arg9[%get3A_914, %get3A_915] {strides = array<i32>} : memref<400x128xf32, #tpu.memory_space<vmem>>, vector<1x16xf32>,
        %get3A_917 = vector.shape_cast %get3A_916 : vector<1x16xf32> to vector<16xf32>
        %add3A_918 = arith.addf %add3A_880, %get3A_917 : vector<16xf32>
        %add3A_919 = arith.constant 19 : i32
        %add3A_920 = arith.addi %mul3A_165, %add3A_919 : i32
        %add3A_921 = arith.constant 32 : i32
        %add3A_922 = arith.addi %squeeze3A_900, %add3A_921 : i32
        %get3A_923 = arith.index_cast %add3A_920 : i32 to index
        %get3A_924 = arith.index_cast %add3A_922 : i32 to index
        %get3A_925 = tpu.vector_load %arg9[%get3A_923, %get3A_924] {strides = array<i32>} : memref<400x128xf32, #tpu.memory_space<vmem>>, vector<1x16xf32>,
        %get3A_926 = vector.shape_cast %get3A_925 : vector<1x16xf32> to vector<16xf32>
        %add3A_927 = arith.addf %add3A_889, %get3A_926 : vector<16xf32>
        %add3A_928 = arith.constant 19 : i32
        %add3A_929 = arith.addi %mul3A_165, %add3A_928 : i32
        %add3A_930 = arith.constant 48 : i32
        %add3A_931 = arith.addi %squeeze3A_900, %add3A_930 : i32
        %get3A_932 = arith.index_cast %add3A_929 : i32 to index
        %get3A_933 = arith.index_cast %add3A_931 : i32 to index
        %get3A_934 = tpu.vector_load %arg9[%get3A_932, %get3A_933] {strides = array<i32>} : memref<400x128xf32, #tpu.memory_space<vmem>>, vector<1x16xf32>,
        %get3A_935 = vector.shape_cast %get3A_934 : vector<1x16xf32> to vector<16xf32>
        %add3A_936 = arith.addf %add3A_898, %get3A_935 : vector<16xf32>
        %slice3A_937 = vector.extract_strided_slice %get3A_174 {offsets = [4], sizes = [1], strides = [1]} : vector<16xi32> to vector<1xi32>
        %squeeze3A_938 = vector.extract %slice3A_937[0] : i32 from vector<1xi32>
        %add3A_939 = arith.constant 20 : i32
        %add3A_940 = arith.addi %mul3A_165, %add3A_939 : i32
        %add3A_941 = arith.constant 0 : i32
        %add3A_942 = arith.addi %squeeze3A_938, %add3A_941 : i32
        %get3A_943 = arith.index_cast %add3A_940 : i32 to index
        %get3A_944 = arith.index_cast %add3A_942 : i32 to index
        %get3A_945 = tpu.vector_load %arg9[%get3A_943, %get3A_944] {strides = array<i32>} : memref<400x128xf32, #tpu.memory_space<vmem>>, vector<1x16xf32>,
        %get3A_946 = vector.shape_cast %get3A_945 : vector<1x16xf32> to vector<16xf32>
        %add3A_947 = arith.addf %add3A_909, %get3A_946 : vector<16xf32>
        %add3A_948 = arith.constant 20 : i32
        %add3A_949 = arith.addi %mul3A_165, %add3A_948 : i32
        %add3A_950 = arith.constant 16 : i32
        %add3A_951 = arith.addi %squeeze3A_938, %add3A_950 : i32
        %get3A_952 = arith.index_cast %add3A_949 : i32 to index
        %get3A_953 = arith.index_cast %add3A_951 : i32 to index
        %get3A_954 = tpu.vector_load %arg9[%get3A_952, %get3A_953] {strides = array<i32>} : memref<400x128xf32, #tpu.memory_space<vmem>>, vector<1x16xf32>,
        %get3A_955 = vector.shape_cast %get3A_954 : vector<1x16xf32> to vector<16xf32>
        %add3A_956 = arith.addf %add3A_918, %get3A_955 : vector<16xf32>
        %add3A_957 = arith.constant 20 : i32
        %add3A_958 = arith.addi %mul3A_165, %add3A_957 : i32
        %add3A_959 = arith.constant 32 : i32
        %add3A_960 = arith.addi %squeeze3A_938, %add3A_959 : i32
        %get3A_961 = arith.index_cast %add3A_958 : i32 to index
        %get3A_962 = arith.index_cast %add3A_960 : i32 to index
        %get3A_963 = tpu.vector_load %arg9[%get3A_961, %get3A_962] {strides = array<i32>} : memref<400x128xf32, #tpu.memory_space<vmem>>, vector<1x16xf32>,
        %get3A_964 = vector.shape_cast %get3A_963 : vector<1x16xf32> to vector<16xf32>
        %add3A_965 = arith.addf %add3A_927, %get3A_964 : vector<16xf32>
        %add3A_966 = arith.constant 20 : i32
        %add3A_967 = arith.addi %mul3A_165, %add3A_966 : i32
        %add3A_968 = arith.constant 48 : i32
        %add3A_969 = arith.addi %squeeze3A_938, %add3A_968 : i32
        %get3A_970 = arith.index_cast %add3A_967 : i32 to index
        %get3A_971 = arith.index_cast %add3A_969 : i32 to index
        %get3A_972 = tpu.vector_load %arg9[%get3A_970, %get3A_971] {strides = array<i32>} : memref<400x128xf32, #tpu.memory_space<vmem>>, vector<1x16xf32>,
        %get3A_973 = vector.shape_cast %get3A_972 : vector<1x16xf32> to vector<16xf32>
        %add3A_974 = arith.addf %add3A_936, %get3A_973 : vector<16xf32>
        %slice3A_975 = vector.extract_strided_slice %get3A_174 {offsets = [5], sizes = [1], strides = [1]} : vector<16xi32> to vector<1xi32>
        %squeeze3A_976 = vector.extract %slice3A_975[0] : i32 from vector<1xi32>
        %add3A_977 = arith.constant 21 : i32
        %add3A_978 = arith.addi %mul3A_165, %add3A_977 : i32
        %add3A_979 = arith.constant 0 : i32
        %add3A_980 = arith.addi %squeeze3A_976, %add3A_979 : i32
        %get3A_981 = arith.index_cast %add3A_978 : i32 to index
        %get3A_982 = arith.index_cast %add3A_980 : i32 to index
        %get3A_983 = tpu.vector_load %arg9[%get3A_981, %get3A_982] {strides = array<i32>} : memref<400x128xf32, #tpu.memory_space<vmem>>, vector<1x16xf32>,
        %get3A_984 = vector.shape_cast %get3A_983 : vector<1x16xf32> to vector<16xf32>
        %add3A_985 = arith.addf %add3A_947, %get3A_984 : vector<16xf32>
        %add3A_986 = arith.constant 21 : i32
        %add3A_987 = arith.addi %mul3A_165, %add3A_986 : i32
        %add3A_988 = arith.constant 16 : i32
        %add3A_989 = arith.addi %squeeze3A_976, %add3A_988 : i32
        %get3A_990 = arith.index_cast %add3A_987 : i32 to index
        %get3A_991 = arith.index_cast %add3A_989 : i32 to index
        %get3A_992 = tpu.vector_load %arg9[%get3A_990, %get3A_991] {strides = array<i32>} : memref<400x128xf32, #tpu.memory_space<vmem>>, vector<1x16xf32>,
        %get3A_993 = vector.shape_cast %get3A_992 : vector<1x16xf32> to vector<16xf32>
        %add3A_994 = arith.addf %add3A_956, %get3A_993 : vector<16xf32>
        %add3A_995 = arith.constant 21 : i32
        %add3A_996 = arith.addi %mul3A_165, %add3A_995 : i32
        %add3A_997 = arith.constant 32 : i32
        %add3A_998 = arith.addi %squeeze3A_976, %add3A_997 : i32
        %get3A_999 = arith.index_cast %add3A_996 : i32 to index
        %get3A_1000 = arith.index_cast %add3A_998 : i32 to index
        %get3A_1001 = tpu.vector_load %arg9[%get3A_999, %get3A_1000] {strides = array<i32>} : memref<400x128xf32, #tpu.memory_space<vmem>>, vector<1x16xf32>,
        %get3A_1002 = vector.shape_cast %get3A_1001 : vector<1x16xf32> to vector<16xf32>
        %add3A_1003 = arith.addf %add3A_965, %get3A_1002 : vector<16xf32>
        %add3A_1004 = arith.constant 21 : i32
        %add3A_1005 = arith.addi %mul3A_165, %add3A_1004 : i32
        %add3A_1006 = arith.constant 48 : i32
        %add3A_1007 = arith.addi %squeeze3A_976, %add3A_1006 : i32
        %get3A_1008 = arith.index_cast %add3A_1005 : i32 to index
        %get3A_1009 = arith.index_cast %add3A_1007 : i32 to index
        %get3A_1010 = tpu.vector_load %arg9[%get3A_1008, %get3A_1009] {strides = array<i32>} : memref<400x128xf32, #tpu.memory_space<vmem>>, vector<1x16xf32>,
        %get3A_1011 = vector.shape_cast %get3A_1010 : vector<1x16xf32> to vector<16xf32>
        %add3A_1012 = arith.addf %add3A_974, %get3A_1011 : vector<16xf32>
        %slice3A_1013 = vector.extract_strided_slice %get3A_174 {offsets = [6], sizes = [1], strides = [1]} : vector<16xi32> to vector<1xi32>
        %squeeze3A_1014 = vector.extract %slice3A_1013[0] : i32 from vector<1xi32>
        %add3A_1015 = arith.constant 22 : i32
        %add3A_1016 = arith.addi %mul3A_165, %add3A_1015 : i32
        %add3A_1017 = arith.constant 0 : i32
        %add3A_1018 = arith.addi %squeeze3A_1014, %add3A_1017 : i32
        %get3A_1019 = arith.index_cast %add3A_1016 : i32 to index
        %get3A_1020 = arith.index_cast %add3A_1018 : i32 to index
        %get3A_1021 = tpu.vector_load %arg9[%get3A_1019, %get3A_1020] {strides = array<i32>} : memref<400x128xf32, #tpu.memory_space<vmem>>, vector<1x16xf32>,
        %get3A_1022 = vector.shape_cast %get3A_1021 : vector<1x16xf32> to vector<16xf32>
        %add3A_1023 = arith.addf %add3A_985, %get3A_1022 : vector<16xf32>
        %add3A_1024 = arith.constant 22 : i32
        %add3A_1025 = arith.addi %mul3A_165, %add3A_1024 : i32
        %add3A_1026 = arith.constant 16 : i32
        %add3A_1027 = arith.addi %squeeze3A_1014, %add3A_1026 : i32
        %get3A_1028 = arith.index_cast %add3A_1025 : i32 to index
        %get3A_1029 = arith.index_cast %add3A_1027 : i32 to index
        %get3A_1030 = tpu.vector_load %arg9[%get3A_1028, %get3A_1029] {strides = array<i32>} : memref<400x128xf32, #tpu.memory_space<vmem>>, vector<1x16xf32>,
        %get3A_1031 = vector.shape_cast %get3A_1030 : vector<1x16xf32> to vector<16xf32>
        %add3A_1032 = arith.addf %add3A_994, %get3A_1031 : vector<16xf32>
        %add3A_1033 = arith.constant 22 : i32
        %add3A_1034 = arith.addi %mul3A_165, %add3A_1033 : i32
        %add3A_1035 = arith.constant 32 : i32
        %add3A_1036 = arith.addi %squeeze3A_1014, %add3A_1035 : i32
        %get3A_1037 = arith.index_cast %add3A_1034 : i32 to index
        %get3A_1038 = arith.index_cast %add3A_1036 : i32 to index
        %get3A_1039 = tpu.vector_load %arg9[%get3A_1037, %get3A_1038] {strides = array<i32>} : memref<400x128xf32, #tpu.memory_space<vmem>>, vector<1x16xf32>,
        %get3A_1040 = vector.shape_cast %get3A_1039 : vector<1x16xf32> to vector<16xf32>
        %add3A_1041 = arith.addf %add3A_1003, %get3A_1040 : vector<16xf32>
        %add3A_1042 = arith.constant 22 : i32
        %add3A_1043 = arith.addi %mul3A_165, %add3A_1042 : i32
        %add3A_1044 = arith.constant 48 : i32
        %add3A_1045 = arith.addi %squeeze3A_1014, %add3A_1044 : i32
        %get3A_1046 = arith.index_cast %add3A_1043 : i32 to index
        %get3A_1047 = arith.index_cast %add3A_1045 : i32 to index
        %get3A_1048 = tpu.vector_load %arg9[%get3A_1046, %get3A_1047] {strides = array<i32>} : memref<400x128xf32, #tpu.memory_space<vmem>>, vector<1x16xf32>,
        %get3A_1049 = vector.shape_cast %get3A_1048 : vector<1x16xf32> to vector<16xf32>
        %add3A_1050 = arith.addf %add3A_1012, %get3A_1049 : vector<16xf32>
        %slice3A_1051 = vector.extract_strided_slice %get3A_174 {offsets = [7], sizes = [1], strides = [1]} : vector<16xi32> to vector<1xi32>
        %squeeze3A_1052 = vector.extract %slice3A_1051[0] : i32 from vector<1xi32>
        %add3A_1053 = arith.constant 23 : i32
        %add3A_1054 = arith.addi %mul3A_165, %add3A_1053 : i32
        %add3A_1055 = arith.constant 0 : i32
        %add3A_1056 = arith.addi %squeeze3A_1052, %add3A_1055 : i32
        %get3A_1057 = arith.index_cast %add3A_1054 : i32 to index
        %get3A_1058 = arith.index_cast %add3A_1056 : i32 to index
        %get3A_1059 = tpu.vector_load %arg9[%get3A_1057, %get3A_1058] {strides = array<i32>} : memref<400x128xf32, #tpu.memory_space<vmem>>, vector<1x16xf32>,
        %get3A_1060 = vector.shape_cast %get3A_1059 : vector<1x16xf32> to vector<16xf32>
        %add3A_1061 = arith.addf %add3A_1023, %get3A_1060 : vector<16xf32>
        %add3A_1062 = arith.constant 23 : i32
        %add3A_1063 = arith.addi %mul3A_165, %add3A_1062 : i32
        %add3A_1064 = arith.constant 16 : i32
        %add3A_1065 = arith.addi %squeeze3A_1052, %add3A_1064 : i32
        %get3A_1066 = arith.index_cast %add3A_1063 : i32 to index
        %get3A_1067 = arith.index_cast %add3A_1065 : i32 to index
        %get3A_1068 = tpu.vector_load %arg9[%get3A_1066, %get3A_1067] {strides = array<i32>} : memref<400x128xf32, #tpu.memory_space<vmem>>, vector<1x16xf32>,
        %get3A_1069 = vector.shape_cast %get3A_1068 : vector<1x16xf32> to vector<16xf32>
        %add3A_1070 = arith.addf %add3A_1032, %get3A_1069 : vector<16xf32>
        %add3A_1071 = arith.constant 23 : i32
        %add3A_1072 = arith.addi %mul3A_165, %add3A_1071 : i32
        %add3A_1073 = arith.constant 32 : i32
        %add3A_1074 = arith.addi %squeeze3A_1052, %add3A_1073 : i32
        %get3A_1075 = arith.index_cast %add3A_1072 : i32 to index
        %get3A_1076 = arith.index_cast %add3A_1074 : i32 to index
        %get3A_1077 = tpu.vector_load %arg9[%get3A_1075, %get3A_1076] {strides = array<i32>} : memref<400x128xf32, #tpu.memory_space<vmem>>, vector<1x16xf32>,
        %get3A_1078 = vector.shape_cast %get3A_1077 : vector<1x16xf32> to vector<16xf32>
        %add3A_1079 = arith.addf %add3A_1041, %get3A_1078 : vector<16xf32>
        %add3A_1080 = arith.constant 23 : i32
        %add3A_1081 = arith.addi %mul3A_165, %add3A_1080 : i32
        %add3A_1082 = arith.constant 48 : i32
        %add3A_1083 = arith.addi %squeeze3A_1052, %add3A_1082 : i32
        %get3A_1084 = arith.index_cast %add3A_1081 : i32 to index
        %get3A_1085 = arith.index_cast %add3A_1083 : i32 to index
        %get3A_1086 = tpu.vector_load %arg9[%get3A_1084, %get3A_1085] {strides = array<i32>} : memref<400x128xf32, #tpu.memory_space<vmem>>, vector<1x16xf32>,
        %get3A_1087 = vector.shape_cast %get3A_1086 : vector<1x16xf32> to vector<16xf32>
        %add3A_1088 = arith.addf %add3A_1050, %get3A_1087 : vector<16xf32>
        %slice3A_1089 = vector.extract_strided_slice %get3A_174 {offsets = [8], sizes = [1], strides = [1]} : vector<16xi32> to vector<1xi32>
        %squeeze3A_1090 = vector.extract %slice3A_1089[0] : i32 from vector<1xi32>
        %add3A_1091 = arith.constant 24 : i32
        %add3A_1092 = arith.addi %mul3A_165, %add3A_1091 : i32
        %add3A_1093 = arith.constant 0 : i32
        %add3A_1094 = arith.addi %squeeze3A_1090, %add3A_1093 : i32
        %get3A_1095 = arith.index_cast %add3A_1092 : i32 to index
        %get3A_1096 = arith.index_cast %add3A_1094 : i32 to index
        %get3A_1097 = tpu.vector_load %arg9[%get3A_1095, %get3A_1096] {strides = array<i32>} : memref<400x128xf32, #tpu.memory_space<vmem>>, vector<1x16xf32>,
        %get3A_1098 = vector.shape_cast %get3A_1097 : vector<1x16xf32> to vector<16xf32>
        %add3A_1099 = arith.addf %add3A_1061, %get3A_1098 : vector<16xf32>
        %add3A_1100 = arith.constant 24 : i32
        %add3A_1101 = arith.addi %mul3A_165, %add3A_1100 : i32
        %add3A_1102 = arith.constant 16 : i32
        %add3A_1103 = arith.addi %squeeze3A_1090, %add3A_1102 : i32
        %get3A_1104 = arith.index_cast %add3A_1101 : i32 to index
        %get3A_1105 = arith.index_cast %add3A_1103 : i32 to index
        %get3A_1106 = tpu.vector_load %arg9[%get3A_1104, %get3A_1105] {strides = array<i32>} : memref<400x128xf32, #tpu.memory_space<vmem>>, vector<1x16xf32>,
        %get3A_1107 = vector.shape_cast %get3A_1106 : vector<1x16xf32> to vector<16xf32>
        %add3A_1108 = arith.addf %add3A_1070, %get3A_1107 : vector<16xf32>
        %add3A_1109 = arith.constant 24 : i32
        %add3A_1110 = arith.addi %mul3A_165, %add3A_1109 : i32
        %add3A_1111 = arith.constant 32 : i32
        %add3A_1112 = arith.addi %squeeze3A_1090, %add3A_1111 : i32
        %get3A_1113 = arith.index_cast %add3A_1110 : i32 to index
        %get3A_1114 = arith.index_cast %add3A_1112 : i32 to index
        %get3A_1115 = tpu.vector_load %arg9[%get3A_1113, %get3A_1114] {strides = array<i32>} : memref<400x128xf32, #tpu.memory_space<vmem>>, vector<1x16xf32>,
        %get3A_1116 = vector.shape_cast %get3A_1115 : vector<1x16xf32> to vector<16xf32>
        %add3A_1117 = arith.addf %add3A_1079, %get3A_1116 : vector<16xf32>
        %add3A_1118 = arith.constant 24 : i32
        %add3A_1119 = arith.addi %mul3A_165, %add3A_1118 : i32
        %add3A_1120 = arith.constant 48 : i32
        %add3A_1121 = arith.addi %squeeze3A_1090, %add3A_1120 : i32
        %get3A_1122 = arith.index_cast %add3A_1119 : i32 to index
        %get3A_1123 = arith.index_cast %add3A_1121 : i32 to index
        %get3A_1124 = tpu.vector_load %arg9[%get3A_1122, %get3A_1123] {strides = array<i32>} : memref<400x128xf32, #tpu.memory_space<vmem>>, vector<1x16xf32>,
        %get3A_1125 = vector.shape_cast %get3A_1124 : vector<1x16xf32> to vector<16xf32>
        %add3A_1126 = arith.addf %add3A_1088, %get3A_1125 : vector<16xf32>
        %slice3A_1127 = vector.extract_strided_slice %get3A_174 {offsets = [9], sizes = [1], strides = [1]} : vector<16xi32> to vector<1xi32>
        %squeeze3A_1128 = vector.extract %slice3A_1127[0] : i32 from vector<1xi32>
        %add3A_1129 = arith.constant 25 : i32
        %add3A_1130 = arith.addi %mul3A_165, %add3A_1129 : i32
        %add3A_1131 = arith.constant 0 : i32
        %add3A_1132 = arith.addi %squeeze3A_1128, %add3A_1131 : i32
        %get3A_1133 = arith.index_cast %add3A_1130 : i32 to index
        %get3A_1134 = arith.index_cast %add3A_1132 : i32 to index
        %get3A_1135 = tpu.vector_load %arg9[%get3A_1133, %get3A_1134] {strides = array<i32>} : memref<400x128xf32, #tpu.memory_space<vmem>>, vector<1x16xf32>,
        %get3A_1136 = vector.shape_cast %get3A_1135 : vector<1x16xf32> to vector<16xf32>
        %add3A_1137 = arith.addf %add3A_1099, %get3A_1136 : vector<16xf32>
        %add3A_1138 = arith.constant 25 : i32
        %add3A_1139 = arith.addi %mul3A_165, %add3A_1138 : i32
        %add3A_1140 = arith.constant 16 : i32
        %add3A_1141 = arith.addi %squeeze3A_1128, %add3A_1140 : i32
        %get3A_1142 = arith.index_cast %add3A_1139 : i32 to index
        %get3A_1143 = arith.index_cast %add3A_1141 : i32 to index
        %get3A_1144 = tpu.vector_load %arg9[%get3A_1142, %get3A_1143] {strides = array<i32>} : memref<400x128xf32, #tpu.memory_space<vmem>>, vector<1x16xf32>,
        %get3A_1145 = vector.shape_cast %get3A_1144 : vector<1x16xf32> to vector<16xf32>
        %add3A_1146 = arith.addf %add3A_1108, %get3A_1145 : vector<16xf32>
        %add3A_1147 = arith.constant 25 : i32
        %add3A_1148 = arith.addi %mul3A_165, %add3A_1147 : i32
        %add3A_1149 = arith.constant 32 : i32
        %add3A_1150 = arith.addi %squeeze3A_1128, %add3A_1149 : i32
        %get3A_1151 = arith.index_cast %add3A_1148 : i32 to index
        %get3A_1152 = arith.index_cast %add3A_1150 : i32 to index
        %get3A_1153 = tpu.vector_load %arg9[%get3A_1151, %get3A_1152] {strides = array<i32>} : memref<400x128xf32, #tpu.memory_space<vmem>>, vector<1x16xf32>,
        %get3A_1154 = vector.shape_cast %get3A_1153 : vector<1x16xf32> to vector<16xf32>
        %add3A_1155 = arith.addf %add3A_1117, %get3A_1154 : vector<16xf32>
        %add3A_1156 = arith.constant 25 : i32
        %add3A_1157 = arith.addi %mul3A_165, %add3A_1156 : i32
        %add3A_1158 = arith.constant 48 : i32
        %add3A_1159 = arith.addi %squeeze3A_1128, %add3A_1158 : i32
        %get3A_1160 = arith.index_cast %add3A_1157 : i32 to index
        %get3A_1161 = arith.index_cast %add3A_1159 : i32 to index
        %get3A_1162 = tpu.vector_load %arg9[%get3A_1160, %get3A_1161] {strides = array<i32>} : memref<400x128xf32, #tpu.memory_space<vmem>>, vector<1x16xf32>,
        %get3A_1163 = vector.shape_cast %get3A_1162 : vector<1x16xf32> to vector<16xf32>
        %add3A_1164 = arith.addf %add3A_1126, %get3A_1163 : vector<16xf32>
        %slice3A_1165 = vector.extract_strided_slice %get3A_174 {offsets = [10], sizes = [1], strides = [1]} : vector<16xi32> to vector<1xi32>
        %squeeze3A_1166 = vector.extract %slice3A_1165[0] : i32 from vector<1xi32>
        %add3A_1167 = arith.constant 26 : i32
        %add3A_1168 = arith.addi %mul3A_165, %add3A_1167 : i32
        %add3A_1169 = arith.constant 0 : i32
        %add3A_1170 = arith.addi %squeeze3A_1166, %add3A_1169 : i32
        %get3A_1171 = arith.index_cast %add3A_1168 : i32 to index
        %get3A_1172 = arith.index_cast %add3A_1170 : i32 to index
        %get3A_1173 = tpu.vector_load %arg9[%get3A_1171, %get3A_1172] {strides = array<i32>} : memref<400x128xf32, #tpu.memory_space<vmem>>, vector<1x16xf32>,
        %get3A_1174 = vector.shape_cast %get3A_1173 : vector<1x16xf32> to vector<16xf32>
        %add3A_1175 = arith.addf %add3A_1137, %get3A_1174 : vector<16xf32>
        %add3A_1176 = arith.constant 26 : i32
        %add3A_1177 = arith.addi %mul3A_165, %add3A_1176 : i32
        %add3A_1178 = arith.constant 16 : i32
        %add3A_1179 = arith.addi %squeeze3A_1166, %add3A_1178 : i32
        %get3A_1180 = arith.index_cast %add3A_1177 : i32 to index
        %get3A_1181 = arith.index_cast %add3A_1179 : i32 to index
        %get3A_1182 = tpu.vector_load %arg9[%get3A_1180, %get3A_1181] {strides = array<i32>} : memref<400x128xf32, #tpu.memory_space<vmem>>, vector<1x16xf32>,
        %get3A_1183 = vector.shape_cast %get3A_1182 : vector<1x16xf32> to vector<16xf32>
        %add3A_1184 = arith.addf %add3A_1146, %get3A_1183 : vector<16xf32>
        %add3A_1185 = arith.constant 26 : i32
        %add3A_1186 = arith.addi %mul3A_165, %add3A_1185 : i32
        %add3A_1187 = arith.constant 32 : i32
        %add3A_1188 = arith.addi %squeeze3A_1166, %add3A_1187 : i32
        %get3A_1189 = arith.index_cast %add3A_1186 : i32 to index
        %get3A_1190 = arith.index_cast %add3A_1188 : i32 to index
        %get3A_1191 = tpu.vector_load %arg9[%get3A_1189, %get3A_1190] {strides = array<i32>} : memref<400x128xf32, #tpu.memory_space<vmem>>, vector<1x16xf32>,
        %get3A_1192 = vector.shape_cast %get3A_1191 : vector<1x16xf32> to vector<16xf32>
        %add3A_1193 = arith.addf %add3A_1155, %get3A_1192 : vector<16xf32>
        %add3A_1194 = arith.constant 26 : i32
        %add3A_1195 = arith.addi %mul3A_165, %add3A_1194 : i32
        %add3A_1196 = arith.constant 48 : i32
        %add3A_1197 = arith.addi %squeeze3A_1166, %add3A_1196 : i32
        %get3A_1198 = arith.index_cast %add3A_1195 : i32 to index
        %get3A_1199 = arith.index_cast %add3A_1197 : i32 to index
        %get3A_1200 = tpu.vector_load %arg9[%get3A_1198, %get3A_1199] {strides = array<i32>} : memref<400x128xf32, #tpu.memory_space<vmem>>, vector<1x16xf32>,
        %get3A_1201 = vector.shape_cast %get3A_1200 : vector<1x16xf32> to vector<16xf32>
        %add3A_1202 = arith.addf %add3A_1164, %get3A_1201 : vector<16xf32>
        %slice3A_1203 = vector.extract_strided_slice %get3A_174 {offsets = [11], sizes = [1], strides = [1]} : vector<16xi32> to vector<1xi32>
        %squeeze3A_1204 = vector.extract %slice3A_1203[0] : i32 from vector<1xi32>
        %add3A_1205 = arith.constant 27 : i32
        %add3A_1206 = arith.addi %mul3A_165, %add3A_1205 : i32
        %add3A_1207 = arith.constant 0 : i32
        %add3A_1208 = arith.addi %squeeze3A_1204, %add3A_1207 : i32
        %get3A_1209 = arith.index_cast %add3A_1206 : i32 to index
        %get3A_1210 = arith.index_cast %add3A_1208 : i32 to index
        %get3A_1211 = tpu.vector_load %arg9[%get3A_1209, %get3A_1210] {strides = array<i32>} : memref<400x128xf32, #tpu.memory_space<vmem>>, vector<1x16xf32>,
        %get3A_1212 = vector.shape_cast %get3A_1211 : vector<1x16xf32> to vector<16xf32>
        %add3A_1213 = arith.addf %add3A_1175, %get3A_1212 : vector<16xf32>
        %add3A_1214 = arith.constant 27 : i32
        %add3A_1215 = arith.addi %mul3A_165, %add3A_1214 : i32
        %add3A_1216 = arith.constant 16 : i32
        %add3A_1217 = arith.addi %squeeze3A_1204, %add3A_1216 : i32
        %get3A_1218 = arith.index_cast %add3A_1215 : i32 to index
        %get3A_1219 = arith.index_cast %add3A_1217 : i32 to index
        %get3A_1220 = tpu.vector_load %arg9[%get3A_1218, %get3A_1219] {strides = array<i32>} : memref<400x128xf32, #tpu.memory_space<vmem>>, vector<1x16xf32>,
        %get3A_1221 = vector.shape_cast %get3A_1220 : vector<1x16xf32> to vector<16xf32>
        %add3A_1222 = arith.addf %add3A_1184, %get3A_1221 : vector<16xf32>
        %add3A_1223 = arith.constant 27 : i32
        %add3A_1224 = arith.addi %mul3A_165, %add3A_1223 : i32
        %add3A_1225 = arith.constant 32 : i32
        %add3A_1226 = arith.addi %squeeze3A_1204, %add3A_1225 : i32
        %get3A_1227 = arith.index_cast %add3A_1224 : i32 to index
        %get3A_1228 = arith.index_cast %add3A_1226 : i32 to index
        %get3A_1229 = tpu.vector_load %arg9[%get3A_1227, %get3A_1228] {strides = array<i32>} : memref<400x128xf32, #tpu.memory_space<vmem>>, vector<1x16xf32>,
        %get3A_1230 = vector.shape_cast %get3A_1229 : vector<1x16xf32> to vector<16xf32>
        %add3A_1231 = arith.addf %add3A_1193, %get3A_1230 : vector<16xf32>
        %add3A_1232 = arith.constant 27 : i32
        %add3A_1233 = arith.addi %mul3A_165, %add3A_1232 : i32
        %add3A_1234 = arith.constant 48 : i32
        %add3A_1235 = arith.addi %squeeze3A_1204, %add3A_1234 : i32
        %get3A_1236 = arith.index_cast %add3A_1233 : i32 to index
        %get3A_1237 = arith.index_cast %add3A_1235 : i32 to index
        %get3A_1238 = tpu.vector_load %arg9[%get3A_1236, %get3A_1237] {strides = array<i32>} : memref<400x128xf32, #tpu.memory_space<vmem>>, vector<1x16xf32>,
        %get3A_1239 = vector.shape_cast %get3A_1238 : vector<1x16xf32> to vector<16xf32>
        %add3A_1240 = arith.addf %add3A_1202, %get3A_1239 : vector<16xf32>
        %slice3A_1241 = vector.extract_strided_slice %get3A_174 {offsets = [12], sizes = [1], strides = [1]} : vector<16xi32> to vector<1xi32>
        %squeeze3A_1242 = vector.extract %slice3A_1241[0] : i32 from vector<1xi32>
        %add3A_1243 = arith.constant 28 : i32
        %add3A_1244 = arith.addi %mul3A_165, %add3A_1243 : i32
        %add3A_1245 = arith.constant 0 : i32
        %add3A_1246 = arith.addi %squeeze3A_1242, %add3A_1245 : i32
        %get3A_1247 = arith.index_cast %add3A_1244 : i32 to index
        %get3A_1248 = arith.index_cast %add3A_1246 : i32 to index
        %get3A_1249 = tpu.vector_load %arg9[%get3A_1247, %get3A_1248] {strides = array<i32>} : memref<400x128xf32, #tpu.memory_space<vmem>>, vector<1x16xf32>,
        %get3A_1250 = vector.shape_cast %get3A_1249 : vector<1x16xf32> to vector<16xf32>
        %add3A_1251 = arith.addf %add3A_1213, %get3A_1250 : vector<16xf32>
        %add3A_1252 = arith.constant 28 : i32
        %add3A_1253 = arith.addi %mul3A_165, %add3A_1252 : i32
        %add3A_1254 = arith.constant 16 : i32
        %add3A_1255 = arith.addi %squeeze3A_1242, %add3A_1254 : i32
        %get3A_1256 = arith.index_cast %add3A_1253 : i32 to index
        %get3A_1257 = arith.index_cast %add3A_1255 : i32 to index
        %get3A_1258 = tpu.vector_load %arg9[%get3A_1256, %get3A_1257] {strides = array<i32>} : memref<400x128xf32, #tpu.memory_space<vmem>>, vector<1x16xf32>,
        %get3A_1259 = vector.shape_cast %get3A_1258 : vector<1x16xf32> to vector<16xf32>
        %add3A_1260 = arith.addf %add3A_1222, %get3A_1259 : vector<16xf32>
        %add3A_1261 = arith.constant 28 : i32
        %add3A_1262 = arith.addi %mul3A_165, %add3A_1261 : i32
        %add3A_1263 = arith.constant 32 : i32
        %add3A_1264 = arith.addi %squeeze3A_1242, %add3A_1263 : i32
        %get3A_1265 = arith.index_cast %add3A_1262 : i32 to index
        %get3A_1266 = arith.index_cast %add3A_1264 : i32 to index
        %get3A_1267 = tpu.vector_load %arg9[%get3A_1265, %get3A_1266] {strides = array<i32>} : memref<400x128xf32, #tpu.memory_space<vmem>>, vector<1x16xf32>,
        %get3A_1268 = vector.shape_cast %get3A_1267 : vector<1x16xf32> to vector<16xf32>
        %add3A_1269 = arith.addf %add3A_1231, %get3A_1268 : vector<16xf32>
        %add3A_1270 = arith.constant 28 : i32
        %add3A_1271 = arith.addi %mul3A_165, %add3A_1270 : i32
        %add3A_1272 = arith.constant 48 : i32
        %add3A_1273 = arith.addi %squeeze3A_1242, %add3A_1272 : i32
        %get3A_1274 = arith.index_cast %add3A_1271 : i32 to index
        %get3A_1275 = arith.index_cast %add3A_1273 : i32 to index
        %get3A_1276 = tpu.vector_load %arg9[%get3A_1274, %get3A_1275] {strides = array<i32>} : memref<400x128xf32, #tpu.memory_space<vmem>>, vector<1x16xf32>,
        %get3A_1277 = vector.shape_cast %get3A_1276 : vector<1x16xf32> to vector<16xf32>
        %add3A_1278 = arith.addf %add3A_1240, %get3A_1277 : vector<16xf32>
        %slice3A_1279 = vector.extract_strided_slice %get3A_174 {offsets = [13], sizes = [1], strides = [1]} : vector<16xi32> to vector<1xi32>
        %squeeze3A_1280 = vector.extract %slice3A_1279[0] : i32 from vector<1xi32>
        %add3A_1281 = arith.constant 29 : i32
        %add3A_1282 = arith.addi %mul3A_165, %add3A_1281 : i32
        %add3A_1283 = arith.constant 0 : i32
        %add3A_1284 = arith.addi %squeeze3A_1280, %add3A_1283 : i32
        %get3A_1285 = arith.index_cast %add3A_1282 : i32 to index
        %get3A_1286 = arith.index_cast %add3A_1284 : i32 to index
        %get3A_1287 = tpu.vector_load %arg9[%get3A_1285, %get3A_1286] {strides = array<i32>} : memref<400x128xf32, #tpu.memory_space<vmem>>, vector<1x16xf32>,
        %get3A_1288 = vector.shape_cast %get3A_1287 : vector<1x16xf32> to vector<16xf32>
        %add3A_1289 = arith.addf %add3A_1251, %get3A_1288 : vector<16xf32>
        %add3A_1290 = arith.constant 29 : i32
        %add3A_1291 = arith.addi %mul3A_165, %add3A_1290 : i32
        %add3A_1292 = arith.constant 16 : i32
        %add3A_1293 = arith.addi %squeeze3A_1280, %add3A_1292 : i32
        %get3A_1294 = arith.index_cast %add3A_1291 : i32 to index
        %get3A_1295 = arith.index_cast %add3A_1293 : i32 to index
        %get3A_1296 = tpu.vector_load %arg9[%get3A_1294, %get3A_1295] {strides = array<i32>} : memref<400x128xf32, #tpu.memory_space<vmem>>, vector<1x16xf32>,
        %get3A_1297 = vector.shape_cast %get3A_1296 : vector<1x16xf32> to vector<16xf32>
        %add3A_1298 = arith.addf %add3A_1260, %get3A_1297 : vector<16xf32>
        %add3A_1299 = arith.constant 29 : i32
        %add3A_1300 = arith.addi %mul3A_165, %add3A_1299 : i32
        %add3A_1301 = arith.constant 32 : i32
        %add3A_1302 = arith.addi %squeeze3A_1280, %add3A_1301 : i32
        %get3A_1303 = arith.index_cast %add3A_1300 : i32 to index
        %get3A_1304 = arith.index_cast %add3A_1302 : i32 to index
        %get3A_1305 = tpu.vector_load %arg9[%get3A_1303, %get3A_1304] {strides = array<i32>} : memref<400x128xf32, #tpu.memory_space<vmem>>, vector<1x16xf32>,
        %get3A_1306 = vector.shape_cast %get3A_1305 : vector<1x16xf32> to vector<16xf32>
        %add3A_1307 = arith.addf %add3A_1269, %get3A_1306 : vector<16xf32>
        %add3A_1308 = arith.constant 29 : i32
        %add3A_1309 = arith.addi %mul3A_165, %add3A_1308 : i32
        %add3A_1310 = arith.constant 48 : i32
        %add3A_1311 = arith.addi %squeeze3A_1280, %add3A_1310 : i32
        %get3A_1312 = arith.index_cast %add3A_1309 : i32 to index
        %get3A_1313 = arith.index_cast %add3A_1311 : i32 to index
        %get3A_1314 = tpu.vector_load %arg9[%get3A_1312, %get3A_1313] {strides = array<i32>} : memref<400x128xf32, #tpu.memory_space<vmem>>, vector<1x16xf32>,
        %get3A_1315 = vector.shape_cast %get3A_1314 : vector<1x16xf32> to vector<16xf32>
        %add3A_1316 = arith.addf %add3A_1278, %get3A_1315 : vector<16xf32>
        %slice3A_1317 = vector.extract_strided_slice %get3A_174 {offsets = [14], sizes = [1], strides = [1]} : vector<16xi32> to vector<1xi32>
        %squeeze3A_1318 = vector.extract %slice3A_1317[0] : i32 from vector<1xi32>
        %add3A_1319 = arith.constant 30 : i32
        %add3A_1320 = arith.addi %mul3A_165, %add3A_1319 : i32
        %add3A_1321 = arith.constant 0 : i32
        %add3A_1322 = arith.addi %squeeze3A_1318, %add3A_1321 : i32
        %get3A_1323 = arith.index_cast %add3A_1320 : i32 to index
        %get3A_1324 = arith.index_cast %add3A_1322 : i32 to index
        %get3A_1325 = tpu.vector_load %arg9[%get3A_1323, %get3A_1324] {strides = array<i32>} : memref<400x128xf32, #tpu.memory_space<vmem>>, vector<1x16xf32>,
        %get3A_1326 = vector.shape_cast %get3A_1325 : vector<1x16xf32> to vector<16xf32>
        %add3A_1327 = arith.addf %add3A_1289, %get3A_1326 : vector<16xf32>
        %add3A_1328 = arith.constant 30 : i32
        %add3A_1329 = arith.addi %mul3A_165, %add3A_1328 : i32
        %add3A_1330 = arith.constant 16 : i32
        %add3A_1331 = arith.addi %squeeze3A_1318, %add3A_1330 : i32
        %get3A_1332 = arith.index_cast %add3A_1329 : i32 to index
        %get3A_1333 = arith.index_cast %add3A_1331 : i32 to index
        %get3A_1334 = tpu.vector_load %arg9[%get3A_1332, %get3A_1333] {strides = array<i32>} : memref<400x128xf32, #tpu.memory_space<vmem>>, vector<1x16xf32>,
        %get3A_1335 = vector.shape_cast %get3A_1334 : vector<1x16xf32> to vector<16xf32>
        %add3A_1336 = arith.addf %add3A_1298, %get3A_1335 : vector<16xf32>
        %add3A_1337 = arith.constant 30 : i32
        %add3A_1338 = arith.addi %mul3A_165, %add3A_1337 : i32
        %add3A_1339 = arith.constant 32 : i32
        %add3A_1340 = arith.addi %squeeze3A_1318, %add3A_1339 : i32
        %get3A_1341 = arith.index_cast %add3A_1338 : i32 to index
        %get3A_1342 = arith.index_cast %add3A_1340 : i32 to index
        %get3A_1343 = tpu.vector_load %arg9[%get3A_1341, %get3A_1342] {strides = array<i32>} : memref<400x128xf32, #tpu.memory_space<vmem>>, vector<1x16xf32>,
        %get3A_1344 = vector.shape_cast %get3A_1343 : vector<1x16xf32> to vector<16xf32>
        %add3A_1345 = arith.addf %add3A_1307, %get3A_1344 : vector<16xf32>
        %add3A_1346 = arith.constant 30 : i32
        %add3A_1347 = arith.addi %mul3A_165, %add3A_1346 : i32
        %add3A_1348 = arith.constant 48 : i32
        %add3A_1349 = arith.addi %squeeze3A_1318, %add3A_1348 : i32
        %get3A_1350 = arith.index_cast %add3A_1347 : i32 to index
        %get3A_1351 = arith.index_cast %add3A_1349 : i32 to index
        %get3A_1352 = tpu.vector_load %arg9[%get3A_1350, %get3A_1351] {strides = array<i32>} : memref<400x128xf32, #tpu.memory_space<vmem>>, vector<1x16xf32>,
        %get3A_1353 = vector.shape_cast %get3A_1352 : vector<1x16xf32> to vector<16xf32>
        %add3A_1354 = arith.addf %add3A_1316, %get3A_1353 : vector<16xf32>
        %slice3A_1355 = vector.extract_strided_slice %get3A_174 {offsets = [15], sizes = [1], strides = [1]} : vector<16xi32> to vector<1xi32>
        %squeeze3A_1356 = vector.extract %slice3A_1355[0] : i32 from vector<1xi32>
        %add3A_1357 = arith.constant 31 : i32
        %add3A_1358 = arith.addi %mul3A_165, %add3A_1357 : i32
        %add3A_1359 = arith.constant 0 : i32
        %add3A_1360 = arith.addi %squeeze3A_1356, %add3A_1359 : i32
        %get3A_1361 = arith.index_cast %add3A_1358 : i32 to index
        %get3A_1362 = arith.index_cast %add3A_1360 : i32 to index
        %get3A_1363 = tpu.vector_load %arg9[%get3A_1361, %get3A_1362] {strides = array<i32>} : memref<400x128xf32, #tpu.memory_space<vmem>>, vector<1x16xf32>,
        %get3A_1364 = vector.shape_cast %get3A_1363 : vector<1x16xf32> to vector<16xf32>
        %add3A_1365 = arith.addf %add3A_1327, %get3A_1364 : vector<16xf32>
        %add3A_1366 = arith.constant 31 : i32
        %add3A_1367 = arith.addi %mul3A_165, %add3A_1366 : i32
        %add3A_1368 = arith.constant 16 : i32
        %add3A_1369 = arith.addi %squeeze3A_1356, %add3A_1368 : i32
        %get3A_1370 = arith.index_cast %add3A_1367 : i32 to index
        %get3A_1371 = arith.index_cast %add3A_1369 : i32 to index
        %get3A_1372 = tpu.vector_load %arg9[%get3A_1370, %get3A_1371] {strides = array<i32>} : memref<400x128xf32, #tpu.memory_space<vmem>>, vector<1x16xf32>,
        %get3A_1373 = vector.shape_cast %get3A_1372 : vector<1x16xf32> to vector<16xf32>
        %add3A_1374 = arith.addf %add3A_1336, %get3A_1373 : vector<16xf32>
        %add3A_1375 = arith.constant 31 : i32
        %add3A_1376 = arith.addi %mul3A_165, %add3A_1375 : i32
        %add3A_1377 = arith.constant 32 : i32
        %add3A_1378 = arith.addi %squeeze3A_1356, %add3A_1377 : i32
        %get3A_1379 = arith.index_cast %add3A_1376 : i32 to index
        %get3A_1380 = arith.index_cast %add3A_1378 : i32 to index
        %get3A_1381 = tpu.vector_load %arg9[%get3A_1379, %get3A_1380] {strides = array<i32>} : memref<400x128xf32, #tpu.memory_space<vmem>>, vector<1x16xf32>,
        %get3A_1382 = vector.shape_cast %get3A_1381 : vector<1x16xf32> to vector<16xf32>
        %add3A_1383 = arith.addf %add3A_1345, %get3A_1382 : vector<16xf32>
        %add3A_1384 = arith.constant 31 : i32
        %add3A_1385 = arith.addi %mul3A_165, %add3A_1384 : i32
        %add3A_1386 = arith.constant 48 : i32
        %add3A_1387 = arith.addi %squeeze3A_1356, %add3A_1386 : i32
        %get3A_1388 = arith.index_cast %add3A_1385 : i32 to index
        %get3A_1389 = arith.index_cast %add3A_1387 : i32 to index
        %get3A_1390 = tpu.vector_load %arg9[%get3A_1388, %get3A_1389] {strides = array<i32>} : memref<400x128xf32, #tpu.memory_space<vmem>>, vector<1x16xf32>,
        %get3A_1391 = vector.shape_cast %get3A_1390 : vector<1x16xf32> to vector<16xf32>
        %add3A_1392 = arith.addf %add3A_1354, %get3A_1391 : vector<16xf32>
        %slice3A_1393 = vector.extract_strided_slice %get3A_179 {offsets = [0], sizes = [1], strides = [1]} : vector<16xi32> to vector<1xi32>
        %squeeze3A_1394 = vector.extract %slice3A_1393[0] : i32 from vector<1xi32>
        %add3A_1395 = arith.constant 32 : i32
        %add3A_1396 = arith.addi %mul3A_165, %add3A_1395 : i32
        %add3A_1397 = arith.constant 0 : i32
        %add3A_1398 = arith.addi %squeeze3A_1394, %add3A_1397 : i32
        %get3A_1399 = arith.index_cast %add3A_1396 : i32 to index
        %get3A_1400 = arith.index_cast %add3A_1398 : i32 to index
        %get3A_1401 = tpu.vector_load %arg9[%get3A_1399, %get3A_1400] {strides = array<i32>} : memref<400x128xf32, #tpu.memory_space<vmem>>, vector<1x16xf32>,
        %get3A_1402 = vector.shape_cast %get3A_1401 : vector<1x16xf32> to vector<16xf32>
        %add3A_1403 = arith.addf %add3A_1365, %get3A_1402 : vector<16xf32>
        %add3A_1404 = arith.constant 32 : i32
        %add3A_1405 = arith.addi %mul3A_165, %add3A_1404 : i32
        %add3A_1406 = arith.constant 16 : i32
        %add3A_1407 = arith.addi %squeeze3A_1394, %add3A_1406 : i32
        %get3A_1408 = arith.index_cast %add3A_1405 : i32 to index
        %get3A_1409 = arith.index_cast %add3A_1407 : i32 to index
        %get3A_1410 = tpu.vector_load %arg9[%get3A_1408, %get3A_1409] {strides = array<i32>} : memref<400x128xf32, #tpu.memory_space<vmem>>, vector<1x16xf32>,
        %get3A_1411 = vector.shape_cast %get3A_1410 : vector<1x16xf32> to vector<16xf32>
        %add3A_1412 = arith.addf %add3A_1374, %get3A_1411 : vector<16xf32>
        %add3A_1413 = arith.constant 32 : i32
        %add3A_1414 = arith.addi %mul3A_165, %add3A_1413 : i32
        %add3A_1415 = arith.constant 32 : i32
        %add3A_1416 = arith.addi %squeeze3A_1394, %add3A_1415 : i32
        %get3A_1417 = arith.index_cast %add3A_1414 : i32 to index
        %get3A_1418 = arith.index_cast %add3A_1416 : i32 to index
        %get3A_1419 = tpu.vector_load %arg9[%get3A_1417, %get3A_1418] {strides = array<i32>} : memref<400x128xf32, #tpu.memory_space<vmem>>, vector<1x16xf32>,
        %get3A_1420 = vector.shape_cast %get3A_1419 : vector<1x16xf32> to vector<16xf32>
        %add3A_1421 = arith.addf %add3A_1383, %get3A_1420 : vector<16xf32>
        %add3A_1422 = arith.constant 32 : i32
        %add3A_1423 = arith.addi %mul3A_165, %add3A_1422 : i32
        %add3A_1424 = arith.constant 48 : i32
        %add3A_1425 = arith.addi %squeeze3A_1394, %add3A_1424 : i32
        %get3A_1426 = arith.index_cast %add3A_1423 : i32 to index
        %get3A_1427 = arith.index_cast %add3A_1425 : i32 to index
        %get3A_1428 = tpu.vector_load %arg9[%get3A_1426, %get3A_1427] {strides = array<i32>} : memref<400x128xf32, #tpu.memory_space<vmem>>, vector<1x16xf32>,
        %get3A_1429 = vector.shape_cast %get3A_1428 : vector<1x16xf32> to vector<16xf32>
        %add3A_1430 = arith.addf %add3A_1392, %get3A_1429 : vector<16xf32>
        %slice3A_1431 = vector.extract_strided_slice %get3A_179 {offsets = [1], sizes = [1], strides = [1]} : vector<16xi32> to vector<1xi32>
        %squeeze3A_1432 = vector.extract %slice3A_1431[0] : i32 from vector<1xi32>
        %add3A_1433 = arith.constant 33 : i32
        %add3A_1434 = arith.addi %mul3A_165, %add3A_1433 : i32
        %add3A_1435 = arith.constant 0 : i32
        %add3A_1436 = arith.addi %squeeze3A_1432, %add3A_1435 : i32
        %get3A_1437 = arith.index_cast %add3A_1434 : i32 to index
        %get3A_1438 = arith.index_cast %add3A_1436 : i32 to index
        %get3A_1439 = tpu.vector_load %arg9[%get3A_1437, %get3A_1438] {strides = array<i32>} : memref<400x128xf32, #tpu.memory_space<vmem>>, vector<1x16xf32>,
        %get3A_1440 = vector.shape_cast %get3A_1439 : vector<1x16xf32> to vector<16xf32>
        %add3A_1441 = arith.addf %add3A_1403, %get3A_1440 : vector<16xf32>
        %add3A_1442 = arith.constant 33 : i32
        %add3A_1443 = arith.addi %mul3A_165, %add3A_1442 : i32
        %add3A_1444 = arith.constant 16 : i32
        %add3A_1445 = arith.addi %squeeze3A_1432, %add3A_1444 : i32
        %get3A_1446 = arith.index_cast %add3A_1443 : i32 to index
        %get3A_1447 = arith.index_cast %add3A_1445 : i32 to index
        %get3A_1448 = tpu.vector_load %arg9[%get3A_1446, %get3A_1447] {strides = array<i32>} : memref<400x128xf32, #tpu.memory_space<vmem>>, vector<1x16xf32>,
        %get3A_1449 = vector.shape_cast %get3A_1448 : vector<1x16xf32> to vector<16xf32>
        %add3A_1450 = arith.addf %add3A_1412, %get3A_1449 : vector<16xf32>
        %add3A_1451 = arith.constant 33 : i32
        %add3A_1452 = arith.addi %mul3A_165, %add3A_1451 : i32
        %add3A_1453 = arith.constant 32 : i32
        %add3A_1454 = arith.addi %squeeze3A_1432, %add3A_1453 : i32
        %get3A_1455 = arith.index_cast %add3A_1452 : i32 to index
        %get3A_1456 = arith.index_cast %add3A_1454 : i32 to index
        %get3A_1457 = tpu.vector_load %arg9[%get3A_1455, %get3A_1456] {strides = array<i32>} : memref<400x128xf32, #tpu.memory_space<vmem>>, vector<1x16xf32>,
        %get3A_1458 = vector.shape_cast %get3A_1457 : vector<1x16xf32> to vector<16xf32>
        %add3A_1459 = arith.addf %add3A_1421, %get3A_1458 : vector<16xf32>
        %add3A_1460 = arith.constant 33 : i32
        %add3A_1461 = arith.addi %mul3A_165, %add3A_1460 : i32
        %add3A_1462 = arith.constant 48 : i32
        %add3A_1463 = arith.addi %squeeze3A_1432, %add3A_1462 : i32
        %get3A_1464 = arith.index_cast %add3A_1461 : i32 to index
        %get3A_1465 = arith.index_cast %add3A_1463 : i32 to index
        %get3A_1466 = tpu.vector_load %arg9[%get3A_1464, %get3A_1465] {strides = array<i32>} : memref<400x128xf32, #tpu.memory_space<vmem>>, vector<1x16xf32>,
        %get3A_1467 = vector.shape_cast %get3A_1466 : vector<1x16xf32> to vector<16xf32>
        %add3A_1468 = arith.addf %add3A_1430, %get3A_1467 : vector<16xf32>
        %slice3A_1469 = vector.extract_strided_slice %get3A_179 {offsets = [2], sizes = [1], strides = [1]} : vector<16xi32> to vector<1xi32>
        %squeeze3A_1470 = vector.extract %slice3A_1469[0] : i32 from vector<1xi32>
        %add3A_1471 = arith.constant 34 : i32
        %add3A_1472 = arith.addi %mul3A_165, %add3A_1471 : i32
        %add3A_1473 = arith.constant 0 : i32
        %add3A_1474 = arith.addi %squeeze3A_1470, %add3A_1473 : i32
        %get3A_1475 = arith.index_cast %add3A_1472 : i32 to index
        %get3A_1476 = arith.index_cast %add3A_1474 : i32 to index
        %get3A_1477 = tpu.vector_load %arg9[%get3A_1475, %get3A_1476] {strides = array<i32>} : memref<400x128xf32, #tpu.memory_space<vmem>>, vector<1x16xf32>,
        %get3A_1478 = vector.shape_cast %get3A_1477 : vector<1x16xf32> to vector<16xf32>
        %add3A_1479 = arith.addf %add3A_1441, %get3A_1478 : vector<16xf32>
        %add3A_1480 = arith.constant 34 : i32
        %add3A_1481 = arith.addi %mul3A_165, %add3A_1480 : i32
        %add3A_1482 = arith.constant 16 : i32
        %add3A_1483 = arith.addi %squeeze3A_1470, %add3A_1482 : i32
        %get3A_1484 = arith.index_cast %add3A_1481 : i32 to index
        %get3A_1485 = arith.index_cast %add3A_1483 : i32 to index
        %get3A_1486 = tpu.vector_load %arg9[%get3A_1484, %get3A_1485] {strides = array<i32>} : memref<400x128xf32, #tpu.memory_space<vmem>>, vector<1x16xf32>,
        %get3A_1487 = vector.shape_cast %get3A_1486 : vector<1x16xf32> to vector<16xf32>
        %add3A_1488 = arith.addf %add3A_1450, %get3A_1487 : vector<16xf32>
        %add3A_1489 = arith.constant 34 : i32
        %add3A_1490 = arith.addi %mul3A_165, %add3A_1489 : i32
        %add3A_1491 = arith.constant 32 : i32
        %add3A_1492 = arith.addi %squeeze3A_1470, %add3A_1491 : i32
        %get3A_1493 = arith.index_cast %add3A_1490 : i32 to index
        %get3A_1494 = arith.index_cast %add3A_1492 : i32 to index
        %get3A_1495 = tpu.vector_load %arg9[%get3A_1493, %get3A_1494] {strides = array<i32>} : memref<400x128xf32, #tpu.memory_space<vmem>>, vector<1x16xf32>,
        %get3A_1496 = vector.shape_cast %get3A_1495 : vector<1x16xf32> to vector<16xf32>
        %add3A_1497 = arith.addf %add3A_1459, %get3A_1496 : vector<16xf32>
        %add3A_1498 = arith.constant 34 : i32
        %add3A_1499 = arith.addi %mul3A_165, %add3A_1498 : i32
        %add3A_1500 = arith.constant 48 : i32
        %add3A_1501 = arith.addi %squeeze3A_1470, %add3A_1500 : i32
        %get3A_1502 = arith.index_cast %add3A_1499 : i32 to index
        %get3A_1503 = arith.index_cast %add3A_1501 : i32 to index
        %get3A_1504 = tpu.vector_load %arg9[%get3A_1502, %get3A_1503] {strides = array<i32>} : memref<400x128xf32, #tpu.memory_space<vmem>>, vector<1x16xf32>,
        %get3A_1505 = vector.shape_cast %get3A_1504 : vector<1x16xf32> to vector<16xf32>
        %add3A_1506 = arith.addf %add3A_1468, %get3A_1505 : vector<16xf32>
        %slice3A_1507 = vector.extract_strided_slice %get3A_179 {offsets = [3], sizes = [1], strides = [1]} : vector<16xi32> to vector<1xi32>
        %squeeze3A_1508 = vector.extract %slice3A_1507[0] : i32 from vector<1xi32>
        %add3A_1509 = arith.constant 35 : i32
        %add3A_1510 = arith.addi %mul3A_165, %add3A_1509 : i32
        %add3A_1511 = arith.constant 0 : i32
        %add3A_1512 = arith.addi %squeeze3A_1508, %add3A_1511 : i32
        %get3A_1513 = arith.index_cast %add3A_1510 : i32 to index
        %get3A_1514 = arith.index_cast %add3A_1512 : i32 to index
        %get3A_1515 = tpu.vector_load %arg9[%get3A_1513, %get3A_1514] {strides = array<i32>} : memref<400x128xf32, #tpu.memory_space<vmem>>, vector<1x16xf32>,
        %get3A_1516 = vector.shape_cast %get3A_1515 : vector<1x16xf32> to vector<16xf32>
        %add3A_1517 = arith.addf %add3A_1479, %get3A_1516 : vector<16xf32>
        %add3A_1518 = arith.constant 35 : i32
        %add3A_1519 = arith.addi %mul3A_165, %add3A_1518 : i32
        %add3A_1520 = arith.constant 16 : i32
        %add3A_1521 = arith.addi %squeeze3A_1508, %add3A_1520 : i32
        %get3A_1522 = arith.index_cast %add3A_1519 : i32 to index
        %get3A_1523 = arith.index_cast %add3A_1521 : i32 to index
        %get3A_1524 = tpu.vector_load %arg9[%get3A_1522, %get3A_1523] {strides = array<i32>} : memref<400x128xf32, #tpu.memory_space<vmem>>, vector<1x16xf32>,
        %get3A_1525 = vector.shape_cast %get3A_1524 : vector<1x16xf32> to vector<16xf32>
        %add3A_1526 = arith.addf %add3A_1488, %get3A_1525 : vector<16xf32>
        %add3A_1527 = arith.constant 35 : i32
        %add3A_1528 = arith.addi %mul3A_165, %add3A_1527 : i32
        %add3A_1529 = arith.constant 32 : i32
        %add3A_1530 = arith.addi %squeeze3A_1508, %add3A_1529 : i32
        %get3A_1531 = arith.index_cast %add3A_1528 : i32 to index
        %get3A_1532 = arith.index_cast %add3A_1530 : i32 to index
        %get3A_1533 = tpu.vector_load %arg9[%get3A_1531, %get3A_1532] {strides = array<i32>} : memref<400x128xf32, #tpu.memory_space<vmem>>, vector<1x16xf32>,
        %get3A_1534 = vector.shape_cast %get3A_1533 : vector<1x16xf32> to vector<16xf32>
        %add3A_1535 = arith.addf %add3A_1497, %get3A_1534 : vector<16xf32>
        %add3A_1536 = arith.constant 35 : i32
        %add3A_1537 = arith.addi %mul3A_165, %add3A_1536 : i32
        %add3A_1538 = arith.constant 48 : i32
        %add3A_1539 = arith.addi %squeeze3A_1508, %add3A_1538 : i32
        %get3A_1540 = arith.index_cast %add3A_1537 : i32 to index
        %get3A_1541 = arith.index_cast %add3A_1539 : i32 to index
        %get3A_1542 = tpu.vector_load %arg9[%get3A_1540, %get3A_1541] {strides = array<i32>} : memref<400x128xf32, #tpu.memory_space<vmem>>, vector<1x16xf32>,
        %get3A_1543 = vector.shape_cast %get3A_1542 : vector<1x16xf32> to vector<16xf32>
        %add3A_1544 = arith.addf %add3A_1506, %get3A_1543 : vector<16xf32>
        %slice3A_1545 = vector.extract_strided_slice %get3A_179 {offsets = [4], sizes = [1], strides = [1]} : vector<16xi32> to vector<1xi32>
        %squeeze3A_1546 = vector.extract %slice3A_1545[0] : i32 from vector<1xi32>
        %add3A_1547 = arith.constant 36 : i32
        %add3A_1548 = arith.addi %mul3A_165, %add3A_1547 : i32
        %add3A_1549 = arith.constant 0 : i32
        %add3A_1550 = arith.addi %squeeze3A_1546, %add3A_1549 : i32
        %get3A_1551 = arith.index_cast %add3A_1548 : i32 to index
        %get3A_1552 = arith.index_cast %add3A_1550 : i32 to index
        %get3A_1553 = tpu.vector_load %arg9[%get3A_1551, %get3A_1552] {strides = array<i32>} : memref<400x128xf32, #tpu.memory_space<vmem>>, vector<1x16xf32>,
        %get3A_1554 = vector.shape_cast %get3A_1553 : vector<1x16xf32> to vector<16xf32>
        %add3A_1555 = arith.addf %add3A_1517, %get3A_1554 : vector<16xf32>
        %add3A_1556 = arith.constant 36 : i32
        %add3A_1557 = arith.addi %mul3A_165, %add3A_1556 : i32
        %add3A_1558 = arith.constant 16 : i32
        %add3A_1559 = arith.addi %squeeze3A_1546, %add3A_1558 : i32
        %get3A_1560 = arith.index_cast %add3A_1557 : i32 to index
        %get3A_1561 = arith.index_cast %add3A_1559 : i32 to index
        %get3A_1562 = tpu.vector_load %arg9[%get3A_1560, %get3A_1561] {strides = array<i32>} : memref<400x128xf32, #tpu.memory_space<vmem>>, vector<1x16xf32>,
        %get3A_1563 = vector.shape_cast %get3A_1562 : vector<1x16xf32> to vector<16xf32>
        %add3A_1564 = arith.addf %add3A_1526, %get3A_1563 : vector<16xf32>
        %add3A_1565 = arith.constant 36 : i32
        %add3A_1566 = arith.addi %mul3A_165, %add3A_1565 : i32
        %add3A_1567 = arith.constant 32 : i32
        %add3A_1568 = arith.addi %squeeze3A_1546, %add3A_1567 : i32
        %get3A_1569 = arith.index_cast %add3A_1566 : i32 to index
        %get3A_1570 = arith.index_cast %add3A_1568 : i32 to index
        %get3A_1571 = tpu.vector_load %arg9[%get3A_1569, %get3A_1570] {strides = array<i32>} : memref<400x128xf32, #tpu.memory_space<vmem>>, vector<1x16xf32>,
        %get3A_1572 = vector.shape_cast %get3A_1571 : vector<1x16xf32> to vector<16xf32>
        %add3A_1573 = arith.addf %add3A_1535, %get3A_1572 : vector<16xf32>
        %add3A_1574 = arith.constant 36 : i32
        %add3A_1575 = arith.addi %mul3A_165, %add3A_1574 : i32
        %add3A_1576 = arith.constant 48 : i32
        %add3A_1577 = arith.addi %squeeze3A_1546, %add3A_1576 : i32
        %get3A_1578 = arith.index_cast %add3A_1575 : i32 to index
        %get3A_1579 = arith.index_cast %add3A_1577 : i32 to index
        %get3A_1580 = tpu.vector_load %arg9[%get3A_1578, %get3A_1579] {strides = array<i32>} : memref<400x128xf32, #tpu.memory_space<vmem>>, vector<1x16xf32>,
        %get3A_1581 = vector.shape_cast %get3A_1580 : vector<1x16xf32> to vector<16xf32>
        %add3A_1582 = arith.addf %add3A_1544, %get3A_1581 : vector<16xf32>
        %slice3A_1583 = vector.extract_strided_slice %get3A_179 {offsets = [5], sizes = [1], strides = [1]} : vector<16xi32> to vector<1xi32>
        %squeeze3A_1584 = vector.extract %slice3A_1583[0] : i32 from vector<1xi32>
        %add3A_1585 = arith.constant 37 : i32
        %add3A_1586 = arith.addi %mul3A_165, %add3A_1585 : i32
        %add3A_1587 = arith.constant 0 : i32
        %add3A_1588 = arith.addi %squeeze3A_1584, %add3A_1587 : i32
        %get3A_1589 = arith.index_cast %add3A_1586 : i32 to index
        %get3A_1590 = arith.index_cast %add3A_1588 : i32 to index
        %get3A_1591 = tpu.vector_load %arg9[%get3A_1589, %get3A_1590] {strides = array<i32>} : memref<400x128xf32, #tpu.memory_space<vmem>>, vector<1x16xf32>,
        %get3A_1592 = vector.shape_cast %get3A_1591 : vector<1x16xf32> to vector<16xf32>
        %add3A_1593 = arith.addf %add3A_1555, %get3A_1592 : vector<16xf32>
        %add3A_1594 = arith.constant 37 : i32
        %add3A_1595 = arith.addi %mul3A_165, %add3A_1594 : i32
        %add3A_1596 = arith.constant 16 : i32
        %add3A_1597 = arith.addi %squeeze3A_1584, %add3A_1596 : i32
        %get3A_1598 = arith.index_cast %add3A_1595 : i32 to index
        %get3A_1599 = arith.index_cast %add3A_1597 : i32 to index
        %get3A_1600 = tpu.vector_load %arg9[%get3A_1598, %get3A_1599] {strides = array<i32>} : memref<400x128xf32, #tpu.memory_space<vmem>>, vector<1x16xf32>,
        %get3A_1601 = vector.shape_cast %get3A_1600 : vector<1x16xf32> to vector<16xf32>
        %add3A_1602 = arith.addf %add3A_1564, %get3A_1601 : vector<16xf32>
        %add3A_1603 = arith.constant 37 : i32
        %add3A_1604 = arith.addi %mul3A_165, %add3A_1603 : i32
        %add3A_1605 = arith.constant 32 : i32
        %add3A_1606 = arith.addi %squeeze3A_1584, %add3A_1605 : i32
        %get3A_1607 = arith.index_cast %add3A_1604 : i32 to index
        %get3A_1608 = arith.index_cast %add3A_1606 : i32 to index
        %get3A_1609 = tpu.vector_load %arg9[%get3A_1607, %get3A_1608] {strides = array<i32>} : memref<400x128xf32, #tpu.memory_space<vmem>>, vector<1x16xf32>,
        %get3A_1610 = vector.shape_cast %get3A_1609 : vector<1x16xf32> to vector<16xf32>
        %add3A_1611 = arith.addf %add3A_1573, %get3A_1610 : vector<16xf32>
        %add3A_1612 = arith.constant 37 : i32
        %add3A_1613 = arith.addi %mul3A_165, %add3A_1612 : i32
        %add3A_1614 = arith.constant 48 : i32
        %add3A_1615 = arith.addi %squeeze3A_1584, %add3A_1614 : i32
        %get3A_1616 = arith.index_cast %add3A_1613 : i32 to index
        %get3A_1617 = arith.index_cast %add3A_1615 : i32 to index
        %get3A_1618 = tpu.vector_load %arg9[%get3A_1616, %get3A_1617] {strides = array<i32>} : memref<400x128xf32, #tpu.memory_space<vmem>>, vector<1x16xf32>,
        %get3A_1619 = vector.shape_cast %get3A_1618 : vector<1x16xf32> to vector<16xf32>
        %add3A_1620 = arith.addf %add3A_1582, %get3A_1619 : vector<16xf32>
        %slice3A_1621 = vector.extract_strided_slice %get3A_179 {offsets = [6], sizes = [1], strides = [1]} : vector<16xi32> to vector<1xi32>
        %squeeze3A_1622 = vector.extract %slice3A_1621[0] : i32 from vector<1xi32>
        %add3A_1623 = arith.constant 38 : i32
        %add3A_1624 = arith.addi %mul3A_165, %add3A_1623 : i32
        %add3A_1625 = arith.constant 0 : i32
        %add3A_1626 = arith.addi %squeeze3A_1622, %add3A_1625 : i32
        %get3A_1627 = arith.index_cast %add3A_1624 : i32 to index
        %get3A_1628 = arith.index_cast %add3A_1626 : i32 to index
        %get3A_1629 = tpu.vector_load %arg9[%get3A_1627, %get3A_1628] {strides = array<i32>} : memref<400x128xf32, #tpu.memory_space<vmem>>, vector<1x16xf32>,
        %get3A_1630 = vector.shape_cast %get3A_1629 : vector<1x16xf32> to vector<16xf32>
        %add3A_1631 = arith.addf %add3A_1593, %get3A_1630 : vector<16xf32>
        %add3A_1632 = arith.constant 38 : i32
        %add3A_1633 = arith.addi %mul3A_165, %add3A_1632 : i32
        %add3A_1634 = arith.constant 16 : i32
        %add3A_1635 = arith.addi %squeeze3A_1622, %add3A_1634 : i32
        %get3A_1636 = arith.index_cast %add3A_1633 : i32 to index
        %get3A_1637 = arith.index_cast %add3A_1635 : i32 to index
        %get3A_1638 = tpu.vector_load %arg9[%get3A_1636, %get3A_1637] {strides = array<i32>} : memref<400x128xf32, #tpu.memory_space<vmem>>, vector<1x16xf32>,
        %get3A_1639 = vector.shape_cast %get3A_1638 : vector<1x16xf32> to vector<16xf32>
        %add3A_1640 = arith.addf %add3A_1602, %get3A_1639 : vector<16xf32>
        %add3A_1641 = arith.constant 38 : i32
        %add3A_1642 = arith.addi %mul3A_165, %add3A_1641 : i32
        %add3A_1643 = arith.constant 32 : i32
        %add3A_1644 = arith.addi %squeeze3A_1622, %add3A_1643 : i32
        %get3A_1645 = arith.index_cast %add3A_1642 : i32 to index
        %get3A_1646 = arith.index_cast %add3A_1644 : i32 to index
        %get3A_1647 = tpu.vector_load %arg9[%get3A_1645, %get3A_1646] {strides = array<i32>} : memref<400x128xf32, #tpu.memory_space<vmem>>, vector<1x16xf32>,
        %get3A_1648 = vector.shape_cast %get3A_1647 : vector<1x16xf32> to vector<16xf32>
        %add3A_1649 = arith.addf %add3A_1611, %get3A_1648 : vector<16xf32>
        %add3A_1650 = arith.constant 38 : i32
        %add3A_1651 = arith.addi %mul3A_165, %add3A_1650 : i32
        %add3A_1652 = arith.constant 48 : i32
        %add3A_1653 = arith.addi %squeeze3A_1622, %add3A_1652 : i32
        %get3A_1654 = arith.index_cast %add3A_1651 : i32 to index
        %get3A_1655 = arith.index_cast %add3A_1653 : i32 to index
        %get3A_1656 = tpu.vector_load %arg9[%get3A_1654, %get3A_1655] {strides = array<i32>} : memref<400x128xf32, #tpu.memory_space<vmem>>, vector<1x16xf32>,
        %get3A_1657 = vector.shape_cast %get3A_1656 : vector<1x16xf32> to vector<16xf32>
        %add3A_1658 = arith.addf %add3A_1620, %get3A_1657 : vector<16xf32>
        %slice3A_1659 = vector.extract_strided_slice %get3A_179 {offsets = [7], sizes = [1], strides = [1]} : vector<16xi32> to vector<1xi32>
        %squeeze3A_1660 = vector.extract %slice3A_1659[0] : i32 from vector<1xi32>
        %add3A_1661 = arith.constant 39 : i32
        %add3A_1662 = arith.addi %mul3A_165, %add3A_1661 : i32
        %add3A_1663 = arith.constant 0 : i32
        %add3A_1664 = arith.addi %squeeze3A_1660, %add3A_1663 : i32
        %get3A_1665 = arith.index_cast %add3A_1662 : i32 to index
        %get3A_1666 = arith.index_cast %add3A_1664 : i32 to index
        %get3A_1667 = tpu.vector_load %arg9[%get3A_1665, %get3A_1666] {strides = array<i32>} : memref<400x128xf32, #tpu.memory_space<vmem>>, vector<1x16xf32>,
        %get3A_1668 = vector.shape_cast %get3A_1667 : vector<1x16xf32> to vector<16xf32>
        %add3A_1669 = arith.addf %add3A_1631, %get3A_1668 : vector<16xf32>
        %add3A_1670 = arith.constant 39 : i32
        %add3A_1671 = arith.addi %mul3A_165, %add3A_1670 : i32
        %add3A_1672 = arith.constant 16 : i32
        %add3A_1673 = arith.addi %squeeze3A_1660, %add3A_1672 : i32
        %get3A_1674 = arith.index_cast %add3A_1671 : i32 to index
        %get3A_1675 = arith.index_cast %add3A_1673 : i32 to index
        %get3A_1676 = tpu.vector_load %arg9[%get3A_1674, %get3A_1675] {strides = array<i32>} : memref<400x128xf32, #tpu.memory_space<vmem>>, vector<1x16xf32>,
        %get3A_1677 = vector.shape_cast %get3A_1676 : vector<1x16xf32> to vector<16xf32>
        %add3A_1678 = arith.addf %add3A_1640, %get3A_1677 : vector<16xf32>
        %add3A_1679 = arith.constant 39 : i32
        %add3A_1680 = arith.addi %mul3A_165, %add3A_1679 : i32
        %add3A_1681 = arith.constant 32 : i32
        %add3A_1682 = arith.addi %squeeze3A_1660, %add3A_1681 : i32
        %get3A_1683 = arith.index_cast %add3A_1680 : i32 to index
        %get3A_1684 = arith.index_cast %add3A_1682 : i32 to index
        %get3A_1685 = tpu.vector_load %arg9[%get3A_1683, %get3A_1684] {strides = array<i32>} : memref<400x128xf32, #tpu.memory_space<vmem>>, vector<1x16xf32>,
        %get3A_1686 = vector.shape_cast %get3A_1685 : vector<1x16xf32> to vector<16xf32>
        %add3A_1687 = arith.addf %add3A_1649, %get3A_1686 : vector<16xf32>
        %add3A_1688 = arith.constant 39 : i32
        %add3A_1689 = arith.addi %mul3A_165, %add3A_1688 : i32
        %add3A_1690 = arith.constant 48 : i32
        %add3A_1691 = arith.addi %squeeze3A_1660, %add3A_1690 : i32
        %get3A_1692 = arith.index_cast %add3A_1689 : i32 to index
        %get3A_1693 = arith.index_cast %add3A_1691 : i32 to index
        %get3A_1694 = tpu.vector_load %arg9[%get3A_1692, %get3A_1693] {strides = array<i32>} : memref<400x128xf32, #tpu.memory_space<vmem>>, vector<1x16xf32>,
        %get3A_1695 = vector.shape_cast %get3A_1694 : vector<1x16xf32> to vector<16xf32>
        %add3A_1696 = arith.addf %add3A_1658, %get3A_1695 : vector<16xf32>
        %slice3A_1697 = vector.extract_strided_slice %get3A_179 {offsets = [8], sizes = [1], strides = [1]} : vector<16xi32> to vector<1xi32>
        %squeeze3A_1698 = vector.extract %slice3A_1697[0] : i32 from vector<1xi32>
        %add3A_1699 = arith.constant 40 : i32
        %add3A_1700 = arith.addi %mul3A_165, %add3A_1699 : i32
        %add3A_1701 = arith.constant 0 : i32
        %add3A_1702 = arith.addi %squeeze3A_1698, %add3A_1701 : i32
        %get3A_1703 = arith.index_cast %add3A_1700 : i32 to index
        %get3A_1704 = arith.index_cast %add3A_1702 : i32 to index
        %get3A_1705 = tpu.vector_load %arg9[%get3A_1703, %get3A_1704] {strides = array<i32>} : memref<400x128xf32, #tpu.memory_space<vmem>>, vector<1x16xf32>,
        %get3A_1706 = vector.shape_cast %get3A_1705 : vector<1x16xf32> to vector<16xf32>
        %add3A_1707 = arith.addf %add3A_1669, %get3A_1706 : vector<16xf32>
        %add3A_1708 = arith.constant 40 : i32
        %add3A_1709 = arith.addi %mul3A_165, %add3A_1708 : i32
        %add3A_1710 = arith.constant 16 : i32
        %add3A_1711 = arith.addi %squeeze3A_1698, %add3A_1710 : i32
        %get3A_1712 = arith.index_cast %add3A_1709 : i32 to index
        %get3A_1713 = arith.index_cast %add3A_1711 : i32 to index
        %get3A_1714 = tpu.vector_load %arg9[%get3A_1712, %get3A_1713] {strides = array<i32>} : memref<400x128xf32, #tpu.memory_space<vmem>>, vector<1x16xf32>,
        %get3A_1715 = vector.shape_cast %get3A_1714 : vector<1x16xf32> to vector<16xf32>
        %add3A_1716 = arith.addf %add3A_1678, %get3A_1715 : vector<16xf32>
        %add3A_1717 = arith.constant 40 : i32
        %add3A_1718 = arith.addi %mul3A_165, %add3A_1717 : i32
        %add3A_1719 = arith.constant 32 : i32
        %add3A_1720 = arith.addi %squeeze3A_1698, %add3A_1719 : i32
        %get3A_1721 = arith.index_cast %add3A_1718 : i32 to index
        %get3A_1722 = arith.index_cast %add3A_1720 : i32 to index
        %get3A_1723 = tpu.vector_load %arg9[%get3A_1721, %get3A_1722] {strides = array<i32>} : memref<400x128xf32, #tpu.memory_space<vmem>>, vector<1x16xf32>,
        %get3A_1724 = vector.shape_cast %get3A_1723 : vector<1x16xf32> to vector<16xf32>
        %add3A_1725 = arith.addf %add3A_1687, %get3A_1724 : vector<16xf32>
        %add3A_1726 = arith.constant 40 : i32
        %add3A_1727 = arith.addi %mul3A_165, %add3A_1726 : i32
        %add3A_1728 = arith.constant 48 : i32
        %add3A_1729 = arith.addi %squeeze3A_1698, %add3A_1728 : i32
        %get3A_1730 = arith.index_cast %add3A_1727 : i32 to index
        %get3A_1731 = arith.index_cast %add3A_1729 : i32 to index
        %get3A_1732 = tpu.vector_load %arg9[%get3A_1730, %get3A_1731] {strides = array<i32>} : memref<400x128xf32, #tpu.memory_space<vmem>>, vector<1x16xf32>,
        %get3A_1733 = vector.shape_cast %get3A_1732 : vector<1x16xf32> to vector<16xf32>
        %add3A_1734 = arith.addf %add3A_1696, %get3A_1733 : vector<16xf32>
        %slice3A_1735 = vector.extract_strided_slice %get3A_179 {offsets = [9], sizes = [1], strides = [1]} : vector<16xi32> to vector<1xi32>
        %squeeze3A_1736 = vector.extract %slice3A_1735[0] : i32 from vector<1xi32>
        %add3A_1737 = arith.constant 41 : i32
        %add3A_1738 = arith.addi %mul3A_165, %add3A_1737 : i32
        %add3A_1739 = arith.constant 0 : i32
        %add3A_1740 = arith.addi %squeeze3A_1736, %add3A_1739 : i32
        %get3A_1741 = arith.index_cast %add3A_1738 : i32 to index
        %get3A_1742 = arith.index_cast %add3A_1740 : i32 to index
        %get3A_1743 = tpu.vector_load %arg9[%get3A_1741, %get3A_1742] {strides = array<i32>} : memref<400x128xf32, #tpu.memory_space<vmem>>, vector<1x16xf32>,
        %get3A_1744 = vector.shape_cast %get3A_1743 : vector<1x16xf32> to vector<16xf32>
        %add3A_1745 = arith.addf %add3A_1707, %get3A_1744 : vector<16xf32>
        %add3A_1746 = arith.constant 41 : i32
        %add3A_1747 = arith.addi %mul3A_165, %add3A_1746 : i32
        %add3A_1748 = arith.constant 16 : i32
        %add3A_1749 = arith.addi %squeeze3A_1736, %add3A_1748 : i32
        %get3A_1750 = arith.index_cast %add3A_1747 : i32 to index
        %get3A_1751 = arith.index_cast %add3A_1749 : i32 to index
        %get3A_1752 = tpu.vector_load %arg9[%get3A_1750, %get3A_1751] {strides = array<i32>} : memref<400x128xf32, #tpu.memory_space<vmem>>, vector<1x16xf32>,
        %get3A_1753 = vector.shape_cast %get3A_1752 : vector<1x16xf32> to vector<16xf32>
        %add3A_1754 = arith.addf %add3A_1716, %get3A_1753 : vector<16xf32>
        %add3A_1755 = arith.constant 41 : i32
        %add3A_1756 = arith.addi %mul3A_165, %add3A_1755 : i32
        %add3A_1757 = arith.constant 32 : i32
        %add3A_1758 = arith.addi %squeeze3A_1736, %add3A_1757 : i32
        %get3A_1759 = arith.index_cast %add3A_1756 : i32 to index
        %get3A_1760 = arith.index_cast %add3A_1758 : i32 to index
        %get3A_1761 = tpu.vector_load %arg9[%get3A_1759, %get3A_1760] {strides = array<i32>} : memref<400x128xf32, #tpu.memory_space<vmem>>, vector<1x16xf32>,
        %get3A_1762 = vector.shape_cast %get3A_1761 : vector<1x16xf32> to vector<16xf32>
        %add3A_1763 = arith.addf %add3A_1725, %get3A_1762 : vector<16xf32>
        %add3A_1764 = arith.constant 41 : i32
        %add3A_1765 = arith.addi %mul3A_165, %add3A_1764 : i32
        %add3A_1766 = arith.constant 48 : i32
        %add3A_1767 = arith.addi %squeeze3A_1736, %add3A_1766 : i32
        %get3A_1768 = arith.index_cast %add3A_1765 : i32 to index
        %get3A_1769 = arith.index_cast %add3A_1767 : i32 to index
        %get3A_1770 = tpu.vector_load %arg9[%get3A_1768, %get3A_1769] {strides = array<i32>} : memref<400x128xf32, #tpu.memory_space<vmem>>, vector<1x16xf32>,
        %get3A_1771 = vector.shape_cast %get3A_1770 : vector<1x16xf32> to vector<16xf32>
        %add3A_1772 = arith.addf %add3A_1734, %get3A_1771 : vector<16xf32>
        %slice3A_1773 = vector.extract_strided_slice %get3A_179 {offsets = [10], sizes = [1], strides = [1]} : vector<16xi32> to vector<1xi32>
        %squeeze3A_1774 = vector.extract %slice3A_1773[0] : i32 from vector<1xi32>
        %add3A_1775 = arith.constant 42 : i32
        %add3A_1776 = arith.addi %mul3A_165, %add3A_1775 : i32
        %add3A_1777 = arith.constant 0 : i32
        %add3A_1778 = arith.addi %squeeze3A_1774, %add3A_1777 : i32
        %get3A_1779 = arith.index_cast %add3A_1776 : i32 to index
        %get3A_1780 = arith.index_cast %add3A_1778 : i32 to index
        %get3A_1781 = tpu.vector_load %arg9[%get3A_1779, %get3A_1780] {strides = array<i32>} : memref<400x128xf32, #tpu.memory_space<vmem>>, vector<1x16xf32>,
        %get3A_1782 = vector.shape_cast %get3A_1781 : vector<1x16xf32> to vector<16xf32>
        %add3A_1783 = arith.addf %add3A_1745, %get3A_1782 : vector<16xf32>
        %add3A_1784 = arith.constant 42 : i32
        %add3A_1785 = arith.addi %mul3A_165, %add3A_1784 : i32
        %add3A_1786 = arith.constant 16 : i32
        %add3A_1787 = arith.addi %squeeze3A_1774, %add3A_1786 : i32
        %get3A_1788 = arith.index_cast %add3A_1785 : i32 to index
        %get3A_1789 = arith.index_cast %add3A_1787 : i32 to index
        %get3A_1790 = tpu.vector_load %arg9[%get3A_1788, %get3A_1789] {strides = array<i32>} : memref<400x128xf32, #tpu.memory_space<vmem>>, vector<1x16xf32>,
        %get3A_1791 = vector.shape_cast %get3A_1790 : vector<1x16xf32> to vector<16xf32>
        %add3A_1792 = arith.addf %add3A_1754, %get3A_1791 : vector<16xf32>
        %add3A_1793 = arith.constant 42 : i32
        %add3A_1794 = arith.addi %mul3A_165, %add3A_1793 : i32
        %add3A_1795 = arith.constant 32 : i32
        %add3A_1796 = arith.addi %squeeze3A_1774, %add3A_1795 : i32
        %get3A_1797 = arith.index_cast %add3A_1794 : i32 to index
        %get3A_1798 = arith.index_cast %add3A_1796 : i32 to index
        %get3A_1799 = tpu.vector_load %arg9[%get3A_1797, %get3A_1798] {strides = array<i32>} : memref<400x128xf32, #tpu.memory_space<vmem>>, vector<1x16xf32>,
        %get3A_1800 = vector.shape_cast %get3A_1799 : vector<1x16xf32> to vector<16xf32>
        %add3A_1801 = arith.addf %add3A_1763, %get3A_1800 : vector<16xf32>
        %add3A_1802 = arith.constant 42 : i32
        %add3A_1803 = arith.addi %mul3A_165, %add3A_1802 : i32
        %add3A_1804 = arith.constant 48 : i32
        %add3A_1805 = arith.addi %squeeze3A_1774, %add3A_1804 : i32
        %get3A_1806 = arith.index_cast %add3A_1803 : i32 to index
        %get3A_1807 = arith.index_cast %add3A_1805 : i32 to index
        %get3A_1808 = tpu.vector_load %arg9[%get3A_1806, %get3A_1807] {strides = array<i32>} : memref<400x128xf32, #tpu.memory_space<vmem>>, vector<1x16xf32>,
        %get3A_1809 = vector.shape_cast %get3A_1808 : vector<1x16xf32> to vector<16xf32>
        %add3A_1810 = arith.addf %add3A_1772, %get3A_1809 : vector<16xf32>
        %slice3A_1811 = vector.extract_strided_slice %get3A_179 {offsets = [11], sizes = [1], strides = [1]} : vector<16xi32> to vector<1xi32>
        %squeeze3A_1812 = vector.extract %slice3A_1811[0] : i32 from vector<1xi32>
        %add3A_1813 = arith.constant 43 : i32
        %add3A_1814 = arith.addi %mul3A_165, %add3A_1813 : i32
        %add3A_1815 = arith.constant 0 : i32
        %add3A_1816 = arith.addi %squeeze3A_1812, %add3A_1815 : i32
        %get3A_1817 = arith.index_cast %add3A_1814 : i32 to index
        %get3A_1818 = arith.index_cast %add3A_1816 : i32 to index
        %get3A_1819 = tpu.vector_load %arg9[%get3A_1817, %get3A_1818] {strides = array<i32>} : memref<400x128xf32, #tpu.memory_space<vmem>>, vector<1x16xf32>,
        %get3A_1820 = vector.shape_cast %get3A_1819 : vector<1x16xf32> to vector<16xf32>
        %add3A_1821 = arith.addf %add3A_1783, %get3A_1820 : vector<16xf32>
        %add3A_1822 = arith.constant 43 : i32
        %add3A_1823 = arith.addi %mul3A_165, %add3A_1822 : i32
        %add3A_1824 = arith.constant 16 : i32
        %add3A_1825 = arith.addi %squeeze3A_1812, %add3A_1824 : i32
        %get3A_1826 = arith.index_cast %add3A_1823 : i32 to index
        %get3A_1827 = arith.index_cast %add3A_1825 : i32 to index
        %get3A_1828 = tpu.vector_load %arg9[%get3A_1826, %get3A_1827] {strides = array<i32>} : memref<400x128xf32, #tpu.memory_space<vmem>>, vector<1x16xf32>,
        %get3A_1829 = vector.shape_cast %get3A_1828 : vector<1x16xf32> to vector<16xf32>
        %add3A_1830 = arith.addf %add3A_1792, %get3A_1829 : vector<16xf32>
        %add3A_1831 = arith.constant 43 : i32
        %add3A_1832 = arith.addi %mul3A_165, %add3A_1831 : i32
        %add3A_1833 = arith.constant 32 : i32
        %add3A_1834 = arith.addi %squeeze3A_1812, %add3A_1833 : i32
        %get3A_1835 = arith.index_cast %add3A_1832 : i32 to index
        %get3A_1836 = arith.index_cast %add3A_1834 : i32 to index
        %get3A_1837 = tpu.vector_load %arg9[%get3A_1835, %get3A_1836] {strides = array<i32>} : memref<400x128xf32, #tpu.memory_space<vmem>>, vector<1x16xf32>,
        %get3A_1838 = vector.shape_cast %get3A_1837 : vector<1x16xf32> to vector<16xf32>
        %add3A_1839 = arith.addf %add3A_1801, %get3A_1838 : vector<16xf32>
        %add3A_1840 = arith.constant 43 : i32
        %add3A_1841 = arith.addi %mul3A_165, %add3A_1840 : i32
        %add3A_1842 = arith.constant 48 : i32
        %add3A_1843 = arith.addi %squeeze3A_1812, %add3A_1842 : i32
        %get3A_1844 = arith.index_cast %add3A_1841 : i32 to index
        %get3A_1845 = arith.index_cast %add3A_1843 : i32 to index
        %get3A_1846 = tpu.vector_load %arg9[%get3A_1844, %get3A_1845] {strides = array<i32>} : memref<400x128xf32, #tpu.memory_space<vmem>>, vector<1x16xf32>,
        %get3A_1847 = vector.shape_cast %get3A_1846 : vector<1x16xf32> to vector<16xf32>
        %add3A_1848 = arith.addf %add3A_1810, %get3A_1847 : vector<16xf32>
        %slice3A_1849 = vector.extract_strided_slice %get3A_179 {offsets = [12], sizes = [1], strides = [1]} : vector<16xi32> to vector<1xi32>
        %squeeze3A_1850 = vector.extract %slice3A_1849[0] : i32 from vector<1xi32>
        %add3A_1851 = arith.constant 44 : i32
        %add3A_1852 = arith.addi %mul3A_165, %add3A_1851 : i32
        %add3A_1853 = arith.constant 0 : i32
        %add3A_1854 = arith.addi %squeeze3A_1850, %add3A_1853 : i32
        %get3A_1855 = arith.index_cast %add3A_1852 : i32 to index
        %get3A_1856 = arith.index_cast %add3A_1854 : i32 to index
        %get3A_1857 = tpu.vector_load %arg9[%get3A_1855, %get3A_1856] {strides = array<i32>} : memref<400x128xf32, #tpu.memory_space<vmem>>, vector<1x16xf32>,
        %get3A_1858 = vector.shape_cast %get3A_1857 : vector<1x16xf32> to vector<16xf32>
        %add3A_1859 = arith.addf %add3A_1821, %get3A_1858 : vector<16xf32>
        %add3A_1860 = arith.constant 44 : i32
        %add3A_1861 = arith.addi %mul3A_165, %add3A_1860 : i32
        %add3A_1862 = arith.constant 16 : i32
        %add3A_1863 = arith.addi %squeeze3A_1850, %add3A_1862 : i32
        %get3A_1864 = arith.index_cast %add3A_1861 : i32 to index
        %get3A_1865 = arith.index_cast %add3A_1863 : i32 to index
        %get3A_1866 = tpu.vector_load %arg9[%get3A_1864, %get3A_1865] {strides = array<i32>} : memref<400x128xf32, #tpu.memory_space<vmem>>, vector<1x16xf32>,
        %get3A_1867 = vector.shape_cast %get3A_1866 : vector<1x16xf32> to vector<16xf32>
        %add3A_1868 = arith.addf %add3A_1830, %get3A_1867 : vector<16xf32>
        %add3A_1869 = arith.constant 44 : i32
        %add3A_1870 = arith.addi %mul3A_165, %add3A_1869 : i32
        %add3A_1871 = arith.constant 32 : i32
        %add3A_1872 = arith.addi %squeeze3A_1850, %add3A_1871 : i32
        %get3A_1873 = arith.index_cast %add3A_1870 : i32 to index
        %get3A_1874 = arith.index_cast %add3A_1872 : i32 to index
        %get3A_1875 = tpu.vector_load %arg9[%get3A_1873, %get3A_1874] {strides = array<i32>} : memref<400x128xf32, #tpu.memory_space<vmem>>, vector<1x16xf32>,
        %get3A_1876 = vector.shape_cast %get3A_1875 : vector<1x16xf32> to vector<16xf32>
        %add3A_1877 = arith.addf %add3A_1839, %get3A_1876 : vector<16xf32>
        %add3A_1878 = arith.constant 44 : i32
        %add3A_1879 = arith.addi %mul3A_165, %add3A_1878 : i32
        %add3A_1880 = arith.constant 48 : i32
        %add3A_1881 = arith.addi %squeeze3A_1850, %add3A_1880 : i32
        %get3A_1882 = arith.index_cast %add3A_1879 : i32 to index
        %get3A_1883 = arith.index_cast %add3A_1881 : i32 to index
        %get3A_1884 = tpu.vector_load %arg9[%get3A_1882, %get3A_1883] {strides = array<i32>} : memref<400x128xf32, #tpu.memory_space<vmem>>, vector<1x16xf32>,
        %get3A_1885 = vector.shape_cast %get3A_1884 : vector<1x16xf32> to vector<16xf32>
        %add3A_1886 = arith.addf %add3A_1848, %get3A_1885 : vector<16xf32>
        %slice3A_1887 = vector.extract_strided_slice %get3A_179 {offsets = [13], sizes = [1], strides = [1]} : vector<16xi32> to vector<1xi32>
        %squeeze3A_1888 = vector.extract %slice3A_1887[0] : i32 from vector<1xi32>
        %add3A_1889 = arith.constant 45 : i32
        %add3A_1890 = arith.addi %mul3A_165, %add3A_1889 : i32
        %add3A_1891 = arith.constant 0 : i32
        %add3A_1892 = arith.addi %squeeze3A_1888, %add3A_1891 : i32
        %get3A_1893 = arith.index_cast %add3A_1890 : i32 to index
        %get3A_1894 = arith.index_cast %add3A_1892 : i32 to index
        %get3A_1895 = tpu.vector_load %arg9[%get3A_1893, %get3A_1894] {strides = array<i32>} : memref<400x128xf32, #tpu.memory_space<vmem>>, vector<1x16xf32>,
        %get3A_1896 = vector.shape_cast %get3A_1895 : vector<1x16xf32> to vector<16xf32>
        %add3A_1897 = arith.addf %add3A_1859, %get3A_1896 : vector<16xf32>
        %add3A_1898 = arith.constant 45 : i32
        %add3A_1899 = arith.addi %mul3A_165, %add3A_1898 : i32
        %add3A_1900 = arith.constant 16 : i32
        %add3A_1901 = arith.addi %squeeze3A_1888, %add3A_1900 : i32
        %get3A_1902 = arith.index_cast %add3A_1899 : i32 to index
        %get3A_1903 = arith.index_cast %add3A_1901 : i32 to index
        %get3A_1904 = tpu.vector_load %arg9[%get3A_1902, %get3A_1903] {strides = array<i32>} : memref<400x128xf32, #tpu.memory_space<vmem>>, vector<1x16xf32>,
        %get3A_1905 = vector.shape_cast %get3A_1904 : vector<1x16xf32> to vector<16xf32>
        %add3A_1906 = arith.addf %add3A_1868, %get3A_1905 : vector<16xf32>
        %add3A_1907 = arith.constant 45 : i32
        %add3A_1908 = arith.addi %mul3A_165, %add3A_1907 : i32
        %add3A_1909 = arith.constant 32 : i32
        %add3A_1910 = arith.addi %squeeze3A_1888, %add3A_1909 : i32
        %get3A_1911 = arith.index_cast %add3A_1908 : i32 to index
        %get3A_1912 = arith.index_cast %add3A_1910 : i32 to index
        %get3A_1913 = tpu.vector_load %arg9[%get3A_1911, %get3A_1912] {strides = array<i32>} : memref<400x128xf32, #tpu.memory_space<vmem>>, vector<1x16xf32>,
        %get3A_1914 = vector.shape_cast %get3A_1913 : vector<1x16xf32> to vector<16xf32>
        %add3A_1915 = arith.addf %add3A_1877, %get3A_1914 : vector<16xf32>
        %add3A_1916 = arith.constant 45 : i32
        %add3A_1917 = arith.addi %mul3A_165, %add3A_1916 : i32
        %add3A_1918 = arith.constant 48 : i32
        %add3A_1919 = arith.addi %squeeze3A_1888, %add3A_1918 : i32
        %get3A_1920 = arith.index_cast %add3A_1917 : i32 to index
        %get3A_1921 = arith.index_cast %add3A_1919 : i32 to index
        %get3A_1922 = tpu.vector_load %arg9[%get3A_1920, %get3A_1921] {strides = array<i32>} : memref<400x128xf32, #tpu.memory_space<vmem>>, vector<1x16xf32>,
        %get3A_1923 = vector.shape_cast %get3A_1922 : vector<1x16xf32> to vector<16xf32>
        %add3A_1924 = arith.addf %add3A_1886, %get3A_1923 : vector<16xf32>
        %slice3A_1925 = vector.extract_strided_slice %get3A_179 {offsets = [14], sizes = [1], strides = [1]} : vector<16xi32> to vector<1xi32>
        %squeeze3A_1926 = vector.extract %slice3A_1925[0] : i32 from vector<1xi32>
        %add3A_1927 = arith.constant 46 : i32
        %add3A_1928 = arith.addi %mul3A_165, %add3A_1927 : i32
        %add3A_1929 = arith.constant 0 : i32
        %add3A_1930 = arith.addi %squeeze3A_1926, %add3A_1929 : i32
        %get3A_1931 = arith.index_cast %add3A_1928 : i32 to index
        %get3A_1932 = arith.index_cast %add3A_1930 : i32 to index
        %get3A_1933 = tpu.vector_load %arg9[%get3A_1931, %get3A_1932] {strides = array<i32>} : memref<400x128xf32, #tpu.memory_space<vmem>>, vector<1x16xf32>,
        %get3A_1934 = vector.shape_cast %get3A_1933 : vector<1x16xf32> to vector<16xf32>
        %add3A_1935 = arith.addf %add3A_1897, %get3A_1934 : vector<16xf32>
        %add3A_1936 = arith.constant 46 : i32
        %add3A_1937 = arith.addi %mul3A_165, %add3A_1936 : i32
        %add3A_1938 = arith.constant 16 : i32
        %add3A_1939 = arith.addi %squeeze3A_1926, %add3A_1938 : i32
        %get3A_1940 = arith.index_cast %add3A_1937 : i32 to index
        %get3A_1941 = arith.index_cast %add3A_1939 : i32 to index
        %get3A_1942 = tpu.vector_load %arg9[%get3A_1940, %get3A_1941] {strides = array<i32>} : memref<400x128xf32, #tpu.memory_space<vmem>>, vector<1x16xf32>,
        %get3A_1943 = vector.shape_cast %get3A_1942 : vector<1x16xf32> to vector<16xf32>
        %add3A_1944 = arith.addf %add3A_1906, %get3A_1943 : vector<16xf32>
        %add3A_1945 = arith.constant 46 : i32
        %add3A_1946 = arith.addi %mul3A_165, %add3A_1945 : i32
        %add3A_1947 = arith.constant 32 : i32
        %add3A_1948 = arith.addi %squeeze3A_1926, %add3A_1947 : i32
        %get3A_1949 = arith.index_cast %add3A_1946 : i32 to index
        %get3A_1950 = arith.index_cast %add3A_1948 : i32 to index
        %get3A_1951 = tpu.vector_load %arg9[%get3A_1949, %get3A_1950] {strides = array<i32>} : memref<400x128xf32, #tpu.memory_space<vmem>>, vector<1x16xf32>,
        %get3A_1952 = vector.shape_cast %get3A_1951 : vector<1x16xf32> to vector<16xf32>
        %add3A_1953 = arith.addf %add3A_1915, %get3A_1952 : vector<16xf32>
        %add3A_1954 = arith.constant 46 : i32
        %add3A_1955 = arith.addi %mul3A_165, %add3A_1954 : i32
        %add3A_1956 = arith.constant 48 : i32
        %add3A_1957 = arith.addi %squeeze3A_1926, %add3A_1956 : i32
        %get3A_1958 = arith.index_cast %add3A_1955 : i32 to index
        %get3A_1959 = arith.index_cast %add3A_1957 : i32 to index
        %get3A_1960 = tpu.vector_load %arg9[%get3A_1958, %get3A_1959] {strides = array<i32>} : memref<400x128xf32, #tpu.memory_space<vmem>>, vector<1x16xf32>,
        %get3A_1961 = vector.shape_cast %get3A_1960 : vector<1x16xf32> to vector<16xf32>
        %add3A_1962 = arith.addf %add3A_1924, %get3A_1961 : vector<16xf32>
        %slice3A_1963 = vector.extract_strided_slice %get3A_179 {offsets = [15], sizes = [1], strides = [1]} : vector<16xi32> to vector<1xi32>
        %squeeze3A_1964 = vector.extract %slice3A_1963[0] : i32 from vector<1xi32>
        %add3A_1965 = arith.constant 47 : i32
        %add3A_1966 = arith.addi %mul3A_165, %add3A_1965 : i32
        %add3A_1967 = arith.constant 0 : i32
        %add3A_1968 = arith.addi %squeeze3A_1964, %add3A_1967 : i32
        %get3A_1969 = arith.index_cast %add3A_1966 : i32 to index
        %get3A_1970 = arith.index_cast %add3A_1968 : i32 to index
        %get3A_1971 = tpu.vector_load %arg9[%get3A_1969, %get3A_1970] {strides = array<i32>} : memref<400x128xf32, #tpu.memory_space<vmem>>, vector<1x16xf32>,
        %get3A_1972 = vector.shape_cast %get3A_1971 : vector<1x16xf32> to vector<16xf32>
        %add3A_1973 = arith.addf %add3A_1935, %get3A_1972 : vector<16xf32>
        %add3A_1974 = arith.constant 47 : i32
        %add3A_1975 = arith.addi %mul3A_165, %add3A_1974 : i32
        %add3A_1976 = arith.constant 16 : i32
        %add3A_1977 = arith.addi %squeeze3A_1964, %add3A_1976 : i32
        %get3A_1978 = arith.index_cast %add3A_1975 : i32 to index
        %get3A_1979 = arith.index_cast %add3A_1977 : i32 to index
        %get3A_1980 = tpu.vector_load %arg9[%get3A_1978, %get3A_1979] {strides = array<i32>} : memref<400x128xf32, #tpu.memory_space<vmem>>, vector<1x16xf32>,
        %get3A_1981 = vector.shape_cast %get3A_1980 : vector<1x16xf32> to vector<16xf32>
        %add3A_1982 = arith.addf %add3A_1944, %get3A_1981 : vector<16xf32>
        %add3A_1983 = arith.constant 47 : i32
        %add3A_1984 = arith.addi %mul3A_165, %add3A_1983 : i32
        %add3A_1985 = arith.constant 32 : i32
        %add3A_1986 = arith.addi %squeeze3A_1964, %add3A_1985 : i32
        %get3A_1987 = arith.index_cast %add3A_1984 : i32 to index
        %get3A_1988 = arith.index_cast %add3A_1986 : i32 to index
        %get3A_1989 = tpu.vector_load %arg9[%get3A_1987, %get3A_1988] {strides = array<i32>} : memref<400x128xf32, #tpu.memory_space<vmem>>, vector<1x16xf32>,
        %get3A_1990 = vector.shape_cast %get3A_1989 : vector<1x16xf32> to vector<16xf32>
        %add3A_1991 = arith.addf %add3A_1953, %get3A_1990 : vector<16xf32>
        %add3A_1992 = arith.constant 47 : i32
        %add3A_1993 = arith.addi %mul3A_165, %add3A_1992 : i32
        %add3A_1994 = arith.constant 48 : i32
        %add3A_1995 = arith.addi %squeeze3A_1964, %add3A_1994 : i32
        %get3A_1996 = arith.index_cast %add3A_1993 : i32 to index
        %get3A_1997 = arith.index_cast %add3A_1995 : i32 to index
        %get3A_1998 = tpu.vector_load %arg9[%get3A_1996, %get3A_1997] {strides = array<i32>} : memref<400x128xf32, #tpu.memory_space<vmem>>, vector<1x16xf32>,
        %get3A_1999 = vector.shape_cast %get3A_1998 : vector<1x16xf32> to vector<16xf32>
        %add3A_2000 = arith.addf %add3A_1962, %get3A_1999 : vector<16xf32>
        %slice3A_2001 = vector.extract_strided_slice %get3A_184 {offsets = [0], sizes = [1], strides = [1]} : vector<16xi32> to vector<1xi32>
        %squeeze3A_2002 = vector.extract %slice3A_2001[0] : i32 from vector<1xi32>
        %add3A_2003 = arith.constant 48 : i32
        %add3A_2004 = arith.addi %mul3A_165, %add3A_2003 : i32
        %add3A_2005 = arith.constant 0 : i32
        %add3A_2006 = arith.addi %squeeze3A_2002, %add3A_2005 : i32
        %get3A_2007 = arith.index_cast %add3A_2004 : i32 to index
        %get3A_2008 = arith.index_cast %add3A_2006 : i32 to index
        %get3A_2009 = tpu.vector_load %arg9[%get3A_2007, %get3A_2008] {strides = array<i32>} : memref<400x128xf32, #tpu.memory_space<vmem>>, vector<1x16xf32>,
        %get3A_2010 = vector.shape_cast %get3A_2009 : vector<1x16xf32> to vector<16xf32>
        %add3A_2011 = arith.addf %add3A_1973, %get3A_2010 : vector<16xf32>
        %add3A_2012 = arith.constant 48 : i32
        %add3A_2013 = arith.addi %mul3A_165, %add3A_2012 : i32
        %add3A_2014 = arith.constant 16 : i32
        %add3A_2015 = arith.addi %squeeze3A_2002, %add3A_2014 : i32
        %get3A_2016 = arith.index_cast %add3A_2013 : i32 to index
        %get3A_2017 = arith.index_cast %add3A_2015 : i32 to index
        %get3A_2018 = tpu.vector_load %arg9[%get3A_2016, %get3A_2017] {strides = array<i32>} : memref<400x128xf32, #tpu.memory_space<vmem>>, vector<1x16xf32>,
        %get3A_2019 = vector.shape_cast %get3A_2018 : vector<1x16xf32> to vector<16xf32>
        %add3A_2020 = arith.addf %add3A_1982, %get3A_2019 : vector<16xf32>
        %add3A_2021 = arith.constant 48 : i32
        %add3A_2022 = arith.addi %mul3A_165, %add3A_2021 : i32
        %add3A_2023 = arith.constant 32 : i32
        %add3A_2024 = arith.addi %squeeze3A_2002, %add3A_2023 : i32
        %get3A_2025 = arith.index_cast %add3A_2022 : i32 to index
        %get3A_2026 = arith.index_cast %add3A_2024 : i32 to index
        %get3A_2027 = tpu.vector_load %arg9[%get3A_2025, %get3A_2026] {strides = array<i32>} : memref<400x128xf32, #tpu.memory_space<vmem>>, vector<1x16xf32>,
        %get3A_2028 = vector.shape_cast %get3A_2027 : vector<1x16xf32> to vector<16xf32>
        %add3A_2029 = arith.addf %add3A_1991, %get3A_2028 : vector<16xf32>
        %add3A_2030 = arith.constant 48 : i32
        %add3A_2031 = arith.addi %mul3A_165, %add3A_2030 : i32
        %add3A_2032 = arith.constant 48 : i32
        %add3A_2033 = arith.addi %squeeze3A_2002, %add3A_2032 : i32
        %get3A_2034 = arith.index_cast %add3A_2031 : i32 to index
        %get3A_2035 = arith.index_cast %add3A_2033 : i32 to index
        %get3A_2036 = tpu.vector_load %arg9[%get3A_2034, %get3A_2035] {strides = array<i32>} : memref<400x128xf32, #tpu.memory_space<vmem>>, vector<1x16xf32>,
        %get3A_2037 = vector.shape_cast %get3A_2036 : vector<1x16xf32> to vector<16xf32>
        %add3A_2038 = arith.addf %add3A_2000, %get3A_2037 : vector<16xf32>
        %slice3A_2039 = vector.extract_strided_slice %get3A_184 {offsets = [1], sizes = [1], strides = [1]} : vector<16xi32> to vector<1xi32>
        %squeeze3A_2040 = vector.extract %slice3A_2039[0] : i32 from vector<1xi32>
        %add3A_2041 = arith.constant 49 : i32
        %add3A_2042 = arith.addi %mul3A_165, %add3A_2041 : i32
        %add3A_2043 = arith.constant 0 : i32
        %add3A_2044 = arith.addi %squeeze3A_2040, %add3A_2043 : i32
        %get3A_2045 = arith.index_cast %add3A_2042 : i32 to index
        %get3A_2046 = arith.index_cast %add3A_2044 : i32 to index
        %get3A_2047 = tpu.vector_load %arg9[%get3A_2045, %get3A_2046] {strides = array<i32>} : memref<400x128xf32, #tpu.memory_space<vmem>>, vector<1x16xf32>,
        %get3A_2048 = vector.shape_cast %get3A_2047 : vector<1x16xf32> to vector<16xf32>
        %add3A_2049 = arith.addf %add3A_2011, %get3A_2048 : vector<16xf32>
        %add3A_2050 = arith.constant 49 : i32
        %add3A_2051 = arith.addi %mul3A_165, %add3A_2050 : i32
        %add3A_2052 = arith.constant 16 : i32
        %add3A_2053 = arith.addi %squeeze3A_2040, %add3A_2052 : i32
        %get3A_2054 = arith.index_cast %add3A_2051 : i32 to index
        %get3A_2055 = arith.index_cast %add3A_2053 : i32 to index
        %get3A_2056 = tpu.vector_load %arg9[%get3A_2054, %get3A_2055] {strides = array<i32>} : memref<400x128xf32, #tpu.memory_space<vmem>>, vector<1x16xf32>,
        %get3A_2057 = vector.shape_cast %get3A_2056 : vector<1x16xf32> to vector<16xf32>
        %add3A_2058 = arith.addf %add3A_2020, %get3A_2057 : vector<16xf32>
        %add3A_2059 = arith.constant 49 : i32
        %add3A_2060 = arith.addi %mul3A_165, %add3A_2059 : i32
        %add3A_2061 = arith.constant 32 : i32
        %add3A_2062 = arith.addi %squeeze3A_2040, %add3A_2061 : i32
        %get3A_2063 = arith.index_cast %add3A_2060 : i32 to index
        %get3A_2064 = arith.index_cast %add3A_2062 : i32 to index
        %get3A_2065 = tpu.vector_load %arg9[%get3A_2063, %get3A_2064] {strides = array<i32>} : memref<400x128xf32, #tpu.memory_space<vmem>>, vector<1x16xf32>,
        %get3A_2066 = vector.shape_cast %get3A_2065 : vector<1x16xf32> to vector<16xf32>
        %add3A_2067 = arith.addf %add3A_2029, %get3A_2066 : vector<16xf32>
        %add3A_2068 = arith.constant 49 : i32
        %add3A_2069 = arith.addi %mul3A_165, %add3A_2068 : i32
        %add3A_2070 = arith.constant 48 : i32
        %add3A_2071 = arith.addi %squeeze3A_2040, %add3A_2070 : i32
        %get3A_2072 = arith.index_cast %add3A_2069 : i32 to index
        %get3A_2073 = arith.index_cast %add3A_2071 : i32 to index
        %get3A_2074 = tpu.vector_load %arg9[%get3A_2072, %get3A_2073] {strides = array<i32>} : memref<400x128xf32, #tpu.memory_space<vmem>>, vector<1x16xf32>,
        %get3A_2075 = vector.shape_cast %get3A_2074 : vector<1x16xf32> to vector<16xf32>
        %add3A_2076 = arith.addf %add3A_2038, %get3A_2075 : vector<16xf32>
        %mul3A_2077 = arith.constant 64 : i32
        %mul3A_2078 = arith.muli %scan3A_163, %mul3A_2077 : i32
        %add3A_2079 = arith.constant 0 : i32
        %add3A_2080 = arith.addi %mul3A_2078, %add3A_2079 : i32
        %swap3A = arith.index_cast %add3A_2080 : i32 to index
        %swap3A_2081 = tpu.vector_load %arg11[%swap3A] {strides = array<i32>} : memref<512xf32, #tpu.memory_space<vmem>>, vector<16xf32>,
        %swap3A_2082 = vector.shape_cast %swap3A_2081 : vector<16xf32> to vector<16xf32>
        %swap3A_2083 = vector.shape_cast %add3A_2049 : vector<16xf32> to vector<16xf32>
        tpu.vector_store %arg11[%swap3A], %swap3A_2083 {strides = array<i32>} : memref<512xf32, #tpu.memory_space<vmem>>, vector<16xf32>,
        %mul3A_2084 = arith.constant 64 : i32
        %mul3A_2085 = arith.muli %scan3A_163, %mul3A_2084 : i32
        %add3A_2086 = arith.constant 16 : i32
        %add3A_2087 = arith.addi %mul3A_2085, %add3A_2086 : i32
        %swap3A_2088 = arith.index_cast %add3A_2087 : i32 to index
        %swap3A_2089 = tpu.vector_load %arg11[%swap3A_2088] {strides = array<i32>} : memref<512xf32, #tpu.memory_space<vmem>>, vector<16xf32>,
        %swap3A_2090 = vector.shape_cast %swap3A_2089 : vector<16xf32> to vector<16xf32>
        %swap3A_2091 = vector.shape_cast %add3A_2058 : vector<16xf32> to vector<16xf32>
        tpu.vector_store %arg11[%swap3A_2088], %swap3A_2091 {strides = array<i32>} : memref<512xf32, #tpu.memory_space<vmem>>, vector<16xf32>,
        %mul3A_2092 = arith.constant 64 : i32
        %mul3A_2093 = arith.muli %scan3A_163, %mul3A_2092 : i32
        %add3A_2094 = arith.constant 32 : i32
        %add3A_2095 = arith.addi %mul3A_2093, %add3A_2094 : i32
        %swap3A_2096 = arith.index_cast %add3A_2095 : i32 to index
        %swap3A_2097 = tpu.vector_load %arg11[%swap3A_2096] {strides = array<i32>} : memref<512xf32, #tpu.memory_space<vmem>>, vector<16xf32>,
        %swap3A_2098 = vector.shape_cast %swap3A_2097 : vector<16xf32> to vector<16xf32>
        %swap3A_2099 = vector.shape_cast %add3A_2067 : vector<16xf32> to vector<16xf32>
        tpu.vector_store %arg11[%swap3A_2096], %swap3A_2099 {strides = array<i32>} : memref<512xf32, #tpu.memory_space<vmem>>, vector<16xf32>,
        %mul3A_2100 = arith.constant 64 : i32
        %mul3A_2101 = arith.muli %scan3A_163, %mul3A_2100 : i32
        %add3A_2102 = arith.constant 48 : i32
        %add3A_2103 = arith.addi %mul3A_2101, %add3A_2102 : i32
        %swap3A_2104 = arith.index_cast %add3A_2103 : i32 to index
        %swap3A_2105 = tpu.vector_load %arg11[%swap3A_2104] {strides = array<i32>} : memref<512xf32, #tpu.memory_space<vmem>>, vector<16xf32>,
        %swap3A_2106 = vector.shape_cast %swap3A_2105 : vector<16xf32> to vector<16xf32>
        %swap3A_2107 = vector.shape_cast %add3A_2076 : vector<16xf32> to vector<16xf32>
        tpu.vector_store %arg11[%swap3A_2104], %swap3A_2107 {strides = array<i32>} : memref<512xf32, #tpu.memory_space<vmem>>, vector<16xf32>,
      }
      %scan3A_127 = arith.constant 8 : i32
      %mul3A_128 = arith.constant 64 : i32
      %mul3A_129 = arith.muli %add3A_121, %mul3A_128 : i32
      "tpu.region"() ({
        %run_scoped3A = tpu.sem_alloc : memref<!tpu.dma_semaphore, #tpu.memory_space<semaphore_mem>>
        %dma_start3A_163 = tpu.memref_slice %arg4[%mul3A_129] : memref<1048576xf32, #tpu.memory_space<hbm>> -> memref<512xf32, #tpu.memory_space<hbm>>
        %dma_start3A_164 = tpu.memref_slice %arg4[%mul3A_129] : memref<1048576xf32, #tpu.memory_space<hbm>> -> memref<512xf32, #tpu.memory_space<hbm>>
        tpu.enqueue_dma source(%arg11 : memref<512xf32, #tpu.memory_space<vmem>>) target(%dma_start3A_164 : memref<512xf32, #tpu.memory_space<hbm>>) target_semaphore(%run_scoped3A : memref<!tpu.dma_semaphore, #tpu.memory_space<semaphore_mem>>)
        %dma_wait3A_165 = tpu.memref_slice %arg4[%mul3A_129] : memref<1048576xf32, #tpu.memory_space<hbm>> -> memref<512xf32, #tpu.memory_space<hbm>>
        %dma_wait3A_166 = tpu.memref_slice %arg4[%mul3A_129] : memref<1048576xf32, #tpu.memory_space<hbm>> -> memref<512xf32, #tpu.memory_space<hbm>>
        tpu.wait_dma2 semaphore(%run_scoped3A : memref<!tpu.dma_semaphore, #tpu.memory_space<semaphore_mem>>) src(%arg11 : memref<512xf32, #tpu.memory_space<vmem>>) dst(%dma_wait3A_166 : memref<512xf32, #tpu.memory_space<hbm>>)
        tpu.yield
      }) : () -> ()
      %add3A_130 = arith.constant 2 : i32
      %add3A_131 = arith.addi %mul3A_64, %add3A_130 : i32
      %lt3A_132 = arith.constant 64 : i32
      %lt3A_133 = arith.cmpi slt, %add3A_131, %lt3A_132 : i32
      %convert_element_type3A_134 = arith.extui %lt3A_133 : i1 to i32
      %cond3A_135 = arith.constant 0 : i32
      %cond3A_136 = arith.cmpi ne, %convert_element_type3A_134, %cond3A_135 : i32
      scf.if %cond3A_136 {
        %add3A_163 = arith.constant 0 : i32
        %add3A_164 = arith.addi %mul3A_2, %add3A_163 : i32
        %mul3A_165 = arith.constant 50 : i32
        %mul3A_166 = arith.muli %add3A_164, %mul3A_165 : i32
        %dma_wait3A_167 = tpu.memref_slice %arg3[%mul3A_166] : memref<819200xi32, #tpu.memory_space<hbm>> -> memref<400xi32, #tpu.memory_space<hbm>>
        %dma_wait3A_168 = tpu.memref_slice %arg3[%mul3A_166] : memref<819200xi32, #tpu.memory_space<hbm>> -> memref<400xi32, #tpu.memory_space<hbm>>
        tpu.wait_dma2 semaphore(%arg14 : memref<!tpu.dma_semaphore, #tpu.memory_space<semaphore_mem>>) src(%dma_wait3A_168 : memref<400xi32, #tpu.memory_space<hbm>>) dst(%arg5 : memref<400xi32, #tpu.memory_space<vmem>>)
        %scan3A_169 = arith.constant 0 : i32
        %scan3A_170 = arith.constant 0 : i32
        %scan3A_171 = arith.constant 25 : i32
        %scan3A_172 = arith.addi %scan3A_170, %scan3A_171 : i32
        %scan3A_173 = arith.constant 1 : i32
        scf.for %scan3A_207 = %scan3A_170 to %scan3A_172 step %scan3A_173  : i32 {
          %mul3A_208 = arith.constant 16 : i32
          %mul3A_209 = arith.muli %scan3A_207, %mul3A_208 : i32
          %get3A = arith.index_cast %mul3A_209 : i32 to index
          %get3A_210 = tpu.vector_load %arg5[%get3A] {strides = array<i32>} : memref<400xi32, #tpu.memory_space<vmem>>, vector<16xi32>,
          %get3A_211 = vector.shape_cast %get3A_210 : vector<16xi32> to vector<16xi32>
          %ge3A = arith.constant 503808 : i32
          %ge3A_212 = vector.broadcast %ge3A : i32 to vector<16xi32>
          %ge3A_213 = arith.cmpi sge, %get3A_211, %ge3A_212 : vector<16xi32>
          %sub3A = arith.constant 503808 : i32
          %sub3A_214 = vector.broadcast %sub3A : i32 to vector<16xi32>
          %sub3A_215 = arith.subi %get3A_211, %sub3A_214 : vector<16xi32>
          %select_n3A = arith.select %ge3A_213, %sub3A_215, %get3A_211 : vector<16xi1>, vector<16xi32>
          %mul3A_216 = arith.constant 16 : i32
          %mul3A_217 = arith.muli %scan3A_207, %mul3A_216 : i32
          %swap3A = arith.index_cast %mul3A_217 : i32 to index
          %swap3A_218 = tpu.vector_load %arg5[%swap3A] {strides = array<i32>} : memref<400xi32, #tpu.memory_space<vmem>>, vector<16xi32>,
          %swap3A_219 = vector.shape_cast %swap3A_218 : vector<16xi32> to vector<16xi32>
          %swap3A_220 = vector.shape_cast %select_n3A : vector<16xi32> to vector<16xi32>
          tpu.vector_store %arg5[%swap3A], %swap3A_220 {strides = array<i32>} : memref<400xi32, #tpu.memory_space<vmem>>, vector<16xi32>,
          %jit3A = arith.constant 64 : i32
          %jit3A_221 = arith.constant 0 : i32
          %broadcast_in_dim3A = vector.broadcast %jit3A : i32 to vector<16xi32>
          %broadcast_in_dim3A_222 = vector.broadcast %jit3A_221 : i32 to vector<16xi32>
          %select_n3A_223 = arith.select %ge3A_213, %broadcast_in_dim3A, %broadcast_in_dim3A_222 : vector<16xi1>, vector<16xi32>
          %mul3A_224 = arith.constant 16 : i32
          %mul3A_225 = arith.muli %scan3A_207, %mul3A_224 : i32
          %swap3A_226 = arith.index_cast %mul3A_225 : i32 to index
          %swap3A_227 = tpu.vector_load %arg7[%swap3A_226] {strides = array<i32>} : memref<416xi32, #tpu.memory_space<vmem>>, vector<16xi32>,
          %swap3A_228 = vector.shape_cast %swap3A_227 : vector<16xi32> to vector<16xi32>
          %swap3A_229 = vector.shape_cast %select_n3A_223 : vector<16xi32> to vector<16xi32>
          tpu.vector_store %arg7[%swap3A_226], %swap3A_229 {strides = array<i32>} : memref<416xi32, #tpu.memory_space<vmem>>, vector<16xi32>,
        }
        %scan3A_174 = arith.constant 25 : i32
        %dma_start3A_175 = arith.constant 0 : i32
        %dma_start3A_176 = arith.constant 0 : i32
        %dma_start3A_177 = tpu.memref_slice %arg9[%dma_start3A_175, %dma_start3A_176] : memref<400x128xf32, #tpu.memory_space<vmem>> -> memref<128x128xf32, #tpu.memory_space<vmem>>
        %dma_start3A_178 = arith.constant 0 : i32
        %dma_start3A_179 = tpu.memref_slice %arg5[%dma_start3A_178] : memref<400xi32, #tpu.memory_space<vmem>> -> memref<128xi32, #tpu.memory_space<vmem>>
        %dma_start3A_180 = arith.constant 0 : i32
        %dma_start3A_181 = arith.constant 0 : i32
        %dma_start3A_182 = tpu.memref_slice %arg2[%dma_start3A_180, %dma_start3A_181] : memref<503808x128xf32, #tpu.memory_space<hbm>> -> memref<503808x128xf32, #tpu.memory_space<hbm>>
        tpu.enqueue_indirect_dma source(%dma_start3A_182 : memref<503808x128xf32, #tpu.memory_space<hbm>>) target(%dma_start3A_177 : memref<128x128xf32, #tpu.memory_space<vmem>>) offsets(%dma_start3A_179 : memref<128xi32, #tpu.memory_space<vmem>>) semaphore(%arg12 : memref<!tpu.dma_semaphore, #tpu.memory_space<semaphore_mem>>)
        %dma_start3A_183 = arith.constant 128 : i32
        %dma_start3A_184 = arith.constant 0 : i32
        %dma_start3A_185 = tpu.memref_slice %arg9[%dma_start3A_183, %dma_start3A_184] : memref<400x128xf32, #tpu.memory_space<vmem>> -> memref<128x128xf32, #tpu.memory_space<vmem>>
        %dma_start3A_186 = arith.constant 128 : i32
        %dma_start3A_187 = tpu.memref_slice %arg5[%dma_start3A_186] : memref<400xi32, #tpu.memory_space<vmem>> -> memref<128xi32, #tpu.memory_space<vmem>>
        %dma_start3A_188 = arith.constant 0 : i32
        %dma_start3A_189 = arith.constant 0 : i32
        %dma_start3A_190 = tpu.memref_slice %arg2[%dma_start3A_188, %dma_start3A_189] : memref<503808x128xf32, #tpu.memory_space<hbm>> -> memref<503808x128xf32, #tpu.memory_space<hbm>>
        tpu.enqueue_indirect_dma source(%dma_start3A_190 : memref<503808x128xf32, #tpu.memory_space<hbm>>) target(%dma_start3A_185 : memref<128x128xf32, #tpu.memory_space<vmem>>) offsets(%dma_start3A_187 : memref<128xi32, #tpu.memory_space<vmem>>) semaphore(%arg12 : memref<!tpu.dma_semaphore, #tpu.memory_space<semaphore_mem>>)
        %dma_start3A_191 = arith.constant 256 : i32
        %dma_start3A_192 = arith.constant 0 : i32
        %dma_start3A_193 = tpu.memref_slice %arg9[%dma_start3A_191, %dma_start3A_192] : memref<400x128xf32, #tpu.memory_space<vmem>> -> memref<128x128xf32, #tpu.memory_space<vmem>>
        %dma_start3A_194 = arith.constant 256 : i32
        %dma_start3A_195 = tpu.memref_slice %arg5[%dma_start3A_194] : memref<400xi32, #tpu.memory_space<vmem>> -> memref<128xi32, #tpu.memory_space<vmem>>
        %dma_start3A_196 = arith.constant 0 : i32
        %dma_start3A_197 = arith.constant 0 : i32
        %dma_start3A_198 = tpu.memref_slice %arg2[%dma_start3A_196, %dma_start3A_197] : memref<503808x128xf32, #tpu.memory_space<hbm>> -> memref<503808x128xf32, #tpu.memory_space<hbm>>
        tpu.enqueue_indirect_dma source(%dma_start3A_198 : memref<503808x128xf32, #tpu.memory_space<hbm>>) target(%dma_start3A_193 : memref<128x128xf32, #tpu.memory_space<vmem>>) offsets(%dma_start3A_195 : memref<128xi32, #tpu.memory_space<vmem>>) semaphore(%arg12 : memref<!tpu.dma_semaphore, #tpu.memory_space<semaphore_mem>>)
        %dma_start3A_199 = arith.constant 384 : i32
        %dma_start3A_200 = arith.constant 0 : i32
        %dma_start3A_201 = tpu.memref_slice %arg9[%dma_start3A_199, %dma_start3A_200] : memref<400x128xf32, #tpu.memory_space<vmem>> -> memref<16x128xf32, #tpu.memory_space<vmem>>
        %dma_start3A_202 = arith.constant 384 : i32
        %dma_start3A_203 = tpu.memref_slice %arg5[%dma_start3A_202] : memref<400xi32, #tpu.memory_space<vmem>> -> memref<16xi32, #tpu.memory_space<vmem>>
        %dma_start3A_204 = arith.constant 0 : i32
        %dma_start3A_205 = arith.constant 0 : i32
        %dma_start3A_206 = tpu.memref_slice %arg2[%dma_start3A_204, %dma_start3A_205] : memref<503808x128xf32, #tpu.memory_space<hbm>> -> memref<503808x128xf32, #tpu.memory_space<hbm>>
        tpu.enqueue_indirect_dma source(%dma_start3A_206 : memref<503808x128xf32, #tpu.memory_space<hbm>>) target(%dma_start3A_201 : memref<16x128xf32, #tpu.memory_space<vmem>>) offsets(%dma_start3A_203 : memref<16xi32, #tpu.memory_space<vmem>>) semaphore(%arg12 : memref<!tpu.dma_semaphore, #tpu.memory_space<semaphore_mem>>)
      } else {
      }
      %dma_wait3A_137 = arith.constant 0 : i32
      %dma_wait3A_138 = arith.constant 0 : i32
      %dma_wait3A_139 = tpu.memref_slice %arg2[%dma_wait3A_137, %dma_wait3A_138] : memref<503808x128xf32, #tpu.memory_space<hbm>> -> memref<400x128xf32, #tpu.memory_space<hbm>>
      %dma_wait3A_140 = arith.constant 0 : i32
      %dma_wait3A_141 = arith.constant 0 : i32
      %dma_wait3A_142 = tpu.memref_slice %arg2[%dma_wait3A_140, %dma_wait3A_141] : memref<503808x128xf32, #tpu.memory_space<hbm>> -> memref<400x128xf32, #tpu.memory_space<hbm>>
      tpu.wait_dma2 semaphore(%arg13 : memref<!tpu.dma_semaphore, #tpu.memory_space<semaphore_mem>>) src(%dma_wait3A_142 : memref<400x128xf32, #tpu.memory_space<hbm>>) dst(%arg10 : memref<400x128xf32, #tpu.memory_space<vmem>>)
      %add3A_143 = arith.constant 3 : i32
      %add3A_144 = arith.addi %mul3A_64, %add3A_143 : i32
      %lt3A_145 = arith.constant 64 : i32
      %lt3A_146 = arith.cmpi slt, %add3A_144, %lt3A_145 : i32
      %convert_element_type3A_147 = arith.extui %lt3A_146 : i1 to i32
      %cond3A_148 = arith.constant 0 : i32
      %cond3A_149 = arith.cmpi ne, %convert_element_type3A_147, %cond3A_148 : i32
      scf.if %cond3A_149 {
        %add3A_163 = arith.constant 3 : i32
        %add3A_164 = arith.addi %mul3A_64, %add3A_163 : i32
        %mul3A_165 = arith.constant 8 : i32
        %mul3A_166 = arith.muli %add3A_164, %mul3A_165 : i32
        %add3A_167 = arith.addi %mul3A_2, %mul3A_166 : i32
        %mul3A_168 = arith.constant 50 : i32
        %mul3A_169 = arith.muli %add3A_167, %mul3A_168 : i32
        %dma_start3A_170 = tpu.memref_slice %arg3[%mul3A_169] : memref<819200xi32, #tpu.memory_space<hbm>> -> memref<400xi32, #tpu.memory_space<hbm>>
        %dma_start3A_171 = tpu.memref_slice %arg3[%mul3A_169] : memref<819200xi32, #tpu.memory_space<hbm>> -> memref<400xi32, #tpu.memory_space<hbm>>
        tpu.enqueue_dma source(%dma_start3A_171 : memref<400xi32, #tpu.memory_space<hbm>>) target(%arg6 : memref<400xi32, #tpu.memory_space<vmem>>) target_semaphore(%arg15 : memref<!tpu.dma_semaphore, #tpu.memory_space<semaphore_mem>>)
      } else {
      }
      %add3A_150 = arith.constant 1 : i32
      %add3A_151 = arith.addi %mul3A_64, %add3A_150 : i32
      %mul3A_152 = arith.constant 8 : i32
      %mul3A_153 = arith.muli %add3A_151, %mul3A_152 : i32
      %add3A_154 = arith.addi %mul3A_2, %mul3A_153 : i32
      %scan3A_155 = arith.constant 0 : i32
      %scan3A_156 = arith.constant 0 : i32
      %scan3A_157 = arith.constant 8 : i32
      %scan3A_158 = arith.addi %scan3A_156, %scan3A_157 : i32
      %scan3A_159 = arith.constant 1 : i32
      scf.for %scan3A_163 = %scan3A_156 to %scan3A_158 step %scan3A_159  : i32 {
        %mul3A_164 = arith.constant 50 : i32
        %mul3A_165 = arith.muli %scan3A_163, %mul3A_164 : i32
        %add3A_166 = arith.constant 0 : i32
        %add3A_167 = arith.addi %mul3A_165, %add3A_166 : i32
        %get3A = arith.index_cast %add3A_167 : i32 to index
        %get3A_168 = tpu.vector_load %arg8[%get3A] {strides = array<i32>} : memref<416xi32, #tpu.memory_space<vmem>>, vector<16xi32>,
        %get3A_169 = vector.shape_cast %get3A_168 : vector<16xi32> to vector<16xi32>
        %add3A_170 = arith.constant 16 : i32
        %add3A_171 = arith.addi %mul3A_165, %add3A_170 : i32
        %get3A_172 = arith.index_cast %add3A_171 : i32 to index
        %get3A_173 = tpu.vector_load %arg8[%get3A_172] {strides = array<i32>} : memref<416xi32, #tpu.memory_space<vmem>>, vector<16xi32>,
        %get3A_174 = vector.shape_cast %get3A_173 : vector<16xi32> to vector<16xi32>
        %add3A_175 = arith.constant 32 : i32
        %add3A_176 = arith.addi %mul3A_165, %add3A_175 : i32
        %get3A_177 = arith.index_cast %add3A_176 : i32 to index
        %get3A_178 = tpu.vector_load %arg8[%get3A_177] {strides = array<i32>} : memref<416xi32, #tpu.memory_space<vmem>>, vector<16xi32>,
        %get3A_179 = vector.shape_cast %get3A_178 : vector<16xi32> to vector<16xi32>
        %add3A_180 = arith.constant 48 : i32
        %add3A_181 = arith.addi %mul3A_165, %add3A_180 : i32
        %get3A_182 = arith.index_cast %add3A_181 : i32 to index
        %get3A_183 = tpu.vector_load %arg8[%get3A_182] {strides = array<i32>} : memref<416xi32, #tpu.memory_space<vmem>>, vector<16xi32>,
        %get3A_184 = vector.shape_cast %get3A_183 : vector<16xi32> to vector<16xi32>
        %slice3A = vector.extract_strided_slice %get3A_169 {offsets = [0], sizes = [1], strides = [1]} : vector<16xi32> to vector<1xi32>
        %squeeze3A = vector.extract %slice3A[0] : i32 from vector<1xi32>
        %add3A_185 = arith.constant 0 : i32
        %add3A_186 = arith.addi %squeeze3A, %add3A_185 : i32
        %get3A_187 = arith.index_cast %mul3A_165 : i32 to index
        %get3A_188 = arith.index_cast %add3A_186 : i32 to index
        %get3A_189 = tpu.vector_load %arg10[%get3A_187, %get3A_188] {strides = array<i32>} : memref<400x128xf32, #tpu.memory_space<vmem>>, vector<1x16xf32>,
        %get3A_190 = vector.shape_cast %get3A_189 : vector<1x16xf32> to vector<16xf32>
        %slice3A_191 = vector.extract_strided_slice %get3A_169 {offsets = [0], sizes = [1], strides = [1]} : vector<16xi32> to vector<1xi32>
        %squeeze3A_192 = vector.extract %slice3A_191[0] : i32 from vector<1xi32>
        %add3A_193 = arith.constant 16 : i32
        %add3A_194 = arith.addi %squeeze3A_192, %add3A_193 : i32
        %get3A_195 = arith.index_cast %mul3A_165 : i32 to index
        %get3A_196 = arith.index_cast %add3A_194 : i32 to index
        %get3A_197 = tpu.vector_load %arg10[%get3A_195, %get3A_196] {strides = array<i32>} : memref<400x128xf32, #tpu.memory_space<vmem>>, vector<1x16xf32>,
        %get3A_198 = vector.shape_cast %get3A_197 : vector<1x16xf32> to vector<16xf32>
        %slice3A_199 = vector.extract_strided_slice %get3A_169 {offsets = [0], sizes = [1], strides = [1]} : vector<16xi32> to vector<1xi32>
        %squeeze3A_200 = vector.extract %slice3A_199[0] : i32 from vector<1xi32>
        %add3A_201 = arith.constant 32 : i32
        %add3A_202 = arith.addi %squeeze3A_200, %add3A_201 : i32
        %get3A_203 = arith.index_cast %mul3A_165 : i32 to index
        %get3A_204 = arith.index_cast %add3A_202 : i32 to index
        %get3A_205 = tpu.vector_load %arg10[%get3A_203, %get3A_204] {strides = array<i32>} : memref<400x128xf32, #tpu.memory_space<vmem>>, vector<1x16xf32>,
        %get3A_206 = vector.shape_cast %get3A_205 : vector<1x16xf32> to vector<16xf32>
        %slice3A_207 = vector.extract_strided_slice %get3A_169 {offsets = [0], sizes = [1], strides = [1]} : vector<16xi32> to vector<1xi32>
        %squeeze3A_208 = vector.extract %slice3A_207[0] : i32 from vector<1xi32>
        %add3A_209 = arith.constant 48 : i32
        %add3A_210 = arith.addi %squeeze3A_208, %add3A_209 : i32
        %get3A_211 = arith.index_cast %mul3A_165 : i32 to index
        %get3A_212 = arith.index_cast %add3A_210 : i32 to index
        %get3A_213 = tpu.vector_load %arg10[%get3A_211, %get3A_212] {strides = array<i32>} : memref<400x128xf32, #tpu.memory_space<vmem>>, vector<1x16xf32>,
        %get3A_214 = vector.shape_cast %get3A_213 : vector<1x16xf32> to vector<16xf32>
        %slice3A_215 = vector.extract_strided_slice %get3A_169 {offsets = [1], sizes = [1], strides = [1]} : vector<16xi32> to vector<1xi32>
        %squeeze3A_216 = vector.extract %slice3A_215[0] : i32 from vector<1xi32>
        %add3A_217 = arith.constant 1 : i32
        %add3A_218 = arith.addi %mul3A_165, %add3A_217 : i32
        %add3A_219 = arith.constant 0 : i32
        %add3A_220 = arith.addi %squeeze3A_216, %add3A_219 : i32
        %get3A_221 = arith.index_cast %add3A_218 : i32 to index
        %get3A_222 = arith.index_cast %add3A_220 : i32 to index
        %get3A_223 = tpu.vector_load %arg10[%get3A_221, %get3A_222] {strides = array<i32>} : memref<400x128xf32, #tpu.memory_space<vmem>>, vector<1x16xf32>,
        %get3A_224 = vector.shape_cast %get3A_223 : vector<1x16xf32> to vector<16xf32>
        %add3A_225 = arith.addf %get3A_190, %get3A_224 : vector<16xf32>
        %add3A_226 = arith.constant 1 : i32
        %add3A_227 = arith.addi %mul3A_165, %add3A_226 : i32
        %add3A_228 = arith.constant 16 : i32
        %add3A_229 = arith.addi %squeeze3A_216, %add3A_228 : i32
        %get3A_230 = arith.index_cast %add3A_227 : i32 to index
        %get3A_231 = arith.index_cast %add3A_229 : i32 to index
        %get3A_232 = tpu.vector_load %arg10[%get3A_230, %get3A_231] {strides = array<i32>} : memref<400x128xf32, #tpu.memory_space<vmem>>, vector<1x16xf32>,
        %get3A_233 = vector.shape_cast %get3A_232 : vector<1x16xf32> to vector<16xf32>
        %add3A_234 = arith.addf %get3A_198, %get3A_233 : vector<16xf32>
        %add3A_235 = arith.constant 1 : i32
        %add3A_236 = arith.addi %mul3A_165, %add3A_235 : i32
        %add3A_237 = arith.constant 32 : i32
        %add3A_238 = arith.addi %squeeze3A_216, %add3A_237 : i32
        %get3A_239 = arith.index_cast %add3A_236 : i32 to index
        %get3A_240 = arith.index_cast %add3A_238 : i32 to index
        %get3A_241 = tpu.vector_load %arg10[%get3A_239, %get3A_240] {strides = array<i32>} : memref<400x128xf32, #tpu.memory_space<vmem>>, vector<1x16xf32>,
        %get3A_242 = vector.shape_cast %get3A_241 : vector<1x16xf32> to vector<16xf32>
        %add3A_243 = arith.addf %get3A_206, %get3A_242 : vector<16xf32>
        %add3A_244 = arith.constant 1 : i32
        %add3A_245 = arith.addi %mul3A_165, %add3A_244 : i32
        %add3A_246 = arith.constant 48 : i32
        %add3A_247 = arith.addi %squeeze3A_216, %add3A_246 : i32
        %get3A_248 = arith.index_cast %add3A_245 : i32 to index
        %get3A_249 = arith.index_cast %add3A_247 : i32 to index
        %get3A_250 = tpu.vector_load %arg10[%get3A_248, %get3A_249] {strides = array<i32>} : memref<400x128xf32, #tpu.memory_space<vmem>>, vector<1x16xf32>,
        %get3A_251 = vector.shape_cast %get3A_250 : vector<1x16xf32> to vector<16xf32>
        %add3A_252 = arith.addf %get3A_214, %get3A_251 : vector<16xf32>
        %slice3A_253 = vector.extract_strided_slice %get3A_169 {offsets = [2], sizes = [1], strides = [1]} : vector<16xi32> to vector<1xi32>
        %squeeze3A_254 = vector.extract %slice3A_253[0] : i32 from vector<1xi32>
        %add3A_255 = arith.constant 2 : i32
        %add3A_256 = arith.addi %mul3A_165, %add3A_255 : i32
        %add3A_257 = arith.constant 0 : i32
        %add3A_258 = arith.addi %squeeze3A_254, %add3A_257 : i32
        %get3A_259 = arith.index_cast %add3A_256 : i32 to index
        %get3A_260 = arith.index_cast %add3A_258 : i32 to index
        %get3A_261 = tpu.vector_load %arg10[%get3A_259, %get3A_260] {strides = array<i32>} : memref<400x128xf32, #tpu.memory_space<vmem>>, vector<1x16xf32>,
        %get3A_262 = vector.shape_cast %get3A_261 : vector<1x16xf32> to vector<16xf32>
        %add3A_263 = arith.addf %add3A_225, %get3A_262 : vector<16xf32>
        %add3A_264 = arith.constant 2 : i32
        %add3A_265 = arith.addi %mul3A_165, %add3A_264 : i32
        %add3A_266 = arith.constant 16 : i32
        %add3A_267 = arith.addi %squeeze3A_254, %add3A_266 : i32
        %get3A_268 = arith.index_cast %add3A_265 : i32 to index
        %get3A_269 = arith.index_cast %add3A_267 : i32 to index
        %get3A_270 = tpu.vector_load %arg10[%get3A_268, %get3A_269] {strides = array<i32>} : memref<400x128xf32, #tpu.memory_space<vmem>>, vector<1x16xf32>,
        %get3A_271 = vector.shape_cast %get3A_270 : vector<1x16xf32> to vector<16xf32>
        %add3A_272 = arith.addf %add3A_234, %get3A_271 : vector<16xf32>
        %add3A_273 = arith.constant 2 : i32
        %add3A_274 = arith.addi %mul3A_165, %add3A_273 : i32
        %add3A_275 = arith.constant 32 : i32
        %add3A_276 = arith.addi %squeeze3A_254, %add3A_275 : i32
        %get3A_277 = arith.index_cast %add3A_274 : i32 to index
        %get3A_278 = arith.index_cast %add3A_276 : i32 to index
        %get3A_279 = tpu.vector_load %arg10[%get3A_277, %get3A_278] {strides = array<i32>} : memref<400x128xf32, #tpu.memory_space<vmem>>, vector<1x16xf32>,
        %get3A_280 = vector.shape_cast %get3A_279 : vector<1x16xf32> to vector<16xf32>
        %add3A_281 = arith.addf %add3A_243, %get3A_280 : vector<16xf32>
        %add3A_282 = arith.constant 2 : i32
        %add3A_283 = arith.addi %mul3A_165, %add3A_282 : i32
        %add3A_284 = arith.constant 48 : i32
        %add3A_285 = arith.addi %squeeze3A_254, %add3A_284 : i32
        %get3A_286 = arith.index_cast %add3A_283 : i32 to index
        %get3A_287 = arith.index_cast %add3A_285 : i32 to index
        %get3A_288 = tpu.vector_load %arg10[%get3A_286, %get3A_287] {strides = array<i32>} : memref<400x128xf32, #tpu.memory_space<vmem>>, vector<1x16xf32>,
        %get3A_289 = vector.shape_cast %get3A_288 : vector<1x16xf32> to vector<16xf32>
        %add3A_290 = arith.addf %add3A_252, %get3A_289 : vector<16xf32>
        %slice3A_291 = vector.extract_strided_slice %get3A_169 {offsets = [3], sizes = [1], strides = [1]} : vector<16xi32> to vector<1xi32>
        %squeeze3A_292 = vector.extract %slice3A_291[0] : i32 from vector<1xi32>
        %add3A_293 = arith.constant 3 : i32
        %add3A_294 = arith.addi %mul3A_165, %add3A_293 : i32
        %add3A_295 = arith.constant 0 : i32
        %add3A_296 = arith.addi %squeeze3A_292, %add3A_295 : i32
        %get3A_297 = arith.index_cast %add3A_294 : i32 to index
        %get3A_298 = arith.index_cast %add3A_296 : i32 to index
        %get3A_299 = tpu.vector_load %arg10[%get3A_297, %get3A_298] {strides = array<i32>} : memref<400x128xf32, #tpu.memory_space<vmem>>, vector<1x16xf32>,
        %get3A_300 = vector.shape_cast %get3A_299 : vector<1x16xf32> to vector<16xf32>
        %add3A_301 = arith.addf %add3A_263, %get3A_300 : vector<16xf32>
        %add3A_302 = arith.constant 3 : i32
        %add3A_303 = arith.addi %mul3A_165, %add3A_302 : i32
        %add3A_304 = arith.constant 16 : i32
        %add3A_305 = arith.addi %squeeze3A_292, %add3A_304 : i32
        %get3A_306 = arith.index_cast %add3A_303 : i32 to index
        %get3A_307 = arith.index_cast %add3A_305 : i32 to index
        %get3A_308 = tpu.vector_load %arg10[%get3A_306, %get3A_307] {strides = array<i32>} : memref<400x128xf32, #tpu.memory_space<vmem>>, vector<1x16xf32>,
        %get3A_309 = vector.shape_cast %get3A_308 : vector<1x16xf32> to vector<16xf32>
        %add3A_310 = arith.addf %add3A_272, %get3A_309 : vector<16xf32>
        %add3A_311 = arith.constant 3 : i32
        %add3A_312 = arith.addi %mul3A_165, %add3A_311 : i32
        %add3A_313 = arith.constant 32 : i32
        %add3A_314 = arith.addi %squeeze3A_292, %add3A_313 : i32
        %get3A_315 = arith.index_cast %add3A_312 : i32 to index
        %get3A_316 = arith.index_cast %add3A_314 : i32 to index
        %get3A_317 = tpu.vector_load %arg10[%get3A_315, %get3A_316] {strides = array<i32>} : memref<400x128xf32, #tpu.memory_space<vmem>>, vector<1x16xf32>,
        %get3A_318 = vector.shape_cast %get3A_317 : vector<1x16xf32> to vector<16xf32>
        %add3A_319 = arith.addf %add3A_281, %get3A_318 : vector<16xf32>
        %add3A_320 = arith.constant 3 : i32
        %add3A_321 = arith.addi %mul3A_165, %add3A_320 : i32
        %add3A_322 = arith.constant 48 : i32
        %add3A_323 = arith.addi %squeeze3A_292, %add3A_322 : i32
        %get3A_324 = arith.index_cast %add3A_321 : i32 to index
        %get3A_325 = arith.index_cast %add3A_323 : i32 to index
        %get3A_326 = tpu.vector_load %arg10[%get3A_324, %get3A_325] {strides = array<i32>} : memref<400x128xf32, #tpu.memory_space<vmem>>, vector<1x16xf32>,
        %get3A_327 = vector.shape_cast %get3A_326 : vector<1x16xf32> to vector<16xf32>
        %add3A_328 = arith.addf %add3A_290, %get3A_327 : vector<16xf32>
        %slice3A_329 = vector.extract_strided_slice %get3A_169 {offsets = [4], sizes = [1], strides = [1]} : vector<16xi32> to vector<1xi32>
        %squeeze3A_330 = vector.extract %slice3A_329[0] : i32 from vector<1xi32>
        %add3A_331 = arith.constant 4 : i32
        %add3A_332 = arith.addi %mul3A_165, %add3A_331 : i32
        %add3A_333 = arith.constant 0 : i32
        %add3A_334 = arith.addi %squeeze3A_330, %add3A_333 : i32
        %get3A_335 = arith.index_cast %add3A_332 : i32 to index
        %get3A_336 = arith.index_cast %add3A_334 : i32 to index
        %get3A_337 = tpu.vector_load %arg10[%get3A_335, %get3A_336] {strides = array<i32>} : memref<400x128xf32, #tpu.memory_space<vmem>>, vector<1x16xf32>,
        %get3A_338 = vector.shape_cast %get3A_337 : vector<1x16xf32> to vector<16xf32>
        %add3A_339 = arith.addf %add3A_301, %get3A_338 : vector<16xf32>
        %add3A_340 = arith.constant 4 : i32
        %add3A_341 = arith.addi %mul3A_165, %add3A_340 : i32
        %add3A_342 = arith.constant 16 : i32
        %add3A_343 = arith.addi %squeeze3A_330, %add3A_342 : i32
        %get3A_344 = arith.index_cast %add3A_341 : i32 to index
        %get3A_345 = arith.index_cast %add3A_343 : i32 to index
        %get3A_346 = tpu.vector_load %arg10[%get3A_344, %get3A_345] {strides = array<i32>} : memref<400x128xf32, #tpu.memory_space<vmem>>, vector<1x16xf32>,
        %get3A_347 = vector.shape_cast %get3A_346 : vector<1x16xf32> to vector<16xf32>
        %add3A_348 = arith.addf %add3A_310, %get3A_347 : vector<16xf32>
        %add3A_349 = arith.constant 4 : i32
        %add3A_350 = arith.addi %mul3A_165, %add3A_349 : i32
        %add3A_351 = arith.constant 32 : i32
        %add3A_352 = arith.addi %squeeze3A_330, %add3A_351 : i32
        %get3A_353 = arith.index_cast %add3A_350 : i32 to index
        %get3A_354 = arith.index_cast %add3A_352 : i32 to index
        %get3A_355 = tpu.vector_load %arg10[%get3A_353, %get3A_354] {strides = array<i32>} : memref<400x128xf32, #tpu.memory_space<vmem>>, vector<1x16xf32>,
        %get3A_356 = vector.shape_cast %get3A_355 : vector<1x16xf32> to vector<16xf32>
        %add3A_357 = arith.addf %add3A_319, %get3A_356 : vector<16xf32>
        %add3A_358 = arith.constant 4 : i32
        %add3A_359 = arith.addi %mul3A_165, %add3A_358 : i32
        %add3A_360 = arith.constant 48 : i32
        %add3A_361 = arith.addi %squeeze3A_330, %add3A_360 : i32
        %get3A_362 = arith.index_cast %add3A_359 : i32 to index
        %get3A_363 = arith.index_cast %add3A_361 : i32 to index
        %get3A_364 = tpu.vector_load %arg10[%get3A_362, %get3A_363] {strides = array<i32>} : memref<400x128xf32, #tpu.memory_space<vmem>>, vector<1x16xf32>,
        %get3A_365 = vector.shape_cast %get3A_364 : vector<1x16xf32> to vector<16xf32>
        %add3A_366 = arith.addf %add3A_328, %get3A_365 : vector<16xf32>
        %slice3A_367 = vector.extract_strided_slice %get3A_169 {offsets = [5], sizes = [1], strides = [1]} : vector<16xi32> to vector<1xi32>
        %squeeze3A_368 = vector.extract %slice3A_367[0] : i32 from vector<1xi32>
        %add3A_369 = arith.constant 5 : i32
        %add3A_370 = arith.addi %mul3A_165, %add3A_369 : i32
        %add3A_371 = arith.constant 0 : i32
        %add3A_372 = arith.addi %squeeze3A_368, %add3A_371 : i32
        %get3A_373 = arith.index_cast %add3A_370 : i32 to index
        %get3A_374 = arith.index_cast %add3A_372 : i32 to index
        %get3A_375 = tpu.vector_load %arg10[%get3A_373, %get3A_374] {strides = array<i32>} : memref<400x128xf32, #tpu.memory_space<vmem>>, vector<1x16xf32>,
        %get3A_376 = vector.shape_cast %get3A_375 : vector<1x16xf32> to vector<16xf32>
        %add3A_377 = arith.addf %add3A_339, %get3A_376 : vector<16xf32>
        %add3A_378 = arith.constant 5 : i32
        %add3A_379 = arith.addi %mul3A_165, %add3A_378 : i32
        %add3A_380 = arith.constant 16 : i32
        %add3A_381 = arith.addi %squeeze3A_368, %add3A_380 : i32
        %get3A_382 = arith.index_cast %add3A_379 : i32 to index
        %get3A_383 = arith.index_cast %add3A_381 : i32 to index
        %get3A_384 = tpu.vector_load %arg10[%get3A_382, %get3A_383] {strides = array<i32>} : memref<400x128xf32, #tpu.memory_space<vmem>>, vector<1x16xf32>,
        %get3A_385 = vector.shape_cast %get3A_384 : vector<1x16xf32> to vector<16xf32>
        %add3A_386 = arith.addf %add3A_348, %get3A_385 : vector<16xf32>
        %add3A_387 = arith.constant 5 : i32
        %add3A_388 = arith.addi %mul3A_165, %add3A_387 : i32
        %add3A_389 = arith.constant 32 : i32
        %add3A_390 = arith.addi %squeeze3A_368, %add3A_389 : i32
        %get3A_391 = arith.index_cast %add3A_388 : i32 to index
        %get3A_392 = arith.index_cast %add3A_390 : i32 to index
        %get3A_393 = tpu.vector_load %arg10[%get3A_391, %get3A_392] {strides = array<i32>} : memref<400x128xf32, #tpu.memory_space<vmem>>, vector<1x16xf32>,
        %get3A_394 = vector.shape_cast %get3A_393 : vector<1x16xf32> to vector<16xf32>
        %add3A_395 = arith.addf %add3A_357, %get3A_394 : vector<16xf32>
        %add3A_396 = arith.constant 5 : i32
        %add3A_397 = arith.addi %mul3A_165, %add3A_396 : i32
        %add3A_398 = arith.constant 48 : i32
        %add3A_399 = arith.addi %squeeze3A_368, %add3A_398 : i32
        %get3A_400 = arith.index_cast %add3A_397 : i32 to index
        %get3A_401 = arith.index_cast %add3A_399 : i32 to index
        %get3A_402 = tpu.vector_load %arg10[%get3A_400, %get3A_401] {strides = array<i32>} : memref<400x128xf32, #tpu.memory_space<vmem>>, vector<1x16xf32>,
        %get3A_403 = vector.shape_cast %get3A_402 : vector<1x16xf32> to vector<16xf32>
        %add3A_404 = arith.addf %add3A_366, %get3A_403 : vector<16xf32>
        %slice3A_405 = vector.extract_strided_slice %get3A_169 {offsets = [6], sizes = [1], strides = [1]} : vector<16xi32> to vector<1xi32>
        %squeeze3A_406 = vector.extract %slice3A_405[0] : i32 from vector<1xi32>
        %add3A_407 = arith.constant 6 : i32
        %add3A_408 = arith.addi %mul3A_165, %add3A_407 : i32
        %add3A_409 = arith.constant 0 : i32
        %add3A_410 = arith.addi %squeeze3A_406, %add3A_409 : i32
        %get3A_411 = arith.index_cast %add3A_408 : i32 to index
        %get3A_412 = arith.index_cast %add3A_410 : i32 to index
        %get3A_413 = tpu.vector_load %arg10[%get3A_411, %get3A_412] {strides = array<i32>} : memref<400x128xf32, #tpu.memory_space<vmem>>, vector<1x16xf32>,
        %get3A_414 = vector.shape_cast %get3A_413 : vector<1x16xf32> to vector<16xf32>
        %add3A_415 = arith.addf %add3A_377, %get3A_414 : vector<16xf32>
        %add3A_416 = arith.constant 6 : i32
        %add3A_417 = arith.addi %mul3A_165, %add3A_416 : i32
        %add3A_418 = arith.constant 16 : i32
        %add3A_419 = arith.addi %squeeze3A_406, %add3A_418 : i32
        %get3A_420 = arith.index_cast %add3A_417 : i32 to index
        %get3A_421 = arith.index_cast %add3A_419 : i32 to index
        %get3A_422 = tpu.vector_load %arg10[%get3A_420, %get3A_421] {strides = array<i32>} : memref<400x128xf32, #tpu.memory_space<vmem>>, vector<1x16xf32>,
        %get3A_423 = vector.shape_cast %get3A_422 : vector<1x16xf32> to vector<16xf32>
        %add3A_424 = arith.addf %add3A_386, %get3A_423 : vector<16xf32>
        %add3A_425 = arith.constant 6 : i32
        %add3A_426 = arith.addi %mul3A_165, %add3A_425 : i32
        %add3A_427 = arith.constant 32 : i32
        %add3A_428 = arith.addi %squeeze3A_406, %add3A_427 : i32
        %get3A_429 = arith.index_cast %add3A_426 : i32 to index
        %get3A_430 = arith.index_cast %add3A_428 : i32 to index
        %get3A_431 = tpu.vector_load %arg10[%get3A_429, %get3A_430] {strides = array<i32>} : memref<400x128xf32, #tpu.memory_space<vmem>>, vector<1x16xf32>,
        %get3A_432 = vector.shape_cast %get3A_431 : vector<1x16xf32> to vector<16xf32>
        %add3A_433 = arith.addf %add3A_395, %get3A_432 : vector<16xf32>
        %add3A_434 = arith.constant 6 : i32
        %add3A_435 = arith.addi %mul3A_165, %add3A_434 : i32
        %add3A_436 = arith.constant 48 : i32
        %add3A_437 = arith.addi %squeeze3A_406, %add3A_436 : i32
        %get3A_438 = arith.index_cast %add3A_435 : i32 to index
        %get3A_439 = arith.index_cast %add3A_437 : i32 to index
        %get3A_440 = tpu.vector_load %arg10[%get3A_438, %get3A_439] {strides = array<i32>} : memref<400x128xf32, #tpu.memory_space<vmem>>, vector<1x16xf32>,
        %get3A_441 = vector.shape_cast %get3A_440 : vector<1x16xf32> to vector<16xf32>
        %add3A_442 = arith.addf %add3A_404, %get3A_441 : vector<16xf32>
        %slice3A_443 = vector.extract_strided_slice %get3A_169 {offsets = [7], sizes = [1], strides = [1]} : vector<16xi32> to vector<1xi32>
        %squeeze3A_444 = vector.extract %slice3A_443[0] : i32 from vector<1xi32>
        %add3A_445 = arith.constant 7 : i32
        %add3A_446 = arith.addi %mul3A_165, %add3A_445 : i32
        %add3A_447 = arith.constant 0 : i32
        %add3A_448 = arith.addi %squeeze3A_444, %add3A_447 : i32
        %get3A_449 = arith.index_cast %add3A_446 : i32 to index
        %get3A_450 = arith.index_cast %add3A_448 : i32 to index
        %get3A_451 = tpu.vector_load %arg10[%get3A_449, %get3A_450] {strides = array<i32>} : memref<400x128xf32, #tpu.memory_space<vmem>>, vector<1x16xf32>,
        %get3A_452 = vector.shape_cast %get3A_451 : vector<1x16xf32> to vector<16xf32>
        %add3A_453 = arith.addf %add3A_415, %get3A_452 : vector<16xf32>
        %add3A_454 = arith.constant 7 : i32
        %add3A_455 = arith.addi %mul3A_165, %add3A_454 : i32
        %add3A_456 = arith.constant 16 : i32
        %add3A_457 = arith.addi %squeeze3A_444, %add3A_456 : i32
        %get3A_458 = arith.index_cast %add3A_455 : i32 to index
        %get3A_459 = arith.index_cast %add3A_457 : i32 to index
        %get3A_460 = tpu.vector_load %arg10[%get3A_458, %get3A_459] {strides = array<i32>} : memref<400x128xf32, #tpu.memory_space<vmem>>, vector<1x16xf32>,
        %get3A_461 = vector.shape_cast %get3A_460 : vector<1x16xf32> to vector<16xf32>
        %add3A_462 = arith.addf %add3A_424, %get3A_461 : vector<16xf32>
        %add3A_463 = arith.constant 7 : i32
        %add3A_464 = arith.addi %mul3A_165, %add3A_463 : i32
        %add3A_465 = arith.constant 32 : i32
        %add3A_466 = arith.addi %squeeze3A_444, %add3A_465 : i32
        %get3A_467 = arith.index_cast %add3A_464 : i32 to index
        %get3A_468 = arith.index_cast %add3A_466 : i32 to index
        %get3A_469 = tpu.vector_load %arg10[%get3A_467, %get3A_468] {strides = array<i32>} : memref<400x128xf32, #tpu.memory_space<vmem>>, vector<1x16xf32>,
        %get3A_470 = vector.shape_cast %get3A_469 : vector<1x16xf32> to vector<16xf32>
        %add3A_471 = arith.addf %add3A_433, %get3A_470 : vector<16xf32>
        %add3A_472 = arith.constant 7 : i32
        %add3A_473 = arith.addi %mul3A_165, %add3A_472 : i32
        %add3A_474 = arith.constant 48 : i32
        %add3A_475 = arith.addi %squeeze3A_444, %add3A_474 : i32
        %get3A_476 = arith.index_cast %add3A_473 : i32 to index
        %get3A_477 = arith.index_cast %add3A_475 : i32 to index
        %get3A_478 = tpu.vector_load %arg10[%get3A_476, %get3A_477] {strides = array<i32>} : memref<400x128xf32, #tpu.memory_space<vmem>>, vector<1x16xf32>,
        %get3A_479 = vector.shape_cast %get3A_478 : vector<1x16xf32> to vector<16xf32>
        %add3A_480 = arith.addf %add3A_442, %get3A_479 : vector<16xf32>
        %slice3A_481 = vector.extract_strided_slice %get3A_169 {offsets = [8], sizes = [1], strides = [1]} : vector<16xi32> to vector<1xi32>
        %squeeze3A_482 = vector.extract %slice3A_481[0] : i32 from vector<1xi32>
        %add3A_483 = arith.constant 8 : i32
        %add3A_484 = arith.addi %mul3A_165, %add3A_483 : i32
        %add3A_485 = arith.constant 0 : i32
        %add3A_486 = arith.addi %squeeze3A_482, %add3A_485 : i32
        %get3A_487 = arith.index_cast %add3A_484 : i32 to index
        %get3A_488 = arith.index_cast %add3A_486 : i32 to index
        %get3A_489 = tpu.vector_load %arg10[%get3A_487, %get3A_488] {strides = array<i32>} : memref<400x128xf32, #tpu.memory_space<vmem>>, vector<1x16xf32>,
        %get3A_490 = vector.shape_cast %get3A_489 : vector<1x16xf32> to vector<16xf32>
        %add3A_491 = arith.addf %add3A_453, %get3A_490 : vector<16xf32>
        %add3A_492 = arith.constant 8 : i32
        %add3A_493 = arith.addi %mul3A_165, %add3A_492 : i32
        %add3A_494 = arith.constant 16 : i32
        %add3A_495 = arith.addi %squeeze3A_482, %add3A_494 : i32
        %get3A_496 = arith.index_cast %add3A_493 : i32 to index
        %get3A_497 = arith.index_cast %add3A_495 : i32 to index
        %get3A_498 = tpu.vector_load %arg10[%get3A_496, %get3A_497] {strides = array<i32>} : memref<400x128xf32, #tpu.memory_space<vmem>>, vector<1x16xf32>,
        %get3A_499 = vector.shape_cast %get3A_498 : vector<1x16xf32> to vector<16xf32>
        %add3A_500 = arith.addf %add3A_462, %get3A_499 : vector<16xf32>
        %add3A_501 = arith.constant 8 : i32
        %add3A_502 = arith.addi %mul3A_165, %add3A_501 : i32
        %add3A_503 = arith.constant 32 : i32
        %add3A_504 = arith.addi %squeeze3A_482, %add3A_503 : i32
        %get3A_505 = arith.index_cast %add3A_502 : i32 to index
        %get3A_506 = arith.index_cast %add3A_504 : i32 to index
        %get3A_507 = tpu.vector_load %arg10[%get3A_505, %get3A_506] {strides = array<i32>} : memref<400x128xf32, #tpu.memory_space<vmem>>, vector<1x16xf32>,
        %get3A_508 = vector.shape_cast %get3A_507 : vector<1x16xf32> to vector<16xf32>
        %add3A_509 = arith.addf %add3A_471, %get3A_508 : vector<16xf32>
        %add3A_510 = arith.constant 8 : i32
        %add3A_511 = arith.addi %mul3A_165, %add3A_510 : i32
        %add3A_512 = arith.constant 48 : i32
        %add3A_513 = arith.addi %squeeze3A_482, %add3A_512 : i32
        %get3A_514 = arith.index_cast %add3A_511 : i32 to index
        %get3A_515 = arith.index_cast %add3A_513 : i32 to index
        %get3A_516 = tpu.vector_load %arg10[%get3A_514, %get3A_515] {strides = array<i32>} : memref<400x128xf32, #tpu.memory_space<vmem>>, vector<1x16xf32>,
        %get3A_517 = vector.shape_cast %get3A_516 : vector<1x16xf32> to vector<16xf32>
        %add3A_518 = arith.addf %add3A_480, %get3A_517 : vector<16xf32>
        %slice3A_519 = vector.extract_strided_slice %get3A_169 {offsets = [9], sizes = [1], strides = [1]} : vector<16xi32> to vector<1xi32>
        %squeeze3A_520 = vector.extract %slice3A_519[0] : i32 from vector<1xi32>
        %add3A_521 = arith.constant 9 : i32
        %add3A_522 = arith.addi %mul3A_165, %add3A_521 : i32
        %add3A_523 = arith.constant 0 : i32
        %add3A_524 = arith.addi %squeeze3A_520, %add3A_523 : i32
        %get3A_525 = arith.index_cast %add3A_522 : i32 to index
        %get3A_526 = arith.index_cast %add3A_524 : i32 to index
        %get3A_527 = tpu.vector_load %arg10[%get3A_525, %get3A_526] {strides = array<i32>} : memref<400x128xf32, #tpu.memory_space<vmem>>, vector<1x16xf32>,
        %get3A_528 = vector.shape_cast %get3A_527 : vector<1x16xf32> to vector<16xf32>
        %add3A_529 = arith.addf %add3A_491, %get3A_528 : vector<16xf32>
        %add3A_530 = arith.constant 9 : i32
        %add3A_531 = arith.addi %mul3A_165, %add3A_530 : i32
        %add3A_532 = arith.constant 16 : i32
        %add3A_533 = arith.addi %squeeze3A_520, %add3A_532 : i32
        %get3A_534 = arith.index_cast %add3A_531 : i32 to index
        %get3A_535 = arith.index_cast %add3A_533 : i32 to index
        %get3A_536 = tpu.vector_load %arg10[%get3A_534, %get3A_535] {strides = array<i32>} : memref<400x128xf32, #tpu.memory_space<vmem>>, vector<1x16xf32>,
        %get3A_537 = vector.shape_cast %get3A_536 : vector<1x16xf32> to vector<16xf32>
        %add3A_538 = arith.addf %add3A_500, %get3A_537 : vector<16xf32>
        %add3A_539 = arith.constant 9 : i32
        %add3A_540 = arith.addi %mul3A_165, %add3A_539 : i32
        %add3A_541 = arith.constant 32 : i32
        %add3A_542 = arith.addi %squeeze3A_520, %add3A_541 : i32
        %get3A_543 = arith.index_cast %add3A_540 : i32 to index
        %get3A_544 = arith.index_cast %add3A_542 : i32 to index
        %get3A_545 = tpu.vector_load %arg10[%get3A_543, %get3A_544] {strides = array<i32>} : memref<400x128xf32, #tpu.memory_space<vmem>>, vector<1x16xf32>,
        %get3A_546 = vector.shape_cast %get3A_545 : vector<1x16xf32> to vector<16xf32>
        %add3A_547 = arith.addf %add3A_509, %get3A_546 : vector<16xf32>
        %add3A_548 = arith.constant 9 : i32
        %add3A_549 = arith.addi %mul3A_165, %add3A_548 : i32
        %add3A_550 = arith.constant 48 : i32
        %add3A_551 = arith.addi %squeeze3A_520, %add3A_550 : i32
        %get3A_552 = arith.index_cast %add3A_549 : i32 to index
        %get3A_553 = arith.index_cast %add3A_551 : i32 to index
        %get3A_554 = tpu.vector_load %arg10[%get3A_552, %get3A_553] {strides = array<i32>} : memref<400x128xf32, #tpu.memory_space<vmem>>, vector<1x16xf32>,
        %get3A_555 = vector.shape_cast %get3A_554 : vector<1x16xf32> to vector<16xf32>
        %add3A_556 = arith.addf %add3A_518, %get3A_555 : vector<16xf32>
        %slice3A_557 = vector.extract_strided_slice %get3A_169 {offsets = [10], sizes = [1], strides = [1]} : vector<16xi32> to vector<1xi32>
        %squeeze3A_558 = vector.extract %slice3A_557[0] : i32 from vector<1xi32>
        %add3A_559 = arith.constant 10 : i32
        %add3A_560 = arith.addi %mul3A_165, %add3A_559 : i32
        %add3A_561 = arith.constant 0 : i32
        %add3A_562 = arith.addi %squeeze3A_558, %add3A_561 : i32
        %get3A_563 = arith.index_cast %add3A_560 : i32 to index
        %get3A_564 = arith.index_cast %add3A_562 : i32 to index
        %get3A_565 = tpu.vector_load %arg10[%get3A_563, %get3A_564] {strides = array<i32>} : memref<400x128xf32, #tpu.memory_space<vmem>>, vector<1x16xf32>,
        %get3A_566 = vector.shape_cast %get3A_565 : vector<1x16xf32> to vector<16xf32>
        %add3A_567 = arith.addf %add3A_529, %get3A_566 : vector<16xf32>
        %add3A_568 = arith.constant 10 : i32
        %add3A_569 = arith.addi %mul3A_165, %add3A_568 : i32
        %add3A_570 = arith.constant 16 : i32
        %add3A_571 = arith.addi %squeeze3A_558, %add3A_570 : i32
        %get3A_572 = arith.index_cast %add3A_569 : i32 to index
        %get3A_573 = arith.index_cast %add3A_571 : i32 to index
        %get3A_574 = tpu.vector_load %arg10[%get3A_572, %get3A_573] {strides = array<i32>} : memref<400x128xf32, #tpu.memory_space<vmem>>, vector<1x16xf32>,
        %get3A_575 = vector.shape_cast %get3A_574 : vector<1x16xf32> to vector<16xf32>
        %add3A_576 = arith.addf %add3A_538, %get3A_575 : vector<16xf32>
        %add3A_577 = arith.constant 10 : i32
        %add3A_578 = arith.addi %mul3A_165, %add3A_577 : i32
        %add3A_579 = arith.constant 32 : i32
        %add3A_580 = arith.addi %squeeze3A_558, %add3A_579 : i32
        %get3A_581 = arith.index_cast %add3A_578 : i32 to index
        %get3A_582 = arith.index_cast %add3A_580 : i32 to index
        %get3A_583 = tpu.vector_load %arg10[%get3A_581, %get3A_582] {strides = array<i32>} : memref<400x128xf32, #tpu.memory_space<vmem>>, vector<1x16xf32>,
        %get3A_584 = vector.shape_cast %get3A_583 : vector<1x16xf32> to vector<16xf32>
        %add3A_585 = arith.addf %add3A_547, %get3A_584 : vector<16xf32>
        %add3A_586 = arith.constant 10 : i32
        %add3A_587 = arith.addi %mul3A_165, %add3A_586 : i32
        %add3A_588 = arith.constant 48 : i32
        %add3A_589 = arith.addi %squeeze3A_558, %add3A_588 : i32
        %get3A_590 = arith.index_cast %add3A_587 : i32 to index
        %get3A_591 = arith.index_cast %add3A_589 : i32 to index
        %get3A_592 = tpu.vector_load %arg10[%get3A_590, %get3A_591] {strides = array<i32>} : memref<400x128xf32, #tpu.memory_space<vmem>>, vector<1x16xf32>,
        %get3A_593 = vector.shape_cast %get3A_592 : vector<1x16xf32> to vector<16xf32>
        %add3A_594 = arith.addf %add3A_556, %get3A_593 : vector<16xf32>
        %slice3A_595 = vector.extract_strided_slice %get3A_169 {offsets = [11], sizes = [1], strides = [1]} : vector<16xi32> to vector<1xi32>
        %squeeze3A_596 = vector.extract %slice3A_595[0] : i32 from vector<1xi32>
        %add3A_597 = arith.constant 11 : i32
        %add3A_598 = arith.addi %mul3A_165, %add3A_597 : i32
        %add3A_599 = arith.constant 0 : i32
        %add3A_600 = arith.addi %squeeze3A_596, %add3A_599 : i32
        %get3A_601 = arith.index_cast %add3A_598 : i32 to index
        %get3A_602 = arith.index_cast %add3A_600 : i32 to index
        %get3A_603 = tpu.vector_load %arg10[%get3A_601, %get3A_602] {strides = array<i32>} : memref<400x128xf32, #tpu.memory_space<vmem>>, vector<1x16xf32>,
        %get3A_604 = vector.shape_cast %get3A_603 : vector<1x16xf32> to vector<16xf32>
        %add3A_605 = arith.addf %add3A_567, %get3A_604 : vector<16xf32>
        %add3A_606 = arith.constant 11 : i32
        %add3A_607 = arith.addi %mul3A_165, %add3A_606 : i32
        %add3A_608 = arith.constant 16 : i32
        %add3A_609 = arith.addi %squeeze3A_596, %add3A_608 : i32
        %get3A_610 = arith.index_cast %add3A_607 : i32 to index
        %get3A_611 = arith.index_cast %add3A_609 : i32 to index
        %get3A_612 = tpu.vector_load %arg10[%get3A_610, %get3A_611] {strides = array<i32>} : memref<400x128xf32, #tpu.memory_space<vmem>>, vector<1x16xf32>,
        %get3A_613 = vector.shape_cast %get3A_612 : vector<1x16xf32> to vector<16xf32>
        %add3A_614 = arith.addf %add3A_576, %get3A_613 : vector<16xf32>
        %add3A_615 = arith.constant 11 : i32
        %add3A_616 = arith.addi %mul3A_165, %add3A_615 : i32
        %add3A_617 = arith.constant 32 : i32
        %add3A_618 = arith.addi %squeeze3A_596, %add3A_617 : i32
        %get3A_619 = arith.index_cast %add3A_616 : i32 to index
        %get3A_620 = arith.index_cast %add3A_618 : i32 to index
        %get3A_621 = tpu.vector_load %arg10[%get3A_619, %get3A_620] {strides = array<i32>} : memref<400x128xf32, #tpu.memory_space<vmem>>, vector<1x16xf32>,
        %get3A_622 = vector.shape_cast %get3A_621 : vector<1x16xf32> to vector<16xf32>
        %add3A_623 = arith.addf %add3A_585, %get3A_622 : vector<16xf32>
        %add3A_624 = arith.constant 11 : i32
        %add3A_625 = arith.addi %mul3A_165, %add3A_624 : i32
        %add3A_626 = arith.constant 48 : i32
        %add3A_627 = arith.addi %squeeze3A_596, %add3A_626 : i32
        %get3A_628 = arith.index_cast %add3A_625 : i32 to index
        %get3A_629 = arith.index_cast %add3A_627 : i32 to index
        %get3A_630 = tpu.vector_load %arg10[%get3A_628, %get3A_629] {strides = array<i32>} : memref<400x128xf32, #tpu.memory_space<vmem>>, vector<1x16xf32>,
        %get3A_631 = vector.shape_cast %get3A_630 : vector<1x16xf32> to vector<16xf32>
        %add3A_632 = arith.addf %add3A_594, %get3A_631 : vector<16xf32>
        %slice3A_633 = vector.extract_strided_slice %get3A_169 {offsets = [12], sizes = [1], strides = [1]} : vector<16xi32> to vector<1xi32>
        %squeeze3A_634 = vector.extract %slice3A_633[0] : i32 from vector<1xi32>
        %add3A_635 = arith.constant 12 : i32
        %add3A_636 = arith.addi %mul3A_165, %add3A_635 : i32
        %add3A_637 = arith.constant 0 : i32
        %add3A_638 = arith.addi %squeeze3A_634, %add3A_637 : i32
        %get3A_639 = arith.index_cast %add3A_636 : i32 to index
        %get3A_640 = arith.index_cast %add3A_638 : i32 to index
        %get3A_641 = tpu.vector_load %arg10[%get3A_639, %get3A_640] {strides = array<i32>} : memref<400x128xf32, #tpu.memory_space<vmem>>, vector<1x16xf32>,
        %get3A_642 = vector.shape_cast %get3A_641 : vector<1x16xf32> to vector<16xf32>
        %add3A_643 = arith.addf %add3A_605, %get3A_642 : vector<16xf32>
        %add3A_644 = arith.constant 12 : i32
        %add3A_645 = arith.addi %mul3A_165, %add3A_644 : i32
        %add3A_646 = arith.constant 16 : i32
        %add3A_647 = arith.addi %squeeze3A_634, %add3A_646 : i32
        %get3A_648 = arith.index_cast %add3A_645 : i32 to index
        %get3A_649 = arith.index_cast %add3A_647 : i32 to index
        %get3A_650 = tpu.vector_load %arg10[%get3A_648, %get3A_649] {strides = array<i32>} : memref<400x128xf32, #tpu.memory_space<vmem>>, vector<1x16xf32>,
        %get3A_651 = vector.shape_cast %get3A_650 : vector<1x16xf32> to vector<16xf32>
        %add3A_652 = arith.addf %add3A_614, %get3A_651 : vector<16xf32>
        %add3A_653 = arith.constant 12 : i32
        %add3A_654 = arith.addi %mul3A_165, %add3A_653 : i32
        %add3A_655 = arith.constant 32 : i32
        %add3A_656 = arith.addi %squeeze3A_634, %add3A_655 : i32
        %get3A_657 = arith.index_cast %add3A_654 : i32 to index
        %get3A_658 = arith.index_cast %add3A_656 : i32 to index
        %get3A_659 = tpu.vector_load %arg10[%get3A_657, %get3A_658] {strides = array<i32>} : memref<400x128xf32, #tpu.memory_space<vmem>>, vector<1x16xf32>,
        %get3A_660 = vector.shape_cast %get3A_659 : vector<1x16xf32> to vector<16xf32>
        %add3A_661 = arith.addf %add3A_623, %get3A_660 : vector<16xf32>
        %add3A_662 = arith.constant 12 : i32
        %add3A_663 = arith.addi %mul3A_165, %add3A_662 : i32
        %add3A_664 = arith.constant 48 : i32
        %add3A_665 = arith.addi %squeeze3A_634, %add3A_664 : i32
        %get3A_666 = arith.index_cast %add3A_663 : i32 to index
        %get3A_667 = arith.index_cast %add3A_665 : i32 to index
        %get3A_668 = tpu.vector_load %arg10[%get3A_666, %get3A_667] {strides = array<i32>} : memref<400x128xf32, #tpu.memory_space<vmem>>, vector<1x16xf32>,
        %get3A_669 = vector.shape_cast %get3A_668 : vector<1x16xf32> to vector<16xf32>
        %add3A_670 = arith.addf %add3A_632, %get3A_669 : vector<16xf32>
        %slice3A_671 = vector.extract_strided_slice %get3A_169 {offsets = [13], sizes = [1], strides = [1]} : vector<16xi32> to vector<1xi32>
        %squeeze3A_672 = vector.extract %slice3A_671[0] : i32 from vector<1xi32>
        %add3A_673 = arith.constant 13 : i32
        %add3A_674 = arith.addi %mul3A_165, %add3A_673 : i32
        %add3A_675 = arith.constant 0 : i32
        %add3A_676 = arith.addi %squeeze3A_672, %add3A_675 : i32
        %get3A_677 = arith.index_cast %add3A_674 : i32 to index
        %get3A_678 = arith.index_cast %add3A_676 : i32 to index
        %get3A_679 = tpu.vector_load %arg10[%get3A_677, %get3A_678] {strides = array<i32>} : memref<400x128xf32, #tpu.memory_space<vmem>>, vector<1x16xf32>,
        %get3A_680 = vector.shape_cast %get3A_679 : vector<1x16xf32> to vector<16xf32>
        %add3A_681 = arith.addf %add3A_643, %get3A_680 : vector<16xf32>
        %add3A_682 = arith.constant 13 : i32
        %add3A_683 = arith.addi %mul3A_165, %add3A_682 : i32
        %add3A_684 = arith.constant 16 : i32
        %add3A_685 = arith.addi %squeeze3A_672, %add3A_684 : i32
        %get3A_686 = arith.index_cast %add3A_683 : i32 to index
        %get3A_687 = arith.index_cast %add3A_685 : i32 to index
        %get3A_688 = tpu.vector_load %arg10[%get3A_686, %get3A_687] {strides = array<i32>} : memref<400x128xf32, #tpu.memory_space<vmem>>, vector<1x16xf32>,
        %get3A_689 = vector.shape_cast %get3A_688 : vector<1x16xf32> to vector<16xf32>
        %add3A_690 = arith.addf %add3A_652, %get3A_689 : vector<16xf32>
        %add3A_691 = arith.constant 13 : i32
        %add3A_692 = arith.addi %mul3A_165, %add3A_691 : i32
        %add3A_693 = arith.constant 32 : i32
        %add3A_694 = arith.addi %squeeze3A_672, %add3A_693 : i32
        %get3A_695 = arith.index_cast %add3A_692 : i32 to index
        %get3A_696 = arith.index_cast %add3A_694 : i32 to index
        %get3A_697 = tpu.vector_load %arg10[%get3A_695, %get3A_696] {strides = array<i32>} : memref<400x128xf32, #tpu.memory_space<vmem>>, vector<1x16xf32>,
        %get3A_698 = vector.shape_cast %get3A_697 : vector<1x16xf32> to vector<16xf32>
        %add3A_699 = arith.addf %add3A_661, %get3A_698 : vector<16xf32>
        %add3A_700 = arith.constant 13 : i32
        %add3A_701 = arith.addi %mul3A_165, %add3A_700 : i32
        %add3A_702 = arith.constant 48 : i32
        %add3A_703 = arith.addi %squeeze3A_672, %add3A_702 : i32
        %get3A_704 = arith.index_cast %add3A_701 : i32 to index
        %get3A_705 = arith.index_cast %add3A_703 : i32 to index
        %get3A_706 = tpu.vector_load %arg10[%get3A_704, %get3A_705] {strides = array<i32>} : memref<400x128xf32, #tpu.memory_space<vmem>>, vector<1x16xf32>,
        %get3A_707 = vector.shape_cast %get3A_706 : vector<1x16xf32> to vector<16xf32>
        %add3A_708 = arith.addf %add3A_670, %get3A_707 : vector<16xf32>
        %slice3A_709 = vector.extract_strided_slice %get3A_169 {offsets = [14], sizes = [1], strides = [1]} : vector<16xi32> to vector<1xi32>
        %squeeze3A_710 = vector.extract %slice3A_709[0] : i32 from vector<1xi32>
        %add3A_711 = arith.constant 14 : i32
        %add3A_712 = arith.addi %mul3A_165, %add3A_711 : i32
        %add3A_713 = arith.constant 0 : i32
        %add3A_714 = arith.addi %squeeze3A_710, %add3A_713 : i32
        %get3A_715 = arith.index_cast %add3A_712 : i32 to index
        %get3A_716 = arith.index_cast %add3A_714 : i32 to index
        %get3A_717 = tpu.vector_load %arg10[%get3A_715, %get3A_716] {strides = array<i32>} : memref<400x128xf32, #tpu.memory_space<vmem>>, vector<1x16xf32>,
        %get3A_718 = vector.shape_cast %get3A_717 : vector<1x16xf32> to vector<16xf32>
        %add3A_719 = arith.addf %add3A_681, %get3A_718 : vector<16xf32>
        %add3A_720 = arith.constant 14 : i32
        %add3A_721 = arith.addi %mul3A_165, %add3A_720 : i32
        %add3A_722 = arith.constant 16 : i32
        %add3A_723 = arith.addi %squeeze3A_710, %add3A_722 : i32
        %get3A_724 = arith.index_cast %add3A_721 : i32 to index
        %get3A_725 = arith.index_cast %add3A_723 : i32 to index
        %get3A_726 = tpu.vector_load %arg10[%get3A_724, %get3A_725] {strides = array<i32>} : memref<400x128xf32, #tpu.memory_space<vmem>>, vector<1x16xf32>,
        %get3A_727 = vector.shape_cast %get3A_726 : vector<1x16xf32> to vector<16xf32>
        %add3A_728 = arith.addf %add3A_690, %get3A_727 : vector<16xf32>
        %add3A_729 = arith.constant 14 : i32
        %add3A_730 = arith.addi %mul3A_165, %add3A_729 : i32
        %add3A_731 = arith.constant 32 : i32
        %add3A_732 = arith.addi %squeeze3A_710, %add3A_731 : i32
        %get3A_733 = arith.index_cast %add3A_730 : i32 to index
        %get3A_734 = arith.index_cast %add3A_732 : i32 to index
        %get3A_735 = tpu.vector_load %arg10[%get3A_733, %get3A_734] {strides = array<i32>} : memref<400x128xf32, #tpu.memory_space<vmem>>, vector<1x16xf32>,
        %get3A_736 = vector.shape_cast %get3A_735 : vector<1x16xf32> to vector<16xf32>
        %add3A_737 = arith.addf %add3A_699, %get3A_736 : vector<16xf32>
        %add3A_738 = arith.constant 14 : i32
        %add3A_739 = arith.addi %mul3A_165, %add3A_738 : i32
        %add3A_740 = arith.constant 48 : i32
        %add3A_741 = arith.addi %squeeze3A_710, %add3A_740 : i32
        %get3A_742 = arith.index_cast %add3A_739 : i32 to index
        %get3A_743 = arith.index_cast %add3A_741 : i32 to index
        %get3A_744 = tpu.vector_load %arg10[%get3A_742, %get3A_743] {strides = array<i32>} : memref<400x128xf32, #tpu.memory_space<vmem>>, vector<1x16xf32>,
        %get3A_745 = vector.shape_cast %get3A_744 : vector<1x16xf32> to vector<16xf32>
        %add3A_746 = arith.addf %add3A_708, %get3A_745 : vector<16xf32>
        %slice3A_747 = vector.extract_strided_slice %get3A_169 {offsets = [15], sizes = [1], strides = [1]} : vector<16xi32> to vector<1xi32>
        %squeeze3A_748 = vector.extract %slice3A_747[0] : i32 from vector<1xi32>
        %add3A_749 = arith.constant 15 : i32
        %add3A_750 = arith.addi %mul3A_165, %add3A_749 : i32
        %add3A_751 = arith.constant 0 : i32
        %add3A_752 = arith.addi %squeeze3A_748, %add3A_751 : i32
        %get3A_753 = arith.index_cast %add3A_750 : i32 to index
        %get3A_754 = arith.index_cast %add3A_752 : i32 to index
        %get3A_755 = tpu.vector_load %arg10[%get3A_753, %get3A_754] {strides = array<i32>} : memref<400x128xf32, #tpu.memory_space<vmem>>, vector<1x16xf32>,
        %get3A_756 = vector.shape_cast %get3A_755 : vector<1x16xf32> to vector<16xf32>
        %add3A_757 = arith.addf %add3A_719, %get3A_756 : vector<16xf32>
        %add3A_758 = arith.constant 15 : i32
        %add3A_759 = arith.addi %mul3A_165, %add3A_758 : i32
        %add3A_760 = arith.constant 16 : i32
        %add3A_761 = arith.addi %squeeze3A_748, %add3A_760 : i32
        %get3A_762 = arith.index_cast %add3A_759 : i32 to index
        %get3A_763 = arith.index_cast %add3A_761 : i32 to index
        %get3A_764 = tpu.vector_load %arg10[%get3A_762, %get3A_763] {strides = array<i32>} : memref<400x128xf32, #tpu.memory_space<vmem>>, vector<1x16xf32>,
        %get3A_765 = vector.shape_cast %get3A_764 : vector<1x16xf32> to vector<16xf32>
        %add3A_766 = arith.addf %add3A_728, %get3A_765 : vector<16xf32>
        %add3A_767 = arith.constant 15 : i32
        %add3A_768 = arith.addi %mul3A_165, %add3A_767 : i32
        %add3A_769 = arith.constant 32 : i32
        %add3A_770 = arith.addi %squeeze3A_748, %add3A_769 : i32
        %get3A_771 = arith.index_cast %add3A_768 : i32 to index
        %get3A_772 = arith.index_cast %add3A_770 : i32 to index
        %get3A_773 = tpu.vector_load %arg10[%get3A_771, %get3A_772] {strides = array<i32>} : memref<400x128xf32, #tpu.memory_space<vmem>>, vector<1x16xf32>,
        %get3A_774 = vector.shape_cast %get3A_773 : vector<1x16xf32> to vector<16xf32>
        %add3A_775 = arith.addf %add3A_737, %get3A_774 : vector<16xf32>
        %add3A_776 = arith.constant 15 : i32
        %add3A_777 = arith.addi %mul3A_165, %add3A_776 : i32
        %add3A_778 = arith.constant 48 : i32
        %add3A_779 = arith.addi %squeeze3A_748, %add3A_778 : i32
        %get3A_780 = arith.index_cast %add3A_777 : i32 to index
        %get3A_781 = arith.index_cast %add3A_779 : i32 to index
        %get3A_782 = tpu.vector_load %arg10[%get3A_780, %get3A_781] {strides = array<i32>} : memref<400x128xf32, #tpu.memory_space<vmem>>, vector<1x16xf32>,
        %get3A_783 = vector.shape_cast %get3A_782 : vector<1x16xf32> to vector<16xf32>
        %add3A_784 = arith.addf %add3A_746, %get3A_783 : vector<16xf32>
        %slice3A_785 = vector.extract_strided_slice %get3A_174 {offsets = [0], sizes = [1], strides = [1]} : vector<16xi32> to vector<1xi32>
        %squeeze3A_786 = vector.extract %slice3A_785[0] : i32 from vector<1xi32>
        %add3A_787 = arith.constant 16 : i32
        %add3A_788 = arith.addi %mul3A_165, %add3A_787 : i32
        %add3A_789 = arith.constant 0 : i32
        %add3A_790 = arith.addi %squeeze3A_786, %add3A_789 : i32
        %get3A_791 = arith.index_cast %add3A_788 : i32 to index
        %get3A_792 = arith.index_cast %add3A_790 : i32 to index
        %get3A_793 = tpu.vector_load %arg10[%get3A_791, %get3A_792] {strides = array<i32>} : memref<400x128xf32, #tpu.memory_space<vmem>>, vector<1x16xf32>,
        %get3A_794 = vector.shape_cast %get3A_793 : vector<1x16xf32> to vector<16xf32>
        %add3A_795 = arith.addf %add3A_757, %get3A_794 : vector<16xf32>
        %add3A_796 = arith.constant 16 : i32
        %add3A_797 = arith.addi %mul3A_165, %add3A_796 : i32
        %add3A_798 = arith.constant 16 : i32
        %add3A_799 = arith.addi %squeeze3A_786, %add3A_798 : i32
        %get3A_800 = arith.index_cast %add3A_797 : i32 to index
        %get3A_801 = arith.index_cast %add3A_799 : i32 to index
        %get3A_802 = tpu.vector_load %arg10[%get3A_800, %get3A_801] {strides = array<i32>} : memref<400x128xf32, #tpu.memory_space<vmem>>, vector<1x16xf32>,
        %get3A_803 = vector.shape_cast %get3A_802 : vector<1x16xf32> to vector<16xf32>
        %add3A_804 = arith.addf %add3A_766, %get3A_803 : vector<16xf32>
        %add3A_805 = arith.constant 16 : i32
        %add3A_806 = arith.addi %mul3A_165, %add3A_805 : i32
        %add3A_807 = arith.constant 32 : i32
        %add3A_808 = arith.addi %squeeze3A_786, %add3A_807 : i32
        %get3A_809 = arith.index_cast %add3A_806 : i32 to index
        %get3A_810 = arith.index_cast %add3A_808 : i32 to index
        %get3A_811 = tpu.vector_load %arg10[%get3A_809, %get3A_810] {strides = array<i32>} : memref<400x128xf32, #tpu.memory_space<vmem>>, vector<1x16xf32>,
        %get3A_812 = vector.shape_cast %get3A_811 : vector<1x16xf32> to vector<16xf32>
        %add3A_813 = arith.addf %add3A_775, %get3A_812 : vector<16xf32>
        %add3A_814 = arith.constant 16 : i32
        %add3A_815 = arith.addi %mul3A_165, %add3A_814 : i32
        %add3A_816 = arith.constant 48 : i32
        %add3A_817 = arith.addi %squeeze3A_786, %add3A_816 : i32
        %get3A_818 = arith.index_cast %add3A_815 : i32 to index
        %get3A_819 = arith.index_cast %add3A_817 : i32 to index
        %get3A_820 = tpu.vector_load %arg10[%get3A_818, %get3A_819] {strides = array<i32>} : memref<400x128xf32, #tpu.memory_space<vmem>>, vector<1x16xf32>,
        %get3A_821 = vector.shape_cast %get3A_820 : vector<1x16xf32> to vector<16xf32>
        %add3A_822 = arith.addf %add3A_784, %get3A_821 : vector<16xf32>
        %slice3A_823 = vector.extract_strided_slice %get3A_174 {offsets = [1], sizes = [1], strides = [1]} : vector<16xi32> to vector<1xi32>
        %squeeze3A_824 = vector.extract %slice3A_823[0] : i32 from vector<1xi32>
        %add3A_825 = arith.constant 17 : i32
        %add3A_826 = arith.addi %mul3A_165, %add3A_825 : i32
        %add3A_827 = arith.constant 0 : i32
        %add3A_828 = arith.addi %squeeze3A_824, %add3A_827 : i32
        %get3A_829 = arith.index_cast %add3A_826 : i32 to index
        %get3A_830 = arith.index_cast %add3A_828 : i32 to index
        %get3A_831 = tpu.vector_load %arg10[%get3A_829, %get3A_830] {strides = array<i32>} : memref<400x128xf32, #tpu.memory_space<vmem>>, vector<1x16xf32>,
        %get3A_832 = vector.shape_cast %get3A_831 : vector<1x16xf32> to vector<16xf32>
        %add3A_833 = arith.addf %add3A_795, %get3A_832 : vector<16xf32>
        %add3A_834 = arith.constant 17 : i32
        %add3A_835 = arith.addi %mul3A_165, %add3A_834 : i32
        %add3A_836 = arith.constant 16 : i32
        %add3A_837 = arith.addi %squeeze3A_824, %add3A_836 : i32
        %get3A_838 = arith.index_cast %add3A_835 : i32 to index
        %get3A_839 = arith.index_cast %add3A_837 : i32 to index
        %get3A_840 = tpu.vector_load %arg10[%get3A_838, %get3A_839] {strides = array<i32>} : memref<400x128xf32, #tpu.memory_space<vmem>>, vector<1x16xf32>,
        %get3A_841 = vector.shape_cast %get3A_840 : vector<1x16xf32> to vector<16xf32>
        %add3A_842 = arith.addf %add3A_804, %get3A_841 : vector<16xf32>
        %add3A_843 = arith.constant 17 : i32
        %add3A_844 = arith.addi %mul3A_165, %add3A_843 : i32
        %add3A_845 = arith.constant 32 : i32
        %add3A_846 = arith.addi %squeeze3A_824, %add3A_845 : i32
        %get3A_847 = arith.index_cast %add3A_844 : i32 to index
        %get3A_848 = arith.index_cast %add3A_846 : i32 to index
        %get3A_849 = tpu.vector_load %arg10[%get3A_847, %get3A_848] {strides = array<i32>} : memref<400x128xf32, #tpu.memory_space<vmem>>, vector<1x16xf32>,
        %get3A_850 = vector.shape_cast %get3A_849 : vector<1x16xf32> to vector<16xf32>
        %add3A_851 = arith.addf %add3A_813, %get3A_850 : vector<16xf32>
        %add3A_852 = arith.constant 17 : i32
        %add3A_853 = arith.addi %mul3A_165, %add3A_852 : i32
        %add3A_854 = arith.constant 48 : i32
        %add3A_855 = arith.addi %squeeze3A_824, %add3A_854 : i32
        %get3A_856 = arith.index_cast %add3A_853 : i32 to index
        %get3A_857 = arith.index_cast %add3A_855 : i32 to index
        %get3A_858 = tpu.vector_load %arg10[%get3A_856, %get3A_857] {strides = array<i32>} : memref<400x128xf32, #tpu.memory_space<vmem>>, vector<1x16xf32>,
        %get3A_859 = vector.shape_cast %get3A_858 : vector<1x16xf32> to vector<16xf32>
        %add3A_860 = arith.addf %add3A_822, %get3A_859 : vector<16xf32>
        %slice3A_861 = vector.extract_strided_slice %get3A_174 {offsets = [2], sizes = [1], strides = [1]} : vector<16xi32> to vector<1xi32>
        %squeeze3A_862 = vector.extract %slice3A_861[0] : i32 from vector<1xi32>
        %add3A_863 = arith.constant 18 : i32
        %add3A_864 = arith.addi %mul3A_165, %add3A_863 : i32
        %add3A_865 = arith.constant 0 : i32
        %add3A_866 = arith.addi %squeeze3A_862, %add3A_865 : i32
        %get3A_867 = arith.index_cast %add3A_864 : i32 to index
        %get3A_868 = arith.index_cast %add3A_866 : i32 to index
        %get3A_869 = tpu.vector_load %arg10[%get3A_867, %get3A_868] {strides = array<i32>} : memref<400x128xf32, #tpu.memory_space<vmem>>, vector<1x16xf32>,
        %get3A_870 = vector.shape_cast %get3A_869 : vector<1x16xf32> to vector<16xf32>
        %add3A_871 = arith.addf %add3A_833, %get3A_870 : vector<16xf32>
        %add3A_872 = arith.constant 18 : i32
        %add3A_873 = arith.addi %mul3A_165, %add3A_872 : i32
        %add3A_874 = arith.constant 16 : i32
        %add3A_875 = arith.addi %squeeze3A_862, %add3A_874 : i32
        %get3A_876 = arith.index_cast %add3A_873 : i32 to index
        %get3A_877 = arith.index_cast %add3A_875 : i32 to index
        %get3A_878 = tpu.vector_load %arg10[%get3A_876, %get3A_877] {strides = array<i32>} : memref<400x128xf32, #tpu.memory_space<vmem>>, vector<1x16xf32>,
        %get3A_879 = vector.shape_cast %get3A_878 : vector<1x16xf32> to vector<16xf32>
        %add3A_880 = arith.addf %add3A_842, %get3A_879 : vector<16xf32>
        %add3A_881 = arith.constant 18 : i32
        %add3A_882 = arith.addi %mul3A_165, %add3A_881 : i32
        %add3A_883 = arith.constant 32 : i32
        %add3A_884 = arith.addi %squeeze3A_862, %add3A_883 : i32
        %get3A_885 = arith.index_cast %add3A_882 : i32 to index
        %get3A_886 = arith.index_cast %add3A_884 : i32 to index
        %get3A_887 = tpu.vector_load %arg10[%get3A_885, %get3A_886] {strides = array<i32>} : memref<400x128xf32, #tpu.memory_space<vmem>>, vector<1x16xf32>,
        %get3A_888 = vector.shape_cast %get3A_887 : vector<1x16xf32> to vector<16xf32>
        %add3A_889 = arith.addf %add3A_851, %get3A_888 : vector<16xf32>
        %add3A_890 = arith.constant 18 : i32
        %add3A_891 = arith.addi %mul3A_165, %add3A_890 : i32
        %add3A_892 = arith.constant 48 : i32
        %add3A_893 = arith.addi %squeeze3A_862, %add3A_892 : i32
        %get3A_894 = arith.index_cast %add3A_891 : i32 to index
        %get3A_895 = arith.index_cast %add3A_893 : i32 to index
        %get3A_896 = tpu.vector_load %arg10[%get3A_894, %get3A_895] {strides = array<i32>} : memref<400x128xf32, #tpu.memory_space<vmem>>, vector<1x16xf32>,
        %get3A_897 = vector.shape_cast %get3A_896 : vector<1x16xf32> to vector<16xf32>
        %add3A_898 = arith.addf %add3A_860, %get3A_897 : vector<16xf32>
        %slice3A_899 = vector.extract_strided_slice %get3A_174 {offsets = [3], sizes = [1], strides = [1]} : vector<16xi32> to vector<1xi32>
        %squeeze3A_900 = vector.extract %slice3A_899[0] : i32 from vector<1xi32>
        %add3A_901 = arith.constant 19 : i32
        %add3A_902 = arith.addi %mul3A_165, %add3A_901 : i32
        %add3A_903 = arith.constant 0 : i32
        %add3A_904 = arith.addi %squeeze3A_900, %add3A_903 : i32
        %get3A_905 = arith.index_cast %add3A_902 : i32 to index
        %get3A_906 = arith.index_cast %add3A_904 : i32 to index
        %get3A_907 = tpu.vector_load %arg10[%get3A_905, %get3A_906] {strides = array<i32>} : memref<400x128xf32, #tpu.memory_space<vmem>>, vector<1x16xf32>,
        %get3A_908 = vector.shape_cast %get3A_907 : vector<1x16xf32> to vector<16xf32>
        %add3A_909 = arith.addf %add3A_871, %get3A_908 : vector<16xf32>
        %add3A_910 = arith.constant 19 : i32
        %add3A_911 = arith.addi %mul3A_165, %add3A_910 : i32
        %add3A_912 = arith.constant 16 : i32
        %add3A_913 = arith.addi %squeeze3A_900, %add3A_912 : i32
        %get3A_914 = arith.index_cast %add3A_911 : i32 to index
        %get3A_915 = arith.index_cast %add3A_913 : i32 to index
        %get3A_916 = tpu.vector_load %arg10[%get3A_914, %get3A_915] {strides = array<i32>} : memref<400x128xf32, #tpu.memory_space<vmem>>, vector<1x16xf32>,
        %get3A_917 = vector.shape_cast %get3A_916 : vector<1x16xf32> to vector<16xf32>
        %add3A_918 = arith.addf %add3A_880, %get3A_917 : vector<16xf32>
        %add3A_919 = arith.constant 19 : i32
        %add3A_920 = arith.addi %mul3A_165, %add3A_919 : i32
        %add3A_921 = arith.constant 32 : i32
        %add3A_922 = arith.addi %squeeze3A_900, %add3A_921 : i32
        %get3A_923 = arith.index_cast %add3A_920 : i32 to index
        %get3A_924 = arith.index_cast %add3A_922 : i32 to index
        %get3A_925 = tpu.vector_load %arg10[%get3A_923, %get3A_924] {strides = array<i32>} : memref<400x128xf32, #tpu.memory_space<vmem>>, vector<1x16xf32>,
        %get3A_926 = vector.shape_cast %get3A_925 : vector<1x16xf32> to vector<16xf32>
        %add3A_927 = arith.addf %add3A_889, %get3A_926 : vector<16xf32>
        %add3A_928 = arith.constant 19 : i32
        %add3A_929 = arith.addi %mul3A_165, %add3A_928 : i32
        %add3A_930 = arith.constant 48 : i32
        %add3A_931 = arith.addi %squeeze3A_900, %add3A_930 : i32
        %get3A_932 = arith.index_cast %add3A_929 : i32 to index
        %get3A_933 = arith.index_cast %add3A_931 : i32 to index
        %get3A_934 = tpu.vector_load %arg10[%get3A_932, %get3A_933] {strides = array<i32>} : memref<400x128xf32, #tpu.memory_space<vmem>>, vector<1x16xf32>,
        %get3A_935 = vector.shape_cast %get3A_934 : vector<1x16xf32> to vector<16xf32>
        %add3A_936 = arith.addf %add3A_898, %get3A_935 : vector<16xf32>
        %slice3A_937 = vector.extract_strided_slice %get3A_174 {offsets = [4], sizes = [1], strides = [1]} : vector<16xi32> to vector<1xi32>
        %squeeze3A_938 = vector.extract %slice3A_937[0] : i32 from vector<1xi32>
        %add3A_939 = arith.constant 20 : i32
        %add3A_940 = arith.addi %mul3A_165, %add3A_939 : i32
        %add3A_941 = arith.constant 0 : i32
        %add3A_942 = arith.addi %squeeze3A_938, %add3A_941 : i32
        %get3A_943 = arith.index_cast %add3A_940 : i32 to index
        %get3A_944 = arith.index_cast %add3A_942 : i32 to index
        %get3A_945 = tpu.vector_load %arg10[%get3A_943, %get3A_944] {strides = array<i32>} : memref<400x128xf32, #tpu.memory_space<vmem>>, vector<1x16xf32>,
        %get3A_946 = vector.shape_cast %get3A_945 : vector<1x16xf32> to vector<16xf32>
        %add3A_947 = arith.addf %add3A_909, %get3A_946 : vector<16xf32>
        %add3A_948 = arith.constant 20 : i32
        %add3A_949 = arith.addi %mul3A_165, %add3A_948 : i32
        %add3A_950 = arith.constant 16 : i32
        %add3A_951 = arith.addi %squeeze3A_938, %add3A_950 : i32
        %get3A_952 = arith.index_cast %add3A_949 : i32 to index
        %get3A_953 = arith.index_cast %add3A_951 : i32 to index
        %get3A_954 = tpu.vector_load %arg10[%get3A_952, %get3A_953] {strides = array<i32>} : memref<400x128xf32, #tpu.memory_space<vmem>>, vector<1x16xf32>,
        %get3A_955 = vector.shape_cast %get3A_954 : vector<1x16xf32> to vector<16xf32>
        %add3A_956 = arith.addf %add3A_918, %get3A_955 : vector<16xf32>
        %add3A_957 = arith.constant 20 : i32
        %add3A_958 = arith.addi %mul3A_165, %add3A_957 : i32
        %add3A_959 = arith.constant 32 : i32
        %add3A_960 = arith.addi %squeeze3A_938, %add3A_959 : i32
        %get3A_961 = arith.index_cast %add3A_958 : i32 to index
        %get3A_962 = arith.index_cast %add3A_960 : i32 to index
        %get3A_963 = tpu.vector_load %arg10[%get3A_961, %get3A_962] {strides = array<i32>} : memref<400x128xf32, #tpu.memory_space<vmem>>, vector<1x16xf32>,
        %get3A_964 = vector.shape_cast %get3A_963 : vector<1x16xf32> to vector<16xf32>
        %add3A_965 = arith.addf %add3A_927, %get3A_964 : vector<16xf32>
        %add3A_966 = arith.constant 20 : i32
        %add3A_967 = arith.addi %mul3A_165, %add3A_966 : i32
        %add3A_968 = arith.constant 48 : i32
        %add3A_969 = arith.addi %squeeze3A_938, %add3A_968 : i32
        %get3A_970 = arith.index_cast %add3A_967 : i32 to index
        %get3A_971 = arith.index_cast %add3A_969 : i32 to index
        %get3A_972 = tpu.vector_load %arg10[%get3A_970, %get3A_971] {strides = array<i32>} : memref<400x128xf32, #tpu.memory_space<vmem>>, vector<1x16xf32>,
        %get3A_973 = vector.shape_cast %get3A_972 : vector<1x16xf32> to vector<16xf32>
        %add3A_974 = arith.addf %add3A_936, %get3A_973 : vector<16xf32>
        %slice3A_975 = vector.extract_strided_slice %get3A_174 {offsets = [5], sizes = [1], strides = [1]} : vector<16xi32> to vector<1xi32>
        %squeeze3A_976 = vector.extract %slice3A_975[0] : i32 from vector<1xi32>
        %add3A_977 = arith.constant 21 : i32
        %add3A_978 = arith.addi %mul3A_165, %add3A_977 : i32
        %add3A_979 = arith.constant 0 : i32
        %add3A_980 = arith.addi %squeeze3A_976, %add3A_979 : i32
        %get3A_981 = arith.index_cast %add3A_978 : i32 to index
        %get3A_982 = arith.index_cast %add3A_980 : i32 to index
        %get3A_983 = tpu.vector_load %arg10[%get3A_981, %get3A_982] {strides = array<i32>} : memref<400x128xf32, #tpu.memory_space<vmem>>, vector<1x16xf32>,
        %get3A_984 = vector.shape_cast %get3A_983 : vector<1x16xf32> to vector<16xf32>
        %add3A_985 = arith.addf %add3A_947, %get3A_984 : vector<16xf32>
        %add3A_986 = arith.constant 21 : i32
        %add3A_987 = arith.addi %mul3A_165, %add3A_986 : i32
        %add3A_988 = arith.constant 16 : i32
        %add3A_989 = arith.addi %squeeze3A_976, %add3A_988 : i32
        %get3A_990 = arith.index_cast %add3A_987 : i32 to index
        %get3A_991 = arith.index_cast %add3A_989 : i32 to index
        %get3A_992 = tpu.vector_load %arg10[%get3A_990, %get3A_991] {strides = array<i32>} : memref<400x128xf32, #tpu.memory_space<vmem>>, vector<1x16xf32>,
        %get3A_993 = vector.shape_cast %get3A_992 : vector<1x16xf32> to vector<16xf32>
        %add3A_994 = arith.addf %add3A_956, %get3A_993 : vector<16xf32>
        %add3A_995 = arith.constant 21 : i32
        %add3A_996 = arith.addi %mul3A_165, %add3A_995 : i32
        %add3A_997 = arith.constant 32 : i32
        %add3A_998 = arith.addi %squeeze3A_976, %add3A_997 : i32
        %get3A_999 = arith.index_cast %add3A_996 : i32 to index
        %get3A_1000 = arith.index_cast %add3A_998 : i32 to index
        %get3A_1001 = tpu.vector_load %arg10[%get3A_999, %get3A_1000] {strides = array<i32>} : memref<400x128xf32, #tpu.memory_space<vmem>>, vector<1x16xf32>,
        %get3A_1002 = vector.shape_cast %get3A_1001 : vector<1x16xf32> to vector<16xf32>
        %add3A_1003 = arith.addf %add3A_965, %get3A_1002 : vector<16xf32>
        %add3A_1004 = arith.constant 21 : i32
        %add3A_1005 = arith.addi %mul3A_165, %add3A_1004 : i32
        %add3A_1006 = arith.constant 48 : i32
        %add3A_1007 = arith.addi %squeeze3A_976, %add3A_1006 : i32
        %get3A_1008 = arith.index_cast %add3A_1005 : i32 to index
        %get3A_1009 = arith.index_cast %add3A_1007 : i32 to index
        %get3A_1010 = tpu.vector_load %arg10[%get3A_1008, %get3A_1009] {strides = array<i32>} : memref<400x128xf32, #tpu.memory_space<vmem>>, vector<1x16xf32>,
        %get3A_1011 = vector.shape_cast %get3A_1010 : vector<1x16xf32> to vector<16xf32>
        %add3A_1012 = arith.addf %add3A_974, %get3A_1011 : vector<16xf32>
        %slice3A_1013 = vector.extract_strided_slice %get3A_174 {offsets = [6], sizes = [1], strides = [1]} : vector<16xi32> to vector<1xi32>
        %squeeze3A_1014 = vector.extract %slice3A_1013[0] : i32 from vector<1xi32>
        %add3A_1015 = arith.constant 22 : i32
        %add3A_1016 = arith.addi %mul3A_165, %add3A_1015 : i32
        %add3A_1017 = arith.constant 0 : i32
        %add3A_1018 = arith.addi %squeeze3A_1014, %add3A_1017 : i32
        %get3A_1019 = arith.index_cast %add3A_1016 : i32 to index
        %get3A_1020 = arith.index_cast %add3A_1018 : i32 to index
        %get3A_1021 = tpu.vector_load %arg10[%get3A_1019, %get3A_1020] {strides = array<i32>} : memref<400x128xf32, #tpu.memory_space<vmem>>, vector<1x16xf32>,
        %get3A_1022 = vector.shape_cast %get3A_1021 : vector<1x16xf32> to vector<16xf32>
        %add3A_1023 = arith.addf %add3A_985, %get3A_1022 : vector<16xf32>
        %add3A_1024 = arith.constant 22 : i32
        %add3A_1025 = arith.addi %mul3A_165, %add3A_1024 : i32
        %add3A_1026 = arith.constant 16 : i32
        %add3A_1027 = arith.addi %squeeze3A_1014, %add3A_1026 : i32
        %get3A_1028 = arith.index_cast %add3A_1025 : i32 to index
        %get3A_1029 = arith.index_cast %add3A_1027 : i32 to index
        %get3A_1030 = tpu.vector_load %arg10[%get3A_1028, %get3A_1029] {strides = array<i32>} : memref<400x128xf32, #tpu.memory_space<vmem>>, vector<1x16xf32>,
        %get3A_1031 = vector.shape_cast %get3A_1030 : vector<1x16xf32> to vector<16xf32>
        %add3A_1032 = arith.addf %add3A_994, %get3A_1031 : vector<16xf32>
        %add3A_1033 = arith.constant 22 : i32
        %add3A_1034 = arith.addi %mul3A_165, %add3A_1033 : i32
        %add3A_1035 = arith.constant 32 : i32
        %add3A_1036 = arith.addi %squeeze3A_1014, %add3A_1035 : i32
        %get3A_1037 = arith.index_cast %add3A_1034 : i32 to index
        %get3A_1038 = arith.index_cast %add3A_1036 : i32 to index
        %get3A_1039 = tpu.vector_load %arg10[%get3A_1037, %get3A_1038] {strides = array<i32>} : memref<400x128xf32, #tpu.memory_space<vmem>>, vector<1x16xf32>,
        %get3A_1040 = vector.shape_cast %get3A_1039 : vector<1x16xf32> to vector<16xf32>
        %add3A_1041 = arith.addf %add3A_1003, %get3A_1040 : vector<16xf32>
        %add3A_1042 = arith.constant 22 : i32
        %add3A_1043 = arith.addi %mul3A_165, %add3A_1042 : i32
        %add3A_1044 = arith.constant 48 : i32
        %add3A_1045 = arith.addi %squeeze3A_1014, %add3A_1044 : i32
        %get3A_1046 = arith.index_cast %add3A_1043 : i32 to index
        %get3A_1047 = arith.index_cast %add3A_1045 : i32 to index
        %get3A_1048 = tpu.vector_load %arg10[%get3A_1046, %get3A_1047] {strides = array<i32>} : memref<400x128xf32, #tpu.memory_space<vmem>>, vector<1x16xf32>,
        %get3A_1049 = vector.shape_cast %get3A_1048 : vector<1x16xf32> to vector<16xf32>
        %add3A_1050 = arith.addf %add3A_1012, %get3A_1049 : vector<16xf32>
        %slice3A_1051 = vector.extract_strided_slice %get3A_174 {offsets = [7], sizes = [1], strides = [1]} : vector<16xi32> to vector<1xi32>
        %squeeze3A_1052 = vector.extract %slice3A_1051[0] : i32 from vector<1xi32>
        %add3A_1053 = arith.constant 23 : i32
        %add3A_1054 = arith.addi %mul3A_165, %add3A_1053 : i32
        %add3A_1055 = arith.constant 0 : i32
        %add3A_1056 = arith.addi %squeeze3A_1052, %add3A_1055 : i32
        %get3A_1057 = arith.index_cast %add3A_1054 : i32 to index
        %get3A_1058 = arith.index_cast %add3A_1056 : i32 to index
        %get3A_1059 = tpu.vector_load %arg10[%get3A_1057, %get3A_1058] {strides = array<i32>} : memref<400x128xf32, #tpu.memory_space<vmem>>, vector<1x16xf32>,
        %get3A_1060 = vector.shape_cast %get3A_1059 : vector<1x16xf32> to vector<16xf32>
        %add3A_1061 = arith.addf %add3A_1023, %get3A_1060 : vector<16xf32>
        %add3A_1062 = arith.constant 23 : i32
        %add3A_1063 = arith.addi %mul3A_165, %add3A_1062 : i32
        %add3A_1064 = arith.constant 16 : i32
        %add3A_1065 = arith.addi %squeeze3A_1052, %add3A_1064 : i32
        %get3A_1066 = arith.index_cast %add3A_1063 : i32 to index
        %get3A_1067 = arith.index_cast %add3A_1065 : i32 to index
        %get3A_1068 = tpu.vector_load %arg10[%get3A_1066, %get3A_1067] {strides = array<i32>} : memref<400x128xf32, #tpu.memory_space<vmem>>, vector<1x16xf32>,
        %get3A_1069 = vector.shape_cast %get3A_1068 : vector<1x16xf32> to vector<16xf32>
        %add3A_1070 = arith.addf %add3A_1032, %get3A_1069 : vector<16xf32>
        %add3A_1071 = arith.constant 23 : i32
        %add3A_1072 = arith.addi %mul3A_165, %add3A_1071 : i32
        %add3A_1073 = arith.constant 32 : i32
        %add3A_1074 = arith.addi %squeeze3A_1052, %add3A_1073 : i32
        %get3A_1075 = arith.index_cast %add3A_1072 : i32 to index
        %get3A_1076 = arith.index_cast %add3A_1074 : i32 to index
        %get3A_1077 = tpu.vector_load %arg10[%get3A_1075, %get3A_1076] {strides = array<i32>} : memref<400x128xf32, #tpu.memory_space<vmem>>, vector<1x16xf32>,
        %get3A_1078 = vector.shape_cast %get3A_1077 : vector<1x16xf32> to vector<16xf32>
        %add3A_1079 = arith.addf %add3A_1041, %get3A_1078 : vector<16xf32>
        %add3A_1080 = arith.constant 23 : i32
        %add3A_1081 = arith.addi %mul3A_165, %add3A_1080 : i32
        %add3A_1082 = arith.constant 48 : i32
        %add3A_1083 = arith.addi %squeeze3A_1052, %add3A_1082 : i32
        %get3A_1084 = arith.index_cast %add3A_1081 : i32 to index
        %get3A_1085 = arith.index_cast %add3A_1083 : i32 to index
        %get3A_1086 = tpu.vector_load %arg10[%get3A_1084, %get3A_1085] {strides = array<i32>} : memref<400x128xf32, #tpu.memory_space<vmem>>, vector<1x16xf32>,
        %get3A_1087 = vector.shape_cast %get3A_1086 : vector<1x16xf32> to vector<16xf32>
        %add3A_1088 = arith.addf %add3A_1050, %get3A_1087 : vector<16xf32>
        %slice3A_1089 = vector.extract_strided_slice %get3A_174 {offsets = [8], sizes = [1], strides = [1]} : vector<16xi32> to vector<1xi32>
        %squeeze3A_1090 = vector.extract %slice3A_1089[0] : i32 from vector<1xi32>
        %add3A_1091 = arith.constant 24 : i32
        %add3A_1092 = arith.addi %mul3A_165, %add3A_1091 : i32
        %add3A_1093 = arith.constant 0 : i32
        %add3A_1094 = arith.addi %squeeze3A_1090, %add3A_1093 : i32
        %get3A_1095 = arith.index_cast %add3A_1092 : i32 to index
        %get3A_1096 = arith.index_cast %add3A_1094 : i32 to index
        %get3A_1097 = tpu.vector_load %arg10[%get3A_1095, %get3A_1096] {strides = array<i32>} : memref<400x128xf32, #tpu.memory_space<vmem>>, vector<1x16xf32>,
        %get3A_1098 = vector.shape_cast %get3A_1097 : vector<1x16xf32> to vector<16xf32>
        %add3A_1099 = arith.addf %add3A_1061, %get3A_1098 : vector<16xf32>
        %add3A_1100 = arith.constant 24 : i32
        %add3A_1101 = arith.addi %mul3A_165, %add3A_1100 : i32
        %add3A_1102 = arith.constant 16 : i32
        %add3A_1103 = arith.addi %squeeze3A_1090, %add3A_1102 : i32
        %get3A_1104 = arith.index_cast %add3A_1101 : i32 to index
        %get3A_1105 = arith.index_cast %add3A_1103 : i32 to index
        %get3A_1106 = tpu.vector_load %arg10[%get3A_1104, %get3A_1105] {strides = array<i32>} : memref<400x128xf32, #tpu.memory_space<vmem>>, vector<1x16xf32>,
        %get3A_1107 = vector.shape_cast %get3A_1106 : vector<1x16xf32> to vector<16xf32>
        %add3A_1108 = arith.addf %add3A_1070, %get3A_1107 : vector<16xf32>
        %add3A_1109 = arith.constant 24 : i32
        %add3A_1110 = arith.addi %mul3A_165, %add3A_1109 : i32
        %add3A_1111 = arith.constant 32 : i32
        %add3A_1112 = arith.addi %squeeze3A_1090, %add3A_1111 : i32
        %get3A_1113 = arith.index_cast %add3A_1110 : i32 to index
        %get3A_1114 = arith.index_cast %add3A_1112 : i32 to index
        %get3A_1115 = tpu.vector_load %arg10[%get3A_1113, %get3A_1114] {strides = array<i32>} : memref<400x128xf32, #tpu.memory_space<vmem>>, vector<1x16xf32>,
        %get3A_1116 = vector.shape_cast %get3A_1115 : vector<1x16xf32> to vector<16xf32>
        %add3A_1117 = arith.addf %add3A_1079, %get3A_1116 : vector<16xf32>
        %add3A_1118 = arith.constant 24 : i32
        %add3A_1119 = arith.addi %mul3A_165, %add3A_1118 : i32
        %add3A_1120 = arith.constant 48 : i32
        %add3A_1121 = arith.addi %squeeze3A_1090, %add3A_1120 : i32
        %get3A_1122 = arith.index_cast %add3A_1119 : i32 to index
        %get3A_1123 = arith.index_cast %add3A_1121 : i32 to index
        %get3A_1124 = tpu.vector_load %arg10[%get3A_1122, %get3A_1123] {strides = array<i32>} : memref<400x128xf32, #tpu.memory_space<vmem>>, vector<1x16xf32>,
        %get3A_1125 = vector.shape_cast %get3A_1124 : vector<1x16xf32> to vector<16xf32>
        %add3A_1126 = arith.addf %add3A_1088, %get3A_1125 : vector<16xf32>
        %slice3A_1127 = vector.extract_strided_slice %get3A_174 {offsets = [9], sizes = [1], strides = [1]} : vector<16xi32> to vector<1xi32>
        %squeeze3A_1128 = vector.extract %slice3A_1127[0] : i32 from vector<1xi32>
        %add3A_1129 = arith.constant 25 : i32
        %add3A_1130 = arith.addi %mul3A_165, %add3A_1129 : i32
        %add3A_1131 = arith.constant 0 : i32
        %add3A_1132 = arith.addi %squeeze3A_1128, %add3A_1131 : i32
        %get3A_1133 = arith.index_cast %add3A_1130 : i32 to index
        %get3A_1134 = arith.index_cast %add3A_1132 : i32 to index
        %get3A_1135 = tpu.vector_load %arg10[%get3A_1133, %get3A_1134] {strides = array<i32>} : memref<400x128xf32, #tpu.memory_space<vmem>>, vector<1x16xf32>,
        %get3A_1136 = vector.shape_cast %get3A_1135 : vector<1x16xf32> to vector<16xf32>
        %add3A_1137 = arith.addf %add3A_1099, %get3A_1136 : vector<16xf32>
        %add3A_1138 = arith.constant 25 : i32
        %add3A_1139 = arith.addi %mul3A_165, %add3A_1138 : i32
        %add3A_1140 = arith.constant 16 : i32
        %add3A_1141 = arith.addi %squeeze3A_1128, %add3A_1140 : i32
        %get3A_1142 = arith.index_cast %add3A_1139 : i32 to index
        %get3A_1143 = arith.index_cast %add3A_1141 : i32 to index
        %get3A_1144 = tpu.vector_load %arg10[%get3A_1142, %get3A_1143] {strides = array<i32>} : memref<400x128xf32, #tpu.memory_space<vmem>>, vector<1x16xf32>,
        %get3A_1145 = vector.shape_cast %get3A_1144 : vector<1x16xf32> to vector<16xf32>
        %add3A_1146 = arith.addf %add3A_1108, %get3A_1145 : vector<16xf32>
        %add3A_1147 = arith.constant 25 : i32
        %add3A_1148 = arith.addi %mul3A_165, %add3A_1147 : i32
        %add3A_1149 = arith.constant 32 : i32
        %add3A_1150 = arith.addi %squeeze3A_1128, %add3A_1149 : i32
        %get3A_1151 = arith.index_cast %add3A_1148 : i32 to index
        %get3A_1152 = arith.index_cast %add3A_1150 : i32 to index
        %get3A_1153 = tpu.vector_load %arg10[%get3A_1151, %get3A_1152] {strides = array<i32>} : memref<400x128xf32, #tpu.memory_space<vmem>>, vector<1x16xf32>,
        %get3A_1154 = vector.shape_cast %get3A_1153 : vector<1x16xf32> to vector<16xf32>
        %add3A_1155 = arith.addf %add3A_1117, %get3A_1154 : vector<16xf32>
        %add3A_1156 = arith.constant 25 : i32
        %add3A_1157 = arith.addi %mul3A_165, %add3A_1156 : i32
        %add3A_1158 = arith.constant 48 : i32
        %add3A_1159 = arith.addi %squeeze3A_1128, %add3A_1158 : i32
        %get3A_1160 = arith.index_cast %add3A_1157 : i32 to index
        %get3A_1161 = arith.index_cast %add3A_1159 : i32 to index
        %get3A_1162 = tpu.vector_load %arg10[%get3A_1160, %get3A_1161] {strides = array<i32>} : memref<400x128xf32, #tpu.memory_space<vmem>>, vector<1x16xf32>,
        %get3A_1163 = vector.shape_cast %get3A_1162 : vector<1x16xf32> to vector<16xf32>
        %add3A_1164 = arith.addf %add3A_1126, %get3A_1163 : vector<16xf32>
        %slice3A_1165 = vector.extract_strided_slice %get3A_174 {offsets = [10], sizes = [1], strides = [1]} : vector<16xi32> to vector<1xi32>
        %squeeze3A_1166 = vector.extract %slice3A_1165[0] : i32 from vector<1xi32>
        %add3A_1167 = arith.constant 26 : i32
        %add3A_1168 = arith.addi %mul3A_165, %add3A_1167 : i32
        %add3A_1169 = arith.constant 0 : i32
        %add3A_1170 = arith.addi %squeeze3A_1166, %add3A_1169 : i32
        %get3A_1171 = arith.index_cast %add3A_1168 : i32 to index
        %get3A_1172 = arith.index_cast %add3A_1170 : i32 to index
        %get3A_1173 = tpu.vector_load %arg10[%get3A_1171, %get3A_1172] {strides = array<i32>} : memref<400x128xf32, #tpu.memory_space<vmem>>, vector<1x16xf32>,
        %get3A_1174 = vector.shape_cast %get3A_1173 : vector<1x16xf32> to vector<16xf32>
        %add3A_1175 = arith.addf %add3A_1137, %get3A_1174 : vector<16xf32>
        %add3A_1176 = arith.constant 26 : i32
        %add3A_1177 = arith.addi %mul3A_165, %add3A_1176 : i32
        %add3A_1178 = arith.constant 16 : i32
        %add3A_1179 = arith.addi %squeeze3A_1166, %add3A_1178 : i32
        %get3A_1180 = arith.index_cast %add3A_1177 : i32 to index
        %get3A_1181 = arith.index_cast %add3A_1179 : i32 to index
        %get3A_1182 = tpu.vector_load %arg10[%get3A_1180, %get3A_1181] {strides = array<i32>} : memref<400x128xf32, #tpu.memory_space<vmem>>, vector<1x16xf32>,
        %get3A_1183 = vector.shape_cast %get3A_1182 : vector<1x16xf32> to vector<16xf32>
        %add3A_1184 = arith.addf %add3A_1146, %get3A_1183 : vector<16xf32>
        %add3A_1185 = arith.constant 26 : i32
        %add3A_1186 = arith.addi %mul3A_165, %add3A_1185 : i32
        %add3A_1187 = arith.constant 32 : i32
        %add3A_1188 = arith.addi %squeeze3A_1166, %add3A_1187 : i32
        %get3A_1189 = arith.index_cast %add3A_1186 : i32 to index
        %get3A_1190 = arith.index_cast %add3A_1188 : i32 to index
        %get3A_1191 = tpu.vector_load %arg10[%get3A_1189, %get3A_1190] {strides = array<i32>} : memref<400x128xf32, #tpu.memory_space<vmem>>, vector<1x16xf32>,
        %get3A_1192 = vector.shape_cast %get3A_1191 : vector<1x16xf32> to vector<16xf32>
        %add3A_1193 = arith.addf %add3A_1155, %get3A_1192 : vector<16xf32>
        %add3A_1194 = arith.constant 26 : i32
        %add3A_1195 = arith.addi %mul3A_165, %add3A_1194 : i32
        %add3A_1196 = arith.constant 48 : i32
        %add3A_1197 = arith.addi %squeeze3A_1166, %add3A_1196 : i32
        %get3A_1198 = arith.index_cast %add3A_1195 : i32 to index
        %get3A_1199 = arith.index_cast %add3A_1197 : i32 to index
        %get3A_1200 = tpu.vector_load %arg10[%get3A_1198, %get3A_1199] {strides = array<i32>} : memref<400x128xf32, #tpu.memory_space<vmem>>, vector<1x16xf32>,
        %get3A_1201 = vector.shape_cast %get3A_1200 : vector<1x16xf32> to vector<16xf32>
        %add3A_1202 = arith.addf %add3A_1164, %get3A_1201 : vector<16xf32>
        %slice3A_1203 = vector.extract_strided_slice %get3A_174 {offsets = [11], sizes = [1], strides = [1]} : vector<16xi32> to vector<1xi32>
        %squeeze3A_1204 = vector.extract %slice3A_1203[0] : i32 from vector<1xi32>
        %add3A_1205 = arith.constant 27 : i32
        %add3A_1206 = arith.addi %mul3A_165, %add3A_1205 : i32
        %add3A_1207 = arith.constant 0 : i32
        %add3A_1208 = arith.addi %squeeze3A_1204, %add3A_1207 : i32
        %get3A_1209 = arith.index_cast %add3A_1206 : i32 to index
        %get3A_1210 = arith.index_cast %add3A_1208 : i32 to index
        %get3A_1211 = tpu.vector_load %arg10[%get3A_1209, %get3A_1210] {strides = array<i32>} : memref<400x128xf32, #tpu.memory_space<vmem>>, vector<1x16xf32>,
        %get3A_1212 = vector.shape_cast %get3A_1211 : vector<1x16xf32> to vector<16xf32>
        %add3A_1213 = arith.addf %add3A_1175, %get3A_1212 : vector<16xf32>
        %add3A_1214 = arith.constant 27 : i32
        %add3A_1215 = arith.addi %mul3A_165, %add3A_1214 : i32
        %add3A_1216 = arith.constant 16 : i32
        %add3A_1217 = arith.addi %squeeze3A_1204, %add3A_1216 : i32
        %get3A_1218 = arith.index_cast %add3A_1215 : i32 to index
        %get3A_1219 = arith.index_cast %add3A_1217 : i32 to index
        %get3A_1220 = tpu.vector_load %arg10[%get3A_1218, %get3A_1219] {strides = array<i32>} : memref<400x128xf32, #tpu.memory_space<vmem>>, vector<1x16xf32>,
        %get3A_1221 = vector.shape_cast %get3A_1220 : vector<1x16xf32> to vector<16xf32>
        %add3A_1222 = arith.addf %add3A_1184, %get3A_1221 : vector<16xf32>
        %add3A_1223 = arith.constant 27 : i32
        %add3A_1224 = arith.addi %mul3A_165, %add3A_1223 : i32
        %add3A_1225 = arith.constant 32 : i32
        %add3A_1226 = arith.addi %squeeze3A_1204, %add3A_1225 : i32
        %get3A_1227 = arith.index_cast %add3A_1224 : i32 to index
        %get3A_1228 = arith.index_cast %add3A_1226 : i32 to index
        %get3A_1229 = tpu.vector_load %arg10[%get3A_1227, %get3A_1228] {strides = array<i32>} : memref<400x128xf32, #tpu.memory_space<vmem>>, vector<1x16xf32>,
        %get3A_1230 = vector.shape_cast %get3A_1229 : vector<1x16xf32> to vector<16xf32>
        %add3A_1231 = arith.addf %add3A_1193, %get3A_1230 : vector<16xf32>
        %add3A_1232 = arith.constant 27 : i32
        %add3A_1233 = arith.addi %mul3A_165, %add3A_1232 : i32
        %add3A_1234 = arith.constant 48 : i32
        %add3A_1235 = arith.addi %squeeze3A_1204, %add3A_1234 : i32
        %get3A_1236 = arith.index_cast %add3A_1233 : i32 to index
        %get3A_1237 = arith.index_cast %add3A_1235 : i32 to index
        %get3A_1238 = tpu.vector_load %arg10[%get3A_1236, %get3A_1237] {strides = array<i32>} : memref<400x128xf32, #tpu.memory_space<vmem>>, vector<1x16xf32>,
        %get3A_1239 = vector.shape_cast %get3A_1238 : vector<1x16xf32> to vector<16xf32>
        %add3A_1240 = arith.addf %add3A_1202, %get3A_1239 : vector<16xf32>
        %slice3A_1241 = vector.extract_strided_slice %get3A_174 {offsets = [12], sizes = [1], strides = [1]} : vector<16xi32> to vector<1xi32>
        %squeeze3A_1242 = vector.extract %slice3A_1241[0] : i32 from vector<1xi32>
        %add3A_1243 = arith.constant 28 : i32
        %add3A_1244 = arith.addi %mul3A_165, %add3A_1243 : i32
        %add3A_1245 = arith.constant 0 : i32
        %add3A_1246 = arith.addi %squeeze3A_1242, %add3A_1245 : i32
        %get3A_1247 = arith.index_cast %add3A_1244 : i32 to index
        %get3A_1248 = arith.index_cast %add3A_1246 : i32 to index
        %get3A_1249 = tpu.vector_load %arg10[%get3A_1247, %get3A_1248] {strides = array<i32>} : memref<400x128xf32, #tpu.memory_space<vmem>>, vector<1x16xf32>,
        %get3A_1250 = vector.shape_cast %get3A_1249 : vector<1x16xf32> to vector<16xf32>
        %add3A_1251 = arith.addf %add3A_1213, %get3A_1250 : vector<16xf32>
        %add3A_1252 = arith.constant 28 : i32
        %add3A_1253 = arith.addi %mul3A_165, %add3A_1252 : i32
        %add3A_1254 = arith.constant 16 : i32
        %add3A_1255 = arith.addi %squeeze3A_1242, %add3A_1254 : i32
        %get3A_1256 = arith.index_cast %add3A_1253 : i32 to index
        %get3A_1257 = arith.index_cast %add3A_1255 : i32 to index
        %get3A_1258 = tpu.vector_load %arg10[%get3A_1256, %get3A_1257] {strides = array<i32>} : memref<400x128xf32, #tpu.memory_space<vmem>>, vector<1x16xf32>,
        %get3A_1259 = vector.shape_cast %get3A_1258 : vector<1x16xf32> to vector<16xf32>
        %add3A_1260 = arith.addf %add3A_1222, %get3A_1259 : vector<16xf32>
        %add3A_1261 = arith.constant 28 : i32
        %add3A_1262 = arith.addi %mul3A_165, %add3A_1261 : i32
        %add3A_1263 = arith.constant 32 : i32
        %add3A_1264 = arith.addi %squeeze3A_1242, %add3A_1263 : i32
        %get3A_1265 = arith.index_cast %add3A_1262 : i32 to index
        %get3A_1266 = arith.index_cast %add3A_1264 : i32 to index
        %get3A_1267 = tpu.vector_load %arg10[%get3A_1265, %get3A_1266] {strides = array<i32>} : memref<400x128xf32, #tpu.memory_space<vmem>>, vector<1x16xf32>,
        %get3A_1268 = vector.shape_cast %get3A_1267 : vector<1x16xf32> to vector<16xf32>
        %add3A_1269 = arith.addf %add3A_1231, %get3A_1268 : vector<16xf32>
        %add3A_1270 = arith.constant 28 : i32
        %add3A_1271 = arith.addi %mul3A_165, %add3A_1270 : i32
        %add3A_1272 = arith.constant 48 : i32
        %add3A_1273 = arith.addi %squeeze3A_1242, %add3A_1272 : i32
        %get3A_1274 = arith.index_cast %add3A_1271 : i32 to index
        %get3A_1275 = arith.index_cast %add3A_1273 : i32 to index
        %get3A_1276 = tpu.vector_load %arg10[%get3A_1274, %get3A_1275] {strides = array<i32>} : memref<400x128xf32, #tpu.memory_space<vmem>>, vector<1x16xf32>,
        %get3A_1277 = vector.shape_cast %get3A_1276 : vector<1x16xf32> to vector<16xf32>
        %add3A_1278 = arith.addf %add3A_1240, %get3A_1277 : vector<16xf32>
        %slice3A_1279 = vector.extract_strided_slice %get3A_174 {offsets = [13], sizes = [1], strides = [1]} : vector<16xi32> to vector<1xi32>
        %squeeze3A_1280 = vector.extract %slice3A_1279[0] : i32 from vector<1xi32>
        %add3A_1281 = arith.constant 29 : i32
        %add3A_1282 = arith.addi %mul3A_165, %add3A_1281 : i32
        %add3A_1283 = arith.constant 0 : i32
        %add3A_1284 = arith.addi %squeeze3A_1280, %add3A_1283 : i32
        %get3A_1285 = arith.index_cast %add3A_1282 : i32 to index
        %get3A_1286 = arith.index_cast %add3A_1284 : i32 to index
        %get3A_1287 = tpu.vector_load %arg10[%get3A_1285, %get3A_1286] {strides = array<i32>} : memref<400x128xf32, #tpu.memory_space<vmem>>, vector<1x16xf32>,
        %get3A_1288 = vector.shape_cast %get3A_1287 : vector<1x16xf32> to vector<16xf32>
        %add3A_1289 = arith.addf %add3A_1251, %get3A_1288 : vector<16xf32>
        %add3A_1290 = arith.constant 29 : i32
        %add3A_1291 = arith.addi %mul3A_165, %add3A_1290 : i32
        %add3A_1292 = arith.constant 16 : i32
        %add3A_1293 = arith.addi %squeeze3A_1280, %add3A_1292 : i32
        %get3A_1294 = arith.index_cast %add3A_1291 : i32 to index
        %get3A_1295 = arith.index_cast %add3A_1293 : i32 to index
        %get3A_1296 = tpu.vector_load %arg10[%get3A_1294, %get3A_1295] {strides = array<i32>} : memref<400x128xf32, #tpu.memory_space<vmem>>, vector<1x16xf32>,
        %get3A_1297 = vector.shape_cast %get3A_1296 : vector<1x16xf32> to vector<16xf32>
        %add3A_1298 = arith.addf %add3A_1260, %get3A_1297 : vector<16xf32>
        %add3A_1299 = arith.constant 29 : i32
        %add3A_1300 = arith.addi %mul3A_165, %add3A_1299 : i32
        %add3A_1301 = arith.constant 32 : i32
        %add3A_1302 = arith.addi %squeeze3A_1280, %add3A_1301 : i32
        %get3A_1303 = arith.index_cast %add3A_1300 : i32 to index
        %get3A_1304 = arith.index_cast %add3A_1302 : i32 to index
        %get3A_1305 = tpu.vector_load %arg10[%get3A_1303, %get3A_1304] {strides = array<i32>} : memref<400x128xf32, #tpu.memory_space<vmem>>, vector<1x16xf32>,
        %get3A_1306 = vector.shape_cast %get3A_1305 : vector<1x16xf32> to vector<16xf32>
        %add3A_1307 = arith.addf %add3A_1269, %get3A_1306 : vector<16xf32>
        %add3A_1308 = arith.constant 29 : i32
        %add3A_1309 = arith.addi %mul3A_165, %add3A_1308 : i32
        %add3A_1310 = arith.constant 48 : i32
        %add3A_1311 = arith.addi %squeeze3A_1280, %add3A_1310 : i32
        %get3A_1312 = arith.index_cast %add3A_1309 : i32 to index
        %get3A_1313 = arith.index_cast %add3A_1311 : i32 to index
        %get3A_1314 = tpu.vector_load %arg10[%get3A_1312, %get3A_1313] {strides = array<i32>} : memref<400x128xf32, #tpu.memory_space<vmem>>, vector<1x16xf32>,
        %get3A_1315 = vector.shape_cast %get3A_1314 : vector<1x16xf32> to vector<16xf32>
        %add3A_1316 = arith.addf %add3A_1278, %get3A_1315 : vector<16xf32>
        %slice3A_1317 = vector.extract_strided_slice %get3A_174 {offsets = [14], sizes = [1], strides = [1]} : vector<16xi32> to vector<1xi32>
        %squeeze3A_1318 = vector.extract %slice3A_1317[0] : i32 from vector<1xi32>
        %add3A_1319 = arith.constant 30 : i32
        %add3A_1320 = arith.addi %mul3A_165, %add3A_1319 : i32
        %add3A_1321 = arith.constant 0 : i32
        %add3A_1322 = arith.addi %squeeze3A_1318, %add3A_1321 : i32
        %get3A_1323 = arith.index_cast %add3A_1320 : i32 to index
        %get3A_1324 = arith.index_cast %add3A_1322 : i32 to index
        %get3A_1325 = tpu.vector_load %arg10[%get3A_1323, %get3A_1324] {strides = array<i32>} : memref<400x128xf32, #tpu.memory_space<vmem>>, vector<1x16xf32>,
        %get3A_1326 = vector.shape_cast %get3A_1325 : vector<1x16xf32> to vector<16xf32>
        %add3A_1327 = arith.addf %add3A_1289, %get3A_1326 : vector<16xf32>
        %add3A_1328 = arith.constant 30 : i32
        %add3A_1329 = arith.addi %mul3A_165, %add3A_1328 : i32
        %add3A_1330 = arith.constant 16 : i32
        %add3A_1331 = arith.addi %squeeze3A_1318, %add3A_1330 : i32
        %get3A_1332 = arith.index_cast %add3A_1329 : i32 to index
        %get3A_1333 = arith.index_cast %add3A_1331 : i32 to index
        %get3A_1334 = tpu.vector_load %arg10[%get3A_1332, %get3A_1333] {strides = array<i32>} : memref<400x128xf32, #tpu.memory_space<vmem>>, vector<1x16xf32>,
        %get3A_1335 = vector.shape_cast %get3A_1334 : vector<1x16xf32> to vector<16xf32>
        %add3A_1336 = arith.addf %add3A_1298, %get3A_1335 : vector<16xf32>
        %add3A_1337 = arith.constant 30 : i32
        %add3A_1338 = arith.addi %mul3A_165, %add3A_1337 : i32
        %add3A_1339 = arith.constant 32 : i32
        %add3A_1340 = arith.addi %squeeze3A_1318, %add3A_1339 : i32
        %get3A_1341 = arith.index_cast %add3A_1338 : i32 to index
        %get3A_1342 = arith.index_cast %add3A_1340 : i32 to index
        %get3A_1343 = tpu.vector_load %arg10[%get3A_1341, %get3A_1342] {strides = array<i32>} : memref<400x128xf32, #tpu.memory_space<vmem>>, vector<1x16xf32>,
        %get3A_1344 = vector.shape_cast %get3A_1343 : vector<1x16xf32> to vector<16xf32>
        %add3A_1345 = arith.addf %add3A_1307, %get3A_1344 : vector<16xf32>
        %add3A_1346 = arith.constant 30 : i32
        %add3A_1347 = arith.addi %mul3A_165, %add3A_1346 : i32
        %add3A_1348 = arith.constant 48 : i32
        %add3A_1349 = arith.addi %squeeze3A_1318, %add3A_1348 : i32
        %get3A_1350 = arith.index_cast %add3A_1347 : i32 to index
        %get3A_1351 = arith.index_cast %add3A_1349 : i32 to index
        %get3A_1352 = tpu.vector_load %arg10[%get3A_1350, %get3A_1351] {strides = array<i32>} : memref<400x128xf32, #tpu.memory_space<vmem>>, vector<1x16xf32>,
        %get3A_1353 = vector.shape_cast %get3A_1352 : vector<1x16xf32> to vector<16xf32>
        %add3A_1354 = arith.addf %add3A_1316, %get3A_1353 : vector<16xf32>
        %slice3A_1355 = vector.extract_strided_slice %get3A_174 {offsets = [15], sizes = [1], strides = [1]} : vector<16xi32> to vector<1xi32>
        %squeeze3A_1356 = vector.extract %slice3A_1355[0] : i32 from vector<1xi32>
        %add3A_1357 = arith.constant 31 : i32
        %add3A_1358 = arith.addi %mul3A_165, %add3A_1357 : i32
        %add3A_1359 = arith.constant 0 : i32
        %add3A_1360 = arith.addi %squeeze3A_1356, %add3A_1359 : i32
        %get3A_1361 = arith.index_cast %add3A_1358 : i32 to index
        %get3A_1362 = arith.index_cast %add3A_1360 : i32 to index
        %get3A_1363 = tpu.vector_load %arg10[%get3A_1361, %get3A_1362] {strides = array<i32>} : memref<400x128xf32, #tpu.memory_space<vmem>>, vector<1x16xf32>,
        %get3A_1364 = vector.shape_cast %get3A_1363 : vector<1x16xf32> to vector<16xf32>
        %add3A_1365 = arith.addf %add3A_1327, %get3A_1364 : vector<16xf32>
        %add3A_1366 = arith.constant 31 : i32
        %add3A_1367 = arith.addi %mul3A_165, %add3A_1366 : i32
        %add3A_1368 = arith.constant 16 : i32
        %add3A_1369 = arith.addi %squeeze3A_1356, %add3A_1368 : i32
        %get3A_1370 = arith.index_cast %add3A_1367 : i32 to index
        %get3A_1371 = arith.index_cast %add3A_1369 : i32 to index
        %get3A_1372 = tpu.vector_load %arg10[%get3A_1370, %get3A_1371] {strides = array<i32>} : memref<400x128xf32, #tpu.memory_space<vmem>>, vector<1x16xf32>,
        %get3A_1373 = vector.shape_cast %get3A_1372 : vector<1x16xf32> to vector<16xf32>
        %add3A_1374 = arith.addf %add3A_1336, %get3A_1373 : vector<16xf32>
        %add3A_1375 = arith.constant 31 : i32
        %add3A_1376 = arith.addi %mul3A_165, %add3A_1375 : i32
        %add3A_1377 = arith.constant 32 : i32
        %add3A_1378 = arith.addi %squeeze3A_1356, %add3A_1377 : i32
        %get3A_1379 = arith.index_cast %add3A_1376 : i32 to index
        %get3A_1380 = arith.index_cast %add3A_1378 : i32 to index
        %get3A_1381 = tpu.vector_load %arg10[%get3A_1379, %get3A_1380] {strides = array<i32>} : memref<400x128xf32, #tpu.memory_space<vmem>>, vector<1x16xf32>,
        %get3A_1382 = vector.shape_cast %get3A_1381 : vector<1x16xf32> to vector<16xf32>
        %add3A_1383 = arith.addf %add3A_1345, %get3A_1382 : vector<16xf32>
        %add3A_1384 = arith.constant 31 : i32
        %add3A_1385 = arith.addi %mul3A_165, %add3A_1384 : i32
        %add3A_1386 = arith.constant 48 : i32
        %add3A_1387 = arith.addi %squeeze3A_1356, %add3A_1386 : i32
        %get3A_1388 = arith.index_cast %add3A_1385 : i32 to index
        %get3A_1389 = arith.index_cast %add3A_1387 : i32 to index
        %get3A_1390 = tpu.vector_load %arg10[%get3A_1388, %get3A_1389] {strides = array<i32>} : memref<400x128xf32, #tpu.memory_space<vmem>>, vector<1x16xf32>,
        %get3A_1391 = vector.shape_cast %get3A_1390 : vector<1x16xf32> to vector<16xf32>
        %add3A_1392 = arith.addf %add3A_1354, %get3A_1391 : vector<16xf32>
        %slice3A_1393 = vector.extract_strided_slice %get3A_179 {offsets = [0], sizes = [1], strides = [1]} : vector<16xi32> to vector<1xi32>
        %squeeze3A_1394 = vector.extract %slice3A_1393[0] : i32 from vector<1xi32>
        %add3A_1395 = arith.constant 32 : i32
        %add3A_1396 = arith.addi %mul3A_165, %add3A_1395 : i32
        %add3A_1397 = arith.constant 0 : i32
        %add3A_1398 = arith.addi %squeeze3A_1394, %add3A_1397 : i32
        %get3A_1399 = arith.index_cast %add3A_1396 : i32 to index
        %get3A_1400 = arith.index_cast %add3A_1398 : i32 to index
        %get3A_1401 = tpu.vector_load %arg10[%get3A_1399, %get3A_1400] {strides = array<i32>} : memref<400x128xf32, #tpu.memory_space<vmem>>, vector<1x16xf32>,
        %get3A_1402 = vector.shape_cast %get3A_1401 : vector<1x16xf32> to vector<16xf32>
        %add3A_1403 = arith.addf %add3A_1365, %get3A_1402 : vector<16xf32>
        %add3A_1404 = arith.constant 32 : i32
        %add3A_1405 = arith.addi %mul3A_165, %add3A_1404 : i32
        %add3A_1406 = arith.constant 16 : i32
        %add3A_1407 = arith.addi %squeeze3A_1394, %add3A_1406 : i32
        %get3A_1408 = arith.index_cast %add3A_1405 : i32 to index
        %get3A_1409 = arith.index_cast %add3A_1407 : i32 to index
        %get3A_1410 = tpu.vector_load %arg10[%get3A_1408, %get3A_1409] {strides = array<i32>} : memref<400x128xf32, #tpu.memory_space<vmem>>, vector<1x16xf32>,
        %get3A_1411 = vector.shape_cast %get3A_1410 : vector<1x16xf32> to vector<16xf32>
        %add3A_1412 = arith.addf %add3A_1374, %get3A_1411 : vector<16xf32>
        %add3A_1413 = arith.constant 32 : i32
        %add3A_1414 = arith.addi %mul3A_165, %add3A_1413 : i32
        %add3A_1415 = arith.constant 32 : i32
        %add3A_1416 = arith.addi %squeeze3A_1394, %add3A_1415 : i32
        %get3A_1417 = arith.index_cast %add3A_1414 : i32 to index
        %get3A_1418 = arith.index_cast %add3A_1416 : i32 to index
        %get3A_1419 = tpu.vector_load %arg10[%get3A_1417, %get3A_1418] {strides = array<i32>} : memref<400x128xf32, #tpu.memory_space<vmem>>, vector<1x16xf32>,
        %get3A_1420 = vector.shape_cast %get3A_1419 : vector<1x16xf32> to vector<16xf32>
        %add3A_1421 = arith.addf %add3A_1383, %get3A_1420 : vector<16xf32>
        %add3A_1422 = arith.constant 32 : i32
        %add3A_1423 = arith.addi %mul3A_165, %add3A_1422 : i32
        %add3A_1424 = arith.constant 48 : i32
        %add3A_1425 = arith.addi %squeeze3A_1394, %add3A_1424 : i32
        %get3A_1426 = arith.index_cast %add3A_1423 : i32 to index
        %get3A_1427 = arith.index_cast %add3A_1425 : i32 to index
        %get3A_1428 = tpu.vector_load %arg10[%get3A_1426, %get3A_1427] {strides = array<i32>} : memref<400x128xf32, #tpu.memory_space<vmem>>, vector<1x16xf32>,
        %get3A_1429 = vector.shape_cast %get3A_1428 : vector<1x16xf32> to vector<16xf32>
        %add3A_1430 = arith.addf %add3A_1392, %get3A_1429 : vector<16xf32>
        %slice3A_1431 = vector.extract_strided_slice %get3A_179 {offsets = [1], sizes = [1], strides = [1]} : vector<16xi32> to vector<1xi32>
        %squeeze3A_1432 = vector.extract %slice3A_1431[0] : i32 from vector<1xi32>
        %add3A_1433 = arith.constant 33 : i32
        %add3A_1434 = arith.addi %mul3A_165, %add3A_1433 : i32
        %add3A_1435 = arith.constant 0 : i32
        %add3A_1436 = arith.addi %squeeze3A_1432, %add3A_1435 : i32
        %get3A_1437 = arith.index_cast %add3A_1434 : i32 to index
        %get3A_1438 = arith.index_cast %add3A_1436 : i32 to index
        %get3A_1439 = tpu.vector_load %arg10[%get3A_1437, %get3A_1438] {strides = array<i32>} : memref<400x128xf32, #tpu.memory_space<vmem>>, vector<1x16xf32>,
        %get3A_1440 = vector.shape_cast %get3A_1439 : vector<1x16xf32> to vector<16xf32>
        %add3A_1441 = arith.addf %add3A_1403, %get3A_1440 : vector<16xf32>
        %add3A_1442 = arith.constant 33 : i32
        %add3A_1443 = arith.addi %mul3A_165, %add3A_1442 : i32
        %add3A_1444 = arith.constant 16 : i32
        %add3A_1445 = arith.addi %squeeze3A_1432, %add3A_1444 : i32
        %get3A_1446 = arith.index_cast %add3A_1443 : i32 to index
        %get3A_1447 = arith.index_cast %add3A_1445 : i32 to index
        %get3A_1448 = tpu.vector_load %arg10[%get3A_1446, %get3A_1447] {strides = array<i32>} : memref<400x128xf32, #tpu.memory_space<vmem>>, vector<1x16xf32>,
        %get3A_1449 = vector.shape_cast %get3A_1448 : vector<1x16xf32> to vector<16xf32>
        %add3A_1450 = arith.addf %add3A_1412, %get3A_1449 : vector<16xf32>
        %add3A_1451 = arith.constant 33 : i32
        %add3A_1452 = arith.addi %mul3A_165, %add3A_1451 : i32
        %add3A_1453 = arith.constant 32 : i32
        %add3A_1454 = arith.addi %squeeze3A_1432, %add3A_1453 : i32
        %get3A_1455 = arith.index_cast %add3A_1452 : i32 to index
        %get3A_1456 = arith.index_cast %add3A_1454 : i32 to index
        %get3A_1457 = tpu.vector_load %arg10[%get3A_1455, %get3A_1456] {strides = array<i32>} : memref<400x128xf32, #tpu.memory_space<vmem>>, vector<1x16xf32>,
        %get3A_1458 = vector.shape_cast %get3A_1457 : vector<1x16xf32> to vector<16xf32>
        %add3A_1459 = arith.addf %add3A_1421, %get3A_1458 : vector<16xf32>
        %add3A_1460 = arith.constant 33 : i32
        %add3A_1461 = arith.addi %mul3A_165, %add3A_1460 : i32
        %add3A_1462 = arith.constant 48 : i32
        %add3A_1463 = arith.addi %squeeze3A_1432, %add3A_1462 : i32
        %get3A_1464 = arith.index_cast %add3A_1461 : i32 to index
        %get3A_1465 = arith.index_cast %add3A_1463 : i32 to index
        %get3A_1466 = tpu.vector_load %arg10[%get3A_1464, %get3A_1465] {strides = array<i32>} : memref<400x128xf32, #tpu.memory_space<vmem>>, vector<1x16xf32>,
        %get3A_1467 = vector.shape_cast %get3A_1466 : vector<1x16xf32> to vector<16xf32>
        %add3A_1468 = arith.addf %add3A_1430, %get3A_1467 : vector<16xf32>
        %slice3A_1469 = vector.extract_strided_slice %get3A_179 {offsets = [2], sizes = [1], strides = [1]} : vector<16xi32> to vector<1xi32>
        %squeeze3A_1470 = vector.extract %slice3A_1469[0] : i32 from vector<1xi32>
        %add3A_1471 = arith.constant 34 : i32
        %add3A_1472 = arith.addi %mul3A_165, %add3A_1471 : i32
        %add3A_1473 = arith.constant 0 : i32
        %add3A_1474 = arith.addi %squeeze3A_1470, %add3A_1473 : i32
        %get3A_1475 = arith.index_cast %add3A_1472 : i32 to index
        %get3A_1476 = arith.index_cast %add3A_1474 : i32 to index
        %get3A_1477 = tpu.vector_load %arg10[%get3A_1475, %get3A_1476] {strides = array<i32>} : memref<400x128xf32, #tpu.memory_space<vmem>>, vector<1x16xf32>,
        %get3A_1478 = vector.shape_cast %get3A_1477 : vector<1x16xf32> to vector<16xf32>
        %add3A_1479 = arith.addf %add3A_1441, %get3A_1478 : vector<16xf32>
        %add3A_1480 = arith.constant 34 : i32
        %add3A_1481 = arith.addi %mul3A_165, %add3A_1480 : i32
        %add3A_1482 = arith.constant 16 : i32
        %add3A_1483 = arith.addi %squeeze3A_1470, %add3A_1482 : i32
        %get3A_1484 = arith.index_cast %add3A_1481 : i32 to index
        %get3A_1485 = arith.index_cast %add3A_1483 : i32 to index
        %get3A_1486 = tpu.vector_load %arg10[%get3A_1484, %get3A_1485] {strides = array<i32>} : memref<400x128xf32, #tpu.memory_space<vmem>>, vector<1x16xf32>,
        %get3A_1487 = vector.shape_cast %get3A_1486 : vector<1x16xf32> to vector<16xf32>
        %add3A_1488 = arith.addf %add3A_1450, %get3A_1487 : vector<16xf32>
        %add3A_1489 = arith.constant 34 : i32
        %add3A_1490 = arith.addi %mul3A_165, %add3A_1489 : i32
        %add3A_1491 = arith.constant 32 : i32
        %add3A_1492 = arith.addi %squeeze3A_1470, %add3A_1491 : i32
        %get3A_1493 = arith.index_cast %add3A_1490 : i32 to index
        %get3A_1494 = arith.index_cast %add3A_1492 : i32 to index
        %get3A_1495 = tpu.vector_load %arg10[%get3A_1493, %get3A_1494] {strides = array<i32>} : memref<400x128xf32, #tpu.memory_space<vmem>>, vector<1x16xf32>,
        %get3A_1496 = vector.shape_cast %get3A_1495 : vector<1x16xf32> to vector<16xf32>
        %add3A_1497 = arith.addf %add3A_1459, %get3A_1496 : vector<16xf32>
        %add3A_1498 = arith.constant 34 : i32
        %add3A_1499 = arith.addi %mul3A_165, %add3A_1498 : i32
        %add3A_1500 = arith.constant 48 : i32
        %add3A_1501 = arith.addi %squeeze3A_1470, %add3A_1500 : i32
        %get3A_1502 = arith.index_cast %add3A_1499 : i32 to index
        %get3A_1503 = arith.index_cast %add3A_1501 : i32 to index
        %get3A_1504 = tpu.vector_load %arg10[%get3A_1502, %get3A_1503] {strides = array<i32>} : memref<400x128xf32, #tpu.memory_space<vmem>>, vector<1x16xf32>,
        %get3A_1505 = vector.shape_cast %get3A_1504 : vector<1x16xf32> to vector<16xf32>
        %add3A_1506 = arith.addf %add3A_1468, %get3A_1505 : vector<16xf32>
        %slice3A_1507 = vector.extract_strided_slice %get3A_179 {offsets = [3], sizes = [1], strides = [1]} : vector<16xi32> to vector<1xi32>
        %squeeze3A_1508 = vector.extract %slice3A_1507[0] : i32 from vector<1xi32>
        %add3A_1509 = arith.constant 35 : i32
        %add3A_1510 = arith.addi %mul3A_165, %add3A_1509 : i32
        %add3A_1511 = arith.constant 0 : i32
        %add3A_1512 = arith.addi %squeeze3A_1508, %add3A_1511 : i32
        %get3A_1513 = arith.index_cast %add3A_1510 : i32 to index
        %get3A_1514 = arith.index_cast %add3A_1512 : i32 to index
        %get3A_1515 = tpu.vector_load %arg10[%get3A_1513, %get3A_1514] {strides = array<i32>} : memref<400x128xf32, #tpu.memory_space<vmem>>, vector<1x16xf32>,
        %get3A_1516 = vector.shape_cast %get3A_1515 : vector<1x16xf32> to vector<16xf32>
        %add3A_1517 = arith.addf %add3A_1479, %get3A_1516 : vector<16xf32>
        %add3A_1518 = arith.constant 35 : i32
        %add3A_1519 = arith.addi %mul3A_165, %add3A_1518 : i32
        %add3A_1520 = arith.constant 16 : i32
        %add3A_1521 = arith.addi %squeeze3A_1508, %add3A_1520 : i32
        %get3A_1522 = arith.index_cast %add3A_1519 : i32 to index
        %get3A_1523 = arith.index_cast %add3A_1521 : i32 to index
        %get3A_1524 = tpu.vector_load %arg10[%get3A_1522, %get3A_1523] {strides = array<i32>} : memref<400x128xf32, #tpu.memory_space<vmem>>, vector<1x16xf32>,
        %get3A_1525 = vector.shape_cast %get3A_1524 : vector<1x16xf32> to vector<16xf32>
        %add3A_1526 = arith.addf %add3A_1488, %get3A_1525 : vector<16xf32>
        %add3A_1527 = arith.constant 35 : i32
        %add3A_1528 = arith.addi %mul3A_165, %add3A_1527 : i32
        %add3A_1529 = arith.constant 32 : i32
        %add3A_1530 = arith.addi %squeeze3A_1508, %add3A_1529 : i32
        %get3A_1531 = arith.index_cast %add3A_1528 : i32 to index
        %get3A_1532 = arith.index_cast %add3A_1530 : i32 to index
        %get3A_1533 = tpu.vector_load %arg10[%get3A_1531, %get3A_1532] {strides = array<i32>} : memref<400x128xf32, #tpu.memory_space<vmem>>, vector<1x16xf32>,
        %get3A_1534 = vector.shape_cast %get3A_1533 : vector<1x16xf32> to vector<16xf32>
        %add3A_1535 = arith.addf %add3A_1497, %get3A_1534 : vector<16xf32>
        %add3A_1536 = arith.constant 35 : i32
        %add3A_1537 = arith.addi %mul3A_165, %add3A_1536 : i32
        %add3A_1538 = arith.constant 48 : i32
        %add3A_1539 = arith.addi %squeeze3A_1508, %add3A_1538 : i32
        %get3A_1540 = arith.index_cast %add3A_1537 : i32 to index
        %get3A_1541 = arith.index_cast %add3A_1539 : i32 to index
        %get3A_1542 = tpu.vector_load %arg10[%get3A_1540, %get3A_1541] {strides = array<i32>} : memref<400x128xf32, #tpu.memory_space<vmem>>, vector<1x16xf32>,
        %get3A_1543 = vector.shape_cast %get3A_1542 : vector<1x16xf32> to vector<16xf32>
        %add3A_1544 = arith.addf %add3A_1506, %get3A_1543 : vector<16xf32>
        %slice3A_1545 = vector.extract_strided_slice %get3A_179 {offsets = [4], sizes = [1], strides = [1]} : vector<16xi32> to vector<1xi32>
        %squeeze3A_1546 = vector.extract %slice3A_1545[0] : i32 from vector<1xi32>
        %add3A_1547 = arith.constant 36 : i32
        %add3A_1548 = arith.addi %mul3A_165, %add3A_1547 : i32
        %add3A_1549 = arith.constant 0 : i32
        %add3A_1550 = arith.addi %squeeze3A_1546, %add3A_1549 : i32
        %get3A_1551 = arith.index_cast %add3A_1548 : i32 to index
        %get3A_1552 = arith.index_cast %add3A_1550 : i32 to index
        %get3A_1553 = tpu.vector_load %arg10[%get3A_1551, %get3A_1552] {strides = array<i32>} : memref<400x128xf32, #tpu.memory_space<vmem>>, vector<1x16xf32>,
        %get3A_1554 = vector.shape_cast %get3A_1553 : vector<1x16xf32> to vector<16xf32>
        %add3A_1555 = arith.addf %add3A_1517, %get3A_1554 : vector<16xf32>
        %add3A_1556 = arith.constant 36 : i32
        %add3A_1557 = arith.addi %mul3A_165, %add3A_1556 : i32
        %add3A_1558 = arith.constant 16 : i32
        %add3A_1559 = arith.addi %squeeze3A_1546, %add3A_1558 : i32
        %get3A_1560 = arith.index_cast %add3A_1557 : i32 to index
        %get3A_1561 = arith.index_cast %add3A_1559 : i32 to index
        %get3A_1562 = tpu.vector_load %arg10[%get3A_1560, %get3A_1561] {strides = array<i32>} : memref<400x128xf32, #tpu.memory_space<vmem>>, vector<1x16xf32>,
        %get3A_1563 = vector.shape_cast %get3A_1562 : vector<1x16xf32> to vector<16xf32>
        %add3A_1564 = arith.addf %add3A_1526, %get3A_1563 : vector<16xf32>
        %add3A_1565 = arith.constant 36 : i32
        %add3A_1566 = arith.addi %mul3A_165, %add3A_1565 : i32
        %add3A_1567 = arith.constant 32 : i32
        %add3A_1568 = arith.addi %squeeze3A_1546, %add3A_1567 : i32
        %get3A_1569 = arith.index_cast %add3A_1566 : i32 to index
        %get3A_1570 = arith.index_cast %add3A_1568 : i32 to index
        %get3A_1571 = tpu.vector_load %arg10[%get3A_1569, %get3A_1570] {strides = array<i32>} : memref<400x128xf32, #tpu.memory_space<vmem>>, vector<1x16xf32>,
        %get3A_1572 = vector.shape_cast %get3A_1571 : vector<1x16xf32> to vector<16xf32>
        %add3A_1573 = arith.addf %add3A_1535, %get3A_1572 : vector<16xf32>
        %add3A_1574 = arith.constant 36 : i32
        %add3A_1575 = arith.addi %mul3A_165, %add3A_1574 : i32
        %add3A_1576 = arith.constant 48 : i32
        %add3A_1577 = arith.addi %squeeze3A_1546, %add3A_1576 : i32
        %get3A_1578 = arith.index_cast %add3A_1575 : i32 to index
        %get3A_1579 = arith.index_cast %add3A_1577 : i32 to index
        %get3A_1580 = tpu.vector_load %arg10[%get3A_1578, %get3A_1579] {strides = array<i32>} : memref<400x128xf32, #tpu.memory_space<vmem>>, vector<1x16xf32>,
        %get3A_1581 = vector.shape_cast %get3A_1580 : vector<1x16xf32> to vector<16xf32>
        %add3A_1582 = arith.addf %add3A_1544, %get3A_1581 : vector<16xf32>
        %slice3A_1583 = vector.extract_strided_slice %get3A_179 {offsets = [5], sizes = [1], strides = [1]} : vector<16xi32> to vector<1xi32>
        %squeeze3A_1584 = vector.extract %slice3A_1583[0] : i32 from vector<1xi32>
        %add3A_1585 = arith.constant 37 : i32
        %add3A_1586 = arith.addi %mul3A_165, %add3A_1585 : i32
        %add3A_1587 = arith.constant 0 : i32
        %add3A_1588 = arith.addi %squeeze3A_1584, %add3A_1587 : i32
        %get3A_1589 = arith.index_cast %add3A_1586 : i32 to index
        %get3A_1590 = arith.index_cast %add3A_1588 : i32 to index
        %get3A_1591 = tpu.vector_load %arg10[%get3A_1589, %get3A_1590] {strides = array<i32>} : memref<400x128xf32, #tpu.memory_space<vmem>>, vector<1x16xf32>,
        %get3A_1592 = vector.shape_cast %get3A_1591 : vector<1x16xf32> to vector<16xf32>
        %add3A_1593 = arith.addf %add3A_1555, %get3A_1592 : vector<16xf32>
        %add3A_1594 = arith.constant 37 : i32
        %add3A_1595 = arith.addi %mul3A_165, %add3A_1594 : i32
        %add3A_1596 = arith.constant 16 : i32
        %add3A_1597 = arith.addi %squeeze3A_1584, %add3A_1596 : i32
        %get3A_1598 = arith.index_cast %add3A_1595 : i32 to index
        %get3A_1599 = arith.index_cast %add3A_1597 : i32 to index
        %get3A_1600 = tpu.vector_load %arg10[%get3A_1598, %get3A_1599] {strides = array<i32>} : memref<400x128xf32, #tpu.memory_space<vmem>>, vector<1x16xf32>,
        %get3A_1601 = vector.shape_cast %get3A_1600 : vector<1x16xf32> to vector<16xf32>
        %add3A_1602 = arith.addf %add3A_1564, %get3A_1601 : vector<16xf32>
        %add3A_1603 = arith.constant 37 : i32
        %add3A_1604 = arith.addi %mul3A_165, %add3A_1603 : i32
        %add3A_1605 = arith.constant 32 : i32
        %add3A_1606 = arith.addi %squeeze3A_1584, %add3A_1605 : i32
        %get3A_1607 = arith.index_cast %add3A_1604 : i32 to index
        %get3A_1608 = arith.index_cast %add3A_1606 : i32 to index
        %get3A_1609 = tpu.vector_load %arg10[%get3A_1607, %get3A_1608] {strides = array<i32>} : memref<400x128xf32, #tpu.memory_space<vmem>>, vector<1x16xf32>,
        %get3A_1610 = vector.shape_cast %get3A_1609 : vector<1x16xf32> to vector<16xf32>
        %add3A_1611 = arith.addf %add3A_1573, %get3A_1610 : vector<16xf32>
        %add3A_1612 = arith.constant 37 : i32
        %add3A_1613 = arith.addi %mul3A_165, %add3A_1612 : i32
        %add3A_1614 = arith.constant 48 : i32
        %add3A_1615 = arith.addi %squeeze3A_1584, %add3A_1614 : i32
        %get3A_1616 = arith.index_cast %add3A_1613 : i32 to index
        %get3A_1617 = arith.index_cast %add3A_1615 : i32 to index
        %get3A_1618 = tpu.vector_load %arg10[%get3A_1616, %get3A_1617] {strides = array<i32>} : memref<400x128xf32, #tpu.memory_space<vmem>>, vector<1x16xf32>,
        %get3A_1619 = vector.shape_cast %get3A_1618 : vector<1x16xf32> to vector<16xf32>
        %add3A_1620 = arith.addf %add3A_1582, %get3A_1619 : vector<16xf32>
        %slice3A_1621 = vector.extract_strided_slice %get3A_179 {offsets = [6], sizes = [1], strides = [1]} : vector<16xi32> to vector<1xi32>
        %squeeze3A_1622 = vector.extract %slice3A_1621[0] : i32 from vector<1xi32>
        %add3A_1623 = arith.constant 38 : i32
        %add3A_1624 = arith.addi %mul3A_165, %add3A_1623 : i32
        %add3A_1625 = arith.constant 0 : i32
        %add3A_1626 = arith.addi %squeeze3A_1622, %add3A_1625 : i32
        %get3A_1627 = arith.index_cast %add3A_1624 : i32 to index
        %get3A_1628 = arith.index_cast %add3A_1626 : i32 to index
        %get3A_1629 = tpu.vector_load %arg10[%get3A_1627, %get3A_1628] {strides = array<i32>} : memref<400x128xf32, #tpu.memory_space<vmem>>, vector<1x16xf32>,
        %get3A_1630 = vector.shape_cast %get3A_1629 : vector<1x16xf32> to vector<16xf32>
        %add3A_1631 = arith.addf %add3A_1593, %get3A_1630 : vector<16xf32>
        %add3A_1632 = arith.constant 38 : i32
        %add3A_1633 = arith.addi %mul3A_165, %add3A_1632 : i32
        %add3A_1634 = arith.constant 16 : i32
        %add3A_1635 = arith.addi %squeeze3A_1622, %add3A_1634 : i32
        %get3A_1636 = arith.index_cast %add3A_1633 : i32 to index
        %get3A_1637 = arith.index_cast %add3A_1635 : i32 to index
        %get3A_1638 = tpu.vector_load %arg10[%get3A_1636, %get3A_1637] {strides = array<i32>} : memref<400x128xf32, #tpu.memory_space<vmem>>, vector<1x16xf32>,
        %get3A_1639 = vector.shape_cast %get3A_1638 : vector<1x16xf32> to vector<16xf32>
        %add3A_1640 = arith.addf %add3A_1602, %get3A_1639 : vector<16xf32>
        %add3A_1641 = arith.constant 38 : i32
        %add3A_1642 = arith.addi %mul3A_165, %add3A_1641 : i32
        %add3A_1643 = arith.constant 32 : i32
        %add3A_1644 = arith.addi %squeeze3A_1622, %add3A_1643 : i32
        %get3A_1645 = arith.index_cast %add3A_1642 : i32 to index
        %get3A_1646 = arith.index_cast %add3A_1644 : i32 to index
        %get3A_1647 = tpu.vector_load %arg10[%get3A_1645, %get3A_1646] {strides = array<i32>} : memref<400x128xf32, #tpu.memory_space<vmem>>, vector<1x16xf32>,
        %get3A_1648 = vector.shape_cast %get3A_1647 : vector<1x16xf32> to vector<16xf32>
        %add3A_1649 = arith.addf %add3A_1611, %get3A_1648 : vector<16xf32>
        %add3A_1650 = arith.constant 38 : i32
        %add3A_1651 = arith.addi %mul3A_165, %add3A_1650 : i32
        %add3A_1652 = arith.constant 48 : i32
        %add3A_1653 = arith.addi %squeeze3A_1622, %add3A_1652 : i32
        %get3A_1654 = arith.index_cast %add3A_1651 : i32 to index
        %get3A_1655 = arith.index_cast %add3A_1653 : i32 to index
        %get3A_1656 = tpu.vector_load %arg10[%get3A_1654, %get3A_1655] {strides = array<i32>} : memref<400x128xf32, #tpu.memory_space<vmem>>, vector<1x16xf32>,
        %get3A_1657 = vector.shape_cast %get3A_1656 : vector<1x16xf32> to vector<16xf32>
        %add3A_1658 = arith.addf %add3A_1620, %get3A_1657 : vector<16xf32>
        %slice3A_1659 = vector.extract_strided_slice %get3A_179 {offsets = [7], sizes = [1], strides = [1]} : vector<16xi32> to vector<1xi32>
        %squeeze3A_1660 = vector.extract %slice3A_1659[0] : i32 from vector<1xi32>
        %add3A_1661 = arith.constant 39 : i32
        %add3A_1662 = arith.addi %mul3A_165, %add3A_1661 : i32
        %add3A_1663 = arith.constant 0 : i32
        %add3A_1664 = arith.addi %squeeze3A_1660, %add3A_1663 : i32
        %get3A_1665 = arith.index_cast %add3A_1662 : i32 to index
        %get3A_1666 = arith.index_cast %add3A_1664 : i32 to index
        %get3A_1667 = tpu.vector_load %arg10[%get3A_1665, %get3A_1666] {strides = array<i32>} : memref<400x128xf32, #tpu.memory_space<vmem>>, vector<1x16xf32>,
        %get3A_1668 = vector.shape_cast %get3A_1667 : vector<1x16xf32> to vector<16xf32>
        %add3A_1669 = arith.addf %add3A_1631, %get3A_1668 : vector<16xf32>
        %add3A_1670 = arith.constant 39 : i32
        %add3A_1671 = arith.addi %mul3A_165, %add3A_1670 : i32
        %add3A_1672 = arith.constant 16 : i32
        %add3A_1673 = arith.addi %squeeze3A_1660, %add3A_1672 : i32
        %get3A_1674 = arith.index_cast %add3A_1671 : i32 to index
        %get3A_1675 = arith.index_cast %add3A_1673 : i32 to index
        %get3A_1676 = tpu.vector_load %arg10[%get3A_1674, %get3A_1675] {strides = array<i32>} : memref<400x128xf32, #tpu.memory_space<vmem>>, vector<1x16xf32>,
        %get3A_1677 = vector.shape_cast %get3A_1676 : vector<1x16xf32> to vector<16xf32>
        %add3A_1678 = arith.addf %add3A_1640, %get3A_1677 : vector<16xf32>
        %add3A_1679 = arith.constant 39 : i32
        %add3A_1680 = arith.addi %mul3A_165, %add3A_1679 : i32
        %add3A_1681 = arith.constant 32 : i32
        %add3A_1682 = arith.addi %squeeze3A_1660, %add3A_1681 : i32
        %get3A_1683 = arith.index_cast %add3A_1680 : i32 to index
        %get3A_1684 = arith.index_cast %add3A_1682 : i32 to index
        %get3A_1685 = tpu.vector_load %arg10[%get3A_1683, %get3A_1684] {strides = array<i32>} : memref<400x128xf32, #tpu.memory_space<vmem>>, vector<1x16xf32>,
        %get3A_1686 = vector.shape_cast %get3A_1685 : vector<1x16xf32> to vector<16xf32>
        %add3A_1687 = arith.addf %add3A_1649, %get3A_1686 : vector<16xf32>
        %add3A_1688 = arith.constant 39 : i32
        %add3A_1689 = arith.addi %mul3A_165, %add3A_1688 : i32
        %add3A_1690 = arith.constant 48 : i32
        %add3A_1691 = arith.addi %squeeze3A_1660, %add3A_1690 : i32
        %get3A_1692 = arith.index_cast %add3A_1689 : i32 to index
        %get3A_1693 = arith.index_cast %add3A_1691 : i32 to index
        %get3A_1694 = tpu.vector_load %arg10[%get3A_1692, %get3A_1693] {strides = array<i32>} : memref<400x128xf32, #tpu.memory_space<vmem>>, vector<1x16xf32>,
        %get3A_1695 = vector.shape_cast %get3A_1694 : vector<1x16xf32> to vector<16xf32>
        %add3A_1696 = arith.addf %add3A_1658, %get3A_1695 : vector<16xf32>
        %slice3A_1697 = vector.extract_strided_slice %get3A_179 {offsets = [8], sizes = [1], strides = [1]} : vector<16xi32> to vector<1xi32>
        %squeeze3A_1698 = vector.extract %slice3A_1697[0] : i32 from vector<1xi32>
        %add3A_1699 = arith.constant 40 : i32
        %add3A_1700 = arith.addi %mul3A_165, %add3A_1699 : i32
        %add3A_1701 = arith.constant 0 : i32
        %add3A_1702 = arith.addi %squeeze3A_1698, %add3A_1701 : i32
        %get3A_1703 = arith.index_cast %add3A_1700 : i32 to index
        %get3A_1704 = arith.index_cast %add3A_1702 : i32 to index
        %get3A_1705 = tpu.vector_load %arg10[%get3A_1703, %get3A_1704] {strides = array<i32>} : memref<400x128xf32, #tpu.memory_space<vmem>>, vector<1x16xf32>,
        %get3A_1706 = vector.shape_cast %get3A_1705 : vector<1x16xf32> to vector<16xf32>
        %add3A_1707 = arith.addf %add3A_1669, %get3A_1706 : vector<16xf32>
        %add3A_1708 = arith.constant 40 : i32
        %add3A_1709 = arith.addi %mul3A_165, %add3A_1708 : i32
        %add3A_1710 = arith.constant 16 : i32
        %add3A_1711 = arith.addi %squeeze3A_1698, %add3A_1710 : i32
        %get3A_1712 = arith.index_cast %add3A_1709 : i32 to index
        %get3A_1713 = arith.index_cast %add3A_1711 : i32 to index
        %get3A_1714 = tpu.vector_load %arg10[%get3A_1712, %get3A_1713] {strides = array<i32>} : memref<400x128xf32, #tpu.memory_space<vmem>>, vector<1x16xf32>,
        %get3A_1715 = vector.shape_cast %get3A_1714 : vector<1x16xf32> to vector<16xf32>
        %add3A_1716 = arith.addf %add3A_1678, %get3A_1715 : vector<16xf32>
        %add3A_1717 = arith.constant 40 : i32
        %add3A_1718 = arith.addi %mul3A_165, %add3A_1717 : i32
        %add3A_1719 = arith.constant 32 : i32
        %add3A_1720 = arith.addi %squeeze3A_1698, %add3A_1719 : i32
        %get3A_1721 = arith.index_cast %add3A_1718 : i32 to index
        %get3A_1722 = arith.index_cast %add3A_1720 : i32 to index
        %get3A_1723 = tpu.vector_load %arg10[%get3A_1721, %get3A_1722] {strides = array<i32>} : memref<400x128xf32, #tpu.memory_space<vmem>>, vector<1x16xf32>,
        %get3A_1724 = vector.shape_cast %get3A_1723 : vector<1x16xf32> to vector<16xf32>
        %add3A_1725 = arith.addf %add3A_1687, %get3A_1724 : vector<16xf32>
        %add3A_1726 = arith.constant 40 : i32
        %add3A_1727 = arith.addi %mul3A_165, %add3A_1726 : i32
        %add3A_1728 = arith.constant 48 : i32
        %add3A_1729 = arith.addi %squeeze3A_1698, %add3A_1728 : i32
        %get3A_1730 = arith.index_cast %add3A_1727 : i32 to index
        %get3A_1731 = arith.index_cast %add3A_1729 : i32 to index
        %get3A_1732 = tpu.vector_load %arg10[%get3A_1730, %get3A_1731] {strides = array<i32>} : memref<400x128xf32, #tpu.memory_space<vmem>>, vector<1x16xf32>,
        %get3A_1733 = vector.shape_cast %get3A_1732 : vector<1x16xf32> to vector<16xf32>
        %add3A_1734 = arith.addf %add3A_1696, %get3A_1733 : vector<16xf32>
        %slice3A_1735 = vector.extract_strided_slice %get3A_179 {offsets = [9], sizes = [1], strides = [1]} : vector<16xi32> to vector<1xi32>
        %squeeze3A_1736 = vector.extract %slice3A_1735[0] : i32 from vector<1xi32>
        %add3A_1737 = arith.constant 41 : i32
        %add3A_1738 = arith.addi %mul3A_165, %add3A_1737 : i32
        %add3A_1739 = arith.constant 0 : i32
        %add3A_1740 = arith.addi %squeeze3A_1736, %add3A_1739 : i32
        %get3A_1741 = arith.index_cast %add3A_1738 : i32 to index
        %get3A_1742 = arith.index_cast %add3A_1740 : i32 to index
        %get3A_1743 = tpu.vector_load %arg10[%get3A_1741, %get3A_1742] {strides = array<i32>} : memref<400x128xf32, #tpu.memory_space<vmem>>, vector<1x16xf32>,
        %get3A_1744 = vector.shape_cast %get3A_1743 : vector<1x16xf32> to vector<16xf32>
        %add3A_1745 = arith.addf %add3A_1707, %get3A_1744 : vector<16xf32>
        %add3A_1746 = arith.constant 41 : i32
        %add3A_1747 = arith.addi %mul3A_165, %add3A_1746 : i32
        %add3A_1748 = arith.constant 16 : i32
        %add3A_1749 = arith.addi %squeeze3A_1736, %add3A_1748 : i32
        %get3A_1750 = arith.index_cast %add3A_1747 : i32 to index
        %get3A_1751 = arith.index_cast %add3A_1749 : i32 to index
        %get3A_1752 = tpu.vector_load %arg10[%get3A_1750, %get3A_1751] {strides = array<i32>} : memref<400x128xf32, #tpu.memory_space<vmem>>, vector<1x16xf32>,
        %get3A_1753 = vector.shape_cast %get3A_1752 : vector<1x16xf32> to vector<16xf32>
        %add3A_1754 = arith.addf %add3A_1716, %get3A_1753 : vector<16xf32>
        %add3A_1755 = arith.constant 41 : i32
        %add3A_1756 = arith.addi %mul3A_165, %add3A_1755 : i32
        %add3A_1757 = arith.constant 32 : i32
        %add3A_1758 = arith.addi %squeeze3A_1736, %add3A_1757 : i32
        %get3A_1759 = arith.index_cast %add3A_1756 : i32 to index
        %get3A_1760 = arith.index_cast %add3A_1758 : i32 to index
        %get3A_1761 = tpu.vector_load %arg10[%get3A_1759, %get3A_1760] {strides = array<i32>} : memref<400x128xf32, #tpu.memory_space<vmem>>, vector<1x16xf32>,
        %get3A_1762 = vector.shape_cast %get3A_1761 : vector<1x16xf32> to vector<16xf32>
        %add3A_1763 = arith.addf %add3A_1725, %get3A_1762 : vector<16xf32>
        %add3A_1764 = arith.constant 41 : i32
        %add3A_1765 = arith.addi %mul3A_165, %add3A_1764 : i32
        %add3A_1766 = arith.constant 48 : i32
        %add3A_1767 = arith.addi %squeeze3A_1736, %add3A_1766 : i32
        %get3A_1768 = arith.index_cast %add3A_1765 : i32 to index
        %get3A_1769 = arith.index_cast %add3A_1767 : i32 to index
        %get3A_1770 = tpu.vector_load %arg10[%get3A_1768, %get3A_1769] {strides = array<i32>} : memref<400x128xf32, #tpu.memory_space<vmem>>, vector<1x16xf32>,
        %get3A_1771 = vector.shape_cast %get3A_1770 : vector<1x16xf32> to vector<16xf32>
        %add3A_1772 = arith.addf %add3A_1734, %get3A_1771 : vector<16xf32>
        %slice3A_1773 = vector.extract_strided_slice %get3A_179 {offsets = [10], sizes = [1], strides = [1]} : vector<16xi32> to vector<1xi32>
        %squeeze3A_1774 = vector.extract %slice3A_1773[0] : i32 from vector<1xi32>
        %add3A_1775 = arith.constant 42 : i32
        %add3A_1776 = arith.addi %mul3A_165, %add3A_1775 : i32
        %add3A_1777 = arith.constant 0 : i32
        %add3A_1778 = arith.addi %squeeze3A_1774, %add3A_1777 : i32
        %get3A_1779 = arith.index_cast %add3A_1776 : i32 to index
        %get3A_1780 = arith.index_cast %add3A_1778 : i32 to index
        %get3A_1781 = tpu.vector_load %arg10[%get3A_1779, %get3A_1780] {strides = array<i32>} : memref<400x128xf32, #tpu.memory_space<vmem>>, vector<1x16xf32>,
        %get3A_1782 = vector.shape_cast %get3A_1781 : vector<1x16xf32> to vector<16xf32>
        %add3A_1783 = arith.addf %add3A_1745, %get3A_1782 : vector<16xf32>
        %add3A_1784 = arith.constant 42 : i32
        %add3A_1785 = arith.addi %mul3A_165, %add3A_1784 : i32
        %add3A_1786 = arith.constant 16 : i32
        %add3A_1787 = arith.addi %squeeze3A_1774, %add3A_1786 : i32
        %get3A_1788 = arith.index_cast %add3A_1785 : i32 to index
        %get3A_1789 = arith.index_cast %add3A_1787 : i32 to index
        %get3A_1790 = tpu.vector_load %arg10[%get3A_1788, %get3A_1789] {strides = array<i32>} : memref<400x128xf32, #tpu.memory_space<vmem>>, vector<1x16xf32>,
        %get3A_1791 = vector.shape_cast %get3A_1790 : vector<1x16xf32> to vector<16xf32>
        %add3A_1792 = arith.addf %add3A_1754, %get3A_1791 : vector<16xf32>
        %add3A_1793 = arith.constant 42 : i32
        %add3A_1794 = arith.addi %mul3A_165, %add3A_1793 : i32
        %add3A_1795 = arith.constant 32 : i32
        %add3A_1796 = arith.addi %squeeze3A_1774, %add3A_1795 : i32
        %get3A_1797 = arith.index_cast %add3A_1794 : i32 to index
        %get3A_1798 = arith.index_cast %add3A_1796 : i32 to index
        %get3A_1799 = tpu.vector_load %arg10[%get3A_1797, %get3A_1798] {strides = array<i32>} : memref<400x128xf32, #tpu.memory_space<vmem>>, vector<1x16xf32>,
        %get3A_1800 = vector.shape_cast %get3A_1799 : vector<1x16xf32> to vector<16xf32>
        %add3A_1801 = arith.addf %add3A_1763, %get3A_1800 : vector<16xf32>
        %add3A_1802 = arith.constant 42 : i32
        %add3A_1803 = arith.addi %mul3A_165, %add3A_1802 : i32
        %add3A_1804 = arith.constant 48 : i32
        %add3A_1805 = arith.addi %squeeze3A_1774, %add3A_1804 : i32
        %get3A_1806 = arith.index_cast %add3A_1803 : i32 to index
        %get3A_1807 = arith.index_cast %add3A_1805 : i32 to index
        %get3A_1808 = tpu.vector_load %arg10[%get3A_1806, %get3A_1807] {strides = array<i32>} : memref<400x128xf32, #tpu.memory_space<vmem>>, vector<1x16xf32>,
        %get3A_1809 = vector.shape_cast %get3A_1808 : vector<1x16xf32> to vector<16xf32>
        %add3A_1810 = arith.addf %add3A_1772, %get3A_1809 : vector<16xf32>
        %slice3A_1811 = vector.extract_strided_slice %get3A_179 {offsets = [11], sizes = [1], strides = [1]} : vector<16xi32> to vector<1xi32>
        %squeeze3A_1812 = vector.extract %slice3A_1811[0] : i32 from vector<1xi32>
        %add3A_1813 = arith.constant 43 : i32
        %add3A_1814 = arith.addi %mul3A_165, %add3A_1813 : i32
        %add3A_1815 = arith.constant 0 : i32
        %add3A_1816 = arith.addi %squeeze3A_1812, %add3A_1815 : i32
        %get3A_1817 = arith.index_cast %add3A_1814 : i32 to index
        %get3A_1818 = arith.index_cast %add3A_1816 : i32 to index
        %get3A_1819 = tpu.vector_load %arg10[%get3A_1817, %get3A_1818] {strides = array<i32>} : memref<400x128xf32, #tpu.memory_space<vmem>>, vector<1x16xf32>,
        %get3A_1820 = vector.shape_cast %get3A_1819 : vector<1x16xf32> to vector<16xf32>
        %add3A_1821 = arith.addf %add3A_1783, %get3A_1820 : vector<16xf32>
        %add3A_1822 = arith.constant 43 : i32
        %add3A_1823 = arith.addi %mul3A_165, %add3A_1822 : i32
        %add3A_1824 = arith.constant 16 : i32
        %add3A_1825 = arith.addi %squeeze3A_1812, %add3A_1824 : i32
        %get3A_1826 = arith.index_cast %add3A_1823 : i32 to index
        %get3A_1827 = arith.index_cast %add3A_1825 : i32 to index
        %get3A_1828 = tpu.vector_load %arg10[%get3A_1826, %get3A_1827] {strides = array<i32>} : memref<400x128xf32, #tpu.memory_space<vmem>>, vector<1x16xf32>,
        %get3A_1829 = vector.shape_cast %get3A_1828 : vector<1x16xf32> to vector<16xf32>
        %add3A_1830 = arith.addf %add3A_1792, %get3A_1829 : vector<16xf32>
        %add3A_1831 = arith.constant 43 : i32
        %add3A_1832 = arith.addi %mul3A_165, %add3A_1831 : i32
        %add3A_1833 = arith.constant 32 : i32
        %add3A_1834 = arith.addi %squeeze3A_1812, %add3A_1833 : i32
        %get3A_1835 = arith.index_cast %add3A_1832 : i32 to index
        %get3A_1836 = arith.index_cast %add3A_1834 : i32 to index
        %get3A_1837 = tpu.vector_load %arg10[%get3A_1835, %get3A_1836] {strides = array<i32>} : memref<400x128xf32, #tpu.memory_space<vmem>>, vector<1x16xf32>,
        %get3A_1838 = vector.shape_cast %get3A_1837 : vector<1x16xf32> to vector<16xf32>
        %add3A_1839 = arith.addf %add3A_1801, %get3A_1838 : vector<16xf32>
        %add3A_1840 = arith.constant 43 : i32
        %add3A_1841 = arith.addi %mul3A_165, %add3A_1840 : i32
        %add3A_1842 = arith.constant 48 : i32
        %add3A_1843 = arith.addi %squeeze3A_1812, %add3A_1842 : i32
        %get3A_1844 = arith.index_cast %add3A_1841 : i32 to index
        %get3A_1845 = arith.index_cast %add3A_1843 : i32 to index
        %get3A_1846 = tpu.vector_load %arg10[%get3A_1844, %get3A_1845] {strides = array<i32>} : memref<400x128xf32, #tpu.memory_space<vmem>>, vector<1x16xf32>,
        %get3A_1847 = vector.shape_cast %get3A_1846 : vector<1x16xf32> to vector<16xf32>
        %add3A_1848 = arith.addf %add3A_1810, %get3A_1847 : vector<16xf32>
        %slice3A_1849 = vector.extract_strided_slice %get3A_179 {offsets = [12], sizes = [1], strides = [1]} : vector<16xi32> to vector<1xi32>
        %squeeze3A_1850 = vector.extract %slice3A_1849[0] : i32 from vector<1xi32>
        %add3A_1851 = arith.constant 44 : i32
        %add3A_1852 = arith.addi %mul3A_165, %add3A_1851 : i32
        %add3A_1853 = arith.constant 0 : i32
        %add3A_1854 = arith.addi %squeeze3A_1850, %add3A_1853 : i32
        %get3A_1855 = arith.index_cast %add3A_1852 : i32 to index
        %get3A_1856 = arith.index_cast %add3A_1854 : i32 to index
        %get3A_1857 = tpu.vector_load %arg10[%get3A_1855, %get3A_1856] {strides = array<i32>} : memref<400x128xf32, #tpu.memory_space<vmem>>, vector<1x16xf32>,
        %get3A_1858 = vector.shape_cast %get3A_1857 : vector<1x16xf32> to vector<16xf32>
        %add3A_1859 = arith.addf %add3A_1821, %get3A_1858 : vector<16xf32>
        %add3A_1860 = arith.constant 44 : i32
        %add3A_1861 = arith.addi %mul3A_165, %add3A_1860 : i32
        %add3A_1862 = arith.constant 16 : i32
        %add3A_1863 = arith.addi %squeeze3A_1850, %add3A_1862 : i32
        %get3A_1864 = arith.index_cast %add3A_1861 : i32 to index
        %get3A_1865 = arith.index_cast %add3A_1863 : i32 to index
        %get3A_1866 = tpu.vector_load %arg10[%get3A_1864, %get3A_1865] {strides = array<i32>} : memref<400x128xf32, #tpu.memory_space<vmem>>, vector<1x16xf32>,
        %get3A_1867 = vector.shape_cast %get3A_1866 : vector<1x16xf32> to vector<16xf32>
        %add3A_1868 = arith.addf %add3A_1830, %get3A_1867 : vector<16xf32>
        %add3A_1869 = arith.constant 44 : i32
        %add3A_1870 = arith.addi %mul3A_165, %add3A_1869 : i32
        %add3A_1871 = arith.constant 32 : i32
        %add3A_1872 = arith.addi %squeeze3A_1850, %add3A_1871 : i32
        %get3A_1873 = arith.index_cast %add3A_1870 : i32 to index
        %get3A_1874 = arith.index_cast %add3A_1872 : i32 to index
        %get3A_1875 = tpu.vector_load %arg10[%get3A_1873, %get3A_1874] {strides = array<i32>} : memref<400x128xf32, #tpu.memory_space<vmem>>, vector<1x16xf32>,
        %get3A_1876 = vector.shape_cast %get3A_1875 : vector<1x16xf32> to vector<16xf32>
        %add3A_1877 = arith.addf %add3A_1839, %get3A_1876 : vector<16xf32>
        %add3A_1878 = arith.constant 44 : i32
        %add3A_1879 = arith.addi %mul3A_165, %add3A_1878 : i32
        %add3A_1880 = arith.constant 48 : i32
        %add3A_1881 = arith.addi %squeeze3A_1850, %add3A_1880 : i32
        %get3A_1882 = arith.index_cast %add3A_1879 : i32 to index
        %get3A_1883 = arith.index_cast %add3A_1881 : i32 to index
        %get3A_1884 = tpu.vector_load %arg10[%get3A_1882, %get3A_1883] {strides = array<i32>} : memref<400x128xf32, #tpu.memory_space<vmem>>, vector<1x16xf32>,
        %get3A_1885 = vector.shape_cast %get3A_1884 : vector<1x16xf32> to vector<16xf32>
        %add3A_1886 = arith.addf %add3A_1848, %get3A_1885 : vector<16xf32>
        %slice3A_1887 = vector.extract_strided_slice %get3A_179 {offsets = [13], sizes = [1], strides = [1]} : vector<16xi32> to vector<1xi32>
        %squeeze3A_1888 = vector.extract %slice3A_1887[0] : i32 from vector<1xi32>
        %add3A_1889 = arith.constant 45 : i32
        %add3A_1890 = arith.addi %mul3A_165, %add3A_1889 : i32
        %add3A_1891 = arith.constant 0 : i32
        %add3A_1892 = arith.addi %squeeze3A_1888, %add3A_1891 : i32
        %get3A_1893 = arith.index_cast %add3A_1890 : i32 to index
        %get3A_1894 = arith.index_cast %add3A_1892 : i32 to index
        %get3A_1895 = tpu.vector_load %arg10[%get3A_1893, %get3A_1894] {strides = array<i32>} : memref<400x128xf32, #tpu.memory_space<vmem>>, vector<1x16xf32>,
        %get3A_1896 = vector.shape_cast %get3A_1895 : vector<1x16xf32> to vector<16xf32>
        %add3A_1897 = arith.addf %add3A_1859, %get3A_1896 : vector<16xf32>
        %add3A_1898 = arith.constant 45 : i32
        %add3A_1899 = arith.addi %mul3A_165, %add3A_1898 : i32
        %add3A_1900 = arith.constant 16 : i32
        %add3A_1901 = arith.addi %squeeze3A_1888, %add3A_1900 : i32
        %get3A_1902 = arith.index_cast %add3A_1899 : i32 to index
        %get3A_1903 = arith.index_cast %add3A_1901 : i32 to index
        %get3A_1904 = tpu.vector_load %arg10[%get3A_1902, %get3A_1903] {strides = array<i32>} : memref<400x128xf32, #tpu.memory_space<vmem>>, vector<1x16xf32>,
        %get3A_1905 = vector.shape_cast %get3A_1904 : vector<1x16xf32> to vector<16xf32>
        %add3A_1906 = arith.addf %add3A_1868, %get3A_1905 : vector<16xf32>
        %add3A_1907 = arith.constant 45 : i32
        %add3A_1908 = arith.addi %mul3A_165, %add3A_1907 : i32
        %add3A_1909 = arith.constant 32 : i32
        %add3A_1910 = arith.addi %squeeze3A_1888, %add3A_1909 : i32
        %get3A_1911 = arith.index_cast %add3A_1908 : i32 to index
        %get3A_1912 = arith.index_cast %add3A_1910 : i32 to index
        %get3A_1913 = tpu.vector_load %arg10[%get3A_1911, %get3A_1912] {strides = array<i32>} : memref<400x128xf32, #tpu.memory_space<vmem>>, vector<1x16xf32>,
        %get3A_1914 = vector.shape_cast %get3A_1913 : vector<1x16xf32> to vector<16xf32>
        %add3A_1915 = arith.addf %add3A_1877, %get3A_1914 : vector<16xf32>
        %add3A_1916 = arith.constant 45 : i32
        %add3A_1917 = arith.addi %mul3A_165, %add3A_1916 : i32
        %add3A_1918 = arith.constant 48 : i32
        %add3A_1919 = arith.addi %squeeze3A_1888, %add3A_1918 : i32
        %get3A_1920 = arith.index_cast %add3A_1917 : i32 to index
        %get3A_1921 = arith.index_cast %add3A_1919 : i32 to index
        %get3A_1922 = tpu.vector_load %arg10[%get3A_1920, %get3A_1921] {strides = array<i32>} : memref<400x128xf32, #tpu.memory_space<vmem>>, vector<1x16xf32>,
        %get3A_1923 = vector.shape_cast %get3A_1922 : vector<1x16xf32> to vector<16xf32>
        %add3A_1924 = arith.addf %add3A_1886, %get3A_1923 : vector<16xf32>
        %slice3A_1925 = vector.extract_strided_slice %get3A_179 {offsets = [14], sizes = [1], strides = [1]} : vector<16xi32> to vector<1xi32>
        %squeeze3A_1926 = vector.extract %slice3A_1925[0] : i32 from vector<1xi32>
        %add3A_1927 = arith.constant 46 : i32
        %add3A_1928 = arith.addi %mul3A_165, %add3A_1927 : i32
        %add3A_1929 = arith.constant 0 : i32
        %add3A_1930 = arith.addi %squeeze3A_1926, %add3A_1929 : i32
        %get3A_1931 = arith.index_cast %add3A_1928 : i32 to index
        %get3A_1932 = arith.index_cast %add3A_1930 : i32 to index
        %get3A_1933 = tpu.vector_load %arg10[%get3A_1931, %get3A_1932] {strides = array<i32>} : memref<400x128xf32, #tpu.memory_space<vmem>>, vector<1x16xf32>,
        %get3A_1934 = vector.shape_cast %get3A_1933 : vector<1x16xf32> to vector<16xf32>
        %add3A_1935 = arith.addf %add3A_1897, %get3A_1934 : vector<16xf32>
        %add3A_1936 = arith.constant 46 : i32
        %add3A_1937 = arith.addi %mul3A_165, %add3A_1936 : i32
        %add3A_1938 = arith.constant 16 : i32
        %add3A_1939 = arith.addi %squeeze3A_1926, %add3A_1938 : i32
        %get3A_1940 = arith.index_cast %add3A_1937 : i32 to index
        %get3A_1941 = arith.index_cast %add3A_1939 : i32 to index
        %get3A_1942 = tpu.vector_load %arg10[%get3A_1940, %get3A_1941] {strides = array<i32>} : memref<400x128xf32, #tpu.memory_space<vmem>>, vector<1x16xf32>,
        %get3A_1943 = vector.shape_cast %get3A_1942 : vector<1x16xf32> to vector<16xf32>
        %add3A_1944 = arith.addf %add3A_1906, %get3A_1943 : vector<16xf32>
        %add3A_1945 = arith.constant 46 : i32
        %add3A_1946 = arith.addi %mul3A_165, %add3A_1945 : i32
        %add3A_1947 = arith.constant 32 : i32
        %add3A_1948 = arith.addi %squeeze3A_1926, %add3A_1947 : i32
        %get3A_1949 = arith.index_cast %add3A_1946 : i32 to index
        %get3A_1950 = arith.index_cast %add3A_1948 : i32 to index
        %get3A_1951 = tpu.vector_load %arg10[%get3A_1949, %get3A_1950] {strides = array<i32>} : memref<400x128xf32, #tpu.memory_space<vmem>>, vector<1x16xf32>,
        %get3A_1952 = vector.shape_cast %get3A_1951 : vector<1x16xf32> to vector<16xf32>
        %add3A_1953 = arith.addf %add3A_1915, %get3A_1952 : vector<16xf32>
        %add3A_1954 = arith.constant 46 : i32
        %add3A_1955 = arith.addi %mul3A_165, %add3A_1954 : i32
        %add3A_1956 = arith.constant 48 : i32
        %add3A_1957 = arith.addi %squeeze3A_1926, %add3A_1956 : i32
        %get3A_1958 = arith.index_cast %add3A_1955 : i32 to index
        %get3A_1959 = arith.index_cast %add3A_1957 : i32 to index
        %get3A_1960 = tpu.vector_load %arg10[%get3A_1958, %get3A_1959] {strides = array<i32>} : memref<400x128xf32, #tpu.memory_space<vmem>>, vector<1x16xf32>,
        %get3A_1961 = vector.shape_cast %get3A_1960 : vector<1x16xf32> to vector<16xf32>
        %add3A_1962 = arith.addf %add3A_1924, %get3A_1961 : vector<16xf32>
        %slice3A_1963 = vector.extract_strided_slice %get3A_179 {offsets = [15], sizes = [1], strides = [1]} : vector<16xi32> to vector<1xi32>
        %squeeze3A_1964 = vector.extract %slice3A_1963[0] : i32 from vector<1xi32>
        %add3A_1965 = arith.constant 47 : i32
        %add3A_1966 = arith.addi %mul3A_165, %add3A_1965 : i32
        %add3A_1967 = arith.constant 0 : i32
        %add3A_1968 = arith.addi %squeeze3A_1964, %add3A_1967 : i32
        %get3A_1969 = arith.index_cast %add3A_1966 : i32 to index
        %get3A_1970 = arith.index_cast %add3A_1968 : i32 to index
        %get3A_1971 = tpu.vector_load %arg10[%get3A_1969, %get3A_1970] {strides = array<i32>} : memref<400x128xf32, #tpu.memory_space<vmem>>, vector<1x16xf32>,
        %get3A_1972 = vector.shape_cast %get3A_1971 : vector<1x16xf32> to vector<16xf32>
        %add3A_1973 = arith.addf %add3A_1935, %get3A_1972 : vector<16xf32>
        %add3A_1974 = arith.constant 47 : i32
        %add3A_1975 = arith.addi %mul3A_165, %add3A_1974 : i32
        %add3A_1976 = arith.constant 16 : i32
        %add3A_1977 = arith.addi %squeeze3A_1964, %add3A_1976 : i32
        %get3A_1978 = arith.index_cast %add3A_1975 : i32 to index
        %get3A_1979 = arith.index_cast %add3A_1977 : i32 to index
        %get3A_1980 = tpu.vector_load %arg10[%get3A_1978, %get3A_1979] {strides = array<i32>} : memref<400x128xf32, #tpu.memory_space<vmem>>, vector<1x16xf32>,
        %get3A_1981 = vector.shape_cast %get3A_1980 : vector<1x16xf32> to vector<16xf32>
        %add3A_1982 = arith.addf %add3A_1944, %get3A_1981 : vector<16xf32>
        %add3A_1983 = arith.constant 47 : i32
        %add3A_1984 = arith.addi %mul3A_165, %add3A_1983 : i32
        %add3A_1985 = arith.constant 32 : i32
        %add3A_1986 = arith.addi %squeeze3A_1964, %add3A_1985 : i32
        %get3A_1987 = arith.index_cast %add3A_1984 : i32 to index
        %get3A_1988 = arith.index_cast %add3A_1986 : i32 to index
        %get3A_1989 = tpu.vector_load %arg10[%get3A_1987, %get3A_1988] {strides = array<i32>} : memref<400x128xf32, #tpu.memory_space<vmem>>, vector<1x16xf32>,
        %get3A_1990 = vector.shape_cast %get3A_1989 : vector<1x16xf32> to vector<16xf32>
        %add3A_1991 = arith.addf %add3A_1953, %get3A_1990 : vector<16xf32>
        %add3A_1992 = arith.constant 47 : i32
        %add3A_1993 = arith.addi %mul3A_165, %add3A_1992 : i32
        %add3A_1994 = arith.constant 48 : i32
        %add3A_1995 = arith.addi %squeeze3A_1964, %add3A_1994 : i32
        %get3A_1996 = arith.index_cast %add3A_1993 : i32 to index
        %get3A_1997 = arith.index_cast %add3A_1995 : i32 to index
        %get3A_1998 = tpu.vector_load %arg10[%get3A_1996, %get3A_1997] {strides = array<i32>} : memref<400x128xf32, #tpu.memory_space<vmem>>, vector<1x16xf32>,
        %get3A_1999 = vector.shape_cast %get3A_1998 : vector<1x16xf32> to vector<16xf32>
        %add3A_2000 = arith.addf %add3A_1962, %get3A_1999 : vector<16xf32>
        %slice3A_2001 = vector.extract_strided_slice %get3A_184 {offsets = [0], sizes = [1], strides = [1]} : vector<16xi32> to vector<1xi32>
        %squeeze3A_2002 = vector.extract %slice3A_2001[0] : i32 from vector<1xi32>
        %add3A_2003 = arith.constant 48 : i32
        %add3A_2004 = arith.addi %mul3A_165, %add3A_2003 : i32
        %add3A_2005 = arith.constant 0 : i32
        %add3A_2006 = arith.addi %squeeze3A_2002, %add3A_2005 : i32
        %get3A_2007 = arith.index_cast %add3A_2004 : i32 to index
        %get3A_2008 = arith.index_cast %add3A_2006 : i32 to index
        %get3A_2009 = tpu.vector_load %arg10[%get3A_2007, %get3A_2008] {strides = array<i32>} : memref<400x128xf32, #tpu.memory_space<vmem>>, vector<1x16xf32>,
        %get3A_2010 = vector.shape_cast %get3A_2009 : vector<1x16xf32> to vector<16xf32>
        %add3A_2011 = arith.addf %add3A_1973, %get3A_2010 : vector<16xf32>
        %add3A_2012 = arith.constant 48 : i32
        %add3A_2013 = arith.addi %mul3A_165, %add3A_2012 : i32
        %add3A_2014 = arith.constant 16 : i32
        %add3A_2015 = arith.addi %squeeze3A_2002, %add3A_2014 : i32
        %get3A_2016 = arith.index_cast %add3A_2013 : i32 to index
        %get3A_2017 = arith.index_cast %add3A_2015 : i32 to index
        %get3A_2018 = tpu.vector_load %arg10[%get3A_2016, %get3A_2017] {strides = array<i32>} : memref<400x128xf32, #tpu.memory_space<vmem>>, vector<1x16xf32>,
        %get3A_2019 = vector.shape_cast %get3A_2018 : vector<1x16xf32> to vector<16xf32>
        %add3A_2020 = arith.addf %add3A_1982, %get3A_2019 : vector<16xf32>
        %add3A_2021 = arith.constant 48 : i32
        %add3A_2022 = arith.addi %mul3A_165, %add3A_2021 : i32
        %add3A_2023 = arith.constant 32 : i32
        %add3A_2024 = arith.addi %squeeze3A_2002, %add3A_2023 : i32
        %get3A_2025 = arith.index_cast %add3A_2022 : i32 to index
        %get3A_2026 = arith.index_cast %add3A_2024 : i32 to index
        %get3A_2027 = tpu.vector_load %arg10[%get3A_2025, %get3A_2026] {strides = array<i32>} : memref<400x128xf32, #tpu.memory_space<vmem>>, vector<1x16xf32>,
        %get3A_2028 = vector.shape_cast %get3A_2027 : vector<1x16xf32> to vector<16xf32>
        %add3A_2029 = arith.addf %add3A_1991, %get3A_2028 : vector<16xf32>
        %add3A_2030 = arith.constant 48 : i32
        %add3A_2031 = arith.addi %mul3A_165, %add3A_2030 : i32
        %add3A_2032 = arith.constant 48 : i32
        %add3A_2033 = arith.addi %squeeze3A_2002, %add3A_2032 : i32
        %get3A_2034 = arith.index_cast %add3A_2031 : i32 to index
        %get3A_2035 = arith.index_cast %add3A_2033 : i32 to index
        %get3A_2036 = tpu.vector_load %arg10[%get3A_2034, %get3A_2035] {strides = array<i32>} : memref<400x128xf32, #tpu.memory_space<vmem>>, vector<1x16xf32>,
        %get3A_2037 = vector.shape_cast %get3A_2036 : vector<1x16xf32> to vector<16xf32>
        %add3A_2038 = arith.addf %add3A_2000, %get3A_2037 : vector<16xf32>
        %slice3A_2039 = vector.extract_strided_slice %get3A_184 {offsets = [1], sizes = [1], strides = [1]} : vector<16xi32> to vector<1xi32>
        %squeeze3A_2040 = vector.extract %slice3A_2039[0] : i32 from vector<1xi32>
        %add3A_2041 = arith.constant 49 : i32
        %add3A_2042 = arith.addi %mul3A_165, %add3A_2041 : i32
        %add3A_2043 = arith.constant 0 : i32
        %add3A_2044 = arith.addi %squeeze3A_2040, %add3A_2043 : i32
        %get3A_2045 = arith.index_cast %add3A_2042 : i32 to index
        %get3A_2046 = arith.index_cast %add3A_2044 : i32 to index
        %get3A_2047 = tpu.vector_load %arg10[%get3A_2045, %get3A_2046] {strides = array<i32>} : memref<400x128xf32, #tpu.memory_space<vmem>>, vector<1x16xf32>,
        %get3A_2048 = vector.shape_cast %get3A_2047 : vector<1x16xf32> to vector<16xf32>
        %add3A_2049 = arith.addf %add3A_2011, %get3A_2048 : vector<16xf32>
        %add3A_2050 = arith.constant 49 : i32
        %add3A_2051 = arith.addi %mul3A_165, %add3A_2050 : i32
        %add3A_2052 = arith.constant 16 : i32
        %add3A_2053 = arith.addi %squeeze3A_2040, %add3A_2052 : i32
        %get3A_2054 = arith.index_cast %add3A_2051 : i32 to index
        %get3A_2055 = arith.index_cast %add3A_2053 : i32 to index
        %get3A_2056 = tpu.vector_load %arg10[%get3A_2054, %get3A_2055] {strides = array<i32>} : memref<400x128xf32, #tpu.memory_space<vmem>>, vector<1x16xf32>,
        %get3A_2057 = vector.shape_cast %get3A_2056 : vector<1x16xf32> to vector<16xf32>
        %add3A_2058 = arith.addf %add3A_2020, %get3A_2057 : vector<16xf32>
        %add3A_2059 = arith.constant 49 : i32
        %add3A_2060 = arith.addi %mul3A_165, %add3A_2059 : i32
        %add3A_2061 = arith.constant 32 : i32
        %add3A_2062 = arith.addi %squeeze3A_2040, %add3A_2061 : i32
        %get3A_2063 = arith.index_cast %add3A_2060 : i32 to index
        %get3A_2064 = arith.index_cast %add3A_2062 : i32 to index
        %get3A_2065 = tpu.vector_load %arg10[%get3A_2063, %get3A_2064] {strides = array<i32>} : memref<400x128xf32, #tpu.memory_space<vmem>>, vector<1x16xf32>,
        %get3A_2066 = vector.shape_cast %get3A_2065 : vector<1x16xf32> to vector<16xf32>
        %add3A_2067 = arith.addf %add3A_2029, %get3A_2066 : vector<16xf32>
        %add3A_2068 = arith.constant 49 : i32
        %add3A_2069 = arith.addi %mul3A_165, %add3A_2068 : i32
        %add3A_2070 = arith.constant 48 : i32
        %add3A_2071 = arith.addi %squeeze3A_2040, %add3A_2070 : i32
        %get3A_2072 = arith.index_cast %add3A_2069 : i32 to index
        %get3A_2073 = arith.index_cast %add3A_2071 : i32 to index
        %get3A_2074 = tpu.vector_load %arg10[%get3A_2072, %get3A_2073] {strides = array<i32>} : memref<400x128xf32, #tpu.memory_space<vmem>>, vector<1x16xf32>,
        %get3A_2075 = vector.shape_cast %get3A_2074 : vector<1x16xf32> to vector<16xf32>
        %add3A_2076 = arith.addf %add3A_2038, %get3A_2075 : vector<16xf32>
        %mul3A_2077 = arith.constant 64 : i32
        %mul3A_2078 = arith.muli %scan3A_163, %mul3A_2077 : i32
        %add3A_2079 = arith.constant 0 : i32
        %add3A_2080 = arith.addi %mul3A_2078, %add3A_2079 : i32
        %swap3A = arith.index_cast %add3A_2080 : i32 to index
        %swap3A_2081 = tpu.vector_load %arg11[%swap3A] {strides = array<i32>} : memref<512xf32, #tpu.memory_space<vmem>>, vector<16xf32>,
        %swap3A_2082 = vector.shape_cast %swap3A_2081 : vector<16xf32> to vector<16xf32>
        %swap3A_2083 = vector.shape_cast %add3A_2049 : vector<16xf32> to vector<16xf32>
        tpu.vector_store %arg11[%swap3A], %swap3A_2083 {strides = array<i32>} : memref<512xf32, #tpu.memory_space<vmem>>, vector<16xf32>,
        %mul3A_2084 = arith.constant 64 : i32
        %mul3A_2085 = arith.muli %scan3A_163, %mul3A_2084 : i32
        %add3A_2086 = arith.constant 16 : i32
        %add3A_2087 = arith.addi %mul3A_2085, %add3A_2086 : i32
        %swap3A_2088 = arith.index_cast %add3A_2087 : i32 to index
        %swap3A_2089 = tpu.vector_load %arg11[%swap3A_2088] {strides = array<i32>} : memref<512xf32, #tpu.memory_space<vmem>>, vector<16xf32>,
        %swap3A_2090 = vector.shape_cast %swap3A_2089 : vector<16xf32> to vector<16xf32>
        %swap3A_2091 = vector.shape_cast %add3A_2058 : vector<16xf32> to vector<16xf32>
        tpu.vector_store %arg11[%swap3A_2088], %swap3A_2091 {strides = array<i32>} : memref<512xf32, #tpu.memory_space<vmem>>, vector<16xf32>,
        %mul3A_2092 = arith.constant 64 : i32
        %mul3A_2093 = arith.muli %scan3A_163, %mul3A_2092 : i32
        %add3A_2094 = arith.constant 32 : i32
        %add3A_2095 = arith.addi %mul3A_2093, %add3A_2094 : i32
        %swap3A_2096 = arith.index_cast %add3A_2095 : i32 to index
        %swap3A_2097 = tpu.vector_load %arg11[%swap3A_2096] {strides = array<i32>} : memref<512xf32, #tpu.memory_space<vmem>>, vector<16xf32>,
        %swap3A_2098 = vector.shape_cast %swap3A_2097 : vector<16xf32> to vector<16xf32>
        %swap3A_2099 = vector.shape_cast %add3A_2067 : vector<16xf32> to vector<16xf32>
        tpu.vector_store %arg11[%swap3A_2096], %swap3A_2099 {strides = array<i32>} : memref<512xf32, #tpu.memory_space<vmem>>, vector<16xf32>,
        %mul3A_2100 = arith.constant 64 : i32
        %mul3A_2101 = arith.muli %scan3A_163, %mul3A_2100 : i32
        %add3A_2102 = arith.constant 48 : i32
        %add3A_2103 = arith.addi %mul3A_2101, %add3A_2102 : i32
        %swap3A_2104 = arith.index_cast %add3A_2103 : i32 to index
        %swap3A_2105 = tpu.vector_load %arg11[%swap3A_2104] {strides = array<i32>} : memref<512xf32, #tpu.memory_space<vmem>>, vector<16xf32>,
        %swap3A_2106 = vector.shape_cast %swap3A_2105 : vector<16xf32> to vector<16xf32>
        %swap3A_2107 = vector.shape_cast %add3A_2076 : vector<16xf32> to vector<16xf32>
        tpu.vector_store %arg11[%swap3A_2104], %swap3A_2107 {strides = array<i32>} : memref<512xf32, #tpu.memory_space<vmem>>, vector<16xf32>,
      }
      %scan3A_160 = arith.constant 8 : i32
      %mul3A_161 = arith.constant 64 : i32
      %mul3A_162 = arith.muli %add3A_154, %mul3A_161 : i32
      "tpu.region"() ({
        %run_scoped3A = tpu.sem_alloc : memref<!tpu.dma_semaphore, #tpu.memory_space<semaphore_mem>>
        %dma_start3A_163 = tpu.memref_slice %arg4[%mul3A_162] : memref<1048576xf32, #tpu.memory_space<hbm>> -> memref<512xf32, #tpu.memory_space<hbm>>
        %dma_start3A_164 = tpu.memref_slice %arg4[%mul3A_162] : memref<1048576xf32, #tpu.memory_space<hbm>> -> memref<512xf32, #tpu.memory_space<hbm>>
        tpu.enqueue_dma source(%arg11 : memref<512xf32, #tpu.memory_space<vmem>>) target(%dma_start3A_164 : memref<512xf32, #tpu.memory_space<hbm>>) target_semaphore(%run_scoped3A : memref<!tpu.dma_semaphore, #tpu.memory_space<semaphore_mem>>)
        %dma_wait3A_165 = tpu.memref_slice %arg4[%mul3A_162] : memref<1048576xf32, #tpu.memory_space<hbm>> -> memref<512xf32, #tpu.memory_space<hbm>>
        %dma_wait3A_166 = tpu.memref_slice %arg4[%mul3A_162] : memref<1048576xf32, #tpu.memory_space<hbm>> -> memref<512xf32, #tpu.memory_space<hbm>>
        tpu.wait_dma2 semaphore(%run_scoped3A : memref<!tpu.dma_semaphore, #tpu.memory_space<semaphore_mem>>) src(%arg11 : memref<512xf32, #tpu.memory_space<vmem>>) dst(%dma_wait3A_166 : memref<512xf32, #tpu.memory_space<hbm>>)
        tpu.yield
      }) : () -> ()
    }
    %scan3A_61 = arith.constant 32 : i32
    return
  }
}

module attributes {stable_mosaic.version = 14 : i64} {
  func.func @_transpose_pack_body(%arg0: i32, %arg1: memref<64x4096xf32, #tpu.memory_space<vmem>>, %arg2: memref<64x4096xf32, #tpu.memory_space<vmem>>, %arg3: memref<64x64xf32, #tpu.memory_space<vmem>>, %arg4: memref<4096x128xf32, #tpu.memory_space<vmem>>) attributes {dimension_semantics = [#tpu.dimension_semantics<arbitrary>], iteration_bounds = array<i64: 123>, scalar_prefetch = 0 : i64, scratch_operands = 0 : i64, tpu.core_type = #tpu.core_type<tc>, window_params = [{transform_indices = @transform_0, window_bounds = array<i64: 64, 4096>}, {transform_indices = @transform_1, window_bounds = array<i64: 64, 4096>}, {pipeline_mode = #tpu.pipeline_mode<synchronous>, transform_indices = @transform_2, window_bounds = array<i64: 64, 64>}, {transform_indices = @transform_3, window_bounds = array<i64: 4096, 128>}]} {
    %get3A = arith.constant 0 : index
    %get3A_0 = arith.constant 0 : index
    %get3A_1 = vector.load %arg1[%get3A, %get3A_0] : memref<64x4096xf32, #tpu.memory_space<vmem>>, vector<64x4096xf32>
    %get3A_2 = arith.constant 0 : index
    %get3A_3 = arith.constant 0 : index
    %get3A_4 = vector.load %arg3[%get3A_2, %get3A_3] : memref<64x64xf32, #tpu.memory_space<vmem>>, vector<64x64xf32>
    %dot_general3A = arith.constant dense<0.000000e+00> : vector<4096x64xf32>
    %dot_general3A_5 = tpu.matmul %get3A_1, %get3A_4, %dot_general3A {dimension_numbers = #tpu.dot_dimension_numbers<[0], [0], [1], [1], [0, 1, 1, 1], [], []>, transpose_lhs_hint = false} : vector<64x4096xf32>, vector<64x64xf32>, vector<4096x64xf32> -> vector<4096x64xf32>
    %swap3A = arith.constant 0 : index
    %swap3A_6 = arith.constant 0 : index
    %swap3A_7 = vector.load %arg4[%swap3A, %swap3A_6] : memref<4096x128xf32, #tpu.memory_space<vmem>>, vector<4096x64xf32>
    tpu.vector_store %arg4[%swap3A, %swap3A_6], %dot_general3A_5 {strides = array<i32>} : memref<4096x128xf32, #tpu.memory_space<vmem>>, vector<4096x64xf32>,
    %get3A_8 = arith.constant 0 : index
    %get3A_9 = arith.constant 0 : index
    %get3A_10 = vector.load %arg2[%get3A_8, %get3A_9] : memref<64x4096xf32, #tpu.memory_space<vmem>>, vector<64x4096xf32>
    %get3A_11 = arith.constant 0 : index
    %get3A_12 = arith.constant 0 : index
    %get3A_13 = vector.load %arg3[%get3A_11, %get3A_12] : memref<64x64xf32, #tpu.memory_space<vmem>>, vector<64x64xf32>
    %dot_general3A_14 = arith.constant dense<0.000000e+00> : vector<4096x64xf32>
    %dot_general3A_15 = tpu.matmul %get3A_10, %get3A_13, %dot_general3A_14 {dimension_numbers = #tpu.dot_dimension_numbers<[0], [0], [1], [1], [0, 1, 1, 1], [], []>, transpose_lhs_hint = false} : vector<64x4096xf32>, vector<64x64xf32>, vector<4096x64xf32> -> vector<4096x64xf32>
    %swap3A_16 = arith.constant 0 : index
    %swap3A_17 = arith.constant 64 : index
    %swap3A_18 = vector.load %arg4[%swap3A_16, %swap3A_17] : memref<4096x128xf32, #tpu.memory_space<vmem>>, vector<4096x64xf32>
    tpu.vector_store %arg4[%swap3A_16, %swap3A_17], %dot_general3A_15 {strides = array<i32>} : memref<4096x128xf32, #tpu.memory_space<vmem>>, vector<4096x64xf32>,
    return
  }
  func.func @transform_0(%arg0: i32) -> (i32, i32) {
    %c0_i32 = arith.constant 0 : i32
    %c0_i32_0 = arith.constant 0 : i32
    return %c0_i32, %arg0 : i32, i32
  }
  func.func @transform_1(%arg0: i32) -> (i32, i32) {
    %c0_i32 = arith.constant 0 : i32
    %c0_i32_0 = arith.constant 0 : i32
    return %c0_i32, %arg0 : i32, i32
  }
  func.func @transform_2(%arg0: i32) -> (i32, i32) {
    %c0_i32 = arith.constant 0 : i32
    %c0_i32_0 = arith.constant 0 : i32
    %c0_i32_1 = arith.constant 0 : i32
    return %c0_i32, %c0_i32_0 : i32, i32
  }
  func.func @transform_3(%arg0: i32) -> (i32, i32) {
    %c0_i32 = arith.constant 0 : i32
    %c0_i32_0 = arith.constant 0 : i32
    return %arg0, %c0_i32 : i32, i32
  }
}

module attributes {stable_mosaic.version = 14 : i64} {
  func.func @_mlp_body(%arg0: i32, %arg1: memref<2048x64xf32, #tpu.memory_space<vmem>>, %arg2: memref<64x64xf32, #tpu.memory_space<vmem>>, %arg3: memref<1x64xf32, #tpu.memory_space<vmem>>, %arg4: memref<1x64xf32, #tpu.memory_space<vmem>>, %arg5: memref<1x1xf32, #tpu.memory_space<vmem>>, %arg6: memref<2048x1xf32, #tpu.memory_space<vmem>>) attributes {dimension_semantics = [#tpu.dimension_semantics<arbitrary>], iteration_bounds = array<i64: 8>, scalar_prefetch = 0 : i64, scratch_operands = 0 : i64, tpu.core_type = #tpu.core_type<tc>, window_params = [{transform_indices = @transform_0, window_bounds = array<i64: 2048, 64>}, {pipeline_mode = #tpu.pipeline_mode<synchronous>, transform_indices = @transform_1, window_bounds = array<i64: 64, 64>}, {pipeline_mode = #tpu.pipeline_mode<synchronous>, transform_indices = @transform_2, window_bounds = array<i64: 1, 64>}, {pipeline_mode = #tpu.pipeline_mode<synchronous>, transform_indices = @transform_3, window_bounds = array<i64: 1, 64>}, {pipeline_mode = #tpu.pipeline_mode<synchronous>, transform_indices = @transform_4, window_bounds = array<i64: 1, 1>}, {transform_indices = @transform_5, window_bounds = array<i64: 2048, 1>}]} {
    %get3A = arith.constant 0 : index
    %get3A_0 = arith.constant 0 : index
    %get3A_1 = vector.load %arg1[%get3A, %get3A_0] : memref<2048x64xf32, #tpu.memory_space<vmem>>, vector<2048x64xf32>
    %get3A_2 = arith.constant 0 : index
    %get3A_3 = arith.constant 0 : index
    %get3A_4 = vector.load %arg2[%get3A_2, %get3A_3] : memref<64x64xf32, #tpu.memory_space<vmem>>, vector<64x64xf32>
    %dot_general3A = arith.constant dense<0.000000e+00> : vector<2048x64xf32>
    %dot_general3A_5 = tpu.matmul %get3A_1, %get3A_4, %dot_general3A {dimension_numbers = #tpu.dot_dimension_numbers<[1], [0], [0], [1], [0, 0, 1, 1], [], []>, transpose_lhs_hint = false} : vector<2048x64xf32>, vector<64x64xf32>, vector<2048x64xf32> -> vector<2048x64xf32>
    %get3A_6 = arith.constant 0 : index
    %get3A_7 = arith.constant 0 : index
    %get3A_8 = vector.load %arg3[%get3A_6, %get3A_7] : memref<1x64xf32, #tpu.memory_space<vmem>>, vector<1x64xf32>
    %add3A = vector.broadcast %get3A_8 : vector<1x64xf32> to vector<2048x64xf32>
    %add3A_9 = arith.addf %dot_general3A_5, %add3A : vector<2048x64xf32>
    %max3A = arith.constant 0.000000e+00 : f32
    %max3A_10 = vector.broadcast %max3A : f32 to vector<2048x64xf32>
    %max3A_11 = arith.maximumf %add3A_9, %max3A_10 : vector<2048x64xf32>
    %get3A_12 = arith.constant 0 : index
    %get3A_13 = arith.constant 0 : index
    %get3A_14 = vector.load %arg4[%get3A_12, %get3A_13] : memref<1x64xf32, #tpu.memory_space<vmem>>, vector<1x64xf32>
    %mul3A = vector.broadcast %get3A_14 : vector<1x64xf32> to vector<2048x64xf32>
    %mul3A_15 = arith.mulf %max3A_11, %mul3A : vector<2048x64xf32>
    %reduce_sum3A = arith.constant dense<0.000000e+00> : vector<2048xf32>
    %reduce_sum3A_16 = vector.multi_reduction <add>, %mul3A_15, %reduce_sum3A [1] : vector<2048x64xf32> to vector<2048xf32>
    %broadcast_in_dim3A = vector.shape_cast %reduce_sum3A_16 : vector<2048xf32> to vector<2048x1xf32>
    %get3A_17 = arith.constant 0 : index
    %get3A_18 = arith.constant 0 : index
    %get3A_19 = vector.load %arg5[%get3A_17, %get3A_18] : memref<1x1xf32, #tpu.memory_space<vmem>>, vector<1x1xf32>
    %add3A_20 = vector.broadcast %get3A_19 : vector<1x1xf32> to vector<2048x1xf32>
    %add3A_21 = arith.addf %broadcast_in_dim3A, %add3A_20 : vector<2048x1xf32>
    %swap3A = arith.constant 0 : index
    %swap3A_22 = arith.constant 0 : index
    %swap3A_23 = vector.load %arg6[%swap3A, %swap3A_22] : memref<2048x1xf32, #tpu.memory_space<vmem>>, vector<2048x1xf32>
    tpu.vector_store %arg6[%swap3A, %swap3A_22], %add3A_21 {strides = array<i32>} : memref<2048x1xf32, #tpu.memory_space<vmem>>, vector<2048x1xf32>,
    return
  }
  func.func @transform_0(%arg0: i32) -> (i32, i32) {
    %c0_i32 = arith.constant 0 : i32
    %c0_i32_0 = arith.constant 0 : i32
    return %arg0, %c0_i32 : i32, i32
  }
  func.func @transform_1(%arg0: i32) -> (i32, i32) {
    %c0_i32 = arith.constant 0 : i32
    %c0_i32_0 = arith.constant 0 : i32
    %c0_i32_1 = arith.constant 0 : i32
    return %c0_i32, %c0_i32_0 : i32, i32
  }
  func.func @transform_2(%arg0: i32) -> (i32, i32) {
    %c0_i32 = arith.constant 0 : i32
    %c0_i32_0 = arith.constant 0 : i32
    %c0_i32_1 = arith.constant 0 : i32
    return %c0_i32, %c0_i32_0 : i32, i32
  }
  func.func @transform_3(%arg0: i32) -> (i32, i32) {
    %c0_i32 = arith.constant 0 : i32
    %c0_i32_0 = arith.constant 0 : i32
    %c0_i32_1 = arith.constant 0 : i32
    return %c0_i32, %c0_i32_0 : i32, i32
  }
  func.func @transform_4(%arg0: i32) -> (i32, i32) {
    %c0_i32 = arith.constant 0 : i32
    %c0_i32_0 = arith.constant 0 : i32
    %c0_i32_1 = arith.constant 0 : i32
    return %c0_i32, %c0_i32_0 : i32, i32
  }
  func.func @transform_5(%arg0: i32) -> (i32, i32) {
    %c0_i32 = arith.constant 0 : i32
    %c0_i32_0 = arith.constant 0 : i32
    return %arg0, %c0_i32 : i32, i32
  }
}

</mosaic_0001>

<sc_bundles>
// kernel: kernel.5.cloned.1.call-start
scs
__scs_entry_jumppad:
0x0: {  	(pc) =	sbr.rel $0x88, $3  }
0x1: {  	(tag) =	ssettag $0x0;
	lr =	simm.s32 $0x1  }
0x2: {  	[smem:$0x3F9B] =	sst lr;
	_ =	strace $0xD0000000  }
0x3: {  	_ = 	snop  }
0x4: {  	_ = 	snop  }
0x5: {  	_ = 	snop  }
0x6: {  	_ = 	snop  }
0x7: {  	_ = 	snop  }
__scs_overlays_trampoline_lowered:
0x8: {  	[smem:$0x3FAA] =	sst s0  }
0x9: {  	[smem:$0x3FAB] =	sst s1  }
0xa: {  	[smem:$0x3FAC] =	sst s2  }
0xb: {  	[smem:$0x3FAD] =	sst s3  }
0xc: {  	[smem:$0x3FAE] =	sst s4  }
0xd: {  	[smem:$0x3FAF] =	sst s5  }
0xe: {  	[smem:$0x3FB0] =	sst s6  }
0xf: {  	[smem:$0x3FB1] =	sst s7  }
0x10: {  	[smem:$0x3FB2] =	sst s8  }
0x11: {  	[smem:$0x3FB3] =	sst s9;
	s0 =	simm.s32 @!p0 $0x0  }
0x12: {  	s1 =	sld [smem:$0x3F99];
	s0 =	simm.s32 @p0 $0x1  }
0x13: {  	[smem:$0x3FB4] =	sst s0;
	s0 =	simm.s32 @!p1 $0x0  }
0x14: {  	s2 =	sld [smem:$0x3F98];
	s0 =	simm.s32 @p1 $0x1  }
0x15: {  	[smem:$0x3FB5] =	sst s0;
	s0 =	simm.s32 @!p2 $0x0  }
0x16: {  	s3 =	sld [smem:$0x3FDB];
	s0 =	simm.s32 @p2 $0x1  }
0x17: {  	s4 =	simm.s32 $0x1BF5;
	[smem:$0x3FB7] =	sst s0  }
0x18: {  	s0 =	sld [smem:$0x3F9A];
	_ =	swait.ge [sflag:s4], $0x0  }
0x19: {  	s7 =	sld [smem:$0x3F9B]  }
0x1a: {  	s8 =	sadd.s32 $0xFFFFE003, lr  }
0x1b: {  	s9 =	sadd.s32 $0xFFFFFEF7, lr;
	s5 =	simm.s32 $0xFFFFFFFF;
	p2 =	slt.u32 s8, $0xFFFFF086  }
0x1c: {  	p1 =	slt.u32 s9, $0xF7A;
	s5 =	simm.s32 @!p2 $0x0  }
0x1d: {  	s5 =	simm.s32 @p1 $0x1;
	p0 =	seq.s32 s7, s2  }
0x1e: {  	s7 =	smul.u32 @!p0 $0xF7A, s2;
	p2 =	seq.s32 @!p0 s5, $0x0  }
0x1f: {  	s9 =	smul.u32 $0xF7A, s1;
	s8 =	simm.s32 @!p0 $0x1BF5;
	p2 =	por !p2, p0  }
0x20: {  	[sflag:s8] =	ssyncset.s32 @!p0 $0xFFFFF086;
	s6 =	sadd.s32 @!p0 s3, s7;
	s7 =	simm.s32 @!p0 $0x108  }
0x21: {  	s3 =	sadd.s32 s3, s9;
	s6 =	sadd.s32 @!p0 $0x88, s6;
	s7 =	simm.s32 @p2 $0x1082  }
0x22: {  	[simem:s7], [sflag:s8] =	dma.local @!p0 [hbm:s6], $0xF7A  }
0x23: {  	s9 =	sor.u32 $0xD0000000, s2;
	s6 =	simm.s32 $0x108;
	_ =	swait.ge @!p0 [sflag:s8], $0x0  }
0x24: {  	s3 =	sadd.s32 $0x88, s3;
	s6 =	simm.s32 @!p1 $0x1082;
	[sflag:s4] =	ssyncset.s32 $0xFFFFF086  }
0x25: {  	[simem:s6], [sflag:s4] =	dma.local [hbm:s3], $0xF7A  }
0x26: {  	[smem:$0x3F9B] =	sst s1;
	(tag) =	ssettag s2;
	_ =	strace s9  }
0x27: {  	s1 =	sld [smem:$0x3FAB]  }
0x28: {  	s2 =	sld [smem:$0x3FAC]  }
0x29: {  	s4 =	sld [smem:$0x3FAE]  }
0x2a: {  	p0 =	seq.s32 s5, $0x0;
	s5 =	sld [smem:$0x3FAF]  }
0x2b: {  	s6 =	sld [smem:$0x3FB0]  }
0x2c: {  	s7 =	sld [smem:$0x3FB1]  }
0x2d: {  	s3 =	simm.s32 $0x108;
	s8 =	sld [smem:$0x3FB2]  }
0x2e: {  	s3 =	simm.s32 @!p0 $0x1082;
	s9 =	sld [smem:$0x3FB3]  }
0x2f: {  	lr =	sadd.s32 s0, s3;
	s0 =	sld [smem:$0x3FAA]  }
0x30: {  	s3 =	sld [smem:$0x3FAD]  }
0x31: {  	[smem:$0x3FB6] =	sst s10  }
0x32: {  	s10 =	sld [smem:$0x3FB4];
	_ =	sdelay $0x3  }
0x33: {  	p0 =	seq.s32 s10, $0x1;
	s10 =	sld [smem:$0x3FB6];
	_ =	sdelay $0x3  }
0x34: {  	[smem:$0x3FB6] =	sst s10  }
0x35: {  	s10 =	sld [smem:$0x3FB5];
	_ =	sdelay $0x3  }
0x36: {  	p1 =	seq.s32 s10, $0x1;
	s10 =	sld [smem:$0x3FB6];
	_ =	sdelay $0x3  }
0x37: {  	[smem:$0x3FB6] =	sst s10  }
0x38: {  	s10 =	sld [smem:$0x3FB7]  }
0x39: {  	_ = 	snop;
	(pc) =	sbr.ind lr, $3  }
0x3a: {  	_ = 	snop  }
0x3b: {  	_ = 	snop  }
0x3c: {  	p2 =	seq.s32 s10, $0x1;
	s10 =	sld [smem:$0x3FB6]  }
0x3d: {  	_ =	shalt  }
0x3e: {  	_ =	shalt  }
0x3f: {  	_ =	shalt  }
0x40: {  	_ =	shalt  }
0x41: {  	_ =	shalt  }
0x42: {  	_ =	shalt  }
0x43: {  	_ =	shalt  }
0x44: {  	_ =	shalt  }
0x45: {  	_ =	shalt  }
0x46: {  	_ =	shalt  }
0x47: {  	_ =	shalt  }
0x48: {  	_ =	shalt  }
0x49: {  	_ =	shalt  }
0x4a: {  	_ =	shalt  }
0x4b: {  	_ =	shalt  }
0x4c: {  	_ =	shalt  }
0x4d: {  	_ =	shalt  }
0x4e: {  	_ =	shalt  }
0x4f: {  	_ =	shalt  }
0x50: {  	_ =	shalt  }
0x51: {  	_ =	shalt  }
0x52: {  	_ =	shalt  }
0x53: {  	_ =	shalt  }
0x54: {  	_ =	shalt  }
0x55: {  	_ =	shalt  }
0x56: {  	_ =	shalt  }
0x57: {  	_ =	shalt  }
0x58: {  	_ =	shalt  }
0x59: {  	_ =	shalt  }
0x5a: {  	_ =	shalt  }
0x5b: {  	_ =	shalt  }
0x5c: {  	_ =	shalt  }
0x5d: {  	_ =	shalt  }
0x5e: {  	_ =	shalt  }
0x5f: {  	_ =	shalt  }
0x60: {  	_ =	shalt  }
0x61: {  	_ =	shalt  }
0x62: {  	_ =	shalt  }
0x63: {  	_ =	shalt  }
0x64: {  	_ =	shalt  }
0x65: {  	_ =	shalt  }
0x66: {  	_ =	shalt  }
0x67: {  	_ =	shalt  }
0x68: {  	_ =	shalt  }
0x69: {  	_ =	shalt  }
0x6a: {  	_ =	shalt  }
0x6b: {  	_ =	shalt  }
0x6c: {  	_ =	shalt  }
0x6d: {  	_ =	shalt  }
0x6e: {  	_ =	shalt  }
0x6f: {  	_ =	shalt  }
0x70: {  	_ =	shalt  }
0x71: {  	_ =	shalt  }
0x72: {  	_ =	shalt  }
0x73: {  	_ =	shalt  }
0x74: {  	_ =	shalt  }
0x75: {  	_ =	shalt  }
0x76: {  	_ =	shalt  }
0x77: {  	_ =	shalt  }
0x78: {  	_ =	shalt  }
0x79: {  	_ =	shalt  }
0x7a: {  	_ =	shalt  }
0x7b: {  	_ =	shalt  }
0x7c: {  	_ =	shalt  }
0x7d: {  	_ =	shalt  }
0x7e: {  	_ =	shalt  }
0x7f: {  	_ =	shalt  }
0x80: {  	_ =	shalt  }
0x81: {  	_ =	shalt  }
0x82: {  	_ =	shalt  }
0x83: {  	_ =	shalt  }
0x84: {  	_ =	shalt  }
0x85: {  	_ =	shalt  }
0x86: {  	_ =	shalt  }
0x87: {  	_ =	shalt  }
.Lfunc_end0:
.L_simem_size_0:
called_computation_lowered:
.L_overlay_start_0:
0x88: {  	s2 =	sld [smem:$0x3FD9]  }
0x89: {  	s3 =	sld [smem:$0x3FFE];
	_ =	sdelay $0x1  }
0x8a: {  	s1 =	srdreg.scid  }
0x8b: {  	s0 =	sand.u32 $0x1, s1  }
0x8c: {  	s16 =	sshll.u32 s0, $0xA;
	s2 =	sadd.s32 s3, s2  }
0x8d: {  	s2 =	sadd.s32 s2, s16  }
0x8e: {  	[smem:$0x3FC2] =	sst s2  }
0x8f: {  	_ = 	snop  }
0x90: {  	(tm) =	ssettm $0x1  }
0x91: {  	s17 =	sld [smem:$0x3FFB];
	_ =	sdelay $0x3  }
0x92: {  	_ =	strace s17  }
0x93: {  	s2 =	sld [smem:$0x3FFC];
	_ =	sdelay $0x3  }
0x94: {  	_ =	strace s2  }
0x95: {  	s2 =	sld [smem:$0x3FFD];
	_ =	sdelay $0x3  }
0x96: {  	_ =	strace s2  }
0x97: {  	_ =	strace $0x8FFFFFFF  }
0x98: {  	s18 =	sld [smem:$0x3FDB];
	_ =	sdelay $0x1  }
0x99: {  	s19 =	simm.s32 $_scs_section_size  }
0x9a: {  	s4 =	simm.s32 $_size__tile_overlayer_lowered;
	s5 =	simm.s32 $_tile_overlayer_lowered  }
0x9b: {  	s22 =	simm.s32 $0x1BFF;
	s21 =	sshll.u32 s5, $0x1;
	s2 =	sadd.s32 s19, s18  }
0x9c: {  	s6 =	simm.s32 $0x0;
	s20 =	sshll.u32 s4, $0x1;
	s4 =	sadd.s32 s21, s2  }
0x9d: {  	[timem:s6], [sflag:s22] =	dma.local [hbm:s4], s20  }
0x9e: {  	_ =	swait.ge [sflag:s22], s20  }
0x9f: {  	s3 =	ssub.s32 $0x0, s20;
	[sflag:s22] =	ssyncset.done $0x0  }
0xa0: {  	[sflag:s22] =	ssyncadd.s32 s3;
	_ =	sdelay $0x1  }
0xa1: {  	s23 =	simm.s32 $0x1B8B  }
0xa2: {  	_ =	swait.ge [sflag:s23], $0x1  }
0xa3: {  	[sflag:s23] =	ssyncset.done $0x0  }
0xa4: {  	s25 =	simm.s32 $0x1B8E;
	s24 =	sld [smem:$0x3FFE];
	[sflag:s23] =	ssyncadd.s32 $0xFFFFFFFF  }
0xa5: {  	s26 =	simm.s32 $execute0_lowered;
	[smem:$0x3FD2] =	sst s25  }
0xa6: {  	s4 =	sshll.u32 s26, $0x1;
	_ =	strace $0x80000046;
	[dreg:$0x1] =	wrdreg $0xFFFFFFFF  }
0xa7: {  	s28 =	simm.s32 $_size_execute0_lowered;
	s2 =	sadd.s32 s2, s4;
	[dreg:$0x0] =	wrdreg $0x0  }
0xa8: {  	s4 =	sshll.u32 s28, $0x1;
	[dreg:$0x2] =	wrdreg s2  }
0xa9: {  	[dreg:$0x3] =	wrdreg s4  }
0xaa: {  	[dreg:$0x4] =	wrdreg $0xC0  }
0xab: {  	_ =	task [dreg:s6], $0x5FFFF  }
0xac: {  	[dreg:$0x1] =	wrdreg $0xFFFFFFFF  }
0xad: {  	[dreg:$0x0] =	wrdreg $0x60  }
0xae: {  	[dreg:$0x2] =	wrdreg s24  }
0xaf: {  	[dreg:$0x3] =	wrdreg $0x9  }
0xb0: {  	_ =	task.clear_ibuf [dreg:s6], $0x4FFFF;
	_ =	strace $0x90000046  }
0xb1: {  	s29 =	simm.s32 $0x9;
	_ =	strace $0x80000048  }
0xb2: {  	_ =	swait.ge [sflag:s29], $0x1  }
0xb3: {  	[sflag:s29] =	ssyncadd.s32 $0xFFFFFFFF  }
0xb4: {  	_ =	strace $0x90000048  }
0xb5: {  	_ =	sfence  }
0xb6: {  	s30 =	sld [smem:$0x0];
	_ =	sdelay $0x2  }
0xb7: {  	s31 =	sshll.u32 s1, $0xD;
	s1 =	sshrl.u32 s1, $0x2  }
0xb8: {  	s3 =	sand.u32 $0x4000, s31;
	s1 =	sadd.s32 s1, s30  }
0xb9: {  	s0 =	sor.u32 s3, s0;
	s1 =	sshll.u32 s1, $0x11  }
0xba: {  	s0 =	sor.u32 s1, s0  }
0xbb: {  	s0 =	sadd.s32 $0x8F2B, s0  }
0xbc: {  	[sflag:s0] =	ssyncadd.remote.s32 $0x1  }
0xbd: {  	_ =	sfence.sel $0xFFFF  }
0xbe: {  	[dreg:$0x0] =	wrdreg $0xFFFFFFFF;
	(pc) =	sbr.abs _section_cstart, $3  }
0xbf: {  	[dreg:$0x1] =	wrdreg $0xFFFFFFFF  }
0xc0: {  	_ =	task.clear_ibuf [dreg:s6], $0x2FFFF;
	_ =	strace $0x9FFFFFFF  }
0xc1: {  	(tm) =	ssettm $0x7FFFFFFF  }
tec
execute0_lowered:
.L_overlay_start_1:
0x0: {  	(tag) =	ssettag $0x1  }
0x1: {  	s0 =	rddreg [dreg:$0x0];
	s1 =	srdreg.scid  }
0x2: {  	s2 =	stileid.u32;
	s3 =	simm.s32 $0x0;
	s1 =	sand.u32 $0x1, s1  }
0x3: {  	s2 =	sshll.u32 s2, $0x1;
	[smem:$0x7FF] =	sst s3;
	s4 =	sadd.s32 $0x7BAC00, s0  }
0x4: {  	s5 =	sadd.s32 $0x3C9C00, s0;
	_ =	strace $0x80000047;
	[dreg:$0x2] =	wrdreg s4  }
0x5: {  	s6 =	sadd.s32 $0x800, s0;
	s2 =	sor.u32 s1, s2;
	[dreg:$0x3] =	wrdreg s5  }
0x6: {  	s1 =	ssub.s32 $0x2, s1;
	[dreg:$0x4] =	wrdreg s6;
	s28 =	sshll.u32 s2, $0x9  }
0x7: {  	s23 =	smul.u32 $0xC80, s2;
	s30 =	sor.u32 $0x10, s28;
	[dreg:$0x6] =	wrdreg s28  }
0x8: {  	s24 =	sshrl.u32 s1, $0x1;
	s31 =	sor.u32 $0x18, s28;
	[dreg:$0x8] =	wrdreg s30  }
0x9: {  	s25 =	ssub.s32 s1, s24;
	s26 =	sadd.s32 s5, s23;
	[dreg:$0xa] =	wrdreg s31  }
0xa: {  	s0 =	smax.u32 s25, $0x1;
	[dreg:$0x5] =	wrdreg s26  }
0xb: {  	s29 =	sshll.u32 s2, $0xC;
	s1 =	sadd.s32 $0x32, s26;
	[dreg:$0xb] =	wrdreg s0  }
0xc: {  	[dreg:$0x7] =	wrdreg s1;
	s1 =	sadd.s32 s6, s29  }
0xd: {  	v25 =	vimm.s32 $0x0;
	[dreg:$0x9] =	wrdreg s1;
	s1 =	simm.s32 $0x0  }
.LBB2_1:
0xe: {  	[dreg:$0xc] =	wrdreg s1  }
0xf: {  	s0 =	simm.s32 $0x0;
	s30 =	rddreg [dreg:$0x5];
	s31 =	simm.s32 $0x3  }
0x10: {  	[tilespmem:s0], [sflag:$0x3] =	stream.linear.gather [hbm4b:s30+s0], $0x190, $0x38;
	[tilespmem:$0x19A00] =	vst v63  }
0x11: {  	_ =	swait.ge [sflag:s31], $0x190  }
0x12: {  	[sflag:s31] =	ssyncset.done $0x0  }
0x13: {  	s0 =	simm.s32 $0x0;
	[sflag:s31] =	ssyncadd.s32 $0xFFFFFE70  }
0x14: {  	v0 =	vld [tilespmem:s0+$0x0];
	_ =	sdelay $0x4  }
0x15: {  	vm0 =	vgt.s32 v0, $0x7AFFF;
	v1 =	vadd.s32 $0xFFF85000, v0  }
0x16: {  	v1 =	vsel vm0, v1, v0  }
0x17: {  	s2 =	simm.s32 $0x10;
	s1 =	simm.s32 $0x80;
	v0 =	vsel vm0, $0x40, v25;
	[tilespmem:s0+$0x0] =	vst v1  }
.LBB2_2:
0x18: {  	p0 =	sne.s32 s1, $0x600;
	v1 =	vld [tilespmem:s2+$0x0];
	[tilespmem:s0+$0x400] =	vst v0;
	s0 =	smov.u32 s2;
	_ =	sdelay $0x2  }
.Ltmp0:
0x19: {  	(pc) =	sbr.rel @p0 .LBB2_2-.Ltmp0, $4  }
0x1a: {  	_ = 	snop  }
0x1b: {  	vm0 =	vgt.s32 v1, $0x7AFFF;
	v0 =	vadd.s32 $0xFFF85000, v1  }
0x1c: {  	v1 =	vsel vm0, v0, v1;
	v0 =	vsel vm0, $0x40, v25  }
0x1d: {  	s2 =	sshra.s32 s1, $0x2;
	s1 =	sadd.s32 $0x40, s1;
	[tilespmem:s0+$0x0] =	vst v1  }
0x1e: {  	v1 =	vld [tilespmem:s2+$0x0];
	_ =	sdelay $0x4  }
0x1f: {  	vm0 =	vgt.s32 v1, $0x7AFFF;
	v2 =	vadd.s32 $0xFFF85000, v1  }
0x20: {  	[tilespmem:s0+$0x400] =	vst v0;
	v62 =	vsel vm0, v2, v1  }
0x21: {  	s4 =	simm.s32 $0x0;
	v63 =	vsel vm0, $0x40, v25;
	[tilespmem:s2+$0x0] =	vst v62  }
0x22: {  	s22 =	rddreg [dreg:$0x2];
	s1 =	simm.s32 $0x80;
	s23 =	simm.s32 $0x800;
	[tilespmem:s2+$0x400] =	vst v63  }
0x23: {  	[tilespmem:s23], [sflag:$0x1] =	stream.indirect.gather [hbm4b:s22+s1], $0x80, s4, s1, $0xb8;
	[tilespmem:$0x19A00] =	vst v63  }
0x24: {  	s24 =	simm.s32 $0x4800  }
0x25: {  	[tilespmem:s24], [sflag:$0x1] =	stream.indirect.gather [hbm4b:s22+s1], $0x80, s1, s1, $0xb8;
	[tilespmem:$0x19A00] =	vst v63  }
0x26: {  	s25 =	simm.s32 $0x100;
	s3 =	simm.s32 $0x8800  }
0x27: {  	[tilespmem:s3], [sflag:$0x1] =	stream.indirect.gather [hbm4b:s22+s1], $0x80, s25, s1, $0xb8;
	[tilespmem:$0x19A00] =	vst v63  }
0x28: {  	s26 =	simm.s32 $0x10;
	s28 =	simm.s32 $0x180;
	s29 =	simm.s32 $0xC800  }
0x29: {  	[tilespmem:s29], [sflag:$0x1] =	stream.indirect.gather [hbm4b:s22+s26], $0x80, s28, s26, $0xb8;
	[tilespmem:$0x19A00] =	vst v63  }
0x2a: {  	s30 =	rddreg [dreg:$0x7];
	s31 =	simm.s32 $0x200  }
0x2b: {  	[tilespmem:s31], [sflag:$0x4] =	stream.linear.gather [hbm4b:s30+s4], $0x190, $0x38;
	[tilespmem:$0x19A00] =	vst v63  }
.LBB2_4:
0x2c: {  	s0 =	simm.s32 $0x4  }
0x2d: {  	_ =	swait.ge [sflag:s0], $0x190  }
0x2e: {  	[sflag:s0] =	ssyncset.done $0x0  }
0x2f: {  	[sflag:s0] =	ssyncadd.s32 $0xFFFFFE70;
	s0 =	simm.s32 $0x0  }
0x30: {  	v0 =	vld [tilespmem:s0+$0x200];
	_ =	sdelay $0x4  }
0x31: {  	vm0 =	vgt.s32 v0, $0x7AFFF;
	v1 =	vadd.s32 $0xFFF85000, v0  }
0x32: {  	v1 =	vsel vm0, v1, v0  }
0x33: {  	s2 =	simm.s32 $0x10;
	s1 =	simm.s32 $0x80;
	v0 =	vsel vm0, $0x40, v25;
	[tilespmem:s0+$0x200] =	vst v1  }
.LBB2_5:
0x34: {  	p0 =	sne.s32 s1, $0x600;
	v1 =	vld [tilespmem:s2+$0x200];
	[tilespmem:s0+$0x600] =	vst v0;
	s0 =	smov.u32 s2;
	_ =	sdelay $0x2  }
.Ltmp1:
0x35: {  	(pc) =	sbr.rel @p0 .LBB2_5-.Ltmp1, $4  }
0x36: {  	_ = 	snop  }
0x37: {  	vm0 =	vgt.s32 v1, $0x7AFFF;
	v0 =	vadd.s32 $0xFFF85000, v1  }
0x38: {  	v1 =	vsel vm0, v0, v1;
	v0 =	vsel vm0, $0x40, v25  }
0x39: {  	s2 =	sshra.s32 s1, $0x2;
	s1 =	sadd.s32 $0x40, s1;
	[tilespmem:s0+$0x200] =	vst v1  }
0x3a: {  	v1 =	vld [tilespmem:s2+$0x200];
	_ =	sdelay $0x4  }
0x3b: {  	vm0 =	vgt.s32 v1, $0x7AFFF;
	v2 =	vadd.s32 $0xFFF85000, v1  }
0x3c: {  	[tilespmem:s0+$0x600] =	vst v0;
	v62 =	vsel vm0, v2, v1  }
0x3d: {  	s21 =	rddreg [dreg:$0x2];
	v63 =	vsel vm0, $0x40, v25;
	[tilespmem:s2+$0x200] =	vst v62  }
0x3e: {  	s1 =	simm.s32 $0x80;
	s22 =	simm.s32 $0x200;
	s3 =	simm.s32 $0xD000;
	[tilespmem:s2+$0x600] =	vst v63  }
0x3f: {  	[tilespmem:s3], [sflag:$0x2] =	stream.indirect.gather [hbm4b:s21+s1], $0x80, s22, s1, $0xb8;
	[tilespmem:$0x19A00] =	vst v63  }
0x40: {  	s23 =	simm.s32 $0x280;
	s24 =	simm.s32 $0x11000;
	s25 =	simm.s32 $0x300  }
0x41: {  	[tilespmem:s24], [sflag:$0x2] =	stream.indirect.gather [hbm4b:s21+s1], $0x80, s23, s1, $0xb8;
	[tilespmem:$0x19A00] =	vst v63  }
0x42: {  	s26 =	simm.s32 $0x15000;
	s28 =	simm.s32 $0x10;
	s29 =	simm.s32 $0x380  }
0x43: {  	[tilespmem:s26], [sflag:$0x2] =	stream.indirect.gather [hbm4b:s21+s1], $0x80, s25, s1, $0xb8;
	[tilespmem:$0x19A00] =	vst v63  }
0x44: {  	p0 =	seq.s32 s4, $0x1F;
	s0 =	rddreg [dreg:$0x8];
	s1 =	sshll.u32 s4, $0x4  }
0x45: {  	s30 =	simm.s32 $0x19000;
	[dreg:$0xd] =	wrdreg s4;
	s0 =	sadd.s32 @!p0 s1, s0  }
0x46: {  	[tilespmem:s30], [sflag:$0x2] =	stream.indirect.gather [hbm4b:s21+s28], $0x80, s29, s28, $0xb8;
	[tilespmem:$0x19A00] =	vst v63  }
0x47: {  	s31 =	simm.s32 $0x1;
	[dreg:$0xe] =	wrdreg s1;
	s0 =	smul.u32 @!p0 $0x32, s0  }
0x48: {  	_ =	swait.ge [sflag:s31], $0xC800  }
0x49: {  	[sflag:s31] =	ssyncset.done $0x0;
	s0 =	sshrl.u32 @!p0 s0, $0x3;
	s1 =	rddreg [dreg:$0x3]  }
0x4a: {  	[sflag:s31] =	ssyncadd.s32 $0xFFFF3800;
	s0 =	sadd.s32 @!p0 s1, s0;
	s1 =	simm.s32 @!p0 $0x0  }
0x4b: {  	[tilespmem:s1], [sflag:$0x3] =	stream.linear.gather @!p0 [hbm4b:s0+s1], $0x190, $0x38;
	[tilespmem:$0x19A00] =	vst v63  }
0x4c: {  	s0 =	simm.s32 $0x0  }
.LBB2_7:
0x4d: {  	s20 =	smul.u32 $0x32, s0;
	_ =	sdelay $0x1  }
0x4e: {  	v1 =	vld [tilespmem:s20+$0x400];
	_ =	sdelay $0x4  }
0x4f: {  	(v2sf) =	vpush v1, $0x0;
	_ =	sdelay $0x2  }
0x50: {  	(v2sf) =	vpush v1, $0x1;
	_ =	sdelay $0x2  }
0x51: {  	(v2sf) =	vpush v1, $0x2;
	_ =	sdelay $0x3  }
0x52: {  	[dreg:$0xf] =	wrdreg s0  }
0x53: {  	s14 =	rddreg [dreg:$0xf]  }
0x54: {  	s0 =	smul.u32 $0x6400, s14;
	_ =	sdelay $0x1  }
0x55: {  	s17 =	sshra.s32 s0, $0x2  }
0x56: {  	s2 =	sadd.s32 $0x800, s17;
	s23 =	sadd.s32 $0x880, s17;
	s1 =	spop (v2sf)  }
0x57: {  	s6 =	sadd.s32 $0x900, s17;
	s15 =	sand.u32 $0xFFFFFF80, s1;
	s3 =	sand.u32 $0x7F, s1  }
0x58: {  	s4 =	sadd.s32 $0x10, s1;
	s18 =	sadd.s32 $0x20, s1;
	s1 =	sadd.s32 $0x30, s1  }
0x59: {  	s21 =	spop (v2sf);
	s0 =	sadd.s32 s15, s2;
	s16 =	sand.u32 $0xFFFFFF80, s4  }
0x5a: {  	s4 =	sand.u32 $0x7F, s4;
	s5 =	sand.u32 $0xFFFFFF80, s18;
	s19 =	sand.u32 $0xFFFFFF80, s1  }
0x5b: {  	s1 =	sand.u32 $0x7F, s1;
	s22 =	sand.u32 $0xFFFFFF80, s21;
	s24 =	sand.u32 $0x7F, s21  }
0x5c: {  	(v2sf) =	vpush v1, $0x3;
	s25 =	sadd.s32 $0x10, s21;
	s28 =	sadd.s32 $0x20, s21;
	s31 =	spop (v2sf)  }
0x5d: {  	s7 =	sor.u32 s3, s0;
	s0 =	sadd.s32 s16, s2;
	s3 =	sand.u32 $0x7F, s18  }
0x5e: {  	(v2sf) =	vpush v1, $0x4;
	s5 =	sadd.s32 s5, s2;
	s26 =	sand.u32 $0xFFFFFF80, s25;
	s29 =	sand.u32 $0xFFFFFF80, s28  }
0x5f: {  	s15 =	sand.u32 $0x7F, s31;
	s16 =	sadd.s32 $0x10, s31;
	s10 =	sor.u32 s4, s0  }
0x60: {  	s8 =	sor.u32 s3, s5;
	s0 =	sadd.s32 s19, s2;
	s4 =	sand.u32 $0x7F, s25  }
0x61: {  	s3 =	sand.u32 $0x7F, s28;
	s5 =	sadd.s32 s29, s23;
	s2 =	sadd.s32 $0x30, s21  }
0x62: {  	s18 =	sand.u32 $0xFFFFFF80, s16;
	s19 =	sadd.s32 $0x20, s31;
	s25 =	sadd.s32 $0x980, s17  }
0x63: {  	s9 =	sor.u32 s1, s0;
	s0 =	sadd.s32 s22, s23;
	s12 =	sor.u32 s3, s5  }
0x64: {  	s30 =	sand.u32 $0xFFFFFF80, s2;
	s2 =	sand.u32 $0x7F, s2;
	s5 =	sand.u32 $0xFFFFFF80, s31  }
0x65: {  	s21 =	sand.u32 $0xFFFFFF80, s19;
	s3 =	sand.u32 $0x7F, s19;
	s1 =	sadd.s32 $0x30, s31  }
0x66: {  	s11 =	sor.u32 s24, s0;
	s0 =	sadd.s32 s26, s23;
	s22 =	sand.u32 $0xFFFFFF80, s1  }
0x67: {  	(v2sf) =	vpush v1, $0x5;
	s1 =	sand.u32 $0x7F, s1;
	s14 =	sor.u32 s4, s0;
	s0 =	sadd.s32 s30, s23  }
0x68: {  	s4 =	sand.u32 $0x7F, s16;
	s13 =	sor.u32 s2, s0;
	s0 =	sadd.s32 s5, s6  }
0x69: {  	s5 =	sadd.s32 s21, s6;
	s15 =	sor.u32 s15, s0;
	s0 =	sadd.s32 s18, s6  }
0x6a: {  	s16 =	sor.u32 s3, s5;
	s19 =	sor.u32 s4, s0;
	s0 =	sadd.s32 s22, s6  }
0x6b: {  	s6 =	sadd.s32 $0xA00, s17;
	s18 =	sor.u32 s1, s0;
	s23 =	spop (v2sf)  }
0x6c: {  	s24 =	sand.u32 $0xFFFFFF80, s23;
	s26 =	sand.u32 $0x7F, s23;
	s28 =	sadd.s32 $0x10, s23  }
0x6d: {  	s30 =	sadd.s32 $0x20, s23;
	s2 =	sadd.s32 $0x30, s23;
	s1 =	spop (v2sf)  }
0x6e: {  	s0 =	sadd.s32 s24, s25;
	s29 =	sand.u32 $0xFFFFFF80, s28;
	s4 =	sand.u32 $0x7F, s28  }
0x6f: {  	s31 =	sand.u32 $0xFFFFFF80, s30;
	s3 =	sand.u32 $0x7F, s30;
	s28 =	sadd.s32 $0x10, s1  }
0x70: {  	s30 =	sadd.s32 $0x20, s1;
	s21 =	sor.u32 s26, s0;
	s0 =	sadd.s32 s29, s25  }
0x71: {  	(v2sf) =	vpush v1, $0x6;
	s5 =	sadd.s32 s31, s25;
	s26 =	sand.u32 $0x7F, s1;
	s29 =	sand.u32 $0xFFFFFF80, s28  }
0x72: {  	s31 =	sand.u32 $0xFFFFFF80, s30;
	s24 =	sor.u32 s4, s0;
	s22 =	sor.u32 s3, s5  }
0x73: {  	s4 =	sand.u32 $0xFFFFFF80, s2;
	s2 =	sand.u32 $0x7F, s2;
	s5 =	sand.u32 $0xFFFFFF80, s1  }
0x74: {  	s3 =	sand.u32 $0x7F, s30;
	s1 =	sadd.s32 $0x30, s1;
	s0 =	sadd.s32 s4, s25  }
0x75: {  	s4 =	sand.u32 $0x7F, s28;
	s23 =	sor.u32 s2, s0;
	s0 =	sadd.s32 s5, s6  }
0x76: {  	s5 =	sadd.s32 s31, s6;
	s2 =	spop (v2sf);
	s25 =	sor.u32 s26, s0  }
0x77: {  	s0 =	sadd.s32 s29, s6;
	s26 =	sor.u32 s3, s5;
	s5 =	sand.u32 $0xFFFFFF80, s1  }
0x78: {  	s1 =	sand.u32 $0x7F, s1;
	s30 =	sand.u32 $0x7F, s2;
	s31 =	sadd.s32 $0x10, s2  }
0x79: {  	(v2sf) =	vpush v1, $0x7;
	s29 =	sor.u32 s4, s0;
	s0 =	sadd.s32 s5, s6;
	s6 =	sand.u32 $0xFFFFFF80, s2  }
0x7a: {  	s5 =	sand.u32 $0xFFFFFF80, s31;
	s28 =	sor.u32 s1, s0;
	s1 =	sadd.s32 $0xA80, s17  }
0x7b: {  	s4 =	sand.u32 $0x7F, s31;
	s0 =	sadd.s32 s6, s1;
	s6 =	sadd.s32 $0x20, s2  }
0x7c: {  	s2 =	sadd.s32 $0x30, s2;
	s30 =	sor.u32 s30, s0;
	s0 =	sadd.s32 s5, s1  }
0x7d: {  	s31 =	sand.u32 $0xFFFFFF80, s6;
	s3 =	sand.u32 $0x7F, s6;
	s0 =	sor.u32 s4, s0  }
0x7e: {  	s6 =	sand.u32 $0xFFFFFF80, s2;
	s5 =	sadd.s32 s31, s1;
	[dreg:$0x15] =	wrdreg s0  }
0x7f: {  	s31 =	sor.u32 s3, s5;
	s0 =	sadd.s32 s6, s1;
	s3 =	sand.u32 $0x7F, s2  }
0x80: {  	s0 =	sor.u32 s3, s0;
	s2 =	spop (v2sf)  }
0x81: {  	(v2sf) =	vpush v1, $0x8;
	s1 =	sadd.s32 $0xB00, s17;
	[dreg:$0x13] =	wrdreg s0;
	s4 =	sand.u32 $0xFFFFFF80, s2  }
0x82: {  	s5 =	sand.u32 $0x7F, s2;
	s6 =	sadd.s32 $0x10, s2;
	s0 =	sadd.s32 s4, s1  }
0x83: {  	s3 =	sand.u32 $0xFFFFFF80, s6;
	s4 =	sand.u32 $0x7F, s6;
	s0 =	sor.u32 s5, s0  }
0x84: {  	s5 =	sadd.s32 $0x20, s2;
	s2 =	sadd.s32 $0x30, s2;
	[dreg:$0x17] =	wrdreg s0  }
0x85: {  	s0 =	sadd.s32 s3, s1;
	s6 =	sand.u32 $0xFFFFFF80, s5;
	s3 =	sand.u32 $0x7F, s5  }
0x86: {  	s5 =	sadd.s32 s6, s1;
	s0 =	sor.u32 s4, s0;
	s6 =	sand.u32 $0xFFFFFF80, s2  }
0x87: {  	[dreg:$0x1d] =	wrdreg s0;
	s5 =	sor.u32 s3, s5;
	s0 =	sadd.s32 s6, s1  }
0x88: {  	s3 =	sand.u32 $0x7F, s2;
	s2 =	spop (v2sf);
	s1 =	sadd.s32 $0xB80, s17  }
0x89: {  	[dreg:$0x19] =	wrdreg s5;
	s0 =	sor.u32 s3, s0;
	s4 =	sand.u32 $0xFFFFFF80, s2  }
0x8a: {  	(v2sf) =	vpush v1, $0x9;
	s5 =	sand.u32 $0x7F, s2;
	s6 =	sadd.s32 $0x10, s2;
	[dreg:$0x1b] =	wrdreg s0  }
0x8b: {  	s0 =	sadd.s32 s4, s1;
	s3 =	sand.u32 $0xFFFFFF80, s6;
	s4 =	sand.u32 $0x7F, s6  }
0x8c: {  	s0 =	sor.u32 s5, s0;
	s5 =	sadd.s32 $0x20, s2;
	s2 =	sadd.s32 $0x30, s2  }
0x8d: {  	[dreg:$0x1e] =	wrdreg s0;
	s0 =	sadd.s32 s3, s1;
	s6 =	sand.u32 $0xFFFFFF80, s5  }
0x8e: {  	s3 =	sand.u32 $0x7F, s5;
	s5 =	sadd.s32 s6, s1;
	s0 =	sor.u32 s4, s0  }
0x8f: {  	s6 =	sand.u32 $0xFFFFFF80, s2;
	[smem:$0x7A3] =	sst s0;
	s5 =	sor.u32 s3, s5  }
0x90: {  	s0 =	sadd.s32 s6, s1;
	s3 =	sand.u32 $0x7F, s2;
	s2 =	spop (v2sf)  }
0x91: {  	s1 =	sadd.s32 $0xC00, s17;
	[smem:$0x7A4] =	sst s5;
	s0 =	sor.u32 s3, s0  }
0x92: {  	(v2sf) =	vpush v1, $0xA;
	s4 =	sand.u32 $0xFFFFFF80, s2;
	s5 =	sand.u32 $0x7F, s2;
	s6 =	sadd.s32 $0x10, s2  }
0x93: {  	[smem:$0x7A5] =	sst s0;
	s0 =	sadd.s32 s4, s1;
	s3 =	sand.u32 $0xFFFFFF80, s6  }
0x94: {  	s4 =	sand.u32 $0x7F, s6;
	s0 =	sor.u32 s5, s0;
	s5 =	sadd.s32 $0x20, s2  }
0x95: {  	s2 =	sadd.s32 $0x30, s2;
	[smem:$0x7A6] =	sst s0;
	s0 =	sadd.s32 s3, s1  }
0x96: {  	s6 =	sand.u32 $0xFFFFFF80, s5;
	s3 =	sand.u32 $0x7F, s5;
	s0 =	sor.u32 s4, s0  }
0x97: {  	s5 =	sadd.s32 s6, s1;
	s6 =	sand.u32 $0xFFFFFF80, s2;
	[smem:$0x7A7] =	sst s0  }
0x98: {  	s5 =	sor.u32 s3, s5;
	s0 =	sadd.s32 s6, s1;
	s3 =	sand.u32 $0x7F, s2  }
0x99: {  	s2 =	spop (v2sf);
	s1 =	sadd.s32 $0xC80, s17;
	[smem:$0x7A8] =	sst s5  }
0x9a: {  	(v2sf) =	vpush v1, $0xB;
	s0 =	sor.u32 s3, s0;
	s4 =	sand.u32 $0xFFFFFF80, s2;
	s5 =	sand.u32 $0x7F, s2  }
0x9b: {  	s6 =	sadd.s32 $0x10, s2;
	[smem:$0x7A9] =	sst s0;
	s0 =	sadd.s32 s4, s1  }
0x9c: {  	s3 =	sand.u32 $0xFFFFFF80, s6;
	s4 =	sand.u32 $0x7F, s6;
	s0 =	sor.u32 s5, s0  }
0x9d: {  	s5 =	sadd.s32 $0x20, s2;
	s2 =	sadd.s32 $0x30, s2;
	[smem:$0x7AA] =	sst s0  }
0x9e: {  	s0 =	sadd.s32 s3, s1;
	s6 =	sand.u32 $0xFFFFFF80, s5;
	s3 =	sand.u32 $0x7F, s5  }
0x9f: {  	s5 =	sadd.s32 s6, s1;
	s0 =	sor.u32 s4, s0;
	s6 =	sand.u32 $0xFFFFFF80, s2  }
0xa0: {  	[smem:$0x7AB] =	sst s0;
	s5 =	sor.u32 s3, s5;
	s0 =	sadd.s32 s6, s1  }
0xa1: {  	s3 =	sand.u32 $0x7F, s2;
	s2 =	spop (v2sf);
	s1 =	sadd.s32 $0xD00, s17  }
0xa2: {  	[smem:$0x7AC] =	sst s5;
	s0 =	sor.u32 s3, s0;
	s4 =	sand.u32 $0xFFFFFF80, s2  }
0xa3: {  	(v2sf) =	vpush v1, $0xC;
	s5 =	sand.u32 $0x7F, s2;
	s6 =	sadd.s32 $0x10, s2;
	[smem:$0x7AD] =	sst s0  }
0xa4: {  	s0 =	sadd.s32 s4, s1;
	s3 =	sand.u32 $0xFFFFFF80, s6;
	s4 =	sand.u32 $0x7F, s6  }
0xa5: {  	s0 =	sor.u32 s5, s0;
	s5 =	sadd.s32 $0x20, s2;
	s2 =	sadd.s32 $0x30, s2  }
0xa6: {  	[smem:$0x7AE] =	sst s0;
	s0 =	sadd.s32 s3, s1;
	s6 =	sand.u32 $0xFFFFFF80, s5  }
0xa7: {  	s3 =	sand.u32 $0x7F, s5;
	s5 =	sadd.s32 s6, s1;
	s0 =	sor.u32 s4, s0  }
0xa8: {  	s6 =	sand.u32 $0xFFFFFF80, s2;
	[smem:$0x7AF] =	sst s0;
	s5 =	sor.u32 s3, s5  }
0xa9: {  	s0 =	sadd.s32 s6, s1;
	s3 =	sand.u32 $0x7F, s2;
	s2 =	spop (v2sf)  }
0xaa: {  	s1 =	sadd.s32 $0xD80, s17;
	[smem:$0x7B0] =	sst s5;
	s0 =	sor.u32 s3, s0  }
0xab: {  	(v2sf) =	vpush v1, $0xD;
	s4 =	sand.u32 $0xFFFFFF80, s2;
	s5 =	sand.u32 $0x7F, s2;
	s6 =	sadd.s32 $0x10, s2  }
0xac: {  	[smem:$0x7B1] =	sst s0;
	s0 =	sadd.s32 s4, s1;
	s3 =	sand.u32 $0xFFFFFF80, s6  }
0xad: {  	s4 =	sand.u32 $0x7F, s6;
	s0 =	sor.u32 s5, s0;
	s5 =	sadd.s32 $0x20, s2  }
0xae: {  	s2 =	sadd.s32 $0x30, s2;
	[smem:$0x7B2] =	sst s0;
	s0 =	sadd.s32 s3, s1  }
0xaf: {  	s6 =	sand.u32 $0xFFFFFF80, s5;
	s3 =	sand.u32 $0x7F, s5;
	s0 =	sor.u32 s4, s0  }
0xb0: {  	s5 =	sadd.s32 s6, s1;
	s6 =	sand.u32 $0xFFFFFF80, s2;
	[smem:$0x7B3] =	sst s0  }
0xb1: {  	s5 =	sor.u32 s3, s5;
	s0 =	sadd.s32 s6, s1;
	s3 =	sand.u32 $0x7F, s2  }
0xb2: {  	s2 =	spop (v2sf);
	s1 =	sadd.s32 $0xE00, s17;
	[smem:$0x7B4] =	sst s5  }
0xb3: {  	(v2sf) =	vpush v1, $0xE;
	s0 =	sor.u32 s3, s0;
	s4 =	sand.u32 $0xFFFFFF80, s2;
	s5 =	sand.u32 $0x7F, s2  }
0xb4: {  	s6 =	sadd.s32 $0x10, s2;
	[smem:$0x7B5] =	sst s0;
	s0 =	sadd.s32 s4, s1  }
0xb5: {  	s3 =	sand.u32 $0xFFFFFF80, s6;
	s4 =	sand.u32 $0x7F, s6;
	s0 =	sor.u32 s5, s0  }
0xb6: {  	s5 =	sadd.s32 $0x20, s2;
	s2 =	sadd.s32 $0x30, s2;
	[smem:$0x7B6] =	sst s0  }
0xb7: {  	s0 =	sadd.s32 s3, s1;
	s6 =	sand.u32 $0xFFFFFF80, s5;
	s3 =	sand.u32 $0x7F, s5  }
0xb8: {  	s5 =	sadd.s32 s6, s1;
	s0 =	sor.u32 s4, s0;
	s6 =	sand.u32 $0xFFFFFF80, s2  }
0xb9: {  	[smem:$0x7B7] =	sst s0;
	s5 =	sor.u32 s3, s5;
	s0 =	sadd.s32 s6, s1  }
0xba: {  	s3 =	sand.u32 $0x7F, s2;
	s2 =	spop (v2sf);
	s1 =	sadd.s32 $0xE80, s17  }
0xbb: {  	[smem:$0x7B8] =	sst s5;
	s0 =	sor.u32 s3, s0;
	s4 =	sand.u32 $0xFFFFFF80, s2  }
0xbc: {  	(v2sf) =	vpush v1, $0xF;
	s5 =	sand.u32 $0x7F, s2;
	s6 =	sadd.s32 $0x10, s2;
	[smem:$0x7B9] =	sst s0  }
0xbd: {  	s0 =	sadd.s32 s4, s1;
	s3 =	sand.u32 $0xFFFFFF80, s6;
	s4 =	sand.u32 $0x7F, s6  }
0xbe: {  	s0 =	sor.u32 s5, s0;
	s5 =	sadd.s32 $0x20, s2;
	s2 =	sadd.s32 $0x30, s2  }
0xbf: {  	[smem:$0x7BA] =	sst s0;
	s0 =	sadd.s32 s3, s1;
	s6 =	sand.u32 $0xFFFFFF80, s5  }
0xc0: {  	s3 =	sand.u32 $0x7F, s5;
	s5 =	sadd.s32 s6, s1;
	s0 =	sor.u32 s4, s0  }
0xc1: {  	v8 =	vld [tilespmem:s20+$0x410];
	s6 =	sand.u32 $0xFFFFFF80, s2;
	[smem:$0x7BB] =	sst s0;
	s5 =	sor.u32 s3, s5  }
0xc2: {  	s0 =	sadd.s32 s6, s1;
	s3 =	sand.u32 $0x7F, s2;
	s2 =	spop (v2sf)  }
0xc3: {  	s1 =	sadd.s32 $0xF00, s17;
	[smem:$0x7BC] =	sst s5;
	s0 =	sor.u32 s3, s0  }
0xc4: {  	s4 =	sand.u32 $0xFFFFFF80, s2;
	s5 =	sand.u32 $0x7F, s2;
	s6 =	sadd.s32 $0x10, s2  }
0xc5: {  	[smem:$0x7BD] =	sst s0;
	s0 =	sadd.s32 s4, s1;
	s3 =	sand.u32 $0xFFFFFF80, s6  }
0xc6: {  	(v2sf) =	vpush v8, $0x0;
	s4 =	sand.u32 $0x7F, s6;
	s0 =	sor.u32 s5, s0;
	s5 =	sadd.s32 $0x20, s2  }
0xc7: {  	s2 =	sadd.s32 $0x30, s2;
	[smem:$0x7BE] =	sst s0;
	s6 =	sand.u32 $0xFFFFFF80, s5  }
0xc8: {  	s0 =	sadd.s32 s3, s1;
	s3 =	sand.u32 $0x7F, s5;
	s5 =	sadd.s32 s6, s1  }
0xc9: {  	s0 =	sor.u32 s4, s0;
	s6 =	sand.u32 $0xFFFFFF80, s2;
	s4 =	sadd.s32 $0xF80, s17  }
0xca: {  	[smem:$0x7BF] =	sst s0;
	s5 =	sor.u32 s3, s5;
	s0 =	sadd.s32 s6, s1  }
0xcb: {  	s3 =	sand.u32 $0x7F, s2;
	s2 =	spop (v2sf);
	[smem:$0x7C0] =	sst s5  }
0xcc: {  	s6 =	sand.u32 $0xFFFFFF80, s2;
	s5 =	sadd.s32 $0x10, s2;
	s0 =	sor.u32 s3, s0  }
0xcd: {  	[smem:$0x7C1] =	sst s0;
	s0 =	sadd.s32 s6, s4;
	s6 =	sand.u32 $0xFFFFFF80, s5  }
0xce: {  	s1 =	sadd.s32 s6, s4;
	s6 =	sand.u32 $0x7F, s2  }
0xcf: {  	(v2sf) =	vpush v8, $0x1;
	s3 =	sand.u32 $0x7F, s5;
	s0 =	sor.u32 s6, s0  }
0xd0: {  	s6 =	sor.u32 s3, s1;
	[smem:$0x7C2] =	sst s0  }
0xd1: {  	s1 =	sadd.s32 $0x20, s2;
	s2 =	sadd.s32 $0x30, s2;
	[smem:$0x7C3] =	sst s6  }
0xd2: {  	s3 =	sand.u32 $0xFFFFFF80, s1;
	s0 =	sand.u32 $0x7F, s1;
	s6 =	sshll.u32 s20, $0x7  }
0xd3: {  	s5 =	sand.u32 $0xFFFFFF80, s2;
	s2 =	sand.u32 $0x7F, s2;
	s1 =	sadd.s32 s3, s4  }
0xd4: {  	s5 =	sadd.s32 s5, s4;
	s3 =	sadd.s32 $0x800, s6;
	[dreg:$0x11] =	wrdreg s6  }
0xd5: {  	s0 =	sor.u32 s0, s1;
	s1 =	sand.u32 $0x3FFFFF00, s3;
	s3 =	spop (v2sf)  }
0xd6: {  	[smem:$0x7C4] =	sst s0;
	s0 =	sor.u32 s2, s5;
	s4 =	sand.u32 $0xFFFFFF80, s3  }
0xd7: {  	(v2sf) =	vpush v8, $0x2;
	s5 =	sand.u32 $0x7F, s3;
	[smem:$0x7C5] =	sst s0;
	s0 =	sadd.s32 $0x800, s1  }
0xd8: {  	s2 =	sadd.s32 $0x20, s3;
	s1 =	sadd.s32 s4, s0;
	s4 =	sadd.s32 $0x10, s3  }
0xd9: {  	s1 =	sor.u32 s5, s1;
	s5 =	sand.u32 $0xFFFFFF80, s4;
	s4 =	sand.u32 $0x7F, s4  }
0xda: {  	[smem:$0x7C6] =	sst s1;
	s1 =	sadd.s32 s5, s0;
	s5 =	sand.u32 $0xFFFFFF80, s2  }
0xdb: {  	s2 =	sand.u32 $0x7F, s2;
	s5 =	sadd.s32 s5, s0;
	s1 =	sor.u32 s4, s1  }
0xdc: {  	s3 =	sadd.s32 $0x30, s3;
	[smem:$0x7C7] =	sst s1;
	s5 =	sor.u32 s2, s5  }
0xdd: {  	s2 =	sand.u32 $0xFFFFFF80, s3;
	s3 =	sand.u32 $0x7F, s3;
	s1 =	sadd.s32 $0x1080, s17  }
0xde: {  	[smem:$0x7C8] =	sst s5;
	s0 =	sadd.s32 s2, s0;
	s2 =	spop (v2sf)  }
0xdf: {  	(v2sf) =	vpush v8, $0x3;
	s0 =	sor.u32 s3, s0;
	s4 =	sand.u32 $0xFFFFFF80, s2;
	s5 =	sand.u32 $0x7F, s2  }
0xe0: {  	[smem:$0x7C9] =	sst s0;
	s0 =	sadd.s32 s4, s1;
	s4 =	sadd.s32 $0x10, s2  }
0xe1: {  	s3 =	sadd.s32 $0x20, s2;
	s0 =	sor.u32 s5, s0;
	s5 =	sand.u32 $0xFFFFFF80, s4  }
0xe2: {  	s4 =	sand.u32 $0x7F, s4;
	[smem:$0x7CA] =	sst s0;
	s0 =	sadd.s32 s5, s1  }
0xe3: {  	s2 =	sadd.s32 $0x30, s2;
	s5 =	sand.u32 $0xFFFFFF80, s3;
	s0 =	sor.u32 s4, s0  }
0xe4: {  	s3 =	sand.u32 $0x7F, s3;
	s5 =	sadd.s32 s5, s1;
	[smem:$0x7CB] =	sst s0  }
0xe5: {  	s4 =	sor.u32 s3, s5;
	s5 =	sand.u32 $0xFFFFFF80, s2;
	s3 =	sand.u32 $0x7F, s2  }
0xe6: {  	s2 =	spop (v2sf);
	[smem:$0x7CC] =	sst s4;
	s0 =	sadd.s32 s5, s1  }
0xe7: {  	(v2sf) =	vpush v8, $0x4;
	s4 =	sand.u32 $0xFFFFFF80, s2;
	s1 =	sadd.s32 $0x1100, s17;
	s0 =	sor.u32 s3, s0  }
0xe8: {  	s5 =	sand.u32 $0x7F, s2;
	s3 =	sadd.s32 $0x20, s2;
	[smem:$0x7CD] =	sst s0  }
0xe9: {  	s0 =	sadd.s32 s4, s1;
	s4 =	sadd.s32 $0x10, s2;
	s2 =	sadd.s32 $0x30, s2  }
0xea: {  	s0 =	sor.u32 s5, s0;
	s5 =	sand.u32 $0xFFFFFF80, s4;
	s4 =	sand.u32 $0x7F, s4  }
0xeb: {  	[smem:$0x7CE] =	sst s0;
	s0 =	sadd.s32 s5, s1;
	s5 =	sand.u32 $0xFFFFFF80, s3  }
0xec: {  	s3 =	sand.u32 $0x7F, s3;
	s5 =	sadd.s32 s5, s1;
	s0 =	sor.u32 s4, s0  }
0xed: {  	[smem:$0x7CF] =	sst s0;
	s4 =	sor.u32 s3, s5;
	s5 =	sand.u32 $0xFFFFFF80, s2  }
0xee: {  	s3 =	sand.u32 $0x7F, s2;
	s2 =	spop (v2sf);
	[smem:$0x7D0] =	sst s4  }
0xef: {  	s0 =	sadd.s32 s5, s1;
	s4 =	sand.u32 $0xFFFFFF80, s2;
	s1 =	sadd.s32 $0x1180, s17  }
0xf0: {  	s5 =	sand.u32 $0x7F, s2;
	s0 =	sor.u32 s3, s0;
	s3 =	sadd.s32 $0x20, s2  }
0xf1: {  	(v2sf) =	vpush v8, $0x5;
	[smem:$0x7D1] =	sst s0;
	s0 =	sadd.s32 s4, s1;
	s4 =	sadd.s32 $0x10, s2  }
0xf2: {  	s0 =	sor.u32 s5, s0;
	s5 =	sand.u32 $0xFFFFFF80, s4;
	s4 =	sand.u32 $0x7F, s4  }
0xf3: {  	[smem:$0x7D2] =	sst s0;
	s0 =	sadd.s32 s5, s1;
	s5 =	sand.u32 $0xFFFFFF80, s3  }
0xf4: {  	s3 =	sand.u32 $0x7F, s3;
	s5 =	sadd.s32 s5, s1;
	s0 =	sor.u32 s4, s0  }
0xf5: {  	s2 =	sadd.s32 $0x30, s2;
	[smem:$0x7D3] =	sst s0;
	s4 =	sor.u32 s3, s5  }
0xf6: {  	s5 =	sand.u32 $0xFFFFFF80, s2;
	s3 =	sand.u32 $0x7F, s2;
	s2 =	spop (v2sf)  }
0xf7: {  	[smem:$0x7D4] =	sst s4;
	s0 =	sadd.s32 s5, s1;
	s4 =	sand.u32 $0xFFFFFF80, s2  }
0xf8: {  	s1 =	sadd.s32 $0x1200, s17;
	s5 =	sand.u32 $0x7F, s2;
	s0 =	sor.u32 s3, s0  }
0xf9: {  	[smem:$0x7D5] =	sst s0;
	s0 =	sadd.s32 s4, s1;
	s4 =	sadd.s32 $0x10, s2  }
0xfa: {  	(v2sf) =	vpush v8, $0x6;
	s3 =	sadd.s32 $0x20, s2;
	s0 =	sor.u32 s5, s0;
	s5 =	sand.u32 $0xFFFFFF80, s4  }
0xfb: {  	s4 =	sand.u32 $0x7F, s4;
	[smem:$0x7D6] =	sst s0;
	s0 =	sadd.s32 s5, s1  }
0xfc: {  	s5 =	sand.u32 $0xFFFFFF80, s3;
	s3 =	sand.u32 $0x7F, s3;
	v36 =	vld [tilespmem:s28+$0x0];
	s28 =	rddreg [dreg:$0x15]  }
0xfd: {  	s5 =	sadd.s32 s5, s1;
	s0 =	sor.u32 s4, s0;
	v37 =	vld [tilespmem:s31+$0x0];
	s31 =	rddreg [dreg:$0x13]  }
0xfe: {  	s2 =	sadd.s32 $0x30, s2;
	v0 =	vld [tilespmem:s20+$0x430];
	[smem:$0x7D7] =	sst s0;
	s4 =	sor.u32 s3, s5  }
0xff: {  	s5 =	sand.u32 $0xFFFFFF80, s2;
	s3 =	sand.u32 $0x7F, s2;
	v43 =	vld [tilespmem:s31+$0x0];
	s31 =	rddreg [dreg:$0x1b]  }
0x100: {  	s2 =	spop (v2sf);
	[smem:$0x7D8] =	sst s4;
	s0 =	sadd.s32 s5, s1  }
0x101: {  	s4 =	sand.u32 $0xFFFFFF80, s2;
	s1 =	sadd.s32 $0x1280, s17;
	s5 =	sand.u32 $0x7F, s2  }
0x102: {  	(v2sf) =	vpush v8, $0x7;
	v46 =	vld [tilespmem:s31+$0x0];
	s31 =	sld [smem:$0x7A4];
	s0 =	sor.u32 s3, s0;
	s3 =	sadd.s32 $0x20, s2  }
0x103: {  	[smem:$0x7D9] =	sst s0;
	s0 =	sadd.s32 s4, s1;
	s4 =	sadd.s32 $0x10, s2  }
0x104: {  	s2 =	sadd.s32 $0x30, s2;
	s0 =	sor.u32 s5, s0;
	s5 =	sand.u32 $0xFFFFFF80, s4;
	[tilespmem:$0x1FFF0] =	vst v0;
	v0 =	vld [tilespmem:s7+$0x0]  }
0x105: {  	s4 =	sand.u32 $0x7F, s4;
	s7 =	sand.u32 $0x7F, s2;
	v57 =	vld [tilespmem:s31+$0x0];
	s31 =	sld [smem:$0x7A8]  }
0x106: {  	[smem:$0x7DA] =	sst s0;
	s0 =	sadd.s32 s5, s1;
	s5 =	sand.u32 $0xFFFFFF80, s3  }
0x107: {  	v2 =	vld [tilespmem:s20+$0x420];
	s3 =	sand.u32 $0x7F, s3;
	s5 =	sadd.s32 s5, s1;
	s0 =	sor.u32 s4, s0  }
0x108: {  	v1 =	vld [tilespmem:s10+$0x0];
	[smem:$0x7DB] =	sst s0;
	s20 =	sor.u32 s3, s5;
	s5 =	sand.u32 $0xFFFFFF80, s2  }
0x109: {  	s2 =	spop (v2sf);
	v63 =	vld [tilespmem:s31+$0x0];
	s31 =	sld [smem:$0x7AB];
	s0 =	sadd.s32 s5, s1  }
0x10a: {  	v3 =	vld [tilespmem:s8+$0x0];
	(v2sf) =	vpush v8, $0x8;
	s3 =	sand.u32 $0xFFFFFF80, s2;
	s1 =	sadd.s32 $0x1300, s17;
	s4 =	sand.u32 $0x7F, s2  }
0x10b: {  	v4 =	vld [tilespmem:s9+$0x0];
	s5 =	sadd.s32 $0x10, s2;
	s9 =	sadd.s32 $0x20, s2;
	s2 =	sadd.s32 $0x30, s2  }
0x10c: {  	v6 =	vld [tilespmem:s11+$0x0];
	s10 =	sor.u32 s7, s0;
	s0 =	sadd.s32 s3, s1;
	s7 =	sand.u32 $0xFFFFFF80, s5  }
0x10d: {  	v5 =	vld [tilespmem:s14+$0x0];
	s11 =	sand.u32 $0xFFFFFF80, s9;
	s3 =	sand.u32 $0x7F, s9;
	s8 =	sor.u32 s4, s0  }
0x10e: {  	v7 =	vld [tilespmem:s12+$0x0];
	s4 =	sand.u32 $0x7F, s5;
	s0 =	sadd.s32 s7, s1;
	s5 =	sadd.s32 s11, s1  }
0x10f: {  	s7 =	sadd.s32 $0x1380, s17;
	v41 =	vld [tilespmem:s31+$0x0];
	s31 =	sld [smem:$0x7AF];
	s11 =	sor.u32 s4, s0  }
0x110: {  	v9 =	vld [tilespmem:s13+$0x0];
	(v2sf) =	vpush v8, $0x9;
	s9 =	sor.u32 s3, s5;
	s3 =	sand.u32 $0xFFFFFF80, s2;
	s4 =	sand.u32 $0x7F, s2  }
0x111: {  	v11 =	vld [tilespmem:s15+$0x0];
	s0 =	sadd.s32 s3, s1;
	s1 =	sadd.s32 $0x1480, s17;
	s2 =	spop (v2sf)  }
0x112: {  	s12 =	sor.u32 s4, s0;
	v49 =	vld [tilespmem:s31+$0x0];
	s31 =	sld [smem:$0x7B2];
	s5 =	sand.u32 $0xFFFFFF80, s2  }
0x113: {  	v14 =	vld [tilespmem:s16+$0x0];
	s13 =	sand.u32 $0x7F, s2;
	s14 =	sadd.s32 $0x10, s2;
	s16 =	sadd.s32 $0x20, s2  }
0x114: {  	v10 =	vld [tilespmem:s19+$0x0];
	s2 =	sadd.s32 $0x30, s2;
	s0 =	sadd.s32 s5, s7;
	s15 =	sand.u32 $0xFFFFFF80, s14  }
0x115: {  	v12 =	vld [tilespmem:s18+$0x0];
	s4 =	sand.u32 $0x7F, s14;
	s19 =	sand.u32 $0xFFFFFF80, s16;
	s3 =	sand.u32 $0x7F, s16  }
0x116: {  	v54 =	vld [tilespmem:s31+$0x0];
	s31 =	sld [smem:$0x7B6];
	s13 =	sor.u32 s13, s0;
	s0 =	sadd.s32 s15, s7  }
0x117: {  	v16 =	vld [tilespmem:s21+$0x0];
	s5 =	sadd.s32 s19, s7;
	s19 =	sadd.s32 $0x1400, s17;
	s15 =	sor.u32 s4, s0  }
0x118: {  	v15 =	vld [tilespmem:s24+$0x0];
	s14 =	sor.u32 s3, s5;
	s4 =	sand.u32 $0xFFFFFF80, s2;
	s5 =	sand.u32 $0x7F, s2  }
0x119: {  	s0 =	sadd.s32 s4, s7;
	s7 =	spop (v2sf);
	v62 =	vld [tilespmem:s31+$0x0];
	s31 =	sld [smem:$0x7B9]  }
0x11a: {  	v13 =	vld [tilespmem:s22+$0x0];
	s16 =	sor.u32 s5, s0;
	s18 =	sand.u32 $0xFFFFFF80, s7;
	s21 =	sand.u32 $0x7F, s7  }
0x11b: {  	v17 =	vld [tilespmem:s23+$0x0];
	s22 =	sadd.s32 $0x10, s7;
	s24 =	sadd.s32 $0x20, s7;
	s2 =	sadd.s32 $0x30, s7  }
0x11c: {  	v29 =	vld [tilespmem:s25+$0x0];
	s0 =	sadd.s32 s18, s19;
	s23 =	sand.u32 $0xFFFFFF80, s22;
	s4 =	sand.u32 $0x7F, s22  }
0x11d: {  	v31 =	vld [tilespmem:s26+$0x0];
	(v2sf) =	vpush v8, $0xA;
	s25 =	sand.u32 $0xFFFFFF80, s24;
	s3 =	sand.u32 $0x7F, s24;
	s26 =	sand.u32 $0xFFFFFF80, s2  }
0x11e: {  	v32 =	vld [tilespmem:s29+$0x0];
	s29 =	sand.u32 $0x7F, s2;
	s18 =	sor.u32 s21, s0;
	s0 =	sadd.s32 s23, s19  }
0x11f: {  	s5 =	sadd.s32 s25, s19;
	s2 =	spop (v2sf);
	v22 =	vld [tilespmem:s31+$0x0];
	s31 =	sld [smem:$0x7BD]  }
0x120: {  	s23 =	sor.u32 s4, s0;
	s22 =	sor.u32 s3, s5;
	s0 =	sadd.s32 s26, s19  }
0x121: {  	v33 =	vld [tilespmem:s30+$0x0];
	s30 =	sand.u32 $0xFFFFFF80, s2;
	s4 =	sand.u32 $0x7F, s2;
	s19 =	rddreg [dreg:$0x17]  }
0x122: {  	s7 =	sadd.s32 $0x10, s2;
	s24 =	sadd.s32 $0x20, s2;
	s26 =	rddreg [dreg:$0x1d]  }
0x123: {  	s25 =	sor.u32 s29, s0;
	s0 =	sadd.s32 s30, s1;
	s21 =	sand.u32 $0xFFFFFF80, s7  }
0x124: {  	v40 =	vld [tilespmem:s28+$0x0];
	s28 =	sand.u32 $0xFFFFFF80, s24;
	s30 =	rddreg [dreg:$0x19];
	s3 =	sand.u32 $0x7F, s24  }
0x125: {  	(v2sf) =	vpush v8, $0xB;
	s24 =	rddreg [dreg:$0x1e];
	s29 =	sor.u32 s4, s0;
	s4 =	sand.u32 $0x7F, s7  }
0x126: {  	s0 =	sadd.s32 s21, s1;
	s5 =	sadd.s32 s28, s1;
	s28 =	sld [smem:$0x7A3]  }
0x127: {  	v34 =	vld [tilespmem:s31+$0x0];
	s31 =	sld [smem:$0x7C1];
	s0 =	sor.u32 s4, s0  }
0x128: {  	s2 =	sadd.s32 $0x30, s2;
	v47 =	vld [tilespmem:s19+$0x0];
	s19 =	sor.u32 s3, s5;
	[smem:$0x7DC] =	sst s0  }
0x129: {  	s21 =	sand.u32 $0xFFFFFF80, s2;
	[smem:$0x7DD] =	sst s19  }
0x12a: {  	v38 =	vld [tilespmem:s26+$0x0];
	s26 =	sand.u32 $0x7F, s2;
	s0 =	sadd.s32 s21, s1;
	s19 =	sld [smem:$0x7A5]  }
0x12b: {  	v1 =	vadd.f32 v5, v1;
	s0 =	sor.u32 s26, s0;
	s26 =	sld [smem:$0x7A6]  }
0x12c: {  	s1 =	sadd.s32 $0x1500, s17;
	s2 =	spop (v2sf);
	[smem:$0x7DE] =	sst s0  }
0x12d: {  	v1 =	vadd.f32 v10, v1;
	v48 =	vld [tilespmem:s30+$0x0];
	s30 =	sand.u32 $0xFFFFFF80, s2;
	s4 =	sand.u32 $0x7F, s2;
	s7 =	sadd.s32 $0x10, s2  }
0x12e: {  	v50 =	vld [tilespmem:s24+$0x0];
	s24 =	sadd.s32 $0x20, s2;
	s2 =	sadd.s32 $0x30, s2;
	s0 =	sadd.s32 s30, s1  }
0x12f: {  	v1 =	vadd.f32 v15, v1;
	(v2sf) =	vpush v8, $0xC;
	v52 =	vld [tilespmem:s28+$0x0];
	s21 =	sand.u32 $0xFFFFFF80, s7;
	s28 =	sand.u32 $0xFFFFFF80, s24;
	s30 =	sld [smem:$0x7A7]  }
0x130: {  	[tilespmem:$0x1FD90] =	vst v54;
	v58 =	vld [tilespmem:s26+$0x0];
	s3 =	sand.u32 $0x7F, s24;
	s24 =	sld [smem:$0x7A9];
	s26 =	sand.u32 $0x7F, s2  }
0x131: {  	v1 =	vadd.f32 v32, v1;
	v32 =	vld [tilespmem:$0x1FD90];
	s0 =	sor.u32 s4, s0;
	s5 =	sadd.s32 s28, s1;
	s28 =	sld [smem:$0x7AA]  }
0x132: {  	v56 =	vld [tilespmem:s19+$0x0];
	s4 =	sand.u32 $0x7F, s7;
	[smem:$0x7DF] =	sst s0;
	s19 =	sor.u32 s3, s5  }
0x133: {  	v26 =	vld [tilespmem:s23+$0x0];
	s0 =	sadd.s32 s21, s1;
	s21 =	sand.u32 $0xFFFFFF80, s2;
	[smem:$0x7E1] =	sst s19  }
0x134: {  	v0 =	vadd.f32 v6, v0;
	v27 =	vld [tilespmem:s22+$0x0];
	s0 =	sor.u32 s4, s0;
	s2 =	spop (v2sf);
	s19 =	sld [smem:$0x7AC]  }
0x135: {  	v3 =	vadd.f32 v7, v3;
	v1 =	vadd.f32 v40, v1;
	v61 =	vld [tilespmem:s30+$0x0];
	[smem:$0x7E0] =	sst s0;
	s0 =	sadd.s32 s21, s1;
	s30 =	sand.u32 $0xFFFFFF80, s2  }
0x136: {  	v0 =	vadd.f32 v11, v0;
	v18 =	vld [tilespmem:s24+$0x0];
	s24 =	sadd.s32 $0x20, s2;
	s0 =	sor.u32 s26, s0;
	s26 =	sld [smem:$0x7AD]  }
0x137: {  	v3 =	vadd.f32 v14, v3;
	v1 =	vadd.f32 v38, v1;
	v39 =	vld [tilespmem:s28+$0x0];
	s28 =	sand.u32 $0xFFFFFF80, s24;
	s3 =	sand.u32 $0x7F, s24;
	s24 =	sld [smem:$0x7B0]  }
0x138: {  	v4 =	vadd.f32 v9, v4;
	v0 =	vadd.f32 v16, v0;
	s1 =	sadd.s32 $0x1580, s17;
	s4 =	sand.u32 $0x7F, s2;
	[smem:$0x7E2] =	sst s0;
	v42 =	vld [tilespmem:s19+$0x0]  }
0x139: {  	v3 =	vadd.f32 v13, v3;
	v1 =	vadd.f32 v52, v1;
	s7 =	sadd.s32 $0x10, s2;
	s0 =	sadd.s32 s30, s1;
	s30 =	sld [smem:$0x7AE];
	v44 =	vld [tilespmem:s26+$0x0]  }
0x13a: {  	v0 =	vadd.f32 v29, v0;
	[tilespmem:$0x1FD60] =	vst v49;
	(v2sf) =	vpush v8, $0xD;
	s5 =	sadd.s32 s28, s1;
	s28 =	sld [smem:$0x7B1];
	s0 =	sor.u32 s4, s0;
	v51 =	vld [tilespmem:s24+$0x0]  }
0x13b: {  	v3 =	vadd.f32 v31, v3;
	s2 =	sadd.s32 $0x30, s2;
	s19 =	sor.u32 s3, s5;
	[smem:$0x7E3] =	sst s0;
	v1 =	vadd.f32 v61, v1;
	v61 =	vld [tilespmem:$0x1FD60]  }
0x13c: {  	v4 =	vadd.f32 v12, v4;
	v0 =	vadd.f32 v33, v0;
	s21 =	sand.u32 $0xFFFFFF80, s7;
	s4 =	sand.u32 $0x7F, s7;
	[smem:$0x7E5] =	sst s19;
	v45 =	vld [tilespmem:s30+$0x0]  }
0x13d: {  	v3 =	vadd.f32 v37, v3;
	[tilespmem:$0x1FD00] =	vst v18;
	s0 =	sadd.s32 s21, s1;
	s21 =	sand.u32 $0xFFFFFF80, s2;
	s19 =	sld [smem:$0x7B3];
	v53 =	vld [tilespmem:s28+$0x0]  }
0x13e: {  	v4 =	vadd.f32 v17, v4;
	v0 =	vadd.f32 v47, v0;
	s26 =	sand.u32 $0x7F, s2;
	s2 =	spop (v2sf);
	[tilespmem:$0x1FD10] =	vst v39;
	s0 =	sor.u32 s4, s0;
	v47 =	vld [tilespmem:$0x1FD00]  }
0x13f: {  	v3 =	vadd.f32 v48, v3;
	s24 =	sadd.s32 $0x20, s2;
	[smem:$0x7E4] =	sst s0;
	s0 =	sadd.s32 s21, s1;
	v48 =	vld [tilespmem:$0x1FD10]  }
0x140: {  	v4 =	vadd.f32 v36, v4;
	s28 =	sand.u32 $0xFFFFFF80, s24;
	s3 =	sand.u32 $0x7F, s24;
	s24 =	sld [smem:$0x7B7];
	v55 =	vld [tilespmem:s19+$0x0]  }
0x141: {  	s1 =	sadd.s32 $0x1600, s17;
	[tilespmem:$0x1FD30] =	vst v42;
	s0 =	sor.u32 s26, s0;
	s26 =	sld [smem:$0x7B4];
	v42 =	vld [tilespmem:s31+$0x0]  }
0x142: {  	v4 =	vadd.f32 v43, v4;
	v0 =	vadd.f32 v50, v0;
	s5 =	sadd.s32 s28, s1;
	s28 =	sld [smem:$0x7B8];
	v50 =	vld [tilespmem:$0x1FD30]  }
0x143: {  	v20 =	vld [tilespmem:s24+$0x0]  }
0x144: {  	v4 =	vadd.f32 v46, v4;
	s30 =	sand.u32 $0xFFFFFF80, s2;
	s4 =	sand.u32 $0x7F, s2;
	[smem:$0x7E6] =	sst s0;
	v59 =	vld [tilespmem:s26+$0x0]  }
0x145: {  	(v2sf) =	vpush v8, $0xE;
	s0 =	sadd.s32 s30, s1;
	s30 =	sld [smem:$0x7B5];
	s19 =	sor.u32 s3, s5;
	[tilespmem:$0x1FD40] =	vst v44;
	v21 =	vld [tilespmem:s28+$0x0]  }
0x146: {  	v4 =	vadd.f32 v56, v4;
	s7 =	sadd.s32 $0x10, s2;
	s2 =	sadd.s32 $0x30, s2;
	[tilespmem:$0x1FD70] =	vst v51;
	[smem:$0x7E9] =	sst s19;
	v56 =	vld [tilespmem:$0x1FD40]  }
0x147: {  	s21 =	sand.u32 $0xFFFFFF80, s7;
	s0 =	sor.u32 s4, s0;
	s19 =	sld [smem:$0x7BA];
	v29 =	vld [tilespmem:$0x1FD70]  }
0x148: {  	v3 =	vadd.f32 v57, v3;
	s4 =	sand.u32 $0x7F, s7;
	[tilespmem:$0x1FD50] =	vst v45;
	[smem:$0x7E7] =	sst s0;
	s0 =	sadd.s32 s21, s1;
	v60 =	vld [tilespmem:s30+$0x0]  }
0x149: {  	v0 =	vadd.f32 v58, v0;
	[tilespmem:$0x1FD80] =	vst v53;
	s21 =	sand.u32 $0xFFFFFF80, s2;
	s26 =	sand.u32 $0x7F, s2;
	s2 =	spop (v2sf);
	v58 =	vld [tilespmem:$0x1FD50]  }
0x14a: {  	[tilespmem:$0x1FDD0] =	vst v62;
	v3 =	vadd.f32 v63, v3;
	s0 =	sor.u32 s4, s0;
	s30 =	sand.u32 $0xFFFFFF80, s2;
	v31 =	vld [tilespmem:$0x1FD80]  }
0x14b: {  	s4 =	sand.u32 $0x7F, s2;
	v0 =	vadd.f32 v48, v0;
	v48 =	vld [tilespmem:$0x1FDD0];
	[smem:$0x7E8] =	sst s0;
	s0 =	sadd.s32 s21, s1  }
0x14c: {  	s7 =	sadd.s32 $0x10, s2;
	[tilespmem:$0x1FDA0] =	vst v55;
	v23 =	vld [tilespmem:s19+$0x0];
	s0 =	sor.u32 s26, s0;
	s26 =	sld [smem:$0x7BB];
	v52 =	vadd.f32 v50, v3  }
0x14d: {  	[tilespmem:$0x1FE00] =	vst v22;
	s24 =	sadd.s32 $0x20, s2;
	s1 =	sadd.s32 $0x1680, s17;
	v43 =	vld [tilespmem:$0x1FDA0];
	[smem:$0x7EA] =	sst s0  }
0x14e: {  	s21 =	sand.u32 $0xFFFFFF80, s7;
	s0 =	sadd.s32 s30, s1;
	s30 =	sld [smem:$0x7BC];
	v36 =	vadd.f32 v29, v52;
	v52 =	vld [tilespmem:$0x1FE00]  }
0x14f: {  	[tilespmem:$0x1FDB0] =	vst v59;
	s0 =	sor.u32 s4, s0;
	s4 =	sand.u32 $0x7F, s7;
	s7 =	sld [smem:$0x7BE];
	v28 =	vld [tilespmem:s26+$0x0]  }
0x150: {  	(v2sf) =	vpush v8, $0xF;
	s2 =	sadd.s32 $0x30, s2;
	s28 =	sand.u32 $0xFFFFFF80, s24;
	[tilespmem:$0x1FDF0] =	vst v21;
	[smem:$0x7EB] =	sst s0;
	v46 =	vld [tilespmem:$0x1FDB0]  }
0x151: {  	s3 =	sand.u32 $0x7F, s24;
	s0 =	sadd.s32 s21, s1;
	s21 =	sld [smem:$0x7BF];
	v50 =	vld [tilespmem:$0x1FDF0]  }
0x152: {  	s5 =	sadd.s32 s28, s1;
	[tilespmem:$0x1FDC0] =	vst v60;
	s26 =	sld [smem:$0x7C0];
	v30 =	vld [tilespmem:s30+$0x0];
	s0 =	sor.u32 s4, s0  }
0x153: {  	v5 =	vadd.f32 v47, v4;
	s19 =	sand.u32 $0x7F, s2;
	s4 =	sor.u32 s3, s5;
	v47 =	vld [tilespmem:$0x1FDC0];
	[smem:$0x7EC] =	sst s0  }
0x154: {  	v0 =	vadd.f32 v58, v0;
	[tilespmem:$0x1FE10] =	vst v23;
	s5 =	sand.u32 $0xFFFFFF80, s2;
	s2 =	spop (v2sf);
	[smem:$0x7ED] =	sst s4;
	v35 =	vld [tilespmem:s7+$0x0]  }
0x155: {  	v57 =	vadd.f32 v56, v5;
	s0 =	sadd.s32 s5, s1;
	s24 =	sand.u32 $0xFFFFFF80, s2;
	s1 =	sadd.s32 $0x1700, s17;
	v56 =	vld [tilespmem:$0x1FE10]  }
0x156: {  	[tilespmem:$0x1FD20] =	vst v41;
	s28 =	sand.u32 $0x7F, s2;
	s30 =	sadd.s32 $0x10, s2;
	v33 =	vadd.f32 v32, v0;
	v39 =	vld [tilespmem:s21+$0x0];
	s21 =	sld [smem:$0x7C2]  }
0x157: {  	[tilespmem:$0x1FE40] =	vst v34;
	s0 =	sor.u32 s19, s0;
	v41 =	vld [tilespmem:s26+$0x0];
	s7 =	sand.u32 $0xFFFFFF80, s30;
	s26 =	sld [smem:$0x7C3]  }
0x158: {  	[tilespmem:$0x1FE80] =	vst v42;
	s19 =	sadd.s32 $0x20, s2;
	[smem:$0x7EE] =	sst s0;
	s0 =	sadd.s32 s24, s1;
	v40 =	vadd.f32 v48, v33;
	v33 =	vld [tilespmem:$0x1FE40]  }
0x159: {  	s4 =	sand.u32 $0x7F, s30;
	v48 =	vld [tilespmem:$0x1FE80];
	s0 =	sor.u32 s28, s0;
	s28 =	sld [smem:$0x7C4]  }
0x15a: {  	s24 =	sand.u32 $0xFFFFFF80, s19;
	s3 =	sand.u32 $0x7F, s19;
	[smem:$0x7EF] =	sst s0;
	v44 =	vld [tilespmem:s21+$0x0]  }
0x15b: {  	(v2sf) =	vpush v2, $0x0;
	[tilespmem:$0x1FE20] =	vst v28;
	s5 =	sadd.s32 s24, s1;
	s0 =	sadd.s32 s7, s1;
	v45 =	vld [tilespmem:s26+$0x0];
	s7 =	sld [smem:$0x7C6]  }
0x15c: {  	v37 =	vadd.f32 v31, v57;
	s2 =	sadd.s32 $0x30, s2;
	[tilespmem:$0x1FE30] =	vst v30;
	s30 =	sor.u32 s3, s5;
	s21 =	sld [smem:$0x7C7];
	v57 =	vld [tilespmem:$0x1FE20]  }
0x15d: {  	s31 =	sand.u32 $0xFFFFFF80, s2;
	[tilespmem:$0x1FE50] =	vst v35;
	[smem:$0x7F1] =	sst s30;
	v35 =	vld [tilespmem:s20+$0x0]  }
0x15e: {  	s5 =	sand.u32 $0x7F, s2;
	s0 =	sor.u32 s4, s0;
	s4 =	sld [smem:$0x7C5];
	v32 =	vld [tilespmem:$0x1FE30]  }
0x15f: {  	s2 =	spop (v2sf);
	v49 =	vld [tilespmem:s28+$0x0];
	[smem:$0x7F0] =	sst s0;
	s0 =	sadd.s32 s31, s1  }
0x160: {  	s19 =	sand.u32 $0xFFFFFF80, s2;
	[tilespmem:$0x1FE60] =	vst v39;
	s28 =	sld [smem:$0x7C8];
	v39 =	vld [tilespmem:s8+$0x0];
	s0 =	sor.u32 s5, s0  }
0x161: {  	s24 =	sand.u32 $0x7F, s2;
	s1 =	sadd.s32 $0x1780, s17;
	v53 =	vld [tilespmem:s7+$0x0];
	[smem:$0x7F2] =	sst s0  }
0x162: {  	s26 =	sadd.s32 $0x10, s2;
	v54 =	vld [tilespmem:s21+$0x0];
	s0 =	sadd.s32 s19, s1;
	s19 =	sld [smem:$0x7C9]  }
0x163: {  	v36 =	vadd.f32 v46, v36;
	[tilespmem:$0x1FE70] =	vst v41;
	s31 =	sadd.s32 $0x20, s2;
	v46 =	vld [tilespmem:$0x1FE60];
	s0 =	sor.u32 s24, s0;
	s24 =	sld [smem:$0x7CA]  }
0x164: {  	v37 =	vadd.f32 v47, v37;
	s30 =	sand.u32 $0xFFFFFF80, s26;
	s21 =	sand.u32 $0xFFFFFF80, s31;
	v47 =	vld [tilespmem:$0x1FE70];
	[smem:$0x7F3] =	sst s0  }
0x165: {  	(v2sf) =	vpush v2, $0x1;
	v51 =	vld [tilespmem:s4+$0x0];
	s4 =	sand.u32 $0x7F, s26;
	s0 =	sadd.s32 s30, s1;
	s30 =	sld [smem:$0x7CB]  }
0x166: {  	s7 =	sadd.s32 $0x1000, s6;
	v59 =	vld [tilespmem:s19+$0x0];
	s0 =	sor.u32 s4, s0;
	s19 =	sld [smem:$0x7CC]  }
0x167: {  	s26 =	sand.u32 $0x7F, s31;
	s31 =	sadd.s32 $0x30, s2;
	v55 =	vld [tilespmem:s28+$0x0];
	[smem:$0x7F4] =	sst s0  }
0x168: {  	s2 =	sand.u32 $0x3FFFFF00, s7;
	s28 =	sadd.s32 s21, s1;
	v60 =	vld [tilespmem:s24+$0x0];
	s24 =	sld [smem:$0x7CD]  }
0x169: {  	v36 =	vadd.f32 v50, v36;
	[tilespmem:$0x1FEA0] =	vst v45;
	s21 =	sand.u32 $0xFFFFFF80, s31;
	v45 =	vld [tilespmem:s9+$0x0];
	s0 =	sor.u32 s26, s28;
	s28 =	sld [smem:$0x7CE]  }
0x16a: {  	s2 =	sadd.s32 $0x800, s2;
	[tilespmem:$0x1FFC0] =	vst v35;
	v35 =	vld [tilespmem:s11+$0x0];
	s4 =	spop (v2sf);
	[smem:$0x7F5] =	sst s0  }
0x16b: {  	v36 =	vadd.f32 v32, v36;
	v32 =	vld [tilespmem:$0x1FEA0];
	s26 =	sand.u32 $0xFFFFFF80, s4;
	s0 =	sand.u32 $0x7F, s31;
	s31 =	sld [smem:$0x7CF]  }
0x16c: {  	v62 =	vld [tilespmem:s30+$0x0];
	s3 =	sadd.s32 s26, s2;
	s26 =	sld [smem:$0x7D1]  }
0x16d: {  	s1 =	sadd.s32 s21, s1;
	s30 =	sand.u32 $0x7F, s4;
	v18 =	vld [tilespmem:s19+$0x0];
	s19 =	sld [smem:$0x7D0]  }
0x16e: {  	(v2sf) =	vpush v2, $0x2;
	s7 =	sadd.s32 $0x10, s4;
	s6 =	sor.u32 s30, s3;
	s30 =	sld [smem:$0x7D2];
	v19 =	vld [tilespmem:s24+$0x0]  }
0x16f: {  	[tilespmem:$0x1FDE0] =	vst v20;
	s21 =	sand.u32 $0xFFFFFF80, s7;
	v20 =	vld [tilespmem:s28+$0x0];
	[smem:$0x7F6] =	sst s6;
	s24 =	sadd.s32 $0x20, s4  }
0x170: {  	s4 =	sadd.s32 $0x30, s4;
	[tilespmem:$0x1FF00] =	vst v59;
	v59 =	vld [tilespmem:s26+$0x0];
	s28 =	sand.u32 $0xFFFFFF80, s24;
	s24 =	sand.u32 $0x7F, s24  }
0x171: {  	(v2sf) =	vpush v2, $0x3;
	s26 =	sand.u32 $0x7F, s4;
	v21 =	vld [tilespmem:s19+$0x0];
	s19 =	sand.u32 $0xFFFFFF80, s4;
	s4 =	sld [smem:$0x7D5]  }
0x172: {  	[tilespmem:$0x1FF20] =	vst v62;
	v62 =	vld [tilespmem:s31+$0x0];
	s31 =	sor.u32 s0, s1;
	s1 =	sadd.s32 s21, s2;
	s21 =	sld [smem:$0x7D3]  }
0x173: {  	[tilespmem:$0x1FFD0] =	vst v39;
	v39 =	vld [tilespmem:s29+$0x0];
	s0 =	sand.u32 $0x7F, s7;
	s7 =	sadd.s32 s28, s2;
	s28 =	sld [smem:$0x7D4]  }
0x174: {  	[tilespmem:$0x1FF10] =	vst v60;
	v60 =	vld [tilespmem:s30+$0x0];
	s30 =	sor.u32 s0, s1;
	s1 =	sadd.s32 s19, s2;
	s0 =	spop (v2sf)  }
0x175: {  	[tilespmem:$0x1FEB0] =	vst v49;
	v49 =	vld [tilespmem:$0x1FD20];
	s2 =	sadd.s32 $0x1880, s17;
	s3 =	sor.u32 s26, s1;
	s26 =	sld [smem:$0x7D8]  }
0x176: {  	[tilespmem:$0x1FED0] =	vst v53;
	v53 =	vld [tilespmem:s13+$0x0];
	s5 =	sand.u32 $0xFFFFFF80, s0;
	s6 =	sadd.s32 $0x10, s0;
	[smem:$0x7F7] =	sst s3  }
0x177: {  	v37 =	vadd.f32 v52, v37;
	[tilespmem:$0x1FEE0] =	vst v54;
	v54 =	vld [tilespmem:s28+$0x0];
	s28 =	sor.u32 s24, s7;
	s7 =	sld [smem:$0x7D6];
	s1 =	sadd.s32 s5, s2  }
0x178: {  	v22 =	vld [tilespmem:s21+$0x0];
	s19 =	sand.u32 $0xFFFFFF80, s6;
	s3 =	sand.u32 $0x7F, s6;
	s21 =	sld [smem:$0x7D7]  }
0x179: {  	v37 =	vadd.f32 v33, v37;
	v33 =	vld [tilespmem:$0x1FEB0];
	s24 =	sand.u32 $0x7F, s0;
	s6 =	sadd.s32 $0x20, s0;
	s0 =	sadd.s32 $0x30, s0  }
0x17a: {  	v23 =	vld [tilespmem:s4+$0x0];
	s5 =	sld [smem:$0x7DA];
	s4 =	sadd.s32 s19, s2;
	s19 =	sand.u32 $0xFFFFFF80, s6  }
0x17b: {  	[tilespmem:$0x1FE90] =	vst v44;
	s24 =	sor.u32 s24, s1;
	v44 =	vld [tilespmem:s26+$0x0];
	s26 =	sand.u32 $0x7F, s6;
	s1 =	sadd.s32 s19, s2  }
0x17c: {  	s6 =	sand.u32 $0xFFFFFF80, s0;
	s0 =	sand.u32 $0x7F, s0;
	v28 =	vld [tilespmem:s7+$0x0];
	s7 =	sor.u32 s3, s4  }
0x17d: {  	v30 =	vld [tilespmem:s21+$0x0];
	s21 =	sld [smem:$0x7D9];
	s26 =	sor.u32 s26, s1;
	s3 =	spop (v2sf)  }
0x17e: {  	[tilespmem:$0x1FEC0] =	vst v51;
	v51 =	vld [tilespmem:s15+$0x0];
	s1 =	sadd.s32 s6, s2;
	s4 =	sadd.s32 $0x1900, s17;
	[smem:$0x7F8] =	sst s7  }
0x17f: {  	v36 =	vadd.f32 v47, v36;
	v47 =	vld [tilespmem:$0x1FED0];
	(v2sf) =	vpush v2, $0x4;
	s7 =	sld [smem:$0x7DB];
	s19 =	sand.u32 $0xFFFFFF80, s3;
	s20 =	sand.u32 $0x7F, s3  }
0x180: {  	[tilespmem:$0x1FEF0] =	vst v55;
	v55 =	vld [tilespmem:s10+$0x0];
	s2 =	sadd.s32 s19, s4;
	s19 =	sadd.s32 $0x20, s3;
	s8 =	spop (v2sf)  }
0x181: {  	v34 =	vld [tilespmem:s21+$0x0];
	s21 =	sor.u32 s0, s1;
	s6 =	sor.u32 s20, s2;
	s20 =	sand.u32 $0xFFFFFF80, s19  }
0x182: {  	v1 =	vadd.f32 v49, v1;
	v49 =	vld [tilespmem:$0x1FDE0];
	s2 =	sand.u32 $0x7F, s19;
	s9 =	sand.u32 $0xFFFFFF80, s8;
	s11 =	sadd.s32 $0x10, s8  }
0x183: {  	s13 =	sand.u32 $0x7F, s8;
	v42 =	vld [tilespmem:s7+$0x0];
	[smem:$0x7F9] =	sst s6;
	s7 =	sadd.s32 $0x10, s3  }
0x184: {  	v41 =	vld [tilespmem:s5+$0x0];
	s3 =	sadd.s32 $0x30, s3;
	s5 =	sadd.s32 s20, s4;
	s10 =	sand.u32 $0xFFFFFF80, s7  }
0x185: {  	[tilespmem:$0x1FFE0] =	vst v45;
	v45 =	vld [tilespmem:s18+$0x0];
	v63 =	vadd.f32 v61, v1;
	s0 =	sand.u32 $0x7F, s7;
	s6 =	sand.u32 $0xFFFFFF80, s3;
	s3 =	sand.u32 $0x7F, s3  }
0x186: {  	[tilespmem:$0x1FFA0] =	vst v30;
	s19 =	sor.u32 s2, s5;
	v30 =	vld [tilespmem:s14+$0x0];
	s14 =	sadd.s32 $0x20, s8;
	s5 =	sld [smem:$0x7E6]  }
0x187: {  	v36 =	vadd.f32 v33, v36;
	v33 =	vld [tilespmem:$0x1FEF0];
	v38 =	vadd.f32 v43, v63;
	s1 =	sadd.s32 s10, s4;
	s10 =	sadd.s32 $0x1980, s17;
	s18 =	sand.u32 $0xFFFFFF80, s14  }
0x188: {  	v43 =	vld [tilespmem:$0x1FE50];
	s20 =	sand.u32 $0x7F, s14;
	s0 =	sor.u32 s0, s1;
	s1 =	sadd.s32 s6, s4  }
0x189: {  	v38 =	vadd.f32 v49, v38;
	v49 =	vld [tilespmem:$0x1FE90];
	[smem:$0x7FA] =	sst s0;
	s7 =	sor.u32 s3, s1;
	s1 =	sadd.s32 s9, s10  }
0x18a: {  	(v2sf) =	vpush v2, $0x5;
	[tilespmem:$0x1FFB0] =	vst v34;
	v34 =	vld [tilespmem:s12+$0x0];
	s12 =	sand.u32 $0xFFFFFF80, s11;
	s0 =	sadd.s32 $0x30, s8;
	s8 =	sld [smem:$0x7DC]  }
0x18b: {  	v40 =	vadd.f32 v56, v40;
	s3 =	sand.u32 $0x7F, s11;
	s11 =	sld [smem:$0x7DD];
	v13 =	vld [tilespmem:s5+$0x0];
	s5 =	sadd.s32 $0x1B00, s17  }
0x18c: {  	v56 =	vld [tilespmem:s31+$0x0];
	[smem:$0x7FB] =	sst s7;
	s4 =	sadd.s32 s12, s10;
	s15 =	sor.u32 s13, s1  }
0x18d: {  	v50 =	vld [tilespmem:s28+$0x0];
	v40 =	vadd.f32 v43, v40;
	s1 =	sadd.s32 s18, s10;
	s22 =	sand.u32 $0xFFFFFF80, s0;
	s0 =	sand.u32 $0x7F, s0  }
0x18e: {  	v38 =	vadd.f32 v57, v38;
	[tilespmem:$0x1FF90] =	vst v28;
	v28 =	vld [tilespmem:s16+$0x0];
	s16 =	sor.u32 s3, s4;
	s18 =	sor.u32 s20, s1;
	s23 =	spop (v2sf)  }
0x18f: {  	v40 =	vadd.f32 v49, v40;
	v49 =	vld [tilespmem:$0x1FEE0];
	s1 =	sadd.s32 s22, s10;
	s4 =	sadd.s32 $0x1A00, s17;
	s22 =	sld [smem:$0x7DF]  }
0x190: {  	v36 =	vadd.f32 v33, v36;
	v33 =	vld [tilespmem:$0x1FF20];
	v38 =	vadd.f32 v46, v38;
	[smem:$0x7FC] =	sst s16;
	s6 =	sand.u32 $0xFFFFFF80, s23;
	s7 =	sand.u32 $0x7F, s23  }
0x191: {  	v57 =	vld [tilespmem:s30+$0x0];
	(v2sf) =	vpush v2, $0x6;
	s14 =	sor.u32 s0, s1;
	s10 =	sadd.s32 $0x10, s23;
	s16 =	sld [smem:$0x7DE]  }
0x192: {  	v38 =	vadd.f32 v32, v38;
	v24 =	vld [tilespmem:s8+$0x0];
	s13 =	sadd.s32 $0x20, s23;
	s3 =	sadd.s32 $0x30, s23;
	s8 =	sld [smem:$0x7E2]  }
0x193: {  	[tilespmem:$0x1FF80] =	vst v23;
	v23 =	vld [tilespmem:s25+$0x0];
	s2 =	sadd.s32 s6, s4;
	s12 =	sand.u32 $0xFFFFFF80, s10;
	s6 =	sld [smem:$0x7E0]  }
0x194: {  	v38 =	vadd.f32 v49, v38;
	v49 =	vld [tilespmem:$0x1FF10];
	s0 =	sand.u32 $0x7F, s10;
	s9 =	sor.u32 s7, s2;
	s7 =	sld [smem:$0x7E1]  }
0x195: {  	v43 =	vld [tilespmem:$0x1FEC0];
	s20 =	sand.u32 $0xFFFFFF80, s13;
	s2 =	sand.u32 $0x7F, s13;
	s13 =	sld [smem:$0x7E3]  }
0x196: {  	[tilespmem:$0x1FF30] =	vst v18;
	v32 =	vadd.f32 v47, v40;
	v40 =	vld [tilespmem:$0x1FF00];
	s25 =	sand.u32 $0xFFFFFF80, s3;
	s23 =	sadd.s32 s20, s4;
	s20 =	sld [smem:$0x7E4]  }
0x197: {  	[tilespmem:$0x1FF70] =	vst v22;
	v22 =	vld [tilespmem:s11+$0x0];
	s3 =	sand.u32 $0x7F, s3;
	s1 =	sadd.s32 s12, s4;
	[smem:$0x7FD] =	sst s9  }
0x198: {  	[tilespmem:$0x1FF50] =	vst v20;
	v20 =	vld [tilespmem:s22+$0x0];
	s29 =	sor.u32 s0, s1;
	s1 =	sadd.s32 s25, s4;
	s11 =	sor.u32 s2, s23  }
0x199: {  	v32 =	vadd.f32 v49, v32;
	v49 =	vld [tilespmem:$0x1FF30];
	s2 =	sadd.s32 $0x1A80, s17;
	s25 =	sld [smem:$0x7E5];
	s0 =	spop (v2sf)  }
0x19a: {  	[tilespmem:$0x1FF60] =	vst v21;
	v21 =	vld [tilespmem:s16+$0x0];
	s12 =	sor.u32 s3, s1;
	s9 =	sand.u32 $0xFFFFFF80, s0;
	s10 =	sadd.s32 $0x10, s0  }
0x19b: {  	(v2sf) =	vpush v2, $0x7;
	v17 =	vld [tilespmem:s8+$0x0];
	s22 =	sand.u32 $0x7F, s0;
	s23 =	sadd.s32 $0x20, s0;
	s0 =	sadd.s32 $0x30, s0  }
0x19c: {  	v18 =	vld [tilespmem:s7+$0x0];
	s7 =	sld [smem:$0x7E7];
	s1 =	sadd.s32 s9, s2;
	s16 =	sand.u32 $0xFFFFFF80, s10  }
0x19d: {  	[tilespmem:$0x1FF40] =	vst v19;
	v19 =	vld [tilespmem:s6+$0x0];
	s3 =	sand.u32 $0x7F, s10;
	s6 =	sand.u32 $0x7F, s23;
	s10 =	sld [smem:$0x7E8]  }
0x19e: {  	v16 =	vld [tilespmem:s13+$0x0];
	s8 =	sand.u32 $0xFFFFFF80, s0;
	s4 =	sadd.s32 s16, s2;
	s16 =	sld [smem:$0x7E9]  }
0x19f: {  	v15 =	vld [tilespmem:s20+$0x0];
	s0 =	sand.u32 $0x7F, s0;
	s9 =	sor.u32 s22, s1;
	s22 =	sld [smem:$0x7EA]  }
0x1a0: {  	v14 =	vld [tilespmem:s25+$0x0];
	s25 =	sor.u32 s3, s4;
	s4 =	sand.u32 $0xFFFFFF80, s23;
	s3 =	spop (v2sf)  }
0x1a1: {  	v36 =	vadd.f32 v49, v36;
	v49 =	vld [tilespmem:$0x1FF40];
	s1 =	sadd.s32 s4, s2;
	s13 =	sand.u32 $0xFFFFFF80, s3;
	s20 =	sand.u32 $0x7F, s3  }
0x1a2: {  	v12 =	vld [tilespmem:s7+$0x0];
	s4 =	sld [smem:$0x7EF];
	s23 =	sor.u32 s6, s1;
	s1 =	sadd.s32 s8, s2  }
0x1a3: {  	v37 =	vadd.f32 v48, v37;
	v11 =	vld [tilespmem:s16+$0x0];
	s2 =	sadd.s32 s13, s5;
	s6 =	sadd.s32 $0x10, s3;
	s8 =	sld [smem:$0x7EB]  }
0x1a4: {  	v9 =	vld [tilespmem:s22+$0x0];
	s16 =	sld [smem:$0x7EC];
	s7 =	sor.u32 s0, s1;
	s22 =	sor.u32 s20, s2  }
0x1a5: {  	v37 =	vadd.f32 v43, v37;
	(v2sf) =	vpush v2, $0x8;
	v10 =	vld [tilespmem:s10+$0x0];
	s10 =	sand.u32 $0xFFFFFF80, s6;
	s13 =	sand.u32 $0x7F, s6;
	s2 =	sadd.s32 $0x20, s3  }
0x1a6: {  	s3 =	sadd.s32 $0x30, s3;
	s1 =	sadd.s32 s10, s5;
	s20 =	sand.u32 $0xFFFFFF80, s2;
	v5 =	vld [tilespmem:s4+$0x0]  }
0x1a7: {  	v37 =	vadd.f32 v40, v37;
	s10 =	sand.u32 $0xFFFFFF80, s3;
	s2 =	sand.u32 $0x7F, s2;
	v8 =	vld [tilespmem:s8+$0x0];
	s8 =	sld [smem:$0x7ED]  }
0x1a8: {  	v7 =	vld [tilespmem:s16+$0x0];
	s16 =	sor.u32 s13, s1;
	s0 =	sadd.s32 s20, s5;
	s13 =	sld [smem:$0x7EE]  }
0x1a9: {  	v31 =	vadd.f32 v49, v37;
	v49 =	vld [tilespmem:$0x1FF50];
	s1 =	sadd.s32 s10, s5;
	s20 =	sand.u32 $0x7F, s3;
	s10 =	sld [smem:$0x7F1]  }
0x1aa: {  	s5 =	sld [smem:$0x7F0];
	s20 =	sor.u32 s20, s1;
	s1 =	spop (v2sf);
	v6 =	vld [tilespmem:s8+$0x0]  }
0x1ab: {  	s28 =	sld [smem:$0x7F7];
	s6 =	sand.u32 $0xFFFFFF80, s1;
	v4 =	vld [tilespmem:s13+$0x0];
	s13 =	sor.u32 s2, s0  }
0x1ac: {  	s2 =	sadd.s32 $0x1B80, s17;
	s8 =	sadd.s32 $0x10, s1;
	v1 =	vld [tilespmem:s10+$0x0];
	s10 =	sld [smem:$0x7F3]  }
0x1ad: {  	(v2sf) =	vpush v2, $0x9;
	v3 =	vld [tilespmem:s5+$0x0];
	s5 =	sand.u32 $0xFFFFFF80, s8;
	s4 =	sand.u32 $0x7F, s8;
	s8 =	sld [smem:$0x7F2]  }
0x1ae: {  	s6 =	sadd.s32 s6, s2;
	v32 =	vadd.f32 v49, v32;
	v49 =	vld [tilespmem:$0x1FF60];
	s3 =	sadd.s32 s5, s2;
	s5 =	sand.u32 $0x7F, s1  }
0x1af: {  	v48 =	vld [tilespmem:s28+$0x0];
	s0 =	sadd.s32 $0x20, s1;
	s5 =	sor.u32 s5, s6;
	s6 =	sld [smem:$0x7F4]  }
0x1b0: {  	s28 =	sld [smem:$0x7F8];
	v0 =	vld [tilespmem:s8+$0x0];
	s8 =	sand.u32 $0xFFFFFF80, s0  }
0x1b1: {  	v61 =	vld [tilespmem:s10+$0x0];
	s10 =	sor.u32 s4, s3;
	s3 =	sadd.s32 s8, s2;
	s8 =	sld [smem:$0x7F5]  }
0x1b2: {  	s4 =	sld [smem:$0x7F6];
	v63 =	vld [tilespmem:s6+$0x0];
	s6 =	sadd.s32 $0x30, s1  }
0x1b3: {  	s0 =	sand.u32 $0x7F, s0;
	v29 =	vadd.f32 v49, v36;
	v49 =	vld [tilespmem:$0x1FF70];
	s1 =	sand.u32 $0xFFFFFF80, s6;
	s6 =	sand.u32 $0x7F, s6  }
0x1b4: {  	v33 =	vadd.f32 v33, v38;
	v58 =	vld [tilespmem:s8+$0x0];
	s8 =	sor.u32 s0, s3;
	s3 =	spop (v2sf);
	s31 =	sadd.s32 s1, s2  }
0x1b5: {  	v52 =	vld [tilespmem:s4+$0x0];
	s0 =	sadd.s32 $0x1C00, s17;
	s2 =	sand.u32 $0xFFFFFF80, s3;
	s4 =	sand.u32 $0x7F, s3  }
0x1b6: {  	v46 =	vld [tilespmem:s24+$0x0];
	v33 =	vadd.f32 v62, v33;
	s31 =	sor.u32 s6, s31;
	s6 =	sadd.s32 $0x10, s3;
	s2 =	sadd.s32 s2, s0  }
0x1b7: {  	v47 =	vld [tilespmem:s28+$0x0];
	(v2sf) =	vpush v2, $0xA;
	s1 =	sand.u32 $0x7F, s6;
	s30 =	sor.u32 s4, s2  }
0x1b8: {  	v29 =	vadd.f32 v54, v29;
	s2 =	sand.u32 $0xFFFFFF80, s6;
	s6 =	sadd.s32 $0x20, s3;
	s3 =	sadd.s32 $0x30, s3;
	v33 =	vadd.f32 v49, v33;
	v49 =	vld [tilespmem:$0x1FF80]  }
0x1b9: {  	v43 =	vld [tilespmem:s26+$0x0];
	s2 =	sadd.s32 s2, s0;
	s4 =	sand.u32 $0xFFFFFF80, s6;
	s28 =	sand.u32 $0x7F, s6  }
0x1ba: {  	v29 =	vadd.f32 v44, v29;
	v44 =	vld [tilespmem:$0x1FFB0];
	s6 =	sld [smem:$0x7F9];
	s24 =	sor.u32 s1, s2;
	s2 =	sand.u32 $0xFFFFFF80, s3  }
0x1bb: {  	v40 =	vld [tilespmem:s21+$0x0];
	v31 =	vadd.f32 v59, v31;
	s1 =	sadd.s32 s4, s0;
	s3 =	sand.u32 $0x7F, s3;
	s0 =	sadd.s32 s2, s0  }
0x1bc: {  	v62 =	vld [tilespmem:s19+$0x0];
	s26 =	sor.u32 s3, s0;
	s0 =	spop (v2sf)  }
0x1bd: {  	s21 =	sadd.s32 $0x10, s0;
	v31 =	vadd.f32 v49, v31;
	v49 =	vld [tilespmem:$0x1FF90]  }
0x1be: {  	(v2sf) =	vpush v2, $0xB;
	s2 =	sadd.s32 $0x1C80, s17;
	v38 =	vld [tilespmem:s6+$0x0];
	s3 =	sand.u32 $0xFFFFFF80, s0;
	s6 =	sand.u32 $0xFFFFFF80, s21  }
0x1bf: {  	v32 =	vadd.f32 v60, v32;
	v60 =	vld [tilespmem:s15+$0x0];
	s4 =	sadd.s32 s3, s2;
	s3 =	sand.u32 $0x7F, s21;
	s6 =	sadd.s32 s6, s2;
	v31 =	vadd.f32 v44, v31  }
0x1c0: {  	v54 =	vld [tilespmem:s18+$0x0];
	s19 =	sor.u32 s3, s6;
	s6 =	sld [smem:$0x7FB]  }
0x1c1: {  	s21 =	sld [smem:$0x7FA];
	v31 =	vadd.f32 v55, v31;
	v55 =	vld [tilespmem:$0x1FFD0]  }
0x1c2: {  	s28 =	sor.u32 s28, s1;
	s1 =	sadd.s32 $0x20, s0;
	v32 =	vadd.f32 v49, v32;
	v49 =	vld [tilespmem:$0x1FFA0]  }
0x1c3: {  	s3 =	sand.u32 $0xFFFFFF80, s1;
	v36 =	vld [tilespmem:s6+$0x0];
	s6 =	sld [smem:$0x7FC]  }
0x1c4: {  	s1 =	sand.u32 $0x7F, s1;
	v37 =	vld [tilespmem:s21+$0x0];
	s21 =	sand.u32 $0x7F, s0;
	s3 =	sadd.s32 s3, s2  }
0x1c5: {  	s0 =	sadd.s32 $0x30, s0;
	s21 =	sor.u32 s21, s4;
	s15 =	sor.u32 s1, s3;
	v31 =	vadd.f32 v34, v31;
	v32 =	vadd.f32 v41, v32;
	v41 =	vld [tilespmem:$0x1FFC0]  }
0x1c6: {  	(v2sf) =	vpush v2, $0xC;
	s1 =	sand.u32 $0xFFFFFF80, s0;
	s3 =	spop (v2sf);
	s4 =	sadd.s32 $0x1D00, s17;
	v59 =	vld [tilespmem:s6+$0x0]  }
0x1c7: {  	s0 =	sand.u32 $0x7F, s0;
	s1 =	sadd.s32 s1, s2;
	v31 =	vadd.f32 v28, v31;
	s6 =	sand.u32 $0xFFFFFF80, s3;
	v32 =	vadd.f32 v55, v32;
	v55 =	vld [tilespmem:$0x1FFE0]  }
0x1c8: {  	s18 =	sor.u32 s0, s1;
	v33 =	vadd.f32 v49, v33;
	s2 =	sadd.s32 s6, s4;
	s6 =	sand.u32 $0x7F, s3;
	v49 =	vld [tilespmem:s14+$0x0]  }
0x1c9: {  	s0 =	sadd.s32 $0x10, s3;
	v31 =	vadd.f32 v23, v31;
	v23 =	vld [tilespmem:s16+$0x0];
	s14 =	sor.u32 s6, s2;
	s2 =	sld [smem:$0x7FD]  }
0x1ca: {  	s6 =	sand.u32 $0xFFFFFF80, s0;
	v32 =	vadd.f32 v53, v32;
	v53 =	vld [tilespmem:s18+$0x0]  }
0x1cb: {  	s16 =	sadd.s32 $0x1E00, s17;
	s0 =	sand.u32 $0x7F, s0;
	v29 =	vadd.f32 v41, v29;
	s1 =	sadd.s32 s6, s4;
	v41 =	vld [tilespmem:s11+$0x0]  }
0x1cc: {  	(v2sf) =	vpush v2, $0xD;
	s18 =	sadd.s32 $0x1F00, s17;
	s11 =	sor.u32 s0, s1;
	v44 =	vld [tilespmem:s2+$0x0];
	s2 =	sadd.s32 $0x20, s3  }
0x1cd: {  	v33 =	vadd.f32 v42, v33;
	v42 =	vld [tilespmem:s29+$0x0];
	s0 =	spop (v2sf);
	s3 =	sadd.s32 $0x30, s3;
	v29 =	vadd.f32 v55, v29;
	s29 =	sand.u32 $0xFFFFFF80, s2  }
0x1ce: {  	s2 =	sand.u32 $0x7F, s2;
	s6 =	sadd.s32 s29, s4;
	s29 =	sand.u32 $0xFFFFFF80, s3  }
0x1cf: {  	v21 =	vadd.f32 v21, v31;
	s3 =	sand.u32 $0x7F, s3;
	v29 =	vadd.f32 v30, v29;
	v30 =	vld [tilespmem:s25+$0x0];
	s25 =	sand.u32 $0x7F, s0;
	s1 =	sadd.s32 s29, s4  }
0x1d0: {  	v33 =	vadd.f32 v35, v33;
	v35 =	vld [tilespmem:s12+$0x0];
	s12 =	sor.u32 s2, s6;
	s4 =	sand.u32 $0xFFFFFF80, s0;
	s2 =	sadd.s32 $0x1D80, s17  }
0x1d1: {  	v34 =	vld [tilespmem:s9+$0x0];
	v32 =	vadd.f32 v45, v32;
	v17 =	vadd.f32 v17, v21;
	s6 =	sadd.s32 $0x10, s0;
	s29 =	sadd.s32 $0x20, s0;
	s0 =	sadd.s32 $0x30, s0  }
0x1d2: {  	v28 =	vld [tilespmem:s23+$0x0];
	(v2sf) =	vpush v2, $0xE;
	v33 =	vadd.f32 v51, v33;
	s9 =	sor.u32 s3, s1;
	s1 =	sadd.s32 s4, s2;
	s23 =	sand.u32 $0xFFFFFF80, s6  }
0x1d3: {  	v17 =	vadd.f32 v13, v17;
	s3 =	sand.u32 $0x7F, s6;
	v29 =	vadd.f32 v27, v29;
	v27 =	vld [tilespmem:s22+$0x0];
	s22 =	sand.u32 $0x7F, s29;
	s4 =	sadd.s32 s23, s2  }
0x1d4: {  	v33 =	vadd.f32 v26, v33;
	v26 =	vld [tilespmem:s7+$0x0];
	s7 =	sor.u32 s25, s1;
	s6 =	sor.u32 s3, s4;
	s4 =	sand.u32 $0xFFFFFF80, s29  }
0x1d5: {  	v45 =	vld [tilespmem:s10+$0x0];
	v32 =	vadd.f32 v39, v32;
	v9 =	vadd.f32 v9, v17;
	s23 =	sand.u32 $0xFFFFFF80, s0;
	s1 =	sadd.s32 s4, s2;
	s4 =	spop (v2sf)  }
0x1d6: {  	v55 =	vld [tilespmem:$0x1FFF0];
	s0 =	sand.u32 $0x7F, s0;
	v24 =	vadd.f32 v24, v33;
	v22 =	vadd.f32 v22, v29;
	s3 =	sor.u32 s22, s1;
	s25 =	sand.u32 $0xFFFFFF80, s4  }
0x1d7: {  	v33 =	vadd.f32 v20, v32;
	v20 =	vld [tilespmem:s13+$0x0];
	v9 =	vadd.f32 v4, v9;
	s1 =	sadd.s32 s23, s2;
	s29 =	sand.u32 $0x7F, s4;
	s10 =	sadd.s32 $0x10, s4  }
0x1d8: {  	v24 =	vadd.f32 v19, v24;
	v22 =	vadd.f32 v18, v22;
	v18 =	vld [tilespmem:s20+$0x0];
	s20 =	sadd.s32 $0x20, s4;
	s23 =	sadd.s32 $0x30, s4;
	s13 =	sadd.s32 s25, s16  }
0x1d9: {  	v13 =	vld [tilespmem:s30+$0x0];
	v16 =	vadd.f32 v16, v33;
	v0 =	vadd.f32 v0, v9;
	s2 =	sor.u32 s0, s1;
	s1 =	sand.u32 $0x7F, s10;
	s22 =	sand.u32 $0xFFFFFF80, s20  }
0x1da: {  	v19 =	vld [tilespmem:s5+$0x0];
	s25 =	sand.u32 $0xFFFFFF80, s23;
	v15 =	vadd.f32 v15, v24;
	v39 =	vadd.f32 v14, v22;
	s0 =	sor.u32 s29, s13;
	s13 =	sand.u32 $0xFFFFFF80, s10  }
0x1db: {  	v16 =	vadd.f32 v12, v16;
	v12 =	vld [tilespmem:s8+$0x0];
	s8 =	sand.u32 $0x7F, s20;
	s5 =	sadd.s32 s13, s16;
	s13 =	spop (v2sf);
	(v2sf) =	vpush v2, $0xF  }
0x1dc: {  	v51 =	vld [tilespmem:s15+$0x0];
	s10 =	sadd.s32 s22, s16;
	s29 =	sand.u32 $0x7F, s23;
	s20 =	sadd.s32 $0x1E80, s17;
	v15 =	vadd.f32 v10, v15;
	v11 =	vadd.f32 v11, v39  }
0x1dd: {  	v4 =	vld [tilespmem:s26+$0x0];
	v0 =	vadd.f32 v56, v0;
	v8 =	vadd.f32 v8, v16;
	s4 =	sor.u32 s1, s5;
	s1 =	sor.u32 s8, s10;
	s30 =	sand.u32 $0xFFFFFF80, s13  }
0x1de: {  	v10 =	vld [tilespmem:s31+$0x0];
	s5 =	sadd.s32 s25, s16;
	s31 =	sand.u32 $0x7F, s13;
	s22 =	sadd.s32 $0x10, s13;
	v7 =	vadd.f32 v7, v15;
	v11 =	vadd.f32 v6, v11  }
0x1df: {  	v2 =	vld [tilespmem:s24+$0x0];
	s24 =	sadd.s32 $0x20, s13;
	v0 =	vadd.f32 v48, v0;
	s10 =	sadd.s32 s30, s20;
	s8 =	sor.u32 s29, s5;
	v5 =	vadd.f32 v5, v8  }
0x1e0: {  	v56 =	vld [tilespmem:s14+$0x0];
	s23 =	sand.u32 $0xFFFFFF80, s22;
	s26 =	sand.u32 $0xFFFFFF80, s24;
	s5 =	sor.u32 s31, s10;
	v3 =	vadd.f32 v3, v7;
	v1 =	vadd.f32 v1, v11  }
0x1e1: {  	v6 =	vld [tilespmem:s28+$0x0];
	s10 =	sand.u32 $0x7F, s22;
	s25 =	sadd.s32 s23, s20;
	s29 =	spop (v2sf);
	(v2sf) =	vpush v55, $0x0;
	v5 =	vadd.f32 v61, v5  }
0x1e2: {  	v8 =	vld [tilespmem:s19+$0x0];
	s19 =	sand.u32 $0x7F, s24;
	s16 =	sadd.s32 s26, s20;
	s28 =	sadd.s32 $0x30, s13;
	v3 =	vadd.f32 v63, v3;
	v1 =	vadd.f32 v58, v1  }
0x1e3: {  	v24 =	vld [tilespmem:s6+$0x0];
	v0 =	vadd.f32 v40, v0;
	s13 =	sor.u32 s10, s25;
	s10 =	sor.u32 s19, s16;
	s30 =	sand.u32 $0xFFFFFF80, s28;
	v5 =	vadd.f32 v52, v5  }
0x1e4: {  	v39 =	vld [tilespmem:s2+$0x0];
	s31 =	sand.u32 $0x7F, s28;
	s16 =	sand.u32 $0xFFFFFF80, s29;
	s22 =	sadd.s32 $0x10, s29;
	v3 =	vadd.f32 v57, v3;
	v1 =	vadd.f32 v50, v1  }
0x1e5: {  	v40 =	vld [tilespmem:s0+$0x0];
	s24 =	sadd.s32 $0x20, s29;
	s25 =	sadd.s32 $0x30, s29;
	s19 =	sadd.s32 s30, s20;
	v0 =	vadd.f32 v36, v0;
	v5 =	vadd.f32 v46, v5  }
0x1e6: {  	v7 =	vld [tilespmem:s21+$0x0];
	s20 =	sand.u32 $0x7F, s29;
	s15 =	sadd.s32 s16, s18;
	s23 =	sand.u32 $0xFFFFFF80, s22;
	v3 =	vadd.f32 v47, v3;
	v1 =	vadd.f32 v43, v1  }
0x1e7: {  	v61 =	vld [tilespmem:s12+$0x0];
	s28 =	sand.u32 $0xFFFFFF80, s24;
	s29 =	sand.u32 $0xFFFFFF80, s25;
	s12 =	sand.u32 $0x7F, s22;
	v0 =	vadd.f32 v49, v0;
	v5 =	vadd.f32 v38, v5  }
0x1e8: {  	s22 =	sadd.s32 $0x1F80, s17;
	s26 =	sadd.s32 s23, s18;
	s30 =	sadd.s32 s28, s18;
	v58 =	vld [tilespmem:s11+$0x0];
	v3 =	vadd.f32 v37, v3;
	v1 =	vadd.f32 v62, v1  }
0x1e9: {  	v63 =	vld [tilespmem:s9+$0x0];
	s11 =	sor.u32 s31, s19;
	s9 =	sor.u32 s20, s15;
	s2 =	sor.u32 s12, s26;
	v0 =	vadd.f32 v35, v0;
	v5 =	vadd.f32 v60, v5  }
0x1ea: {  	s31 =	sadd.s32 s29, s18;
	s18 =	sand.u32 $0x7F, s24;
	s19 =	sand.u32 $0x7F, s25;
	v49 =	vld [tilespmem:s2+$0x0];
	v3 =	vadd.f32 v59, v3;
	v1 =	vadd.f32 v54, v1  }
0x1eb: {  	s0 =	sor.u32 s19, s31;
	v46 =	vld [tilespmem:s11+$0x0];
	s11 =	sadd.s32 $0x2080, s17;
	s16 =	spop (v2sf);
	v5 =	vadd.f32 v44, v5;
	(v2sf) =	vpush v55, $0x1  }
0x1ec: {  	v38 =	vld [tilespmem:s3+$0x0];
	s3 =	sor.u32 s18, s30;
	v0 =	vadd.f32 v26, v0;
	s20 =	sand.u32 $0xFFFFFF80, s16;
	s21 =	sand.u32 $0x7F, s16;
	v3 =	vadd.f32 v42, v3  }
0x1ed: {  	v43 =	vld [tilespmem:s5+$0x0];
	s24 =	sadd.s32 $0x10, s16;
	s25 =	sadd.s32 $0x20, s16;
	s15 =	sadd.s32 $0x30, s16;
	v1 =	vadd.f32 v41, v1;
	v5 =	vadd.f32 v34, v5  }
0x1ee: {  	v37 =	vld [tilespmem:s7+$0x0];
	v0 =	vadd.f32 v18, v0;
	s16 =	rddreg [dreg:$0x11];
	s23 =	sadd.s32 s20, s22;
	s26 =	sand.u32 $0xFFFFFF80, s24;
	v3 =	vadd.f32 v30, v3  }
0x1ef: {  	v41 =	vld [tilespmem:s4+$0x0];
	s4 =	sand.u32 $0x7F, s24;
	s28 =	sand.u32 $0xFFFFFF80, s25;
	s30 =	sand.u32 $0x7F, s25;
	v1 =	vadd.f32 v28, v1;
	v5 =	vadd.f32 v27, v5  }
0x1f0: {  	v44 =	vld [tilespmem:s13+$0x0];
	v0 =	vadd.f32 v10, v0;
	s18 =	sand.u32 $0xFFFFFF80, s15;
	s29 =	sadd.s32 s26, s22;
	s31 =	sadd.s32 s28, s22;
	v3 =	vadd.f32 v23, v3  }
0x1f1: {  	v42 =	vld [tilespmem:s1+$0x0];
	s1 =	sor.u32 s21, s23;
	s14 =	spop (v2sf);
	s7 =	sadd.s32 s18, s22;
	v1 =	vadd.f32 v20, v1;
	v5 =	vadd.f32 v19, v5  }
0x1f2: {  	v0 =	vadd.f32 v4, v0;
	v27 =	vld [tilespmem:s8+$0x0];
	s4 =	sor.u32 s4, s29;
	s13 =	sor.u32 s30, s31;
	s8 =	sand.u32 $0x7F, s15;
	v3 =	vadd.f32 v45, v3  }
0x1f3: {  	v47 =	vld [tilespmem:s9+$0x0];
	s19 =	sand.u32 $0xFFFFFF80, s14;
	s21 =	sand.u32 $0x7F, s14;
	s24 =	sadd.s32 $0x10, s14;
	v1 =	vadd.f32 v12, v1;
	v5 =	vadd.f32 v13, v5  }
0x1f4: {  	v50 =	vld [tilespmem:s3+$0x0];
	s25 =	sadd.s32 $0x20, s14;
	v0 =	vadd.f32 v53, v0;
	s31 =	sadd.s32 $0x30, s14;
	s20 =	sor.u32 s8, s7;
	v2 =	vadd.f32 v2, v3  }
0x1f5: {  	s26 =	sand.u32 $0xFFFFFF80, s24;
	s7 =	sand.u32 $0x7F, s24;
	v45 =	vld [tilespmem:s10+$0x0];
	s10 =	sadd.s32 $0x1800, s16;
	v1 =	vadd.f32 v6, v1;
	v48 =	vadd.f32 v7, v5  }
0x1f6: {  	v52 =	vld [tilespmem:s1+$0x0];
	s28 =	sand.u32 $0xFFFFFF80, s25;
	s29 =	sand.u32 $0x7F, s25;
	v0 =	vadd.f32 v63, v0;
	s10 =	sand.u32 $0x3FFFFF00, s10;
	v2 =	vadd.f32 v8, v2  }
0x1f7: {  	v53 =	vld [tilespmem:s4+$0x0];
	s6 =	sand.u32 $0xFFFFFF80, s31;
	s4 =	sand.u32 $0x7F, s31;
	s10 =	sadd.s32 $0x800, s10;
	v1 =	vadd.f32 v51, v1;
	v3 =	vadd.f32 v56, v48  }
0x1f8: {  	v54 =	vld [tilespmem:s13+$0x0];
	v0 =	vadd.f32 v39, v0;
	s22 =	sadd.s32 s19, s10;
	s30 =	sadd.s32 s28, s10;
	s9 =	sadd.s32 s6, s10;
	v2 =	vadd.f32 v58, v2  }
0x1f9: {  	s23 =	sor.u32 s21, s22;
	v51 =	vld [tilespmem:s0+$0x0];
	s0 =	sadd.s32 s26, s10;
	s1 =	sor.u32 s29, s30;
	v1 =	vadd.f32 v61, v1;
	v3 =	vadd.f32 v37, v3  }
0x1fa: {  	v55 =	vld [tilespmem:s20+$0x0];
	v0 =	vadd.f32 v27, v0;
	s14 =	sor.u32 s4, s9;
	s0 =	sor.u32 s7, s0;
	s7 =	spop (v2sf);
	v2 =	vadd.f32 v24, v2  }
0x1fb: {  	v56 =	vld [tilespmem:s23+$0x0];
	v1 =	vadd.f32 v38, v1;
	v3 =	vadd.f32 v40, v3;
	s10 =	sand.u32 $0xFFFFFF80, s7;
	s12 =	sand.u32 $0x7F, s7;
	s21 =	sadd.s32 $0x30, s7  }
0x1fc: {  	v0 =	vadd.f32 v46, v0;
	v59 =	vld [tilespmem:s14+$0x0];
	s13 =	sadd.s32 $0x10, s7;
	s18 =	sadd.s32 $0x20, s7;
	s23 =	sand.u32 $0xFFFFFF80, s21;
	v2 =	vadd.f32 v41, v2  }
0x1fd: {  	v57 =	vld [tilespmem:s0+$0x0];
	s5 =	sadd.s32 s10, s11;
	s25 =	sand.u32 $0x7F, s21;
	v1 =	vadd.f32 v42, v1;
	v3 =	vadd.f32 v43, v3;
	s26 =	sadd.s32 s23, s11  }
0x1fe: {  	v58 =	vld [tilespmem:s1+$0x0];
	s16 =	sand.u32 $0xFFFFFF80, s13;
	s17 =	sand.u32 $0x7F, s13;
	v0 =	vadd.f32 v51, v0;
	s28 =	sor.u32 s25, s26;
	v2 =	vadd.f32 v44, v2  }
0x1ff: {  	s20 =	sand.u32 $0xFFFFFF80, s18;
	s15 =	sor.u32 s12, s5;
	s3 =	sadd.s32 s16, s11;
	v1 =	vadd.f32 v45, v1;
	v3 =	vadd.f32 v47, v3;
	v63 =	vld [tilespmem:s28+$0x0]  }
0x200: {  	s22 =	sand.u32 $0x7F, s18;
	s1 =	sadd.s32 s20, s11;
	s19 =	sor.u32 s17, s3;
	v60 =	vld [tilespmem:s15+$0x0];
	v0 =	vadd.f32 v55, v0;
	v2 =	vadd.f32 v49, v2  }
0x201: {  	s24 =	sor.u32 s22, s1;
	v61 =	vld [tilespmem:s19+$0x0];
	v1 =	vadd.f32 v50, v1;
	v3 =	vadd.f32 v52, v3  }
0x202: {  	s29 =	rddreg [dreg:$0xf];
	v62 =	vld [tilespmem:s24+$0x0];
	v0 =	vadd.f32 v59, v0;
	v2 =	vadd.f32 v53, v2  }
0x203: {  	s30 =	rddreg [dreg:$0xf];
	v1 =	vadd.f32 v54, v1;
	v3 =	vadd.f32 v56, v3  }
0x204: {  	p0 =	sne.s32 s30, $0x7;
	s0 =	sshll.u32 s29, $0x6;
	v0 =	vadd.f32 v63, v0;
	v2 =	vadd.f32 v57, v2  }
.Ltmp2:
0x205: {  	s0 =	sand.u32 $0x3FFFFFC0, s0;
	v1 =	vadd.f32 v58, v1;
	v3 =	vadd.f32 v60, v3;
	(pc) =	sbr.rel @p0 .LBB2_7-.Ltmp2, $4  }
0x206: {  	[tilespmem:s0+$0x19830] =	vst v0;
	v2 =	vadd.f32 v61, v2  }
0x207: {  	v1 =	vadd.f32 v62, v1;
	[tilespmem:s0+$0x19800] =	vst v3  }
0x208: {  	s31 =	rddreg [dreg:$0xf];
	[tilespmem:s0+$0x19810] =	vst v2  }
0x209: {  	[tilespmem:s0+$0x19820] =	vst v1;
	s0 =	sadd.s32 $0x1, s31  }
0x20a: {  	s3 =	rddreg [dreg:$0xd]  }
0x20b: {  	s1 =	rddreg [dreg:$0x9];
	s30 =	simm.s32 $0x0  }
0x20c: {  	s2 =	simm.s32 $0x19800;
	s0 =	sshll.u32 s3, $0x7;
	p0 =	sne.s32 s3, $0x1F  }
.Ltmp3:
0x20d: {  	s31 =	simm.s32 $0x5;
	s0 =	sadd.s32 s0, s1;
	(pc) =	sbr.rel @p0 .LBB2_10-.Ltmp3, $4  }
0x20e: {  	[hbm4b:s0+s30] =	stream.linear.scatter [tilespmem:s2], [sflag:$0x5], $0x200, $0x38;
	[tilespmem:$0x19A00] =	vst v63  }
0x20f: {  	_ =	swait.ge [sflag:s31], $0x200  }
0x210: {  	[sflag:s31] =	ssyncset.done $0x0  }
0x211: {  	[sflag:s31] =	ssyncadd.s32 $0xFFFFFE00  }
.Ltmp4:
0x212: {  	(pc) =	sbr.rel .LBB2_13-.Ltmp4, $4  }
0x213: {  	s0 =	simm.s32 $0x2  }
0x214: {  	_ =	swait.ge [sflag:s0], $0xC800  }
0x215: {  	[sflag:s0] =	ssyncset.done $0x0  }
0x216: {  	[sflag:s0] =	ssyncadd.s32 $0xFFFF3800  }
.LBB2_10:
0x217: {  	s0 =	simm.s32 $0x3  }
0x218: {  	_ =	swait.ge [sflag:s0], $0x190  }
0x219: {  	[sflag:s0] =	ssyncset.done $0x0  }
0x21a: {  	[sflag:s0] =	ssyncadd.s32 $0xFFFFFE70;
	s0 =	simm.s32 $0x0  }
0x21b: {  	v0 =	vld [tilespmem:s0+$0x0];
	_ =	sdelay $0x4  }
0x21c: {  	vm0 =	vgt.s32 v0, $0x7AFFF;
	v1 =	vadd.s32 $0xFFF85000, v0  }
0x21d: {  	v1 =	vsel vm0, v1, v0  }
0x21e: {  	s2 =	simm.s32 $0x10;
	s1 =	simm.s32 $0x80;
	v0 =	vsel vm0, $0x40, v25;
	[tilespmem:s0+$0x0] =	vst v1  }
.LBB2_11:
0x21f: {  	p0 =	sne.s32 s1, $0x600;
	v1 =	vld [tilespmem:s2+$0x0];
	[tilespmem:s0+$0x400] =	vst v0;
	s0 =	smov.u32 s2;
	_ =	sdelay $0x2  }
.Ltmp5:
0x220: {  	(pc) =	sbr.rel @p0 .LBB2_11-.Ltmp5, $4  }
0x221: {  	_ = 	snop  }
0x222: {  	vm0 =	vgt.s32 v1, $0x7AFFF;
	v0 =	vadd.s32 $0xFFF85000, v1  }
0x223: {  	v1 =	vsel vm0, v0, v1;
	v0 =	vsel vm0, $0x40, v25  }
0x224: {  	s2 =	sshra.s32 s1, $0x2;
	s1 =	sadd.s32 $0x40, s1;
	[tilespmem:s0+$0x0] =	vst v1  }
0x225: {  	v1 =	vld [tilespmem:s2+$0x0];
	_ =	sdelay $0x4  }
0x226: {  	vm0 =	vgt.s32 v1, $0x7AFFF;
	v2 =	vadd.s32 $0xFFF85000, v1  }
0x227: {  	[tilespmem:s0+$0x400] =	vst v0;
	v62 =	vsel vm0, v2, v1  }
0x228: {  	s1 =	simm.s32 $0x0;
	s19 =	rddreg [dreg:$0x2];
	s20 =	simm.s32 $0x80;
	v63 =	vsel vm0, $0x40, v25;
	[tilespmem:s2+$0x0] =	vst v62  }
0x229: {  	s3 =	simm.s32 $0x800;
	s21 =	simm.s32 $0x4800;
	s26 =	rddreg [dreg:$0xa];
	[tilespmem:s2+$0x400] =	vst v63  }
0x22a: {  	[tilespmem:s3], [sflag:$0x1] =	stream.indirect.gather [hbm4b:s19+s20], $0x80, s1, s20, $0xb8;
	[tilespmem:$0x19A00] =	vst v63  }
0x22b: {  	s22 =	simm.s32 $0x100;
	s4 =	simm.s32 $0x8800;
	s28 =	rddreg [dreg:$0xe]  }
0x22c: {  	[tilespmem:s21], [sflag:$0x1] =	stream.indirect.gather [hbm4b:s19+s20], $0x80, s20, s20, $0xb8;
	[tilespmem:$0x19A00] =	vst v63  }
0x22d: {  	s23 =	simm.s32 $0x10;
	s24 =	simm.s32 $0x180;
	s0 =	sadd.s32 s28, s26  }
0x22e: {  	[tilespmem:s4], [sflag:$0x1] =	stream.indirect.gather [hbm4b:s19+s20], $0x80, s22, s20, $0xb8;
	[tilespmem:$0x19A00] =	vst v63  }
0x22f: {  	s25 =	simm.s32 $0xC800;
	s29 =	simm.s32 $0x2;
	s0 =	smul.u32 $0x32, s0  }
0x230: {  	[tilespmem:s25], [sflag:$0x1] =	stream.indirect.gather [hbm4b:s19+s23], $0x80, s24, s23, $0xb8;
	[tilespmem:$0x19A00] =	vst v63  }
0x231: {  	_ =	swait.ge [sflag:s29], $0xC800  }
0x232: {  	s0 =	sshrl.u32 s0, $0x3;
	[sflag:s29] =	ssyncset.done $0x0;
	s30 =	rddreg [dreg:$0x3]  }
0x233: {  	s31 =	simm.s32 $0x200;
	[sflag:s29] =	ssyncadd.s32 $0xFFFF3800;
	s0 =	sadd.s32 s30, s0  }
0x234: {  	[tilespmem:s31], [sflag:$0x4] =	stream.linear.gather [hbm4b:s0+s1], $0x190, $0x38;
	[tilespmem:$0x19A00] =	vst v63  }
.LBB2_13:
0x235: {  	s0 =	simm.s32 $0x0  }
.LBB2_14:
0x236: {  	s20 =	smul.u32 $0x32, s0;
	_ =	sdelay $0x1  }
0x237: {  	v1 =	vld [tilespmem:s20+$0x600];
	_ =	sdelay $0x4  }
0x238: {  	(v2sf) =	vpush v1, $0x0;
	_ =	sdelay $0x2  }
0x239: {  	(v2sf) =	vpush v1, $0x1;
	_ =	sdelay $0x2  }
0x23a: {  	(v2sf) =	vpush v1, $0x2;
	_ =	sdelay $0x3  }
0x23b: {  	[dreg:$0x10] =	wrdreg s0  }
0x23c: {  	s14 =	rddreg [dreg:$0x10]  }
0x23d: {  	s0 =	smul.u32 $0x6400, s14;
	_ =	sdelay $0x1  }
0x23e: {  	s17 =	sshra.s32 s0, $0x2  }
0x23f: {  	s2 =	sadd.s32 $0xD000, s17;
	s23 =	sadd.s32 $0xD080, s17;
	s1 =	spop (v2sf)  }
0x240: {  	s6 =	sadd.s32 $0xD100, s17;
	s15 =	sand.u32 $0xFFFFFF80, s1;
	s3 =	sand.u32 $0x7F, s1  }
0x241: {  	s4 =	sadd.s32 $0x10, s1;
	s18 =	sadd.s32 $0x20, s1;
	s1 =	sadd.s32 $0x30, s1  }
0x242: {  	s21 =	spop (v2sf);
	s0 =	sadd.s32 s15, s2;
	s16 =	sand.u32 $0xFFFFFF80, s4  }
0x243: {  	s4 =	sand.u32 $0x7F, s4;
	s5 =	sand.u32 $0xFFFFFF80, s18;
	s19 =	sand.u32 $0xFFFFFF80, s1  }
0x244: {  	s1 =	sand.u32 $0x7F, s1;
	s22 =	sand.u32 $0xFFFFFF80, s21;
	s24 =	sand.u32 $0x7F, s21  }
0x245: {  	(v2sf) =	vpush v1, $0x3;
	s25 =	sadd.s32 $0x10, s21;
	s28 =	sadd.s32 $0x20, s21;
	s31 =	spop (v2sf)  }
0x246: {  	s7 =	sor.u32 s3, s0;
	s0 =	sadd.s32 s16, s2;
	s3 =	sand.u32 $0x7F, s18  }
0x247: {  	(v2sf) =	vpush v1, $0x4;
	s5 =	sadd.s32 s5, s2;
	s26 =	sand.u32 $0xFFFFFF80, s25;
	s29 =	sand.u32 $0xFFFFFF80, s28  }
0x248: {  	s15 =	sand.u32 $0x7F, s31;
	s16 =	sadd.s32 $0x10, s31;
	s10 =	sor.u32 s4, s0  }
0x249: {  	s8 =	sor.u32 s3, s5;
	s0 =	sadd.s32 s19, s2;
	s4 =	sand.u32 $0x7F, s25  }
0x24a: {  	s3 =	sand.u32 $0x7F, s28;
	s5 =	sadd.s32 s29, s23;
	s2 =	sadd.s32 $0x30, s21  }
0x24b: {  	s18 =	sand.u32 $0xFFFFFF80, s16;
	s19 =	sadd.s32 $0x20, s31;
	s25 =	sadd.s32 $0xD180, s17  }
0x24c: {  	s9 =	sor.u32 s1, s0;
	s0 =	sadd.s32 s22, s23;
	s12 =	sor.u32 s3, s5  }
0x24d: {  	s30 =	sand.u32 $0xFFFFFF80, s2;
	s2 =	sand.u32 $0x7F, s2;
	s5 =	sand.u32 $0xFFFFFF80, s31  }
0x24e: {  	s21 =	sand.u32 $0xFFFFFF80, s19;
	s3 =	sand.u32 $0x7F, s19;
	s1 =	sadd.s32 $0x30, s31  }
0x24f: {  	s11 =	sor.u32 s24, s0;
	s0 =	sadd.s32 s26, s23;
	s22 =	sand.u32 $0xFFFFFF80, s1  }
0x250: {  	(v2sf) =	vpush v1, $0x5;
	s1 =	sand.u32 $0x7F, s1;
	s14 =	sor.u32 s4, s0;
	s0 =	sadd.s32 s30, s23  }
0x251: {  	s4 =	sand.u32 $0x7F, s16;
	s13 =	sor.u32 s2, s0;
	s0 =	sadd.s32 s5, s6  }
0x252: {  	s5 =	sadd.s32 s21, s6;
	s15 =	sor.u32 s15, s0;
	s0 =	sadd.s32 s18, s6  }
0x253: {  	s16 =	sor.u32 s3, s5;
	s19 =	sor.u32 s4, s0;
	s0 =	sadd.s32 s22, s6  }
0x254: {  	s6 =	sadd.s32 $0xD200, s17;
	s18 =	sor.u32 s1, s0;
	s23 =	spop (v2sf)  }
0x255: {  	s24 =	sand.u32 $0xFFFFFF80, s23;
	s26 =	sand.u32 $0x7F, s23;
	s28 =	sadd.s32 $0x10, s23  }
0x256: {  	s30 =	sadd.s32 $0x20, s23;
	s2 =	sadd.s32 $0x30, s23;
	s1 =	spop (v2sf)  }
0x257: {  	s0 =	sadd.s32 s24, s25;
	s29 =	sand.u32 $0xFFFFFF80, s28;
	s4 =	sand.u32 $0x7F, s28  }
0x258: {  	s31 =	sand.u32 $0xFFFFFF80, s30;
	s3 =	sand.u32 $0x7F, s30;
	s28 =	sadd.s32 $0x10, s1  }
0x259: {  	s30 =	sadd.s32 $0x20, s1;
	s21 =	sor.u32 s26, s0;
	s0 =	sadd.s32 s29, s25  }
0x25a: {  	(v2sf) =	vpush v1, $0x6;
	s5 =	sadd.s32 s31, s25;
	s26 =	sand.u32 $0x7F, s1;
	s29 =	sand.u32 $0xFFFFFF80, s28  }
0x25b: {  	s31 =	sand.u32 $0xFFFFFF80, s30;
	s24 =	sor.u32 s4, s0;
	s22 =	sor.u32 s3, s5  }
0x25c: {  	s4 =	sand.u32 $0xFFFFFF80, s2;
	s2 =	sand.u32 $0x7F, s2;
	s5 =	sand.u32 $0xFFFFFF80, s1  }
0x25d: {  	s3 =	sand.u32 $0x7F, s30;
	s1 =	sadd.s32 $0x30, s1;
	s0 =	sadd.s32 s4, s25  }
0x25e: {  	s4 =	sand.u32 $0x7F, s28;
	s23 =	sor.u32 s2, s0;
	s0 =	sadd.s32 s5, s6  }
0x25f: {  	s5 =	sadd.s32 s31, s6;
	s2 =	spop (v2sf);
	s25 =	sor.u32 s26, s0  }
0x260: {  	s0 =	sadd.s32 s29, s6;
	s26 =	sor.u32 s3, s5;
	s5 =	sand.u32 $0xFFFFFF80, s1  }
0x261: {  	s1 =	sand.u32 $0x7F, s1;
	s30 =	sand.u32 $0x7F, s2;
	s31 =	sadd.s32 $0x10, s2  }
0x262: {  	(v2sf) =	vpush v1, $0x7;
	s29 =	sor.u32 s4, s0;
	s0 =	sadd.s32 s5, s6;
	s6 =	sand.u32 $0xFFFFFF80, s2  }
0x263: {  	s5 =	sand.u32 $0xFFFFFF80, s31;
	s28 =	sor.u32 s1, s0;
	s1 =	sadd.s32 $0xD280, s17  }
0x264: {  	s4 =	sand.u32 $0x7F, s31;
	s0 =	sadd.s32 s6, s1;
	s6 =	sadd.s32 $0x20, s2  }
0x265: {  	s2 =	sadd.s32 $0x30, s2;
	s30 =	sor.u32 s30, s0;
	s0 =	sadd.s32 s5, s1  }
0x266: {  	s31 =	sand.u32 $0xFFFFFF80, s6;
	s3 =	sand.u32 $0x7F, s6;
	s0 =	sor.u32 s4, s0  }
0x267: {  	s6 =	sand.u32 $0xFFFFFF80, s2;
	s5 =	sadd.s32 s31, s1;
	[dreg:$0x16] =	wrdreg s0  }
0x268: {  	s31 =	sor.u32 s3, s5;
	s0 =	sadd.s32 s6, s1;
	s3 =	sand.u32 $0x7F, s2  }
0x269: {  	s0 =	sor.u32 s3, s0;
	s2 =	spop (v2sf)  }
0x26a: {  	(v2sf) =	vpush v1, $0x8;
	s1 =	sadd.s32 $0xD300, s17;
	[dreg:$0x14] =	wrdreg s0;
	s4 =	sand.u32 $0xFFFFFF80, s2  }
0x26b: {  	s5 =	sand.u32 $0x7F, s2;
	s6 =	sadd.s32 $0x10, s2;
	s0 =	sadd.s32 s4, s1  }
0x26c: {  	s3 =	sand.u32 $0xFFFFFF80, s6;
	s4 =	sand.u32 $0x7F, s6;
	s0 =	sor.u32 s5, s0  }
0x26d: {  	s5 =	sadd.s32 $0x20, s2;
	s2 =	sadd.s32 $0x30, s2;
	[dreg:$0x18] =	wrdreg s0  }
0x26e: {  	s0 =	sadd.s32 s3, s1;
	s6 =	sand.u32 $0xFFFFFF80, s5;
	s3 =	sand.u32 $0x7F, s5  }
0x26f: {  	s5 =	sadd.s32 s6, s1;
	s0 =	sor.u32 s4, s0;
	s6 =	sand.u32 $0xFFFFFF80, s2  }
0x270: {  	[dreg:$0x1f] =	wrdreg s0;
	s5 =	sor.u32 s3, s5;
	s0 =	sadd.s32 s6, s1  }
0x271: {  	s3 =	sand.u32 $0x7F, s2;
	s2 =	spop (v2sf);
	s1 =	sadd.s32 $0xD380, s17  }
0x272: {  	[dreg:$0x1a] =	wrdreg s5;
	s0 =	sor.u32 s3, s0;
	s4 =	sand.u32 $0xFFFFFF80, s2  }
0x273: {  	(v2sf) =	vpush v1, $0x9;
	s5 =	sand.u32 $0x7F, s2;
	s6 =	sadd.s32 $0x10, s2;
	[dreg:$0x1c] =	wrdreg s0  }
0x274: {  	s0 =	sadd.s32 s4, s1;
	s3 =	sand.u32 $0xFFFFFF80, s6;
	s4 =	sand.u32 $0x7F, s6  }
0x275: {  	s0 =	sor.u32 s5, s0;
	s5 =	sadd.s32 $0x20, s2;
	s2 =	sadd.s32 $0x30, s2  }
0x276: {  	[smem:$0x747] =	sst s0;
	s0 =	sadd.s32 s3, s1;
	s6 =	sand.u32 $0xFFFFFF80, s5  }
0x277: {  	s3 =	sand.u32 $0x7F, s5;
	s5 =	sadd.s32 s6, s1;
	s0 =	sor.u32 s4, s0  }
0x278: {  	s6 =	sand.u32 $0xFFFFFF80, s2;
	[smem:$0x748] =	sst s0;
	s5 =	sor.u32 s3, s5  }
0x279: {  	s0 =	sadd.s32 s6, s1;
	s3 =	sand.u32 $0x7F, s2;
	s2 =	spop (v2sf)  }
0x27a: {  	s1 =	sadd.s32 $0xD400, s17;
	[smem:$0x749] =	sst s5;
	s0 =	sor.u32 s3, s0  }
0x27b: {  	(v2sf) =	vpush v1, $0xA;
	s4 =	sand.u32 $0xFFFFFF80, s2;
	s5 =	sand.u32 $0x7F, s2;
	s6 =	sadd.s32 $0x10, s2  }
0x27c: {  	[smem:$0x74A] =	sst s0;
	s0 =	sadd.s32 s4, s1;
	s3 =	sand.u32 $0xFFFFFF80, s6  }
0x27d: {  	s4 =	sand.u32 $0x7F, s6;
	s0 =	sor.u32 s5, s0;
	s5 =	sadd.s32 $0x20, s2  }
0x27e: {  	s2 =	sadd.s32 $0x30, s2;
	[smem:$0x74B] =	sst s0;
	s0 =	sadd.s32 s3, s1  }
0x27f: {  	s6 =	sand.u32 $0xFFFFFF80, s5;
	s3 =	sand.u32 $0x7F, s5;
	s0 =	sor.u32 s4, s0  }
0x280: {  	s5 =	sadd.s32 s6, s1;
	s6 =	sand.u32 $0xFFFFFF80, s2;
	[smem:$0x74C] =	sst s0  }
0x281: {  	s5 =	sor.u32 s3, s5;
	s0 =	sadd.s32 s6, s1;
	s3 =	sand.u32 $0x7F, s2  }
0x282: {  	s2 =	spop (v2sf);
	s1 =	sadd.s32 $0xD480, s17;
	[smem:$0x74D] =	sst s5  }
0x283: {  	(v2sf) =	vpush v1, $0xB;
	s0 =	sor.u32 s3, s0;
	s4 =	sand.u32 $0xFFFFFF80, s2;
	s5 =	sand.u32 $0x7F, s2  }
0x284: {  	s6 =	sadd.s32 $0x10, s2;
	[smem:$0x74E] =	sst s0;
	s0 =	sadd.s32 s4, s1  }
0x285: {  	s3 =	sand.u32 $0xFFFFFF80, s6;
	s4 =	sand.u32 $0x7F, s6;
	s0 =	sor.u32 s5, s0  }
0x286: {  	s5 =	sadd.s32 $0x20, s2;
	s2 =	sadd.s32 $0x30, s2;
	[smem:$0x74F] =	sst s0  }
0x287: {  	s0 =	sadd.s32 s3, s1;
	s6 =	sand.u32 $0xFFFFFF80, s5;
	s3 =	sand.u32 $0x7F, s5  }
0x288: {  	s5 =	sadd.s32 s6, s1;
	s0 =	sor.u32 s4, s0;
	s6 =	sand.u32 $0xFFFFFF80, s2  }
0x289: {  	[smem:$0x750] =	sst s0;
	s5 =	sor.u32 s3, s5;
	s0 =	sadd.s32 s6, s1  }
0x28a: {  	s3 =	sand.u32 $0x7F, s2;
	s2 =	spop (v2sf);
	s1 =	sadd.s32 $0xD500, s17  }
0x28b: {  	[smem:$0x751] =	sst s5;
	s0 =	sor.u32 s3, s0;
	s4 =	sand.u32 $0xFFFFFF80, s2  }
0x28c: {  	(v2sf) =	vpush v1, $0xC;
	s5 =	sand.u32 $0x7F, s2;
	s6 =	sadd.s32 $0x10, s2;
	[smem:$0x752] =	sst s0  }
0x28d: {  	s0 =	sadd.s32 s4, s1;
	s3 =	sand.u32 $0xFFFFFF80, s6;
	s4 =	sand.u32 $0x7F, s6  }
0x28e: {  	s0 =	sor.u32 s5, s0;
	s5 =	sadd.s32 $0x20, s2;
	s2 =	sadd.s32 $0x30, s2  }
0x28f: {  	[smem:$0x753] =	sst s0;
	s0 =	sadd.s32 s3, s1;
	s6 =	sand.u32 $0xFFFFFF80, s5  }
0x290: {  	s3 =	sand.u32 $0x7F, s5;
	s5 =	sadd.s32 s6, s1;
	s0 =	sor.u32 s4, s0  }
0x291: {  	s6 =	sand.u32 $0xFFFFFF80, s2;
	[smem:$0x754] =	sst s0;
	s5 =	sor.u32 s3, s5  }
0x292: {  	s0 =	sadd.s32 s6, s1;
	s3 =	sand.u32 $0x7F, s2;
	s2 =	spop (v2sf)  }
0x293: {  	s1 =	sadd.s32 $0xD580, s17;
	[smem:$0x755] =	sst s5;
	s0 =	sor.u32 s3, s0  }
0x294: {  	(v2sf) =	vpush v1, $0xD;
	s4 =	sand.u32 $0xFFFFFF80, s2;
	s5 =	sand.u32 $0x7F, s2;
	s6 =	sadd.s32 $0x10, s2  }
0x295: {  	[smem:$0x756] =	sst s0;
	s0 =	sadd.s32 s4, s1;
	s3 =	sand.u32 $0xFFFFFF80, s6  }
0x296: {  	s4 =	sand.u32 $0x7F, s6;
	s0 =	sor.u32 s5, s0;
	s5 =	sadd.s32 $0x20, s2  }
0x297: {  	s2 =	sadd.s32 $0x30, s2;
	[smem:$0x757] =	sst s0;
	s0 =	sadd.s32 s3, s1  }
0x298: {  	s6 =	sand.u32 $0xFFFFFF80, s5;
	s3 =	sand.u32 $0x7F, s5;
	s0 =	sor.u32 s4, s0  }
0x299: {  	s5 =	sadd.s32 s6, s1;
	s6 =	sand.u32 $0xFFFFFF80, s2;
	[smem:$0x758] =	sst s0  }
0x29a: {  	s5 =	sor.u32 s3, s5;
	s0 =	sadd.s32 s6, s1;
	s3 =	sand.u32 $0x7F, s2  }
0x29b: {  	s2 =	spop (v2sf);
	s1 =	sadd.s32 $0xD600, s17;
	[smem:$0x759] =	sst s5  }
0x29c: {  	(v2sf) =	vpush v1, $0xE;
	s0 =	sor.u32 s3, s0;
	s4 =	sand.u32 $0xFFFFFF80, s2;
	s5 =	sand.u32 $0x7F, s2  }
0x29d: {  	s6 =	sadd.s32 $0x10, s2;
	[smem:$0x75A] =	sst s0;
	s0 =	sadd.s32 s4, s1  }
0x29e: {  	s3 =	sand.u32 $0xFFFFFF80, s6;
	s4 =	sand.u32 $0x7F, s6;
	s0 =	sor.u32 s5, s0  }
0x29f: {  	s5 =	sadd.s32 $0x20, s2;
	s2 =	sadd.s32 $0x30, s2;
	[smem:$0x75B] =	sst s0  }
0x2a0: {  	s0 =	sadd.s32 s3, s1;
	s6 =	sand.u32 $0xFFFFFF80, s5;
	s3 =	sand.u32 $0x7F, s5  }
0x2a1: {  	s5 =	sadd.s32 s6, s1;
	s0 =	sor.u32 s4, s0;
	s6 =	sand.u32 $0xFFFFFF80, s2  }
0x2a2: {  	[smem:$0x75C] =	sst s0;
	s5 =	sor.u32 s3, s5;
	s0 =	sadd.s32 s6, s1  }
0x2a3: {  	s3 =	sand.u32 $0x7F, s2;
	s2 =	spop (v2sf);
	s1 =	sadd.s32 $0xD680, s17  }
0x2a4: {  	[smem:$0x75D] =	sst s5;
	s0 =	sor.u32 s3, s0;
	s4 =	sand.u32 $0xFFFFFF80, s2  }
0x2a5: {  	(v2sf) =	vpush v1, $0xF;
	s5 =	sand.u32 $0x7F, s2;
	s6 =	sadd.s32 $0x10, s2;
	[smem:$0x75E] =	sst s0  }
0x2a6: {  	s0 =	sadd.s32 s4, s1;
	s3 =	sand.u32 $0xFFFFFF80, s6;
	s4 =	sand.u32 $0x7F, s6  }
0x2a7: {  	s0 =	sor.u32 s5, s0;
	s5 =	sadd.s32 $0x20, s2;
	s2 =	sadd.s32 $0x30, s2  }
0x2a8: {  	[smem:$0x75F] =	sst s0;
	s0 =	sadd.s32 s3, s1;
	s6 =	sand.u32 $0xFFFFFF80, s5  }
0x2a9: {  	s3 =	sand.u32 $0x7F, s5;
	s5 =	sadd.s32 s6, s1;
	s0 =	sor.u32 s4, s0  }
0x2aa: {  	v8 =	vld [tilespmem:s20+$0x610];
	s6 =	sand.u32 $0xFFFFFF80, s2;
	[smem:$0x760] =	sst s0;
	s5 =	sor.u32 s3, s5  }
0x2ab: {  	s0 =	sadd.s32 s6, s1;
	s3 =	sand.u32 $0x7F, s2;
	s2 =	spop (v2sf)  }
0x2ac: {  	s1 =	sadd.s32 $0xD700, s17;
	[smem:$0x761] =	sst s5;
	s0 =	sor.u32 s3, s0  }
0x2ad: {  	s4 =	sand.u32 $0xFFFFFF80, s2;
	s5 =	sand.u32 $0x7F, s2;
	s6 =	sadd.s32 $0x10, s2  }
0x2ae: {  	[smem:$0x762] =	sst s0;
	s0 =	sadd.s32 s4, s1;
	s3 =	sand.u32 $0xFFFFFF80, s6  }
0x2af: {  	(v2sf) =	vpush v8, $0x0;
	s4 =	sand.u32 $0x7F, s6;
	s0 =	sor.u32 s5, s0;
	s5 =	sadd.s32 $0x20, s2  }
0x2b0: {  	s2 =	sadd.s32 $0x30, s2;
	[smem:$0x763] =	sst s0;
	s6 =	sand.u32 $0xFFFFFF80, s5  }
0x2b1: {  	s0 =	sadd.s32 s3, s1;
	s3 =	sand.u32 $0x7F, s5;
	s5 =	sadd.s32 s6, s1  }
0x2b2: {  	s0 =	sor.u32 s4, s0;
	s6 =	sand.u32 $0xFFFFFF80, s2;
	s4 =	sadd.s32 $0xD780, s17  }
0x2b3: {  	[smem:$0x764] =	sst s0;
	s5 =	sor.u32 s3, s5;
	s0 =	sadd.s32 s6, s1  }
0x2b4: {  	s3 =	sand.u32 $0x7F, s2;
	s2 =	spop (v2sf);
	[smem:$0x765] =	sst s5  }
0x2b5: {  	s6 =	sand.u32 $0xFFFFFF80, s2;
	s5 =	sadd.s32 $0x10, s2;
	s0 =	sor.u32 s3, s0  }
0x2b6: {  	[smem:$0x766] =	sst s0;
	s0 =	sadd.s32 s6, s4;
	s6 =	sand.u32 $0xFFFFFF80, s5  }
0x2b7: {  	s1 =	sadd.s32 s6, s4;
	s6 =	sand.u32 $0x7F, s2  }
0x2b8: {  	(v2sf) =	vpush v8, $0x1;
	s3 =	sand.u32 $0x7F, s5;
	s0 =	sor.u32 s6, s0  }
0x2b9: {  	s6 =	sor.u32 s3, s1;
	[smem:$0x767] =	sst s0  }
0x2ba: {  	s1 =	sadd.s32 $0x20, s2;
	s2 =	sadd.s32 $0x30, s2;
	[smem:$0x768] =	sst s6  }
0x2bb: {  	s3 =	sand.u32 $0xFFFFFF80, s1;
	s0 =	sand.u32 $0x7F, s1;
	s6 =	sshll.u32 s20, $0x7  }
0x2bc: {  	s5 =	sand.u32 $0xFFFFFF80, s2;
	s2 =	sand.u32 $0x7F, s2;
	s1 =	sadd.s32 s3, s4  }
0x2bd: {  	s5 =	sadd.s32 s5, s4;
	s3 =	sadd.s32 $0x800, s6;
	[dreg:$0x12] =	wrdreg s6  }
0x2be: {  	s0 =	sor.u32 s0, s1;
	s1 =	sand.u32 $0x3FFFFF00, s3;
	s3 =	spop (v2sf)  }
0x2bf: {  	[smem:$0x769] =	sst s0;
	s0 =	sor.u32 s2, s5;
	s4 =	sand.u32 $0xFFFFFF80, s3  }
0x2c0: {  	(v2sf) =	vpush v8, $0x2;
	s5 =	sand.u32 $0x7F, s3;
	[smem:$0x76A] =	sst s0;
	s0 =	sadd.s32 $0xD000, s1  }
0x2c1: {  	s2 =	sadd.s32 $0x20, s3;
	s1 =	sadd.s32 s4, s0;
	s4 =	sadd.s32 $0x10, s3  }
0x2c2: {  	s1 =	sor.u32 s5, s1;
	s5 =	sand.u32 $0xFFFFFF80, s4;
	s4 =	sand.u32 $0x7F, s4  }
0x2c3: {  	[smem:$0x76B] =	sst s1;
	s1 =	sadd.s32 s5, s0;
	s5 =	sand.u32 $0xFFFFFF80, s2  }
0x2c4: {  	s2 =	sand.u32 $0x7F, s2;
	s5 =	sadd.s32 s5, s0;
	s1 =	sor.u32 s4, s1  }
0x2c5: {  	s3 =	sadd.s32 $0x30, s3;
	[smem:$0x76C] =	sst s1;
	s5 =	sor.u32 s2, s5  }
0x2c6: {  	s2 =	sand.u32 $0xFFFFFF80, s3;
	s3 =	sand.u32 $0x7F, s3;
	s1 =	sadd.s32 $0xD880, s17  }
0x2c7: {  	[smem:$0x76D] =	sst s5;
	s0 =	sadd.s32 s2, s0;
	s2 =	spop (v2sf)  }
0x2c8: {  	(v2sf) =	vpush v8, $0x3;
	s0 =	sor.u32 s3, s0;
	s4 =	sand.u32 $0xFFFFFF80, s2;
	s5 =	sand.u32 $0x7F, s2  }
0x2c9: {  	[smem:$0x76E] =	sst s0;
	s0 =	sadd.s32 s4, s1;
	s4 =	sadd.s32 $0x10, s2  }
0x2ca: {  	s3 =	sadd.s32 $0x20, s2;
	s0 =	sor.u32 s5, s0;
	s5 =	sand.u32 $0xFFFFFF80, s4  }
0x2cb: {  	s4 =	sand.u32 $0x7F, s4;
	[smem:$0x76F] =	sst s0;
	s0 =	sadd.s32 s5, s1  }
0x2cc: {  	s2 =	sadd.s32 $0x30, s2;
	s5 =	sand.u32 $0xFFFFFF80, s3;
	s0 =	sor.u32 s4, s0  }
0x2cd: {  	s3 =	sand.u32 $0x7F, s3;
	s5 =	sadd.s32 s5, s1;
	[smem:$0x770] =	sst s0  }
0x2ce: {  	s4 =	sor.u32 s3, s5;
	s5 =	sand.u32 $0xFFFFFF80, s2;
	s3 =	sand.u32 $0x7F, s2  }
0x2cf: {  	s2 =	spop (v2sf);
	[smem:$0x771] =	sst s4;
	s0 =	sadd.s32 s5, s1  }
0x2d0: {  	(v2sf) =	vpush v8, $0x4;
	s4 =	sand.u32 $0xFFFFFF80, s2;
	s1 =	sadd.s32 $0xD900, s17;
	s0 =	sor.u32 s3, s0  }
0x2d1: {  	s5 =	sand.u32 $0x7F, s2;
	s3 =	sadd.s32 $0x20, s2;
	[smem:$0x772] =	sst s0  }
0x2d2: {  	s0 =	sadd.s32 s4, s1;
	s4 =	sadd.s32 $0x10, s2;
	s2 =	sadd.s32 $0x30, s2  }
0x2d3: {  	s0 =	sor.u32 s5, s0;
	s5 =	sand.u32 $0xFFFFFF80, s4;
	s4 =	sand.u32 $0x7F, s4  }
0x2d4: {  	[smem:$0x773] =	sst s0;
	s0 =	sadd.s32 s5, s1;
	s5 =	sand.u32 $0xFFFFFF80, s3  }
0x2d5: {  	s3 =	sand.u32 $0x7F, s3;
	s5 =	sadd.s32 s5, s1;
	s0 =	sor.u32 s4, s0  }
0x2d6: {  	[smem:$0x774] =	sst s0;
	s4 =	sor.u32 s3, s5;
	s5 =	sand.u32 $0xFFFFFF80, s2  }
0x2d7: {  	s3 =	sand.u32 $0x7F, s2;
	s2 =	spop (v2sf);
	[smem:$0x775] =	sst s4  }
0x2d8: {  	s0 =	sadd.s32 s5, s1;
	s4 =	sand.u32 $0xFFFFFF80, s2;
	s1 =	sadd.s32 $0xD980, s17  }
0x2d9: {  	s5 =	sand.u32 $0x7F, s2;
	s0 =	sor.u32 s3, s0;
	s3 =	sadd.s32 $0x20, s2  }
0x2da: {  	(v2sf) =	vpush v8, $0x5;
	[smem:$0x776] =	sst s0;
	s0 =	sadd.s32 s4, s1;
	s4 =	sadd.s32 $0x10, s2  }
0x2db: {  	s0 =	sor.u32 s5, s0;
	s5 =	sand.u32 $0xFFFFFF80, s4;
	s4 =	sand.u32 $0x7F, s4  }
0x2dc: {  	[smem:$0x777] =	sst s0;
	s0 =	sadd.s32 s5, s1;
	s5 =	sand.u32 $0xFFFFFF80, s3  }
0x2dd: {  	s3 =	sand.u32 $0x7F, s3;
	s5 =	sadd.s32 s5, s1;
	s0 =	sor.u32 s4, s0  }
0x2de: {  	s2 =	sadd.s32 $0x30, s2;
	[smem:$0x778] =	sst s0;
	s4 =	sor.u32 s3, s5  }
0x2df: {  	s5 =	sand.u32 $0xFFFFFF80, s2;
	s3 =	sand.u32 $0x7F, s2;
	s2 =	spop (v2sf)  }
0x2e0: {  	[smem:$0x779] =	sst s4;
	s0 =	sadd.s32 s5, s1;
	s4 =	sand.u32 $0xFFFFFF80, s2  }
0x2e1: {  	s1 =	sadd.s32 $0xDA00, s17;
	s5 =	sand.u32 $0x7F, s2;
	s0 =	sor.u32 s3, s0  }
0x2e2: {  	[smem:$0x77A] =	sst s0;
	s0 =	sadd.s32 s4, s1;
	s4 =	sadd.s32 $0x10, s2  }
0x2e3: {  	(v2sf) =	vpush v8, $0x6;
	s3 =	sadd.s32 $0x20, s2;
	s0 =	sor.u32 s5, s0;
	s5 =	sand.u32 $0xFFFFFF80, s4  }
0x2e4: {  	s4 =	sand.u32 $0x7F, s4;
	[smem:$0x77B] =	sst s0;
	s0 =	sadd.s32 s5, s1  }
0x2e5: {  	s5 =	sand.u32 $0xFFFFFF80, s3;
	s3 =	sand.u32 $0x7F, s3;
	v35 =	vld [tilespmem:s28+$0x0];
	s28 =	rddreg [dreg:$0x16]  }
0x2e6: {  	s5 =	sadd.s32 s5, s1;
	s0 =	sor.u32 s4, s0;
	v39 =	vld [tilespmem:s31+$0x0];
	s31 =	rddreg [dreg:$0x14]  }
0x2e7: {  	s2 =	sadd.s32 $0x30, s2;
	v0 =	vld [tilespmem:s20+$0x630];
	[smem:$0x77C] =	sst s0;
	s4 =	sor.u32 s3, s5  }
0x2e8: {  	s5 =	sand.u32 $0xFFFFFF80, s2;
	s3 =	sand.u32 $0x7F, s2;
	v44 =	vld [tilespmem:s31+$0x0];
	s31 =	rddreg [dreg:$0x1c]  }
0x2e9: {  	s2 =	spop (v2sf);
	[smem:$0x77D] =	sst s4;
	s0 =	sadd.s32 s5, s1  }
0x2ea: {  	s4 =	sand.u32 $0xFFFFFF80, s2;
	s1 =	sadd.s32 $0xDA80, s17;
	s5 =	sand.u32 $0x7F, s2  }
0x2eb: {  	(v2sf) =	vpush v8, $0x7;
	v45 =	vld [tilespmem:s31+$0x0];
	s31 =	sld [smem:$0x749];
	s0 =	sor.u32 s3, s0;
	s3 =	sadd.s32 $0x20, s2  }
0x2ec: {  	[smem:$0x77E] =	sst s0;
	s0 =	sadd.s32 s4, s1;
	s4 =	sadd.s32 $0x10, s2  }
0x2ed: {  	s2 =	sadd.s32 $0x30, s2;
	s0 =	sor.u32 s5, s0;
	s5 =	sand.u32 $0xFFFFFF80, s4;
	[tilespmem:$0x1FCF0] =	vst v0;
	v0 =	vld [tilespmem:s7+$0x0]  }
0x2ee: {  	s4 =	sand.u32 $0x7F, s4;
	s7 =	sand.u32 $0x7F, s2;
	v59 =	vld [tilespmem:s31+$0x0];
	s31 =	sld [smem:$0x74D]  }
0x2ef: {  	[smem:$0x77F] =	sst s0;
	s0 =	sadd.s32 s5, s1;
	s5 =	sand.u32 $0xFFFFFF80, s3  }
0x2f0: {  	v6 =	vld [tilespmem:s20+$0x620];
	s3 =	sand.u32 $0x7F, s3;
	s5 =	sadd.s32 s5, s1;
	s0 =	sor.u32 s4, s0  }
0x2f1: {  	v1 =	vld [tilespmem:s10+$0x0];
	[smem:$0x780] =	sst s0;
	s20 =	sor.u32 s3, s5;
	s5 =	sand.u32 $0xFFFFFF80, s2  }
0x2f2: {  	s2 =	spop (v2sf);
	v18 =	vld [tilespmem:s31+$0x0];
	s31 =	sld [smem:$0x750];
	s0 =	sadd.s32 s5, s1  }
0x2f3: {  	v2 =	vld [tilespmem:s8+$0x0];
	(v2sf) =	vpush v8, $0x8;
	s3 =	sand.u32 $0xFFFFFF80, s2;
	s1 =	sadd.s32 $0xDB00, s17;
	s4 =	sand.u32 $0x7F, s2  }
0x2f4: {  	v4 =	vld [tilespmem:s9+$0x0];
	s5 =	sadd.s32 $0x10, s2;
	s9 =	sadd.s32 $0x20, s2;
	s2 =	sadd.s32 $0x30, s2  }
0x2f5: {  	v5 =	vld [tilespmem:s11+$0x0];
	s10 =	sor.u32 s7, s0;
	s0 =	sadd.s32 s3, s1;
	s7 =	sand.u32 $0xFFFFFF80, s5  }
0x2f6: {  	v3 =	vld [tilespmem:s14+$0x0];
	s11 =	sand.u32 $0xFFFFFF80, s9;
	s3 =	sand.u32 $0x7F, s9;
	s8 =	sor.u32 s4, s0  }
0x2f7: {  	v7 =	vld [tilespmem:s12+$0x0];
	s4 =	sand.u32 $0x7F, s5;
	s0 =	sadd.s32 s7, s1;
	s5 =	sadd.s32 s11, s1  }
0x2f8: {  	s7 =	sadd.s32 $0xDB80, s17;
	v33 =	vld [tilespmem:s31+$0x0];
	s31 =	sld [smem:$0x754];
	s11 =	sor.u32 s4, s0  }
0x2f9: {  	v9 =	vld [tilespmem:s13+$0x0];
	(v2sf) =	vpush v8, $0x9;
	s9 =	sor.u32 s3, s5;
	s3 =	sand.u32 $0xFFFFFF80, s2;
	s4 =	sand.u32 $0x7F, s2  }
0x2fa: {  	v11 =	vld [tilespmem:s15+$0x0];
	s0 =	sadd.s32 s3, s1;
	s1 =	sadd.s32 $0xDC80, s17;
	s2 =	spop (v2sf)  }
0x2fb: {  	s12 =	sor.u32 s4, s0;
	v40 =	vld [tilespmem:s31+$0x0];
	s31 =	sld [smem:$0x757];
	s5 =	sand.u32 $0xFFFFFF80, s2  }
0x2fc: {  	v14 =	vld [tilespmem:s16+$0x0];
	s13 =	sand.u32 $0x7F, s2;
	s14 =	sadd.s32 $0x10, s2;
	s16 =	sadd.s32 $0x20, s2  }
0x2fd: {  	v10 =	vld [tilespmem:s19+$0x0];
	s2 =	sadd.s32 $0x30, s2;
	s0 =	sadd.s32 s5, s7;
	s15 =	sand.u32 $0xFFFFFF80, s14  }
0x2fe: {  	v12 =	vld [tilespmem:s18+$0x0];
	s4 =	sand.u32 $0x7F, s14;
	s19 =	sand.u32 $0xFFFFFF80, s16;
	s3 =	sand.u32 $0x7F, s16  }
0x2ff: {  	v47 =	vld [tilespmem:s31+$0x0];
	s31 =	sld [smem:$0x75B];
	s13 =	sor.u32 s13, s0;
	s0 =	sadd.s32 s15, s7  }
0x300: {  	v16 =	vld [tilespmem:s21+$0x0];
	s5 =	sadd.s32 s19, s7;
	s19 =	sadd.s32 $0xDC00, s17;
	s15 =	sor.u32 s4, s0  }
0x301: {  	v15 =	vld [tilespmem:s24+$0x0];
	s14 =	sor.u32 s3, s5;
	s4 =	sand.u32 $0xFFFFFF80, s2;
	s5 =	sand.u32 $0x7F, s2  }
0x302: {  	s0 =	sadd.s32 s4, s7;
	s7 =	spop (v2sf);
	v56 =	vld [tilespmem:s31+$0x0];
	s31 =	sld [smem:$0x75E]  }
0x303: {  	v13 =	vld [tilespmem:s22+$0x0];
	s16 =	sor.u32 s5, s0;
	s18 =	sand.u32 $0xFFFFFF80, s7;
	s21 =	sand.u32 $0x7F, s7  }
0x304: {  	v17 =	vld [tilespmem:s23+$0x0];
	s22 =	sadd.s32 $0x10, s7;
	s24 =	sadd.s32 $0x20, s7;
	s2 =	sadd.s32 $0x30, s7  }
0x305: {  	v21 =	vld [tilespmem:s25+$0x0];
	s0 =	sadd.s32 s18, s19;
	s23 =	sand.u32 $0xFFFFFF80, s22;
	s4 =	sand.u32 $0x7F, s22  }
0x306: {  	v25 =	vld [tilespmem:s26+$0x0];
	(v2sf) =	vpush v8, $0xA;
	s25 =	sand.u32 $0xFFFFFF80, s24;
	s3 =	sand.u32 $0x7F, s24;
	s26 =	sand.u32 $0xFFFFFF80, s2  }
0x307: {  	v22 =	vld [tilespmem:s29+$0x0];
	s29 =	sand.u32 $0x7F, s2;
	s18 =	sor.u32 s21, s0;
	s0 =	sadd.s32 s23, s19  }
0x308: {  	s5 =	sadd.s32 s25, s19;
	s2 =	spop (v2sf);
	v61 =	vld [tilespmem:s31+$0x0];
	s31 =	sld [smem:$0x762]  }
0x309: {  	s23 =	sor.u32 s4, s0;
	s22 =	sor.u32 s3, s5;
	s0 =	sadd.s32 s26, s19  }
0x30a: {  	v34 =	vld [tilespmem:s30+$0x0];
	s30 =	sand.u32 $0xFFFFFF80, s2;
	s4 =	sand.u32 $0x7F, s2;
	s19 =	rddreg [dreg:$0x18]  }
0x30b: {  	s7 =	sadd.s32 $0x10, s2;
	s24 =	sadd.s32 $0x20, s2;
	s26 =	rddreg [dreg:$0x1f]  }
0x30c: {  	s25 =	sor.u32 s29, s0;
	s0 =	sadd.s32 s30, s1;
	s21 =	sand.u32 $0xFFFFFF80, s7  }
0x30d: {  	v42 =	vld [tilespmem:s28+$0x0];
	s28 =	sand.u32 $0xFFFFFF80, s24;
	s30 =	rddreg [dreg:$0x1a];
	s3 =	sand.u32 $0x7F, s24  }
0x30e: {  	(v2sf) =	vpush v8, $0xB;
	s24 =	sld [smem:$0x747];
	s29 =	sor.u32 s4, s0;
	s4 =	sand.u32 $0x7F, s7  }
0x30f: {  	s0 =	sadd.s32 s21, s1;
	s5 =	sadd.s32 s28, s1;
	s28 =	sld [smem:$0x748]  }
0x310: {  	v20 =	vld [tilespmem:s31+$0x0];
	s31 =	sld [smem:$0x766];
	s0 =	sor.u32 s4, s0  }
0x311: {  	s2 =	sadd.s32 $0x30, s2;
	v49 =	vld [tilespmem:s19+$0x0];
	s19 =	sor.u32 s3, s5;
	[smem:$0x781] =	sst s0  }
0x312: {  	s21 =	sand.u32 $0xFFFFFF80, s2;
	[smem:$0x782] =	sst s19  }
0x313: {  	v41 =	vld [tilespmem:s26+$0x0];
	s26 =	sand.u32 $0x7F, s2;
	s0 =	sadd.s32 s21, s1;
	s19 =	sld [smem:$0x74A]  }
0x314: {  	s0 =	sor.u32 s26, s0;
	s26 =	sld [smem:$0x74B]  }
0x315: {  	s1 =	sadd.s32 $0xDD00, s17;
	s2 =	spop (v2sf);
	[smem:$0x783] =	sst s0  }
0x316: {  	v51 =	vld [tilespmem:s30+$0x0];
	s30 =	sand.u32 $0xFFFFFF80, s2;
	s4 =	sand.u32 $0x7F, s2;
	s7 =	sadd.s32 $0x10, s2  }
0x317: {  	v4 =	vadd.f32 v9, v4;
	v53 =	vld [tilespmem:s24+$0x0];
	s24 =	sadd.s32 $0x20, s2;
	s2 =	sadd.s32 $0x30, s2;
	s0 =	sadd.s32 s30, s1  }
0x318: {  	(v2sf) =	vpush v8, $0xC;
	v54 =	vld [tilespmem:s28+$0x0];
	s21 =	sand.u32 $0xFFFFFF80, s7;
	s28 =	sand.u32 $0xFFFFFF80, s24;
	s30 =	sld [smem:$0x74C]  }
0x319: {  	v4 =	vadd.f32 v12, v4;
	v60 =	vld [tilespmem:s26+$0x0];
	s3 =	sand.u32 $0x7F, s24;
	s24 =	sld [smem:$0x74E];
	s26 =	sand.u32 $0x7F, s2  }
0x31a: {  	v0 =	vadd.f32 v5, v0;
	s0 =	sor.u32 s4, s0;
	s5 =	sadd.s32 s28, s1;
	s28 =	sld [smem:$0x74F]  }
0x31b: {  	v4 =	vadd.f32 v17, v4;
	v55 =	vld [tilespmem:s19+$0x0];
	s4 =	sand.u32 $0x7F, s7;
	[smem:$0x784] =	sst s0;
	s19 =	sor.u32 s3, s5  }
0x31c: {  	v0 =	vadd.f32 v11, v0;
	s0 =	sadd.s32 s21, s1;
	s21 =	sand.u32 $0xFFFFFF80, s2;
	[smem:$0x786] =	sst s19  }
0x31d: {  	v1 =	vadd.f32 v3, v1;
	v4 =	vadd.f32 v35, v4;
	s0 =	sor.u32 s4, s0;
	s2 =	spop (v2sf);
	s19 =	sld [smem:$0x751]  }
0x31e: {  	v0 =	vadd.f32 v16, v0;
	v62 =	vld [tilespmem:s30+$0x0];
	[smem:$0x785] =	sst s0;
	s0 =	sadd.s32 s21, s1;
	s30 =	sand.u32 $0xFFFFFF80, s2  }
0x31f: {  	v1 =	vadd.f32 v10, v1;
	v4 =	vadd.f32 v44, v4;
	s1 =	sadd.s32 $0xDD80, s17;
	s4 =	sand.u32 $0x7F, s2;
	s7 =	sadd.s32 $0x10, s2  }
0x320: {  	v0 =	vadd.f32 v21, v0;
	v31 =	vld [tilespmem:s24+$0x0];
	s24 =	sadd.s32 $0x20, s2;
	s0 =	sor.u32 s26, s0;
	s26 =	sld [smem:$0x752]  }
0x321: {  	v1 =	vadd.f32 v15, v1;
	v4 =	vadd.f32 v45, v4;
	[tilespmem:$0x1FAA0] =	vst v47;
	v32 =	vld [tilespmem:s28+$0x0];
	s28 =	sand.u32 $0xFFFFFF80, s24;
	s3 =	sand.u32 $0x7F, s24;
	s24 =	sld [smem:$0x755]  }
0x322: {  	v0 =	vadd.f32 v34, v0;
	v45 =	vld [tilespmem:$0x1FAA0];
	(v2sf) =	vpush v8, $0xD;
	s2 =	sadd.s32 $0x30, s2;
	s21 =	sand.u32 $0xFFFFFF80, s7;
	[smem:$0x787] =	sst s0  }
0x323: {  	[tilespmem:$0x1FA00] =	vst v18;
	v27 =	vld [tilespmem:s31+$0x0];
	s0 =	sadd.s32 s30, s1;
	s30 =	sld [smem:$0x753];
	s5 =	sadd.s32 s28, s1  }
0x324: {  	v1 =	vadd.f32 v22, v1;
	v0 =	vadd.f32 v49, v0;
	v49 =	vld [tilespmem:$0x1FA00];
	s28 =	sld [smem:$0x756];
	s0 =	sor.u32 s4, s0;
	s4 =	sand.u32 $0x7F, s7  }
0x325: {  	v36 =	vld [tilespmem:s19+$0x0];
	s19 =	sor.u32 s3, s5;
	[smem:$0x788] =	sst s0;
	s0 =	sadd.s32 s21, s1  }
0x326: {  	v1 =	vadd.f32 v42, v1;
	v37 =	vld [tilespmem:s26+$0x0];
	[smem:$0x78A] =	sst s19;
	s21 =	sand.u32 $0xFFFFFF80, s2;
	s26 =	sand.u32 $0x7F, s2  }
0x327: {  	[tilespmem:$0x1FB50] =	vst v20;
	v20 =	vld [tilespmem:s20+$0x0];
	s2 =	spop (v2sf);
	s19 =	sld [smem:$0x758];
	s0 =	sor.u32 s4, s0  }
0x328: {  	v1 =	vadd.f32 v41, v1;
	v43 =	vld [tilespmem:s24+$0x0];
	s24 =	sadd.s32 $0x20, s2;
	[smem:$0x789] =	sst s0;
	s0 =	sadd.s32 s21, s1  }
0x329: {  	[tilespmem:$0x1FA30] =	vst v33;
	v46 =	vld [tilespmem:s28+$0x0];
	s28 =	sand.u32 $0xFFFFFF80, s24;
	s3 =	sand.u32 $0x7F, s24;
	s24 =	sld [smem:$0x75C]  }
0x32a: {  	v1 =	vadd.f32 v54, v1;
	v54 =	vld [tilespmem:$0x1FA30];
	s1 =	sadd.s32 $0xDE00, s17;
	s0 =	sor.u32 s26, s0;
	s26 =	sld [smem:$0x759]  }
0x32b: {  	v38 =	vld [tilespmem:s30+$0x0];
	s30 =	sand.u32 $0xFFFFFF80, s2;
	s5 =	sadd.s32 s28, s1;
	s28 =	sld [smem:$0x75D]  }
0x32c: {  	[tilespmem:$0x1FB90] =	vst v27;
	v27 =	vld [tilespmem:s22+$0x0];
	(v2sf) =	vpush v8, $0xE;
	s4 =	sand.u32 $0x7F, s2;
	s7 =	sadd.s32 $0x10, s2;
	[smem:$0x78B] =	sst s0  }
0x32d: {  	v1 =	vadd.f32 v62, v1;
	[tilespmem:$0x1FA20] =	vst v32;
	v48 =	vld [tilespmem:s19+$0x0];
	s0 =	sadd.s32 s30, s1;
	s30 =	sld [smem:$0x75A];
	s19 =	sor.u32 s3, s5  }
0x32e: {  	[tilespmem:$0x1FAE0] =	vst v56;
	v0 =	vadd.f32 v53, v0;
	s2 =	sadd.s32 $0x30, s2;
	s21 =	sand.u32 $0xFFFFFF80, s7;
	v53 =	vld [tilespmem:$0x1FA20];
	[smem:$0x78E] =	sst s19  }
0x32f: {  	v1 =	vadd.f32 v54, v1;
	v54 =	vld [tilespmem:$0x1FAE0];
	[tilespmem:$0x1FA40] =	vst v36;
	s0 =	sor.u32 s4, s0;
	s4 =	sand.u32 $0x7F, s7;
	s19 =	sld [smem:$0x75F]  }
0x330: {  	v4 =	vadd.f32 v55, v4;
	v55 =	vld [tilespmem:$0x1FA40];
	[smem:$0x78C] =	sst s0;
	s0 =	sadd.s32 s21, s1;
	s21 =	sand.u32 $0xFFFFFF80, s2  }
0x331: {  	v50 =	vld [tilespmem:s26+$0x0];
	s26 =	sand.u32 $0x7F, s2;
	s2 =	spop (v2sf);
	s0 =	sor.u32 s4, s0  }
0x332: {  	v52 =	vld [tilespmem:s30+$0x0];
	s30 =	sand.u32 $0xFFFFFF80, s2;
	s4 =	sand.u32 $0x7F, s2;
	s7 =	sadd.s32 $0x10, s2  }
0x333: {  	v57 =	vld [tilespmem:s24+$0x0];
	s24 =	sadd.s32 $0x20, s2;
	[smem:$0x78D] =	sst s0;
	s0 =	sadd.s32 s21, s1  }
0x334: {  	[tilespmem:$0x1FA50] =	vst v37;
	v58 =	vld [tilespmem:s28+$0x0];
	s2 =	sadd.s32 $0x30, s2;
	s0 =	sor.u32 s26, s0;
	s26 =	sld [smem:$0x760]  }
0x335: {  	v0 =	vadd.f32 v60, v0;
	[tilespmem:$0x1FA80] =	vst v43;
	v60 =	vld [tilespmem:$0x1FA50];
	s1 =	sadd.s32 $0xDE80, s17;
	s21 =	sand.u32 $0xFFFFFF80, s7;
	[smem:$0x78F] =	sst s0  }
0x336: {  	[tilespmem:$0x1FA60] =	vst v38;
	v42 =	vld [tilespmem:$0x1FA80];
	s28 =	sand.u32 $0xFFFFFF80, s24;
	s0 =	sadd.s32 s30, s1;
	s30 =	sld [smem:$0x761]  }
0x337: {  	(v2sf) =	vpush v8, $0xF;
	v5 =	vld [tilespmem:$0x1FA60];
	s0 =	sor.u32 s4, s0;
	s4 =	sand.u32 $0x7F, s7;
	s7 =	sld [smem:$0x763]  }
0x338: {  	[tilespmem:$0x1FA90] =	vst v46;
	v63 =	vld [tilespmem:s19+$0x0];
	s3 =	sand.u32 $0x7F, s24;
	s19 =	sand.u32 $0x7F, s2;
	[smem:$0x790] =	sst s0  }
0x339: {  	v44 =	vld [tilespmem:$0x1FA90];
	s5 =	sadd.s32 s28, s1;
	s0 =	sadd.s32 s21, s1;
	s21 =	sld [smem:$0x764]  }
0x33a: {  	v18 =	vld [tilespmem:s26+$0x0];
	s26 =	sld [smem:$0x765];
	s0 =	sor.u32 s4, s0;
	s4 =	sor.u32 s3, s5  }
0x33b: {  	v19 =	vld [tilespmem:s30+$0x0];
	s5 =	sand.u32 $0xFFFFFF80, s2;
	s2 =	spop (v2sf);
	[smem:$0x791] =	sst s0  }
0x33c: {  	[smem:$0x792] =	sst s4;
	v23 =	vld [tilespmem:s7+$0x0];
	s0 =	sadd.s32 s5, s1;
	s24 =	sand.u32 $0xFFFFFF80, s2  }
0x33d: {  	s1 =	sadd.s32 $0xDF00, s17;
	s28 =	sand.u32 $0x7F, s2;
	v24 =	vld [tilespmem:s21+$0x0];
	s21 =	sld [smem:$0x767]  }
0x33e: {  	[tilespmem:$0x1FAD0] =	vst v52;
	s30 =	sadd.s32 $0x10, s2;
	s0 =	sor.u32 s19, s0;
	v26 =	vld [tilespmem:s26+$0x0];
	s26 =	sld [smem:$0x768]  }
0x33f: {  	v0 =	vadd.f32 v53, v0;
	v53 =	vld [tilespmem:$0x1FAD0];
	s7 =	sand.u32 $0xFFFFFF80, s30;
	[smem:$0x793] =	sst s0;
	s0 =	sadd.s32 s24, s1  }
0x340: {  	s19 =	sadd.s32 $0x20, s2;
	s0 =	sor.u32 s28, s0;
	s28 =	sld [smem:$0x769];
	v28 =	vld [tilespmem:s21+$0x0]  }
0x341: {  	s4 =	sand.u32 $0x7F, s30;
	s2 =	sadd.s32 $0x30, s2;
	[smem:$0x794] =	sst s0;
	v29 =	vld [tilespmem:s26+$0x0]  }
0x342: {  	(v2sf) =	vpush v6, $0x0;
	s24 =	sand.u32 $0xFFFFFF80, s19;
	s0 =	sadd.s32 s7, s1;
	s7 =	sld [smem:$0x76B];
	[tilespmem:$0x1FB60] =	vst v23;
	v23 =	vld [tilespmem:s8+$0x0]  }
0x343: {  	[tilespmem:$0x1FA70] =	vst v40;
	s3 =	sand.u32 $0x7F, s19;
	s31 =	sand.u32 $0xFFFFFF80, s2;
	s21 =	sld [smem:$0x76C];
	v30 =	vld [tilespmem:s28+$0x0]  }
0x344: {  	s5 =	sadd.s32 s24, s1;
	s0 =	sor.u32 s4, s0;
	s4 =	sld [smem:$0x76A];
	[tilespmem:$0x1FB80] =	vst v26;
	v26 =	vld [tilespmem:s23+$0x0]  }
0x345: {  	s30 =	sor.u32 s3, s5;
	s5 =	sand.u32 $0x7F, s2;
	[tilespmem:$0x1FB70] =	vst v24;
	[smem:$0x795] =	sst s0;
	v24 =	vadd.f32 v7, v2;
	v7 =	vld [tilespmem:$0x1FA70]  }
0x346: {  	s2 =	spop (v2sf);
	s0 =	sadd.s32 s31, s1;
	s28 =	sld [smem:$0x76D];
	v32 =	vld [tilespmem:s7+$0x0]  }
0x347: {  	[smem:$0x796] =	sst s30;
	s19 =	sand.u32 $0xFFFFFF80, s2;
	s0 =	sor.u32 s5, s0;
	v33 =	vld [tilespmem:s21+$0x0]  }
0x348: {  	[tilespmem:$0x1FA10] =	vst v31;
	s24 =	sand.u32 $0x7F, s2;
	s1 =	sadd.s32 $0xDF80, s17;
	v31 =	vld [tilespmem:s4+$0x0];
	[smem:$0x797] =	sst s0  }
0x349: {  	s26 =	sadd.s32 $0x10, s2;
	s0 =	sadd.s32 s19, s1;
	s19 =	sld [smem:$0x76E];
	v36 =	vld [tilespmem:s28+$0x0]  }
0x34a: {  	s31 =	sadd.s32 $0x20, s2;
	[tilespmem:$0x1FBA0] =	vst v28;
	s0 =	sor.u32 s24, s0;
	s24 =	sld [smem:$0x76F];
	v28 =	vld [tilespmem:s16+$0x0]  }
0x34b: {  	s30 =	sand.u32 $0xFFFFFF80, s26;
	s21 =	sand.u32 $0xFFFFFF80, s31;
	[smem:$0x798] =	sst s0;
	[tilespmem:$0x1FCE0] =	vst v23;
	v23 =	vld [tilespmem:s25+$0x0]  }
0x34c: {  	s4 =	sand.u32 $0x7F, s26;
	s0 =	sadd.s32 s30, s1;
	s30 =	sld [smem:$0x770];
	v37 =	vld [tilespmem:s19+$0x0]  }
0x34d: {  	s7 =	sadd.s32 $0x1000, s6;
	[tilespmem:$0x1FBC0] =	vst v30;
	s0 =	sor.u32 s4, s0;
	s19 =	sld [smem:$0x771];
	v30 =	vld [tilespmem:s14+$0x0]  }
0x34e: {  	s26 =	sand.u32 $0x7F, s31;
	s31 =	sadd.s32 $0x30, s2;
	v38 =	vld [tilespmem:s24+$0x0];
	[smem:$0x799] =	sst s0  }
0x34f: {  	s2 =	sand.u32 $0x3FFFFF00, s7;
	s28 =	sadd.s32 s21, s1;
	[tilespmem:$0x1FBF0] =	vst v33;
	s24 =	sld [smem:$0x772];
	v33 =	vld [tilespmem:s29+$0x0]  }
0x350: {  	(v2sf) =	vpush v6, $0x1;
	s21 =	sand.u32 $0xFFFFFF80, s31;
	s0 =	sor.u32 s26, s28;
	s28 =	sld [smem:$0x773];
	v40 =	vld [tilespmem:s30+$0x0]  }
0x351: {  	s2 =	sadd.s32 $0xD000, s2;
	s4 =	spop (v2sf);
	[smem:$0x79A] =	sst s0;
	v43 =	vld [tilespmem:s19+$0x0]  }
0x352: {  	s26 =	sand.u32 $0xFFFFFF80, s4;
	s0 =	sand.u32 $0x7F, s31;
	s31 =	sld [smem:$0x774];
	[tilespmem:$0x1FC00] =	vst v36;
	v36 =	vld [tilespmem:s12+$0x0]  }
0x353: {  	s3 =	sadd.s32 s26, s2;
	s26 =	sld [smem:$0x776];
	v46 =	vld [tilespmem:s24+$0x0]  }
0x354: {  	v3 =	vadd.f32 v14, v24;
	v47 =	vld [tilespmem:s28+$0x0]  }
0x355: {  	[tilespmem:$0x1FB20] =	vst v63;
	s30 =	sand.u32 $0x7F, s4;
	s19 =	sld [smem:$0x775];
	v63 =	vld [tilespmem:s31+$0x0]  }
0x356: {  	[tilespmem:$0x1FB00] =	vst v58;
	v3 =	vadd.f32 v13, v3;
	s7 =	sadd.s32 $0x10, s4;
	s6 =	sor.u32 s30, s3;
	s30 =	sld [smem:$0x777];
	v58 =	vld [tilespmem:s26+$0x0]  }
0x357: {  	s1 =	sadd.s32 s21, s1;
	s21 =	sand.u32 $0xFFFFFF80, s7;
	[tilespmem:$0x1FC10] =	vst v37;
	v37 =	vld [tilespmem:s11+$0x0]  }
0x358: {  	[tilespmem:$0x1FAB0] =	vst v48;
	v3 =	vadd.f32 v25, v3;
	s24 =	sadd.s32 $0x20, s4;
	s4 =	sadd.s32 $0x30, s4;
	s31 =	sor.u32 s0, s1;
	v48 =	vld [tilespmem:s19+$0x0]  }
0x359: {  	[tilespmem:$0x1FB10] =	vst v61;
	(v2sf) =	vpush v6, $0x2;
	s1 =	sadd.s32 s21, s2;
	s28 =	sand.u32 $0xFFFFFF80, s24;
	s21 =	sld [smem:$0x778];
	v61 =	vld [tilespmem:s30+$0x0]  }
0x35a: {  	v3 =	vadd.f32 v39, v3;
	s0 =	sand.u32 $0x7F, s7;
	[tilespmem:$0x1FC20] =	vst v38;
	s7 =	sadd.s32 s28, s2;
	s28 =	sld [smem:$0x779];
	v38 =	vld [tilespmem:s10+$0x0]  }
0x35b: {  	s26 =	sand.u32 $0x7F, s4;
	s19 =	sand.u32 $0xFFFFFF80, s4;
	s4 =	sld [smem:$0x77A];
	[tilespmem:$0x1FC30] =	vst v40;
	v40 =	vld [tilespmem:s18+$0x0]  }
0x35c: {  	[tilespmem:$0x1FAC0] =	vst v50;
	v3 =	vadd.f32 v51, v3;
	v50 =	vld [tilespmem:s21+$0x0]  }
0x35d: {  	(v2sf) =	vpush v6, $0x3;
	[smem:$0x79B] =	sst s6;
	v56 =	vld [tilespmem:s28+$0x0]  }
0x35e: {  	v0 =	vadd.f32 v5, v0;
	[tilespmem:$0x1FB40] =	vst v19;
	s30 =	sor.u32 s0, s1;
	s1 =	sadd.s32 s19, s2;
	v3 =	vadd.f32 v59, v3;
	s21 =	sld [smem:$0x77C];
	v52 =	vld [tilespmem:s4+$0x0]  }
0x35f: {  	s0 =	spop (v2sf);
	s3 =	sor.u32 s26, s1;
	s26 =	sld [smem:$0x77D];
	[tilespmem:$0x1FC60] =	vst v47;
	v47 =	vld [tilespmem:s15+$0x0]  }
0x360: {  	[tilespmem:$0x1FAF0] =	vst v57;
	s24 =	sand.u32 $0x7F, s24;
	s5 =	sand.u32 $0xFFFFFF80, s0;
	s2 =	sadd.s32 $0xE080, s17;
	v3 =	vadd.f32 v49, v3;
	v49 =	vadd.f32 v45, v0;
	v45 =	vld [tilespmem:$0x1FB40]  }
0x361: {  	[tilespmem:$0x1FB30] =	vst v18;
	s6 =	sadd.s32 $0x10, s0;
	s1 =	sadd.s32 s5, s2;
	s5 =	sld [smem:$0x77F];
	v18 =	vld [tilespmem:s21+$0x0]  }
0x362: {  	s19 =	sand.u32 $0xFFFFFF80, s6;
	[tilespmem:$0x1FC50] =	vst v46;
	s28 =	sor.u32 s24, s7;
	[smem:$0x79C] =	sst s3;
	v46 =	vld [tilespmem:s26+$0x0]  }
0x363: {  	s7 =	sld [smem:$0x77B];
	s3 =	sand.u32 $0x7F, s6;
	s4 =	sadd.s32 s19, s2;
	[tilespmem:$0x1FC70] =	vst v48;
	v48 =	vld [tilespmem:s13+$0x0]  }
0x364: {  	s24 =	sand.u32 $0x7F, s0;
	s6 =	sadd.s32 $0x20, s0;
	s0 =	sadd.s32 $0x30, s0;
	v59 =	vadd.f32 v55, v3;
	v55 =	vld [tilespmem:$0x1FAF0]  }
0x365: {  	s24 =	sor.u32 s24, s1;
	s19 =	sand.u32 $0xFFFFFF80, s6;
	s21 =	sld [smem:$0x77E];
	[tilespmem:$0x1FC80] =	vst v50;
	v50 =	vld [tilespmem:$0x1FA10]  }
0x366: {  	s26 =	sand.u32 $0x7F, s6;
	s1 =	sadd.s32 s19, s2;
	s6 =	sand.u32 $0xFFFFFF80, s0;
	v41 =	vadd.f32 v54, v49;
	v54 =	vld [tilespmem:s31+$0x0]  }
0x367: {  	s0 =	sand.u32 $0x7F, s0;
	v57 =	vld [tilespmem:s7+$0x0];
	s7 =	sor.u32 s3, s4;
	s26 =	sor.u32 s26, s1  }
0x368: {  	s3 =	spop (v2sf);
	s1 =	sadd.s32 s6, s2;
	[smem:$0x79D] =	sst s7;
	v34 =	vadd.f32 v42, v59;
	v42 =	vld [tilespmem:$0x1FB20]  }
0x369: {  	s4 =	sadd.s32 $0xE100, s17;
	s7 =	sld [smem:$0x780];
	s19 =	sand.u32 $0xFFFFFF80, s3;
	v19 =	vld [tilespmem:s21+$0x0]  }
0x36a: {  	s20 =	sand.u32 $0x7F, s3;
	s2 =	sadd.s32 s19, s4;
	s19 =	sadd.s32 $0x20, s3;
	v51 =	vadd.f32 v50, v4;
	v50 =	vld [tilespmem:$0x1FAB0]  }
0x36b: {  	[tilespmem:$0x1FC90] =	vst v52;
	s21 =	sor.u32 s0, s1;
	v52 =	vld [tilespmem:s9+$0x0];
	s6 =	sor.u32 s20, s2;
	s20 =	sand.u32 $0xFFFFFF80, s19  }
0x36c: {  	[tilespmem:$0x1FC40] =	vst v43;
	s2 =	sand.u32 $0x7F, s19;
	s8 =	spop (v2sf);
	v43 =	vld [tilespmem:s7+$0x0];
	[smem:$0x79E] =	sst s6  }
0x36d: {  	v25 =	vadd.f32 v7, v1;
	(v2sf) =	vpush v6, $0x4;
	s7 =	sadd.s32 $0x10, s3;
	s3 =	sadd.s32 $0x30, s3;
	s9 =	sand.u32 $0xFFFFFF80, s8;
	[tilespmem:$0x1FCA0] =	vst v57;
	v57 =	vld [tilespmem:s5+$0x0]  }
0x36e: {  	s11 =	sadd.s32 $0x10, s8;
	s13 =	sand.u32 $0x7F, s8;
	s14 =	sadd.s32 $0x20, s8;
	v62 =	vadd.f32 v60, v51;
	v51 =	vld [tilespmem:$0x1FAC0]  }
0x36f: {  	s10 =	sand.u32 $0xFFFFFF80, s7;
	s0 =	sand.u32 $0x7F, s7;
	s5 =	sadd.s32 s20, s4;
	v39 =	vadd.f32 v50, v25;
	v25 =	vld [tilespmem:$0x1FB10]  }
0x370: {  	v59 =	vld [tilespmem:$0x1FB00];
	s6 =	sand.u32 $0xFFFFFF80, s3;
	s3 =	sand.u32 $0x7F, s3;
	s12 =	sand.u32 $0xFFFFFF80, s11;
	v35 =	vadd.f32 v44, v62  }
0x371: {  	s1 =	sadd.s32 s10, s4;
	s19 =	sor.u32 s2, s5;
	s10 =	sadd.s32 $0xE180, s17;
	v50 =	vld [tilespmem:$0x1FB60]  }
0x372: {  	v49 =	vld [tilespmem:$0x1FB50];
	s5 =	sld [smem:$0x78B];
	s0 =	sor.u32 s0, s1;
	s1 =	sadd.s32 s6, s4;
	v35 =	vadd.f32 v53, v35  }
0x373: {  	v41 =	vadd.f32 v42, v41;
	v42 =	vld [tilespmem:$0x1FB90];
	s4 =	sadd.s32 s12, s10;
	[smem:$0x79F] =	sst s0;
	s7 =	sor.u32 s3, s1;
	v34 =	vadd.f32 v51, v34  }
0x374: {  	s3 =	sand.u32 $0x7F, s11;
	s0 =	sadd.s32 $0x30, s8;
	s8 =	sld [smem:$0x781];
	v35 =	vadd.f32 v25, v35;
	v25 =	vld [tilespmem:$0x1FB80]  }
0x375: {  	s11 =	sld [smem:$0x782];
	s16 =	sor.u32 s3, s4;
	v13 =	vld [tilespmem:s5+$0x0];
	v34 =	vadd.f32 v59, v34  }
0x376: {  	[smem:$0x7A1] =	sst s16;
	v41 =	vadd.f32 v50, v41;
	v50 =	vld [tilespmem:$0x1FBC0]  }
0x377: {  	s16 =	sld [smem:$0x783];
	v44 =	vld [tilespmem:$0x1FB30];
	v34 =	vadd.f32 v45, v34  }
0x378: {  	[tilespmem:$0x1FBE0] =	vst v32;
	(v2sf) =	vpush v6, $0x5;
	v32 =	vld [tilespmem:s8+$0x0]  }
0x379: {  	[tilespmem:$0x1FBD0] =	vst v31;
	s18 =	sand.u32 $0xFFFFFF80, s14;
	v31 =	vld [tilespmem:s11+$0x0];
	v34 =	vadd.f32 v25, v34  }
0x37a: {  	[tilespmem:$0x1FBB0] =	vst v29;
	s20 =	sand.u32 $0x7F, s14;
	s1 =	sadd.s32 s9, s10;
	[smem:$0x7A0] =	sst s7;
	v29 =	vld [tilespmem:s16+$0x0];
	v39 =	vadd.f32 v55, v39  }
0x37b: {  	s15 =	sor.u32 s13, s1;
	s1 =	sadd.s32 s18, s10;
	s22 =	sand.u32 $0xFFFFFF80, s0;
	v35 =	vadd.f32 v49, v35;
	v34 =	vadd.f32 v50, v34;
	v50 =	vld [tilespmem:$0x1FC00]  }
0x37c: {  	s23 =	spop (v2sf);
	s4 =	sadd.s32 $0xE200, s17;
	s0 =	sand.u32 $0x7F, s0;
	v39 =	vadd.f32 v44, v39;
	v44 =	vld [tilespmem:$0x1FBA0]  }
0x37d: {  	s5 =	sadd.s32 $0xE300, s17;
	s18 =	sor.u32 s20, s1;
	s1 =	sadd.s32 s22, s10;
	v35 =	vadd.f32 v42, v35;
	v42 =	vld [tilespmem:$0x1FBE0]  }
0x37e: {  	s6 =	sand.u32 $0xFFFFFF80, s23;
	s7 =	sand.u32 $0x7F, s23;
	s10 =	sadd.s32 $0x10, s23;
	v25 =	vld [tilespmem:$0x1FBD0]  }
0x37f: {  	(v2sf) =	vpush v6, $0x6;
	s13 =	sadd.s32 $0x20, s23;
	s3 =	sadd.s32 $0x30, s23;
	s22 =	sld [smem:$0x784];
	v51 =	vld [tilespmem:$0x1FB70]  }
0x380: {  	s2 =	sadd.s32 s6, s4;
	s14 =	sor.u32 s0, s1;
	s6 =	sld [smem:$0x785];
	v34 =	vadd.f32 v50, v34;
	v50 =	vld [tilespmem:$0x1FC20]  }
0x381: {  	s12 =	sand.u32 $0xFFFFFF80, s10;
	s0 =	sand.u32 $0x7F, s10;
	s8 =	sld [smem:$0x787];
	v45 =	vld [tilespmem:$0x1FBB0];
	v41 =	vadd.f32 v44, v41  }
0x382: {  	[tilespmem:$0x1FCD0] =	vst v20;
	s20 =	sand.u32 $0xFFFFFF80, s13;
	s9 =	sor.u32 s7, s2;
	s7 =	sld [smem:$0x786];
	v20 =	vld [tilespmem:s22+$0x0]  }
0x383: {  	s25 =	sand.u32 $0xFFFFFF80, s3;
	s2 =	sand.u32 $0x7F, s13;
	s13 =	sld [smem:$0x788];
	v44 =	vld [tilespmem:$0x1FBF0];
	v35 =	vadd.f32 v25, v35;
	v25 =	vadd.f32 v42, v41  }
0x384: {  	[tilespmem:$0x1FCC0] =	vst v19;
	s1 =	sadd.s32 s12, s4;
	s23 =	sadd.s32 s20, s4;
	s20 =	sld [smem:$0x789];
	v19 =	vld [tilespmem:s6+$0x0];
	v39 =	vadd.f32 v51, v39  }
0x385: {  	s3 =	sand.u32 $0x7F, s3;
	[smem:$0x7A2] =	sst s9;
	s29 =	sor.u32 s0, s1;
	v25 =	vadd.f32 v50, v25;
	v50 =	vld [tilespmem:$0x1FC30]  }
0x386: {  	s1 =	sadd.s32 s25, s4;
	s11 =	sor.u32 s2, s23;
	s2 =	sadd.s32 $0xE280, s17;
	v24 =	vld [tilespmem:s8+$0x0];
	v39 =	vadd.f32 v45, v39  }
0x387: {  	[tilespmem:$0x1FCB0] =	vst v18;
	s25 =	sld [smem:$0x78A];
	s12 =	sor.u32 s3, s1;
	v18 =	vld [tilespmem:s7+$0x0];
	s0 =	spop (v2sf)  }
0x388: {  	v22 =	vld [tilespmem:s13+$0x0];
	s7 =	sld [smem:$0x78C];
	s9 =	sand.u32 $0xFFFFFF80, s0;
	s10 =	sadd.s32 $0x10, s0;
	v39 =	vadd.f32 v44, v39  }
0x389: {  	(v2sf) =	vpush v6, $0x7;
	v21 =	vld [tilespmem:s20+$0x0];
	s22 =	sand.u32 $0x7F, s0;
	s23 =	sadd.s32 $0x20, s0;
	s0 =	sadd.s32 $0x30, s0  }
0x38a: {  	s1 =	sadd.s32 s9, s2;
	s16 =	sand.u32 $0xFFFFFF80, s10;
	s3 =	sand.u32 $0x7F, s10;
	v0 =	vadd.f32 v50, v39;
	v50 =	vld [tilespmem:$0x1FC40]  }
0x38b: {  	v14 =	vld [tilespmem:s25+$0x0];
	s6 =	sand.u32 $0x7F, s23;
	s8 =	sand.u32 $0xFFFFFF80, s0;
	s10 =	sld [smem:$0x78D]  }
0x38c: {  	s0 =	sand.u32 $0x7F, s0;
	s4 =	sadd.s32 s16, s2;
	s9 =	sor.u32 s22, s1;
	v12 =	vld [tilespmem:s7+$0x0]  }
0x38d: {  	s16 =	sld [smem:$0x78E];
	s25 =	sor.u32 s3, s4;
	s4 =	sand.u32 $0xFFFFFF80, s23;
	v41 =	vld [tilespmem:$0x1FC10]  }
0x38e: {  	s22 =	sld [smem:$0x78F];
	v51 =	vld [tilespmem:s28+$0x0];
	s3 =	spop (v2sf);
	s1 =	sadd.s32 s4, s2  }
0x38f: {  	s13 =	sand.u32 $0xFFFFFF80, s3;
	s20 =	sand.u32 $0x7F, s3;
	s4 =	sld [smem:$0x794];
	v34 =	vadd.f32 v50, v34;
	v50 =	vld [tilespmem:$0x1FC50]  }
0x390: {  	v10 =	vld [tilespmem:s10+$0x0];
	s23 =	sor.u32 s6, s1;
	s1 =	sadd.s32 s8, s2;
	s8 =	sld [smem:$0x790]  }
0x391: {  	v17 =	vld [tilespmem:s16+$0x0];
	s2 =	sadd.s32 s13, s5;
	s6 =	sadd.s32 $0x10, s3;
	s16 =	sld [smem:$0x791]  }
0x392: {  	v16 =	vld [tilespmem:s22+$0x0];
	s7 =	sor.u32 s0, s1;
	s22 =	sor.u32 s20, s2;
	s10 =	sand.u32 $0xFFFFFF80, s6;
	v35 =	vadd.f32 v41, v35  }
0x393: {  	(v2sf) =	vpush v6, $0x8;
	s13 =	sand.u32 $0x7F, s6;
	s2 =	sadd.s32 $0x20, s3;
	s3 =	sadd.s32 $0x30, s3;
	v15 =	vld [tilespmem:s8+$0x0]  }
0x394: {  	s1 =	sadd.s32 s10, s5;
	s10 =	sand.u32 $0xFFFFFF80, s3;
	s8 =	sld [smem:$0x792];
	v1 =	vadd.f32 v50, v35;
	v50 =	vld [tilespmem:$0x1FC60]  }
0x395: {  	v11 =	vld [tilespmem:s16+$0x0];
	s16 =	sor.u32 s13, s1;
	s1 =	sadd.s32 s10, s5;
	s10 =	sld [smem:$0x796]  }
0x396: {  	s28 =	sld [smem:$0x79C];
	s20 =	sand.u32 $0xFFFFFF80, s2;
	v8 =	vld [tilespmem:s4+$0x0]  }
0x397: {  	s0 =	sadd.s32 s20, s5;
	s20 =	sand.u32 $0x7F, s3;
	s5 =	sld [smem:$0x795];
	v9 =	vld [tilespmem:s8+$0x0]  }
0x398: {  	s13 =	sld [smem:$0x793];
	s20 =	sor.u32 s20, s1;
	s1 =	spop (v2sf);
	v5 =	vld [tilespmem:s10+$0x0]  }
0x399: {  	s2 =	sand.u32 $0x7F, s2;
	s8 =	sadd.s32 $0x10, s1;
	s10 =	sld [smem:$0x798];
	v25 =	vadd.f32 v50, v25;
	v50 =	vld [tilespmem:$0x1FC70]  }
0x39a: {  	v7 =	vld [tilespmem:s5+$0x0];
	s5 =	sand.u32 $0xFFFFFF80, s8;
	s4 =	sand.u32 $0x7F, s8;
	s8 =	sld [smem:$0x797]  }
0x39b: {  	(v2sf) =	vpush v6, $0x9;
	s6 =	sand.u32 $0xFFFFFF80, s1;
	v4 =	vld [tilespmem:s13+$0x0];
	s13 =	sor.u32 s2, s0;
	s2 =	sadd.s32 $0xE380, s17  }
0x39c: {  	s6 =	sadd.s32 s6, s2;
	s3 =	sadd.s32 s5, s2;
	s5 =	sand.u32 $0x7F, s1;
	v62 =	vld [tilespmem:s10+$0x0]  }
0x39d: {  	s0 =	sadd.s32 $0x20, s1;
	s5 =	sor.u32 s5, s6;
	s6 =	sld [smem:$0x799];
	v3 =	vld [tilespmem:s8+$0x0]  }
0x39e: {  	s10 =	sor.u32 s4, s3;
	s4 =	sld [smem:$0x79B];
	s8 =	sand.u32 $0xFFFFFF80, s0;
	v34 =	vadd.f32 v50, v34;
	v50 =	vld [tilespmem:$0x1FC80]  }
0x39f: {  	v49 =	vld [tilespmem:s28+$0x0];
	s3 =	sadd.s32 s8, s2;
	s8 =	sld [smem:$0x79A]  }
0x3a0: {  	s28 =	sld [smem:$0x79D];
	v60 =	vld [tilespmem:s6+$0x0];
	s6 =	sadd.s32 $0x30, s1  }
0x3a1: {  	s0 =	sand.u32 $0x7F, s0;
	v53 =	vld [tilespmem:s4+$0x0];
	s1 =	sand.u32 $0xFFFFFF80, s6;
	s6 =	sand.u32 $0x7F, s6;
	v2 =	vadd.f32 v63, v0  }
0x3a2: {  	v59 =	vld [tilespmem:s8+$0x0];
	s8 =	sor.u32 s0, s3;
	s3 =	spop (v2sf);
	s31 =	sadd.s32 s1, s2  }
0x3a3: {  	s0 =	sadd.s32 $0xE400, s17;
	s2 =	sand.u32 $0xFFFFFF80, s3;
	s4 =	sand.u32 $0x7F, s3;
	v2 =	vadd.f32 v50, v2;
	v50 =	vld [tilespmem:$0x1FC90]  }
0x3a4: {  	s31 =	sor.u32 s6, s31;
	s6 =	sadd.s32 $0x10, s3;
	s2 =	sadd.s32 s2, s0  }
0x3a5: {  	v55 =	vld [tilespmem:s30+$0x0];
	(v2sf) =	vpush v6, $0xA;
	s1 =	sand.u32 $0x7F, s6;
	s30 =	sor.u32 s4, s2  }
0x3a6: {  	v45 =	vld [tilespmem:s24+$0x0];
	s2 =	sand.u32 $0xFFFFFF80, s6;
	s6 =	sadd.s32 $0x20, s3;
	s3 =	sadd.s32 $0x30, s3;
	v0 =	vadd.f32 v58, v1  }
0x3a7: {  	v42 =	vld [tilespmem:s28+$0x0];
	s2 =	sadd.s32 s2, s0;
	s4 =	sand.u32 $0xFFFFFF80, s6;
	s28 =	sand.u32 $0x7F, s6  }
0x3a8: {  	s6 =	sld [smem:$0x79E];
	s24 =	sor.u32 s1, s2;
	s2 =	sand.u32 $0xFFFFFF80, s3;
	v0 =	vadd.f32 v50, v0;
	v50 =	vld [tilespmem:$0x1FCA0]  }
0x3a9: {  	v44 =	vld [tilespmem:s26+$0x0];
	s1 =	sadd.s32 s4, s0;
	s3 =	sand.u32 $0x7F, s3;
	s0 =	sadd.s32 s2, s0  }
0x3aa: {  	v41 =	vld [tilespmem:s21+$0x0];
	s26 =	sor.u32 s3, s0;
	s0 =	spop (v2sf);
	v34 =	vadd.f32 v56, v34  }
0x3ab: {  	(v2sf) =	vpush v6, $0xB;
	s2 =	sadd.s32 $0xE480, s17;
	v39 =	vld [tilespmem:s6+$0x0];
	s3 =	sand.u32 $0xFFFFFF80, s0;
	s21 =	sadd.s32 $0x10, s0;
	v25 =	vadd.f32 v61, v25  }
0x3ac: {  	s4 =	sadd.s32 s3, s2;
	s6 =	sand.u32 $0xFFFFFF80, s21;
	v34 =	vadd.f32 v46, v34;
	v46 =	vld [tilespmem:$0x1FCC0]  }
0x3ad: {  	s3 =	sand.u32 $0x7F, s21;
	s21 =	sld [smem:$0x79F];
	s6 =	sadd.s32 s6, s2;
	v25 =	vadd.f32 v50, v25  }
0x3ae: {  	v63 =	vld [tilespmem:s19+$0x0];
	s19 =	sor.u32 s3, s6;
	s6 =	sld [smem:$0x7A0]  }
0x3af: {  	v25 =	vadd.f32 v57, v25;
	v57 =	vld [tilespmem:$0x1FCD0]  }
0x3b0: {  	s28 =	sor.u32 s28, s1;
	s1 =	sadd.s32 $0x20, s0;
	v35 =	vld [tilespmem:s21+$0x0]  }
0x3b1: {  	s3 =	sand.u32 $0xFFFFFF80, s1;
	s1 =	sand.u32 $0x7F, s1;
	v1 =	vld [tilespmem:s6+$0x0];
	v0 =	vadd.f32 v46, v0  }
0x3b2: {  	s3 =	sadd.s32 s3, s2;
	s21 =	sand.u32 $0x7F, s0;
	s6 =	sld [smem:$0x7A1];
	v50 =	vld [tilespmem:$0x1FCB0]  }
0x3b3: {  	s0 =	sadd.s32 $0x30, s0;
	s21 =	sor.u32 s21, s4;
	s4 =	sadd.s32 $0xE500, s17;
	v61 =	vld [tilespmem:s15+$0x0];
	v0 =	vadd.f32 v38, v0  }
0x3b4: {  	(v2sf) =	vpush v6, $0xC;
	s15 =	sor.u32 s1, s3;
	s1 =	sand.u32 $0xFFFFFF80, s0;
	s3 =	spop (v2sf);
	v34 =	vadd.f32 v57, v34;
	v57 =	vld [tilespmem:$0x1FCE0]  }
0x3b5: {  	v58 =	vld [tilespmem:s6+$0x0];
	s0 =	sand.u32 $0x7F, s0;
	s1 =	sadd.s32 s1, s2;
	s6 =	sand.u32 $0xFFFFFF80, s3;
	v0 =	vadd.f32 v36, v0  }
0x3b6: {  	s2 =	sadd.s32 s6, s4;
	s6 =	sand.u32 $0x7F, s3;
	v56 =	vld [tilespmem:s18+$0x0];
	s18 =	sor.u32 s0, s1  }
0x3b7: {  	s0 =	sadd.s32 $0x10, s3;
	v0 =	vadd.f32 v28, v0;
	v2 =	vadd.f32 v50, v2;
	v50 =	vld [tilespmem:s14+$0x0];
	s14 =	sor.u32 s6, s2;
	s2 =	sld [smem:$0x7A2]  }
0x3b8: {  	v38 =	vld [tilespmem:s11+$0x0];
	s6 =	sand.u32 $0xFFFFFF80, s0  }
0x3b9: {  	s0 =	sand.u32 $0x7F, s0;
	v0 =	vadd.f32 v23, v0;
	v23 =	vld [tilespmem:s16+$0x0];
	s16 =	sadd.s32 $0xE600, s17;
	s1 =	sadd.s32 s6, s4;
	v25 =	vadd.f32 v57, v25  }
0x3ba: {  	(v2sf) =	vpush v6, $0xD;
	v2 =	vadd.f32 v43, v2;
	s11 =	sor.u32 s0, s1;
	s0 =	spop (v2sf);
	v46 =	vld [tilespmem:s2+$0x0];
	s2 =	sadd.s32 $0x20, s3  }
0x3bb: {  	v43 =	vld [tilespmem:s29+$0x0];
	v0 =	vadd.f32 v29, v0;
	s3 =	sadd.s32 $0x30, s3;
	s29 =	sand.u32 $0xFFFFFF80, s2;
	s2 =	sand.u32 $0x7F, s2;
	v25 =	vadd.f32 v48, v25  }
0x3bc: {  	v36 =	vld [tilespmem:s9+$0x0];
	v2 =	vadd.f32 v37, v2;
	v34 =	vadd.f32 v52, v34;
	s6 =	sadd.s32 s29, s4;
	s29 =	sand.u32 $0xFFFFFF80, s3;
	s3 =	sand.u32 $0x7F, s3  }
0x3bd: {  	v37 =	vld [tilespmem:s12+$0x0];
	v0 =	vadd.f32 v24, v0;
	s1 =	sadd.s32 s29, s4;
	s12 =	sor.u32 s2, s6;
	s4 =	sand.u32 $0xFFFFFF80, s0;
	v25 =	vadd.f32 v40, v25  }
0x3be: {  	v2 =	vadd.f32 v47, v2;
	v34 =	vadd.f32 v30, v34;
	v30 =	vld [tilespmem:s25+$0x0];
	s2 =	sadd.s32 $0xE580, s17;
	s6 =	sadd.s32 $0x10, s0;
	s25 =	sand.u32 $0x7F, s0  }
0x3bf: {  	v28 =	vld [tilespmem:s23+$0x0];
	(v2sf) =	vpush v6, $0xE;
	s29 =	sadd.s32 $0x20, s0;
	s0 =	sadd.s32 $0x30, s0;
	s9 =	sor.u32 s3, s1;
	v25 =	vadd.f32 v33, v25  }
0x3c0: {  	v0 =	vadd.f32 v13, v0;
	s1 =	sadd.s32 s4, s2;
	s23 =	sand.u32 $0xFFFFFF80, s6;
	s3 =	sand.u32 $0x7F, s6;
	v2 =	vadd.f32 v26, v2;
	v26 =	vld [tilespmem:s7+$0x0]  }
0x3c1: {  	v34 =	vadd.f32 v27, v34;
	s4 =	sadd.s32 s23, s2;
	v27 =	vld [tilespmem:s22+$0x0];
	s7 =	sor.u32 s25, s1;
	s22 =	sand.u32 $0x7F, s29;
	v25 =	vadd.f32 v20, v25  }
0x3c2: {  	v52 =	vld [tilespmem:s15+$0x0];
	s23 =	sand.u32 $0xFFFFFF80, s0;
	v0 =	vadd.f32 v16, v0;
	s6 =	sor.u32 s3, s4;
	s4 =	sand.u32 $0xFFFFFF80, s29;
	v2 =	vadd.f32 v32, v2  }
0x3c3: {  	v13 =	vld [tilespmem:s30+$0x0];
	s0 =	sand.u32 $0x7F, s0;
	v31 =	vadd.f32 v31, v34;
	s1 =	sadd.s32 s4, s2;
	s4 =	spop (v2sf);
	v22 =	vadd.f32 v22, v25  }
0x3c4: {  	v0 =	vadd.f32 v4, v0;
	v4 =	vld [tilespmem:s26+$0x0];
	s3 =	sor.u32 s22, s1;
	s25 =	sand.u32 $0xFFFFFF80, s4;
	s1 =	sadd.s32 s23, s2;
	v2 =	vadd.f32 v19, v2  }
0x3c5: {  	s29 =	sand.u32 $0x7F, s4;
	s23 =	sadd.s32 $0x30, s4;
	v33 =	vadd.f32 v18, v31;
	v18 =	vld [tilespmem:s20+$0x0];
	s20 =	sadd.s32 $0x20, s4;
	v22 =	vadd.f32 v12, v22  }
0x3c6: {  	s2 =	sor.u32 s0, s1;
	v2 =	vadd.f32 v21, v2;
	s22 =	sand.u32 $0xFFFFFF80, s20;
	v20 =	vld [tilespmem:s13+$0x0];
	s13 =	sadd.s32 s25, s16  }
0x3c7: {  	v34 =	vadd.f32 v14, v33;
	v14 =	vld [tilespmem:s10+$0x0];
	s10 =	sadd.s32 $0x10, s4;
	s25 =	sand.u32 $0xFFFFFF80, s23;
	s0 =	sor.u32 s29, s13;
	v15 =	vadd.f32 v15, v22  }
0x3c8: {  	v19 =	vld [tilespmem:s5+$0x0];
	v0 =	vadd.f32 v3, v0;
	s13 =	sand.u32 $0xFFFFFF80, s10;
	s1 =	sand.u32 $0x7F, s10;
	v40 =	vadd.f32 v10, v2;
	s10 =	sadd.s32 s22, s16  }
0x3c9: {  	v10 =	vld [tilespmem:s31+$0x0];
	s29 =	sand.u32 $0x7F, s23;
	s5 =	sadd.s32 s13, s16;
	s13 =	spop (v2sf);
	v47 =	vadd.f32 v17, v34;
	v8 =	vadd.f32 v8, v15  }
0x3ca: {  	v2 =	vld [tilespmem:s24+$0x0];
	(v2sf) =	vpush v6, $0xF;
	v11 =	vadd.f32 v11, v40;
	s4 =	sor.u32 s1, s5;
	s30 =	sand.u32 $0xFFFFFF80, s13;
	s5 =	sadd.s32 s25, s16  }
0x3cb: {  	v6 =	vld [tilespmem:s28+$0x0];
	s31 =	sand.u32 $0x7F, s13;
	s22 =	sadd.s32 $0x10, s13;
	s24 =	sadd.s32 $0x20, s13;
	v9 =	vadd.f32 v9, v47;
	v48 =	vadd.f32 v62, v8  }
0x3cc: {  	v0 =	vadd.f32 v54, v0;
	s28 =	sadd.s32 $0x30, s13;
	v12 =	vld [tilespmem:s8+$0x0];
	s8 =	sand.u32 $0x7F, s20;
	s20 =	sadd.s32 $0xE680, s17;
	v7 =	vadd.f32 v7, v11  }
0x3cd: {  	s23 =	sand.u32 $0xFFFFFF80, s22;
	s26 =	sand.u32 $0xFFFFFF80, s24;
	s1 =	sor.u32 s8, s10;
	v5 =	vadd.f32 v5, v9;
	v3 =	vadd.f32 v53, v48;
	v53 =	vld [tilespmem:$0x1FCF0]  }
0x3ce: {  	v57 =	vld [tilespmem:s12+$0x0];
	v0 =	vadd.f32 v49, v0;
	s10 =	sadd.s32 s30, s20;
	s8 =	sor.u32 s29, s5;
	s25 =	sadd.s32 s23, s20  }
0x3cf: {  	v54 =	vld [tilespmem:s14+$0x0];
	s16 =	sadd.s32 s26, s20;
	s29 =	spop (v2sf);
	s30 =	sand.u32 $0xFFFFFF80, s28;
	v7 =	vadd.f32 v60, v7;
	v5 =	vadd.f32 v59, v5  }
0x3d0: {  	v0 =	vadd.f32 v41, v0;
	v40 =	vld [tilespmem:s0+$0x0];
	s5 =	sor.u32 s31, s10;
	s10 =	sand.u32 $0x7F, s22;
	s22 =	sadd.s32 $0x10, s29  }
0x3d1: {  	v41 =	vld [tilespmem:s4+$0x0];
	s31 =	sand.u32 $0x7F, s28;
	s13 =	sor.u32 s10, s25;
	s23 =	sand.u32 $0xFFFFFF80, s22;
	v7 =	vadd.f32 v55, v7;
	v5 =	vadd.f32 v51, v5  }
0x3d2: {  	s25 =	sadd.s32 $0x30, s29;
	s12 =	sand.u32 $0x7F, s22;
	v15 =	vld [tilespmem:s18+$0x0];
	s18 =	sadd.s32 $0xE700, s17;
	v3 =	vadd.f32 v45, v3;
	(v2sf) =	vpush v53, $0x0  }
0x3d3: {  	s22 =	sadd.s32 $0xE780, s17;
	s26 =	sadd.s32 s23, s18;
	v8 =	vld [tilespmem:s19+$0x0];
	s19 =	sand.u32 $0x7F, s24;
	v7 =	vadd.f32 v42, v7  }
0x3d4: {  	v11 =	vld [tilespmem:s21+$0x0];
	s24 =	sadd.s32 $0x20, s29;
	s10 =	sor.u32 s19, s16;
	s16 =	sand.u32 $0xFFFFFF80, s29;
	v5 =	vadd.f32 v44, v5;
	v3 =	vadd.f32 v39, v3  }
0x3d5: {  	v0 =	vadd.f32 v1, v0;
	v60 =	vld [tilespmem:s7+$0x0];
	s19 =	sadd.s32 s30, s20;
	s20 =	sand.u32 $0x7F, s29;
	s28 =	sand.u32 $0xFFFFFF80, s24;
	v7 =	vadd.f32 v35, v7  }
0x3d6: {  	v55 =	vld [tilespmem:s11+$0x0];
	s29 =	sand.u32 $0xFFFFFF80, s25;
	s15 =	sadd.s32 s16, s18;
	s11 =	sor.u32 s31, s19;
	v5 =	vadd.f32 v63, v5;
	v61 =	vadd.f32 v61, v3  }
0x3d7: {  	v0 =	vadd.f32 v50, v0;
	v59 =	vld [tilespmem:s9+$0x0];
	s30 =	sadd.s32 s28, s18;
	s31 =	sadd.s32 s29, s18;
	s19 =	sand.u32 $0x7F, s25;
	v7 =	vadd.f32 v58, v7  }
0x3d8: {  	s18 =	sand.u32 $0x7F, s24;
	s9 =	sor.u32 s20, s15;
	s0 =	sor.u32 s19, s31;
	v47 =	vld [tilespmem:s11+$0x0];
	v5 =	vadd.f32 v56, v5;
	v1 =	vadd.f32 v46, v61  }
0x3d9: {  	s11 =	sadd.s32 $0xE880, s17;
	v63 =	vld [tilespmem:s3+$0x0];
	s3 =	sor.u32 s18, s30;
	s16 =	spop (v2sf);
	v7 =	vadd.f32 v43, v7;
	(v2sf) =	vpush v53, $0x1  }
0x3da: {  	v39 =	vld [tilespmem:s2+$0x0];
	s2 =	sor.u32 s12, s26;
	v5 =	vadd.f32 v38, v5;
	s20 =	sand.u32 $0xFFFFFF80, s16;
	s21 =	sand.u32 $0x7F, s16;
	v1 =	vadd.f32 v36, v1  }
0x3db: {  	v0 =	vadd.f32 v37, v0;
	v62 =	vld [tilespmem:s6+$0x0];
	s24 =	sadd.s32 $0x10, s16;
	s25 =	sadd.s32 $0x20, s16;
	s15 =	sadd.s32 $0x30, s16;
	v7 =	vadd.f32 v30, v7  }
0x3dc: {  	v42 =	vld [tilespmem:s1+$0x0];
	s16 =	rddreg [dreg:$0x12];
	s23 =	sadd.s32 s20, s22;
	s26 =	sand.u32 $0xFFFFFF80, s24;
	v5 =	vadd.f32 v28, v5;
	v1 =	vadd.f32 v27, v1  }
0x3dd: {  	v0 =	vadd.f32 v26, v0;
	v44 =	vld [tilespmem:s5+$0x0];
	s4 =	sand.u32 $0x7F, s24;
	s28 =	sand.u32 $0xFFFFFF80, s25;
	s30 =	sand.u32 $0x7F, s25;
	v7 =	vadd.f32 v23, v7  }
0x3de: {  	v43 =	vld [tilespmem:s8+$0x0];
	s18 =	sand.u32 $0xFFFFFF80, s15;
	s8 =	sand.u32 $0x7F, s15;
	s29 =	sadd.s32 s26, s22;
	v5 =	vadd.f32 v20, v5;
	v1 =	vadd.f32 v19, v1  }
0x3df: {  	v0 =	vadd.f32 v18, v0;
	s31 =	sadd.s32 s28, s22;
	s1 =	sor.u32 s21, s23;
	v46 =	vld [tilespmem:s10+$0x0];
	s10 =	sadd.s32 $0x1800, s16;
	v7 =	vadd.f32 v14, v7  }
0x3e0: {  	v45 =	vld [tilespmem:s13+$0x0];
	s7 =	sadd.s32 s18, s22;
	s4 =	sor.u32 s4, s29;
	s13 =	sor.u32 s30, s31;
	v5 =	vadd.f32 v12, v5;
	v1 =	vadd.f32 v13, v1  }
0x3e1: {  	v48 =	vld [tilespmem:s9+$0x0];
	v0 =	vadd.f32 v10, v0;
	s10 =	sand.u32 $0x3FFFFF00, s10;
	s20 =	sor.u32 s8, s7;
	v2 =	vadd.f32 v2, v7;
	s14 =	spop (v2sf)  }
0x3e2: {  	v51 =	vld [tilespmem:s0+$0x0];
	s10 =	sadd.s32 $0xD000, s10;
	v5 =	vadd.f32 v6, v5;
	v1 =	vadd.f32 v11, v1;
	s19 =	sand.u32 $0xFFFFFF80, s14;
	s21 =	sand.u32 $0x7F, s14  }
0x3e3: {  	v50 =	vld [tilespmem:s3+$0x0];
	v0 =	vadd.f32 v4, v0;
	v2 =	vadd.f32 v8, v2;
	s24 =	sadd.s32 $0x10, s14;
	s25 =	sadd.s32 $0x20, s14;
	s31 =	sadd.s32 $0x30, s14  }
0x3e4: {  	v49 =	vld [tilespmem:s2+$0x0];
	v5 =	vadd.f32 v52, v5;
	v1 =	vadd.f32 v54, v1;
	s22 =	sadd.s32 s19, s10;
	s26 =	sand.u32 $0xFFFFFF80, s24;
	s7 =	sand.u32 $0x7F, s24  }
0x3e5: {  	v0 =	vadd.f32 v15, v0;
	v53 =	vld [tilespmem:s4+$0x0];
	v2 =	vadd.f32 v55, v2;
	s28 =	sand.u32 $0xFFFFFF80, s25;
	s29 =	sand.u32 $0x7F, s25;
	s6 =	sand.u32 $0xFFFFFF80, s31  }
0x3e6: {  	v52 =	vld [tilespmem:s1+$0x0];
	v5 =	vadd.f32 v57, v5;
	v1 =	vadd.f32 v60, v1;
	s4 =	sand.u32 $0x7F, s31;
	s23 =	sor.u32 s21, s22;
	s0 =	sadd.s32 s26, s10  }
0x3e7: {  	v0 =	vadd.f32 v59, v0;
	v55 =	vld [tilespmem:s20+$0x0];
	v2 =	vadd.f32 v62, v2;
	s30 =	sadd.s32 s28, s10;
	s9 =	sadd.s32 s6, s10;
	s0 =	sor.u32 s7, s0  }
0x3e8: {  	v54 =	vld [tilespmem:s13+$0x0];
	v5 =	vadd.f32 v63, v5;
	s1 =	sor.u32 s29, s30;
	s7 =	spop (v2sf);
	v1 =	vadd.f32 v40, v1;
	s14 =	sor.u32 s4, s9  }
0x3e9: {  	v0 =	vadd.f32 v39, v0;
	v2 =	vadd.f32 v41, v2;
	v56 =	vld [tilespmem:s23+$0x0];
	s10 =	sand.u32 $0xFFFFFF80, s7;
	s12 =	sand.u32 $0x7F, s7;
	s13 =	sadd.s32 $0x10, s7  }
0x3ea: {  	v5 =	vadd.f32 v42, v5;
	v57 =	vld [tilespmem:s0+$0x0];
	s18 =	sadd.s32 $0x20, s7;
	s21 =	sadd.s32 $0x30, s7;
	s5 =	sadd.s32 s10, s11;
	v1 =	vadd.f32 v44, v1  }
0x3eb: {  	v0 =	vadd.f32 v43, v0;
	v2 =	vadd.f32 v45, v2;
	v58 =	vld [tilespmem:s1+$0x0];
	s16 =	sand.u32 $0xFFFFFF80, s13;
	s17 =	sand.u32 $0x7F, s13;
	s20 =	sand.u32 $0xFFFFFF80, s18  }
0x3ec: {  	v5 =	vadd.f32 v46, v5;
	v59 =	vld [tilespmem:s14+$0x0];
	s22 =	sand.u32 $0x7F, s18;
	s15 =	sor.u32 s12, s5;
	s3 =	sadd.s32 s16, s11;
	v1 =	vadd.f32 v48, v1  }
0x3ed: {  	v0 =	vadd.f32 v47, v0;
	v2 =	vadd.f32 v49, v2;
	s23 =	sand.u32 $0xFFFFFF80, s21;
	s1 =	sadd.s32 s20, s11;
	s19 =	sor.u32 s17, s3;
	v60 =	vld [tilespmem:s15+$0x0]  }
0x3ee: {  	v4 =	vadd.f32 v50, v5;
	s25 =	sand.u32 $0x7F, s21;
	s26 =	sadd.s32 s23, s11;
	s24 =	sor.u32 s22, s1;
	v61 =	vld [tilespmem:s19+$0x0];
	v1 =	vadd.f32 v52, v1  }
0x3ef: {  	v0 =	vadd.f32 v51, v0;
	v2 =	vadd.f32 v53, v2;
	s28 =	sor.u32 s25, s26;
	v62 =	vld [tilespmem:s24+$0x0]  }
0x3f0: {  	s29 =	rddreg [dreg:$0x10];
	v3 =	vadd.f32 v54, v4;
	v63 =	vld [tilespmem:s28+$0x0];
	v1 =	vadd.f32 v56, v1  }
0x3f1: {  	v0 =	vadd.f32 v55, v0;
	s30 =	rddreg [dreg:$0x10];
	v2 =	vadd.f32 v57, v2  }
0x3f2: {  	s0 =	sshll.u32 s29, $0x6;
	p0 =	sne.s32 s30, $0x7;
	v3 =	vadd.f32 v58, v3;
	v1 =	vadd.f32 v60, v1  }
.Ltmp6:
0x3f3: {  	s0 =	sand.u32 $0x3FFFFFC0, s0;
	v0 =	vadd.f32 v59, v0;
	v2 =	vadd.f32 v61, v2;
	(pc) =	sbr.rel @p0 .LBB2_14-.Ltmp6, $4  }
0x3f4: {  	v3 =	vadd.f32 v62, v3;
	[tilespmem:s0+$0x19800] =	vst v1  }
0x3f5: {  	v0 =	vadd.f32 v63, v0;
	[tilespmem:s0+$0x19810] =	vst v2  }
0x3f6: {  	s31 =	rddreg [dreg:$0x10];
	[tilespmem:s0+$0x19820] =	vst v3  }
0x3f7: {  	[tilespmem:s0+$0x19830] =	vst v0;
	s0 =	sadd.s32 $0x1, s31  }
0x3f8: {  	s0 =	rddreg [dreg:$0x6]  }
0x3f9: {  	s1 =	rddreg [dreg:$0xe]  }
0x3fa: {  	s0 =	sadd.s32 s1, s0  }
0x3fb: {  	s0 =	sshll.u32 s0, $0x3  }
0x3fc: {  	s0 =	sadd.s32 $0x40, s0  }
0x3fd: {  	s29 =	rddreg [dreg:$0x4];
	s30 =	simm.s32 $0x0;
	s0 =	sand.u32 $0x1FFFFFC0, s0  }
0x3fe: {  	s2 =	simm.s32 $0x19800;
	s31 =	simm.s32 $0x5;
	s0 =	sadd.s32 s29, s0  }
0x3ff: {  	[hbm4b:s0+s30] =	stream.linear.scatter [tilespmem:s2], [sflag:$0x5], $0x200, $0x38;
	[tilespmem:$0x19A00] =	vst v63  }
0x400: {  	_ =	swait.ge [sflag:s31], $0x200  }
0x401: {  	s4 =	rddreg [dreg:$0xd]  }
0x402: {  	s4 =	sadd.s32 $0x1, s4  }
0x403: {  	p0 =	sne.s32 s4, $0x20  }
.Ltmp7:
0x404: {  	_ = 	snop;
	(pc) =	sbr.rel @p0 .LBB2_4-.Ltmp7, $3  }
0x405: {  	_ =	sdelay $0x1  }
0x406: {  	[sflag:s31] =	ssyncset.done $0x0  }
0x407: {  	v25 =	vimm.s32 $0x0;
	[sflag:s31] =	ssyncadd.s32 $0xFFFFFE00  }
0x408: {  	s1 =	rddreg [dreg:$0xc]  }
0x409: {  	s0 =	rddreg [dreg:$0xb];
	s1 =	sadd.s32 $0x1, s1  }
0x40a: {  	p0 =	sne.s32 s1, s0  }
.Ltmp8:
0x40b: {  	_ = 	snop;
	(pc) =	sbr.rel @p0 .LBB2_1-.Ltmp8, $1  }
0x40c: {  	_ =	sdelay $0x3  }
0x40d: {  	_ =	sfence.sel $0x180000  }
0x40e: {  	[bflag:$0x0] =	sbarrier.arrive $0xFFFF  }
0x40f: {  	_ =	strace $0x90000047  }
0x410: {  	s0 =	stileid.u32;
	[bflag:$0x2] =	sbarrier.arrive $0xFFFF  }
0x411: {  	p0 =	sne.s32 s0, $0x0;
	s0 =	rddreg [dreg:$0x1]  }
0x412: {  	s0 =	sadd.s32 @!p0 $0x100000, s0  }
0x413: {  	[sflag:s0] =	ssyncadd.tile.s32 @!p0 $0x1;
	_ =	shalt  }
.Lfunc_end2:
_tile_overlayer_lowered:
.L_overlay_start_2:
0x414: {  	(tag) =	ssettag $0x2  }
0x415: {  	s0 =	rddreg [dreg:$0x0];
	s2 =	stileid.u32  }
0x416: {  	s1 =	rddreg [dreg:$0x1];
	p0 =	sne.s32 s2, $0x0  }
0x417: {  	s3 =	rddreg [dreg:$0x2];
	[bflag:$0x3] =	sbarrier.arrive $0xFFFF;
	s2 =	simm.s32 @!p0 $0x1C05  }
0x418: {  	[timem:s3], [sflag:s2] =	dma.local @!p0 [hbm:s0], s1  }
0x419: {  	s0 =	simm.s32 @!p0 $0x5  }
0x41a: {  	_ =	swait.ge @!p0 [sflag:s0], s1  }
0x41b: {  	s1 =	ssub.s32 @!p0 $0x0, s1;
	[sflag:s0] =	ssyncset.done @!p0 $0x0  }
0x41c: {  	[sflag:s0] =	ssyncadd.s32 @!p0 s1  }
0x41d: {  	[bflag:$0x3] =	sbarrier.arrive $0xFFFF  }
0x41e: {  	_ =	shalt  }

</sc_bundles>
